<compile_context>
chip_gen: v7x
topology: tpu7x:2x2x1
jax: 0.10.2.dev20260603
libtpu: 0.0.44.dev20260713+nightly
codegen_flags: <defaults>
</compile_context>

<pallas_src>
import functools

import jax
import jax.numpy as jnp
from jax import lax
from jax.experimental import pallas as pl
from jax.experimental.pallas import tpu as pltpu
from jax.experimental.pallas import tpu_sc as plsc

_INFO = plsc.get_sparse_core_info()
_NC, _NS = _INFO.num_cores, _INFO.num_subcores
_NW = _NC * _NS
_L = 16

_CW = 1024
_CSH = 10
_HCAP = 48
_SENT = _HCAP - 1
_RING = 4


def _full(x):
    return jnp.full((_L,), x, jnp.int32)


@functools.lru_cache(maxsize=None)
def _make_sweep(B, V, D):
    nch_total = -(-V // _CW)
    base_q, extra = divmod(nch_total, _NW)
    first_extra = _NW - extra
    n_inter = B + _L

    mesh = plsc.VectorSubcoreMesh(core_axis_name="c", subcore_axis_name="s")

    DH = D // 2

    @functools.partial(
        pl.kernel,
        out_type=(jax.ShapeDtypeStruct((n_inter, 2 * D), jnp.float32),
                  jax.ShapeDtypeStruct((n_inter, 2 * D), jnp.float32)),
        mesh=mesh,
        scratch_types=[
            pltpu.VMEM((B,), jnp.int32),
            pltpu.VMEM((B + _L,), jnp.int32),
            pltpu.VMEM((B + _L,), jnp.int32),
            pltpu.VMEM((_HCAP,), jnp.int32),
            pltpu.VMEM((_HCAP,), jnp.int32),
            pltpu.VMEM((_HCAP,), jnp.int32),
            pltpu.VMEM((2, D // 2, _CW), jnp.float32),
            pltpu.VMEM((_RING, _L, 2 * D), jnp.float32),
            pltpu.VMEM((_RING, _L), jnp.int32),
            pltpu.SemaphoreType.DMA,
            pltpu.SemaphoreType.DMA,
        ],
        compiler_params=pltpu.CompilerParams(
            use_tc_tiling_on_sc=True, needs_layout_passes=False,
            disable_bounds_checks=True),
    )
    def sweep_kernel(idx_hbm, tableT_hbm, tail_hbm, inter0_hbm, inter1_hbm,
                     idx_v, ownv, ownp, hist, basep, fill,
                     chunk, rowb, posb, sem_in, sem_out):
        wid = lax.axis_index("s") * _NC + lax.axis_index("c")
        iota = lax.iota(jnp.int32, _L)
        onehot0 = (iota == 0).astype(jnp.int32)
        zeros16 = jnp.zeros((_L,), jnp.int32)
        ones16 = jnp.ones((_L,), jnp.int32)

        base_ch = base_q * wid + jnp.maximum(wid - first_extra, 0)
        nch = base_q + (wid >= first_extra).astype(jnp.int32)
        lo = base_ch * _CW
        hi = (base_ch + nch) * _CW

        pltpu.sync_copy(idx_hbm, idx_v)

        @pl.loop(0, _HCAP // _L)
        def _zero(k):
            hist[pl.ds(k * _L, _L)] = zeros16
            fill[pl.ds(k * _L, _L)] = zeros16

        @pl.loop(0, B // _L, unroll=8)
        def _hist(g):
            v = idx_v[pl.ds(g * _L, _L)]
            member = jnp.logical_and(v >= lo, v < hi)
            rb = jnp.where(member, lax.shift_right_logical(v - lo, _CSH),
                           _SENT)
            plsc.addupdate_scatter(hist, [rb],
                                   jnp.where(member, ones16, zeros16))

        def _pfx(k, carry):
            seg = hist[pl.ds(k * _L, _L)]
            c = plsc.cumsum(seg)
            basep[pl.ds(k * _L, _L)] = c - seg + carry
            return carry + jnp.sum(seg)
        lax.fori_loop(0, _HCAP // _L, _pfx, jnp.int32(0))

        @pl.loop(0, B // _L, unroll=4)
        def _place(g):
            v = idx_v[pl.ds(g * _L, _L)]
            pos = g * _L + iota
            member = jnp.logical_and(v >= lo, v < hi)
            rb = jnp.where(member, lax.shift_right_logical(v - lo, _CSH),
                           _SENT)
            cnt1, _ = plsc.scan_count(rb, mask=member)
            f = plsc.load_gather(fill, [rb])
            bs = plsc.load_gather(basep, [rb])
            slot = jnp.minimum(bs + f + cnt1 - 1, B + _L - 1)
            plsc.store_scatter(ownv, [slot], v, mask=member)
            plsc.store_scatter(ownp, [slot], pos, mask=member)
            plsc.addupdate_scatter(fill, [rb],
                                   jnp.where(member, ones16, zeros16))

        def _drain_out(r):
            pltpu.make_async_copy(inter0_hbm.at[pl.ds(0, _L)],
                                  rowb.at[r], sem_out).wait()

        s = jnp.int32(0)
        for h, inter_hbm in ((0, inter0_hbm), (1, inter1_hbm)):
            def _fire_load(b, buf, h=h):
                gch = base_ch + b

                @pl.when(gch != nch_total - 1)
                def _():
                    off = pl.multiple_of(gch * _CW, _CW)
                    pltpu.async_copy(
                        tableT_hbm.at[pl.ds(h * DH, DH), pl.ds(off, _CW)],
                        chunk.at[buf], sem_in)

                @pl.when(gch == nch_total - 1)
                def _():
                    pltpu.async_copy(tail_hbm.at[pl.ds(h * DH, DH), :],
                                     chunk.at[buf], sem_in)

            _fire_load(jnp.int32(0), jnp.int32(0))

            def _drain_in(buf):
                pltpu.make_async_copy(
                    tableT_hbm.at[pl.ds(0, DH), pl.ds(0, _CW)],
                    chunk.at[buf], sem_in).wait()

            def _chunk_body(b, s, _fire_load=_fire_load,
                            _drain_in=_drain_in, inter_hbm=inter_hbm):
                cur = lax.rem(b, 2)
                _drain_in(cur)

                @pl.when(b + 1 < nch)
                def _():
                    _fire_load(b + 1, lax.rem(b + 1, 2))

                cnt_b = jnp.sum(hist[pl.ds(b, _L)] * onehot0)
                base_b = jnp.sum(basep[pl.ds(b, _L)] * onehot0)
                ngrp = lax.div(cnt_b + _L - 1, _L)

                def _grp(t, s):
                    r = lax.rem(s, _RING)

                    @pl.when(s >= _RING)
                    def _():
                        _drain_out(r)

                    mv = ownv[pl.ds(base_b + t * _L, _L)]
                    mp = ownp[pl.ds(base_b + t * _L, _L)]
                    valid = iota < (cnt_b - t * _L)
                    il = lax.bitwise_and(mv, _CW - 1)
                    rf = _full(r)
                    cf = _full(cur)
                    for j in range(DH):
                        vals = plsc.load_gather(chunk, [cf, _full(j), il])
                        plsc.store_scatter(rowb, [rf, iota, _full(j)], vals)
                    posm = jnp.where(valid, mp, B + iota)
                    plsc.store_scatter(posb, [rf, iota], posm)
                    pltpu.async_copy(rowb.at[r], inter_hbm.at[posb.at[r]],
                                     sem_out)
                    return s + 1

                return lax.fori_loop(0, ngrp, _grp, s)

            s = lax.fori_loop(0, nch, _chunk_body, s)

        def _final_drain(k, _):
            _drain_out(lax.rem(s - 1 - k, _RING))
            return 0
        lax.fori_loop(0, jnp.minimum(s, _RING), _final_drain, 0)

    return sweep_kernel


def kernel(inst, embedding):
    B, = inst.shape
    V, D = embedding.shape
    nfull = (V // _CW) * _CW
    tailT = jnp.pad(embedding[nfull:].T, ((0, 0), (0, _CW - (V - nfull))))
    inter0, inter1 = _make_sweep(B, V, D)(
        inst.astype(jnp.int32), embedding.T, tailT)
    return jnp.concatenate([inter0[:B, :D // 2], inter1[:B, :D // 2]],
                           axis=1)

# --- scband reference (transcript-rebuilt; emitter-appended) ---
"""Pipeline reference for scband-instruction-encoder-10239202033936 (READ-ONLY COPY).

The authoritative reference and input builder live on the scoring server;
editing this copy changes nothing except your own understanding.
"""

import jax, jax.numpy as jnp
import numpy as np

VOCAB = 1000000
EMB_DIM = 64
BATCH = 16384

def setup_inputs(seed=0) -> dict:
    key = jax.random.key(seed)
    k_inst, k_emb = jax.random.split(key)
    inst = jax.random.randint(k_inst, (BATCH,), 0, VOCAB, dtype=jnp.int64 if jax.config.jax_enable_x64 else jnp.int32)
    embedding = jax.random.normal(k_emb, (VOCAB, EMB_DIM), dtype=jnp.float32)
    return {"inst": inst, "embedding": embedding}

def reference(inst, embedding):
    # nn.Embedding forward: row gather from the embedding table
    return jnp.take(embedding, inst, axis=0)

if __name__ == "__main__":
    import jax
    _d = setup_inputs()
    print(jax.jit(kernel)(*tuple(_d.values())))

</pallas_src>

<mosaic_0001>
#map = affine_map<(d0, d1) -> (0)>
#map1 = affine_map<(d0, d1) -> (0, 0)>
module attributes {stable_mosaic.version = 14 : i64} {
  func.func @sweep_kernel(%arg0: i32, %arg1: i32, %arg2: memref<16384xi32, #tpu.memory_space<hbm>>, %arg3: memref<64x1000000xf32, #tpu.memory_space<hbm>>, %arg4: memref<64x1024xf32, #tpu.memory_space<hbm>>, %arg5: memref<16400x128xf32, #tpu.memory_space<hbm>>, %arg6: memref<16400x128xf32, #tpu.memory_space<hbm>>, %arg7: memref<16384xi32, #tpu.memory_space<vmem>>, %arg8: memref<16400xi32, #tpu.memory_space<vmem>>, %arg9: memref<16400xi32, #tpu.memory_space<vmem>>, %arg10: memref<48xi32, #tpu.memory_space<vmem>>, %arg11: memref<48xi32, #tpu.memory_space<vmem>>, %arg12: memref<48xi32, #tpu.memory_space<vmem>>, %arg13: memref<2x32x1024xf32, #tpu.memory_space<vmem>>, %arg14: memref<4x16x128xf32, #tpu.memory_space<vmem>>, %arg15: memref<4x16xi32, #tpu.memory_space<vmem>>, %arg16: memref<!tpu.dma_semaphore, #tpu.memory_space<semaphore_mem>>, %arg17: memref<!tpu.dma_semaphore, #tpu.memory_space<semaphore_mem>>) attributes {dimension_semantics = [#tpu.dimension_semantics<core_parallel>, #tpu.dimension_semantics<subcore_parallel>], iteration_bounds = array<i64: 2, 16>, scalar_prefetch = 0 : i64, scratch_operands = 11 : i64, tpu.core_type = #tpu.core_type<sc_vector_subcore>, window_params = [{transform_indices = #map}, {transform_indices = #map1}, {transform_indices = #map1}, {transform_indices = #map1}, {transform_indices = #map1}]} {
    %mul3A = arith.constant 2 : i32
    %mul3A_0 = arith.muli %arg1, %mul3A : i32
    %add3A = arith.addi %mul3A_0, %arg0 : i32
    %iota3A = tpu.iota {dimensions = array<i32: 0>} : vector<16xi32>
    %eq3A = arith.constant 0 : i32
    %eq3A_1 = vector.broadcast %eq3A : i32 to vector<16xi32>
    %eq3A_2 = arith.cmpi eq, %iota3A, %eq3A_1 : vector<16xi32>
    %convert_element_type3A = arith.extui %eq3A_2 : vector<16xi1> to vector<16xi32>
    %broadcast_in_dim3A = arith.constant 0 : i32
    %broadcast_in_dim3A_3 = vector.broadcast %broadcast_in_dim3A : i32 to vector<16xi32>
    %broadcast_in_dim3A_4 = arith.constant 1 : i32
    %broadcast_in_dim3A_5 = vector.broadcast %broadcast_in_dim3A_4 : i32 to vector<16xi32>
    %mul3A_6 = arith.constant 30 : i32
    %mul3A_7 = arith.muli %mul3A_6, %add3A : i32
    %sub3A = arith.constant 15 : i32
    %sub3A_8 = arith.subi %add3A, %sub3A : i32
    %max3A = arith.constant 0 : i32
    %max3A_9 = arith.maxsi %sub3A_8, %max3A : i32
    %add3A_10 = arith.addi %mul3A_7, %max3A_9 : i32
    %ge3A = arith.constant 15 : i32
    %ge3A_11 = arith.cmpi sge, %add3A, %ge3A : i32
    %convert_element_type3A_12 = arith.extui %ge3A_11 : i1 to i32
    %add3A_13 = arith.constant 30 : i32
    %add3A_14 = arith.addi %add3A_13, %convert_element_type3A_12 : i32
    %mul3A_15 = arith.constant 1024 : i32
    %mul3A_16 = arith.muli %add3A_10, %mul3A_15 : i32
    %add3A_17 = arith.addi %add3A_10, %add3A_14 : i32
    %mul3A_18 = arith.constant 1024 : i32
    %mul3A_19 = arith.muli %add3A_17, %mul3A_18 : i32
    "tpu.region"() ({
      %run_scoped3A = tpu.sem_alloc : memref<!tpu.dma_semaphore, #tpu.memory_space<semaphore_mem>>
      tpu.enqueue_dma source(%arg2 : memref<16384xi32, #tpu.memory_space<hbm>>) target(%arg7 : memref<16384xi32, #tpu.memory_space<vmem>>) target_semaphore(%run_scoped3A : memref<!tpu.dma_semaphore, #tpu.memory_space<semaphore_mem>>)
      tpu.wait_dma2 semaphore(%run_scoped3A : memref<!tpu.dma_semaphore, #tpu.memory_space<semaphore_mem>>) src(%arg2 : memref<16384xi32, #tpu.memory_space<hbm>>) dst(%arg7 : memref<16384xi32, #tpu.memory_space<vmem>>)
      tpu.yield
    }) : () -> ()
    %scan3A = arith.constant 0 : i32
    %scan3A_20 = arith.constant 3 : i32
    %scan3A_21 = arith.addi %scan3A, %scan3A_20 : i32
    %scan3A_22 = arith.constant 1 : i32
    scf.for %scan3A_102 = %scan3A to %scan3A_21 step %scan3A_22  : i32 {
      %mul3A_103 = arith.constant 1 : i32
      %mul3A_104 = arith.muli %scan3A_102, %mul3A_103 : i32
      %add3A_105 = arith.constant 0 : i32
      %add3A_106 = arith.addi %add3A_105, %mul3A_104 : i32
      %mul3A_107 = arith.constant 16 : i32
      %mul3A_108 = arith.muli %add3A_106, %mul3A_107 : i32
      %swap3A = arith.index_cast %mul3A_108 : i32 to index
      %swap3A_109 = tpu.vector_load %arg10[%swap3A] {strides = array<i32>} : memref<48xi32, #tpu.memory_space<vmem>>, vector<16xi32>,
      tpu.vector_store %arg10[%swap3A], %broadcast_in_dim3A_3 {strides = array<i32>} : memref<48xi32, #tpu.memory_space<vmem>>, vector<16xi32>,
      %mul3A_110 = arith.constant 16 : i32
      %mul3A_111 = arith.muli %add3A_106, %mul3A_110 : i32
      %swap3A_112 = arith.index_cast %mul3A_111 : i32 to index
      %swap3A_113 = tpu.vector_load %arg12[%swap3A_112] {strides = array<i32>} : memref<48xi32, #tpu.memory_space<vmem>>, vector<16xi32>,
      tpu.vector_store %arg12[%swap3A_112], %broadcast_in_dim3A_3 {strides = array<i32>} : memref<48xi32, #tpu.memory_space<vmem>>, vector<16xi32>,
    }
    %scan3A_23 = arith.constant 3 : i32
    %scan3A_24 = arith.constant 0 : i32
    %scan3A_25 = arith.constant 1024 : i32
    %scan3A_26 = arith.addi %scan3A_24, %scan3A_25 : i32
    %scan3A_27 = arith.constant 8 : i32
    scf.for %scan3A_102 = %scan3A_24 to %scan3A_26 step %scan3A_27  : i32 {
      %mul3A_103 = arith.constant 1 : i32
      %mul3A_104 = arith.muli %scan3A_102, %mul3A_103 : i32
      %add3A_105 = arith.constant 0 : i32
      %add3A_106 = arith.addi %add3A_105, %mul3A_104 : i32
      %mul3A_107 = arith.constant 16 : i32
      %mul3A_108 = arith.muli %add3A_106, %mul3A_107 : i32
      %get3A = arith.index_cast %mul3A_108 : i32 to index
      %get3A_109 = tpu.vector_load %arg7[%get3A] {strides = array<i32>} : memref<16384xi32, #tpu.memory_space<vmem>>, vector<16xi32>,
      %ge3A_110 = vector.broadcast %mul3A_16 : i32 to vector<16xi32>
      %ge3A_111 = arith.cmpi sge, %get3A_109, %ge3A_110 : vector<16xi32>
      %lt3A = vector.broadcast %mul3A_19 : i32 to vector<16xi32>
      %lt3A_112 = arith.cmpi slt, %get3A_109, %lt3A : vector<16xi32>
      %and3A = arith.andi %ge3A_111, %lt3A_112 : vector<16xi1>
      %sub3A_113 = vector.broadcast %mul3A_16 : i32 to vector<16xi32>
      %sub3A_114 = arith.subi %get3A_109, %sub3A_113 : vector<16xi32>
      %shift_right_logical3A = arith.constant 10 : i32
      %shift_right_logical3A_115 = vector.broadcast %shift_right_logical3A : i32 to vector<16xi32>
      %shift_right_logical3A_116 = arith.shrui %sub3A_114, %shift_right_logical3A_115 : vector<16xi32>
      %jit3A = arith.constant 47 : i32
      %broadcast_in_dim3A_117 = vector.broadcast %jit3A : i32 to vector<16xi32>
      %select_n3A = arith.select %and3A, %shift_right_logical3A_116, %broadcast_in_dim3A_117 : vector<16xi1>, vector<16xi32>
      %select_n3A_118 = arith.select %and3A, %broadcast_in_dim3A_5, %broadcast_in_dim3A_3 : vector<16xi1>, vector<16xi32>
      tpu.vector_store_idx %arg10[%select_n3A], %select_n3A_118 {add = true} : memref<48xi32, #tpu.memory_space<vmem>>[vector<16xi32>], vector<16xi32>,
      %scan3A_119 = arith.constant 1 : i32
      %scan3A_120 = arith.addi %scan3A_102, %scan3A_119 : i32
      %mul3A_121 = arith.constant 1 : i32
      %mul3A_122 = arith.muli %scan3A_120, %mul3A_121 : i32
      %add3A_123 = arith.constant 0 : i32
      %add3A_124 = arith.addi %add3A_123, %mul3A_122 : i32
      %mul3A_125 = arith.constant 16 : i32
      %mul3A_126 = arith.muli %add3A_124, %mul3A_125 : i32
      %get3A_127 = arith.index_cast %mul3A_126 : i32 to index
      %get3A_128 = tpu.vector_load %arg7[%get3A_127] {strides = array<i32>} : memref<16384xi32, #tpu.memory_space<vmem>>, vector<16xi32>,
      %ge3A_129 = vector.broadcast %mul3A_16 : i32 to vector<16xi32>
      %ge3A_130 = arith.cmpi sge, %get3A_128, %ge3A_129 : vector<16xi32>
      %lt3A_131 = vector.broadcast %mul3A_19 : i32 to vector<16xi32>
      %lt3A_132 = arith.cmpi slt, %get3A_128, %lt3A_131 : vector<16xi32>
      %and3A_133 = arith.andi %ge3A_130, %lt3A_132 : vector<16xi1>
      %sub3A_134 = vector.broadcast %mul3A_16 : i32 to vector<16xi32>
      %sub3A_135 = arith.subi %get3A_128, %sub3A_134 : vector<16xi32>
      %shift_right_logical3A_136 = arith.constant 10 : i32
      %shift_right_logical3A_137 = vector.broadcast %shift_right_logical3A_136 : i32 to vector<16xi32>
      %shift_right_logical3A_138 = arith.shrui %sub3A_135, %shift_right_logical3A_137 : vector<16xi32>
      %jit3A_139 = arith.constant 47 : i32
      %broadcast_in_dim3A_140 = vector.broadcast %jit3A_139 : i32 to vector<16xi32>
      %select_n3A_141 = arith.select %and3A_133, %shift_right_logical3A_138, %broadcast_in_dim3A_140 : vector<16xi1>, vector<16xi32>
      %select_n3A_142 = arith.select %and3A_133, %broadcast_in_dim3A_5, %broadcast_in_dim3A_3 : vector<16xi1>, vector<16xi32>
      tpu.vector_store_idx %arg10[%select_n3A_141], %select_n3A_142 {add = true} : memref<48xi32, #tpu.memory_space<vmem>>[vector<16xi32>], vector<16xi32>,
      %scan3A_143 = arith.constant 2 : i32
      %scan3A_144 = arith.addi %scan3A_102, %scan3A_143 : i32
      %mul3A_145 = arith.constant 1 : i32
      %mul3A_146 = arith.muli %scan3A_144, %mul3A_145 : i32
      %add3A_147 = arith.constant 0 : i32
      %add3A_148 = arith.addi %add3A_147, %mul3A_146 : i32
      %mul3A_149 = arith.constant 16 : i32
      %mul3A_150 = arith.muli %add3A_148, %mul3A_149 : i32
      %get3A_151 = arith.index_cast %mul3A_150 : i32 to index
      %get3A_152 = tpu.vector_load %arg7[%get3A_151] {strides = array<i32>} : memref<16384xi32, #tpu.memory_space<vmem>>, vector<16xi32>,
      %ge3A_153 = vector.broadcast %mul3A_16 : i32 to vector<16xi32>
      %ge3A_154 = arith.cmpi sge, %get3A_152, %ge3A_153 : vector<16xi32>
      %lt3A_155 = vector.broadcast %mul3A_19 : i32 to vector<16xi32>
      %lt3A_156 = arith.cmpi slt, %get3A_152, %lt3A_155 : vector<16xi32>
      %and3A_157 = arith.andi %ge3A_154, %lt3A_156 : vector<16xi1>
      %sub3A_158 = vector.broadcast %mul3A_16 : i32 to vector<16xi32>
      %sub3A_159 = arith.subi %get3A_152, %sub3A_158 : vector<16xi32>
      %shift_right_logical3A_160 = arith.constant 10 : i32
      %shift_right_logical3A_161 = vector.broadcast %shift_right_logical3A_160 : i32 to vector<16xi32>
      %shift_right_logical3A_162 = arith.shrui %sub3A_159, %shift_right_logical3A_161 : vector<16xi32>
      %jit3A_163 = arith.constant 47 : i32
      %broadcast_in_dim3A_164 = vector.broadcast %jit3A_163 : i32 to vector<16xi32>
      %select_n3A_165 = arith.select %and3A_157, %shift_right_logical3A_162, %broadcast_in_dim3A_164 : vector<16xi1>, vector<16xi32>
      %select_n3A_166 = arith.select %and3A_157, %broadcast_in_dim3A_5, %broadcast_in_dim3A_3 : vector<16xi1>, vector<16xi32>
      tpu.vector_store_idx %arg10[%select_n3A_165], %select_n3A_166 {add = true} : memref<48xi32, #tpu.memory_space<vmem>>[vector<16xi32>], vector<16xi32>,
      %scan3A_167 = arith.constant 3 : i32
      %scan3A_168 = arith.addi %scan3A_102, %scan3A_167 : i32
      %mul3A_169 = arith.constant 1 : i32
      %mul3A_170 = arith.muli %scan3A_168, %mul3A_169 : i32
      %add3A_171 = arith.constant 0 : i32
      %add3A_172 = arith.addi %add3A_171, %mul3A_170 : i32
      %mul3A_173 = arith.constant 16 : i32
      %mul3A_174 = arith.muli %add3A_172, %mul3A_173 : i32
      %get3A_175 = arith.index_cast %mul3A_174 : i32 to index
      %get3A_176 = tpu.vector_load %arg7[%get3A_175] {strides = array<i32>} : memref<16384xi32, #tpu.memory_space<vmem>>, vector<16xi32>,
      %ge3A_177 = vector.broadcast %mul3A_16 : i32 to vector<16xi32>
      %ge3A_178 = arith.cmpi sge, %get3A_176, %ge3A_177 : vector<16xi32>
      %lt3A_179 = vector.broadcast %mul3A_19 : i32 to vector<16xi32>
      %lt3A_180 = arith.cmpi slt, %get3A_176, %lt3A_179 : vector<16xi32>
      %and3A_181 = arith.andi %ge3A_178, %lt3A_180 : vector<16xi1>
      %sub3A_182 = vector.broadcast %mul3A_16 : i32 to vector<16xi32>
      %sub3A_183 = arith.subi %get3A_176, %sub3A_182 : vector<16xi32>
      %shift_right_logical3A_184 = arith.constant 10 : i32
      %shift_right_logical3A_185 = vector.broadcast %shift_right_logical3A_184 : i32 to vector<16xi32>
      %shift_right_logical3A_186 = arith.shrui %sub3A_183, %shift_right_logical3A_185 : vector<16xi32>
      %jit3A_187 = arith.constant 47 : i32
      %broadcast_in_dim3A_188 = vector.broadcast %jit3A_187 : i32 to vector<16xi32>
      %select_n3A_189 = arith.select %and3A_181, %shift_right_logical3A_186, %broadcast_in_dim3A_188 : vector<16xi1>, vector<16xi32>
      %select_n3A_190 = arith.select %and3A_181, %broadcast_in_dim3A_5, %broadcast_in_dim3A_3 : vector<16xi1>, vector<16xi32>
      tpu.vector_store_idx %arg10[%select_n3A_189], %select_n3A_190 {add = true} : memref<48xi32, #tpu.memory_space<vmem>>[vector<16xi32>], vector<16xi32>,
      %scan3A_191 = arith.constant 4 : i32
      %scan3A_192 = arith.addi %scan3A_102, %scan3A_191 : i32
      %mul3A_193 = arith.constant 1 : i32
      %mul3A_194 = arith.muli %scan3A_192, %mul3A_193 : i32
      %add3A_195 = arith.constant 0 : i32
      %add3A_196 = arith.addi %add3A_195, %mul3A_194 : i32
      %mul3A_197 = arith.constant 16 : i32
      %mul3A_198 = arith.muli %add3A_196, %mul3A_197 : i32
      %get3A_199 = arith.index_cast %mul3A_198 : i32 to index
      %get3A_200 = tpu.vector_load %arg7[%get3A_199] {strides = array<i32>} : memref<16384xi32, #tpu.memory_space<vmem>>, vector<16xi32>,
      %ge3A_201 = vector.broadcast %mul3A_16 : i32 to vector<16xi32>
      %ge3A_202 = arith.cmpi sge, %get3A_200, %ge3A_201 : vector<16xi32>
      %lt3A_203 = vector.broadcast %mul3A_19 : i32 to vector<16xi32>
      %lt3A_204 = arith.cmpi slt, %get3A_200, %lt3A_203 : vector<16xi32>
      %and3A_205 = arith.andi %ge3A_202, %lt3A_204 : vector<16xi1>
      %sub3A_206 = vector.broadcast %mul3A_16 : i32 to vector<16xi32>
      %sub3A_207 = arith.subi %get3A_200, %sub3A_206 : vector<16xi32>
      %shift_right_logical3A_208 = arith.constant 10 : i32
      %shift_right_logical3A_209 = vector.broadcast %shift_right_logical3A_208 : i32 to vector<16xi32>
      %shift_right_logical3A_210 = arith.shrui %sub3A_207, %shift_right_logical3A_209 : vector<16xi32>
      %jit3A_211 = arith.constant 47 : i32
      %broadcast_in_dim3A_212 = vector.broadcast %jit3A_211 : i32 to vector<16xi32>
      %select_n3A_213 = arith.select %and3A_205, %shift_right_logical3A_210, %broadcast_in_dim3A_212 : vector<16xi1>, vector<16xi32>
      %select_n3A_214 = arith.select %and3A_205, %broadcast_in_dim3A_5, %broadcast_in_dim3A_3 : vector<16xi1>, vector<16xi32>
      tpu.vector_store_idx %arg10[%select_n3A_213], %select_n3A_214 {add = true} : memref<48xi32, #tpu.memory_space<vmem>>[vector<16xi32>], vector<16xi32>,
      %scan3A_215 = arith.constant 5 : i32
      %scan3A_216 = arith.addi %scan3A_102, %scan3A_215 : i32
      %mul3A_217 = arith.constant 1 : i32
      %mul3A_218 = arith.muli %scan3A_216, %mul3A_217 : i32
      %add3A_219 = arith.constant 0 : i32
      %add3A_220 = arith.addi %add3A_219, %mul3A_218 : i32
      %mul3A_221 = arith.constant 16 : i32
      %mul3A_222 = arith.muli %add3A_220, %mul3A_221 : i32
      %get3A_223 = arith.index_cast %mul3A_222 : i32 to index
      %get3A_224 = tpu.vector_load %arg7[%get3A_223] {strides = array<i32>} : memref<16384xi32, #tpu.memory_space<vmem>>, vector<16xi32>,
      %ge3A_225 = vector.broadcast %mul3A_16 : i32 to vector<16xi32>
      %ge3A_226 = arith.cmpi sge, %get3A_224, %ge3A_225 : vector<16xi32>
      %lt3A_227 = vector.broadcast %mul3A_19 : i32 to vector<16xi32>
      %lt3A_228 = arith.cmpi slt, %get3A_224, %lt3A_227 : vector<16xi32>
      %and3A_229 = arith.andi %ge3A_226, %lt3A_228 : vector<16xi1>
      %sub3A_230 = vector.broadcast %mul3A_16 : i32 to vector<16xi32>
      %sub3A_231 = arith.subi %get3A_224, %sub3A_230 : vector<16xi32>
      %shift_right_logical3A_232 = arith.constant 10 : i32
      %shift_right_logical3A_233 = vector.broadcast %shift_right_logical3A_232 : i32 to vector<16xi32>
      %shift_right_logical3A_234 = arith.shrui %sub3A_231, %shift_right_logical3A_233 : vector<16xi32>
      %jit3A_235 = arith.constant 47 : i32
      %broadcast_in_dim3A_236 = vector.broadcast %jit3A_235 : i32 to vector<16xi32>
      %select_n3A_237 = arith.select %and3A_229, %shift_right_logical3A_234, %broadcast_in_dim3A_236 : vector<16xi1>, vector<16xi32>
      %select_n3A_238 = arith.select %and3A_229, %broadcast_in_dim3A_5, %broadcast_in_dim3A_3 : vector<16xi1>, vector<16xi32>
      tpu.vector_store_idx %arg10[%select_n3A_237], %select_n3A_238 {add = true} : memref<48xi32, #tpu.memory_space<vmem>>[vector<16xi32>], vector<16xi32>,
      %scan3A_239 = arith.constant 6 : i32
      %scan3A_240 = arith.addi %scan3A_102, %scan3A_239 : i32
      %mul3A_241 = arith.constant 1 : i32
      %mul3A_242 = arith.muli %scan3A_240, %mul3A_241 : i32
      %add3A_243 = arith.constant 0 : i32
      %add3A_244 = arith.addi %add3A_243, %mul3A_242 : i32
      %mul3A_245 = arith.constant 16 : i32
      %mul3A_246 = arith.muli %add3A_244, %mul3A_245 : i32
      %get3A_247 = arith.index_cast %mul3A_246 : i32 to index
      %get3A_248 = tpu.vector_load %arg7[%get3A_247] {strides = array<i32>} : memref<16384xi32, #tpu.memory_space<vmem>>, vector<16xi32>,
      %ge3A_249 = vector.broadcast %mul3A_16 : i32 to vector<16xi32>
      %ge3A_250 = arith.cmpi sge, %get3A_248, %ge3A_249 : vector<16xi32>
      %lt3A_251 = vector.broadcast %mul3A_19 : i32 to vector<16xi32>
      %lt3A_252 = arith.cmpi slt, %get3A_248, %lt3A_251 : vector<16xi32>
      %and3A_253 = arith.andi %ge3A_250, %lt3A_252 : vector<16xi1>
      %sub3A_254 = vector.broadcast %mul3A_16 : i32 to vector<16xi32>
      %sub3A_255 = arith.subi %get3A_248, %sub3A_254 : vector<16xi32>
      %shift_right_logical3A_256 = arith.constant 10 : i32
      %shift_right_logical3A_257 = vector.broadcast %shift_right_logical3A_256 : i32 to vector<16xi32>
      %shift_right_logical3A_258 = arith.shrui %sub3A_255, %shift_right_logical3A_257 : vector<16xi32>
      %jit3A_259 = arith.constant 47 : i32
      %broadcast_in_dim3A_260 = vector.broadcast %jit3A_259 : i32 to vector<16xi32>
      %select_n3A_261 = arith.select %and3A_253, %shift_right_logical3A_258, %broadcast_in_dim3A_260 : vector<16xi1>, vector<16xi32>
      %select_n3A_262 = arith.select %and3A_253, %broadcast_in_dim3A_5, %broadcast_in_dim3A_3 : vector<16xi1>, vector<16xi32>
      tpu.vector_store_idx %arg10[%select_n3A_261], %select_n3A_262 {add = true} : memref<48xi32, #tpu.memory_space<vmem>>[vector<16xi32>], vector<16xi32>,
      %scan3A_263 = arith.constant 7 : i32
      %scan3A_264 = arith.addi %scan3A_102, %scan3A_263 : i32
      %mul3A_265 = arith.constant 1 : i32
      %mul3A_266 = arith.muli %scan3A_264, %mul3A_265 : i32
      %add3A_267 = arith.constant 0 : i32
      %add3A_268 = arith.addi %add3A_267, %mul3A_266 : i32
      %mul3A_269 = arith.constant 16 : i32
      %mul3A_270 = arith.muli %add3A_268, %mul3A_269 : i32
      %get3A_271 = arith.index_cast %mul3A_270 : i32 to index
      %get3A_272 = tpu.vector_load %arg7[%get3A_271] {strides = array<i32>} : memref<16384xi32, #tpu.memory_space<vmem>>, vector<16xi32>,
      %ge3A_273 = vector.broadcast %mul3A_16 : i32 to vector<16xi32>
      %ge3A_274 = arith.cmpi sge, %get3A_272, %ge3A_273 : vector<16xi32>
      %lt3A_275 = vector.broadcast %mul3A_19 : i32 to vector<16xi32>
      %lt3A_276 = arith.cmpi slt, %get3A_272, %lt3A_275 : vector<16xi32>
      %and3A_277 = arith.andi %ge3A_274, %lt3A_276 : vector<16xi1>
      %sub3A_278 = vector.broadcast %mul3A_16 : i32 to vector<16xi32>
      %sub3A_279 = arith.subi %get3A_272, %sub3A_278 : vector<16xi32>
      %shift_right_logical3A_280 = arith.constant 10 : i32
      %shift_right_logical3A_281 = vector.broadcast %shift_right_logical3A_280 : i32 to vector<16xi32>
      %shift_right_logical3A_282 = arith.shrui %sub3A_279, %shift_right_logical3A_281 : vector<16xi32>
      %jit3A_283 = arith.constant 47 : i32
      %broadcast_in_dim3A_284 = vector.broadcast %jit3A_283 : i32 to vector<16xi32>
      %select_n3A_285 = arith.select %and3A_277, %shift_right_logical3A_282, %broadcast_in_dim3A_284 : vector<16xi1>, vector<16xi32>
      %select_n3A_286 = arith.select %and3A_277, %broadcast_in_dim3A_5, %broadcast_in_dim3A_3 : vector<16xi1>, vector<16xi32>
      tpu.vector_store_idx %arg10[%select_n3A_285], %select_n3A_286 {add = true} : memref<48xi32, #tpu.memory_space<vmem>>[vector<16xi32>], vector<16xi32>,
    }
    %scan3A_28 = arith.constant 1024 : i32
    %scan3A_29 = arith.constant 0 : i32
    %scan3A_30 = arith.constant 0 : i32
    %scan3A_31 = arith.constant 3 : i32
    %scan3A_32 = arith.addi %scan3A_30, %scan3A_31 : i32
    %scan3A_33 = arith.constant 1 : i32
    %scan3A_34 = scf.for %scan3A_102 = %scan3A_30 to %scan3A_32 step %scan3A_33 iter_args(%scan3A_103 = %scan3A_29) -> (i32)  : i32 {
      %mul3A_104 = arith.constant 16 : i32
      %mul3A_105 = arith.muli %scan3A_102, %mul3A_104 : i32
      %get3A = arith.index_cast %mul3A_105 : i32 to index
      %get3A_106 = tpu.vector_load %arg10[%get3A] {strides = array<i32>} : memref<48xi32, #tpu.memory_space<vmem>>, vector<16xi32>,
      %broadcast_in_dim3A_107 = arith.constant true
      %broadcast_in_dim3A_108 = vector.broadcast %broadcast_in_dim3A_107 : i1 to vector<16xi1>
      %masked_cumsum3A = tpu.scan <sum>, %get3A_106 masked %broadcast_in_dim3A_108 : vector<16xi32>, vector<16xi1> -> vector<16xi32>
      %sub3A_109 = arith.subi %masked_cumsum3A, %get3A_106 : vector<16xi32>
      %add3A_110 = vector.broadcast %scan3A_103 : i32 to vector<16xi32>
      %add3A_111 = arith.addi %sub3A_109, %add3A_110 : vector<16xi32>
      %mul3A_112 = arith.constant 16 : i32
      %mul3A_113 = arith.muli %scan3A_102, %mul3A_112 : i32
      %swap3A = arith.index_cast %mul3A_113 : i32 to index
      %swap3A_114 = tpu.vector_load %arg11[%swap3A] {strides = array<i32>} : memref<48xi32, #tpu.memory_space<vmem>>, vector<16xi32>,
      tpu.vector_store %arg11[%swap3A], %add3A_111 {strides = array<i32>} : memref<48xi32, #tpu.memory_space<vmem>>, vector<16xi32>,
      %reduce_sum3A = arith.constant true
      %reduce_sum3A_115 = vector.broadcast %reduce_sum3A : i1 to vector<16xi1>
      %reduce_sum3A_116 = tpu.scan <sum>, %get3A_106 masked %reduce_sum3A_115 : vector<16xi32>, vector<16xi1> -> vector<16xi32>
      %reduce_sum3A_117 = vector.extract %reduce_sum3A_116[15] : i32 from vector<16xi32>
      %add3A_118 = arith.addi %scan3A_103, %reduce_sum3A_117 : i32
      scf.yield %add3A_118 : i32
    }
    %scan3A_35 = arith.constant 3 : i32
    %scan3A_36 = arith.constant 0 : i32
    %scan3A_37 = arith.constant 1024 : i32
    %scan3A_38 = arith.addi %scan3A_36, %scan3A_37 : i32
    %scan3A_39 = arith.constant 4 : i32
    scf.for %scan3A_102 = %scan3A_36 to %scan3A_38 step %scan3A_39  : i32 {
      %mul3A_103 = arith.constant 1 : i32
      %mul3A_104 = arith.muli %scan3A_102, %mul3A_103 : i32
      %add3A_105 = arith.constant 0 : i32
      %add3A_106 = arith.addi %add3A_105, %mul3A_104 : i32
      %mul3A_107 = arith.constant 16 : i32
      %mul3A_108 = arith.muli %add3A_106, %mul3A_107 : i32
      %get3A = arith.index_cast %mul3A_108 : i32 to index
      %get3A_109 = tpu.vector_load %arg7[%get3A] {strides = array<i32>} : memref<16384xi32, #tpu.memory_space<vmem>>, vector<16xi32>,
      %mul3A_110 = arith.constant 16 : i32
      %mul3A_111 = arith.muli %add3A_106, %mul3A_110 : i32
      %add3A_112 = vector.broadcast %mul3A_111 : i32 to vector<16xi32>
      %add3A_113 = arith.addi %add3A_112, %iota3A : vector<16xi32>
      %ge3A_114 = vector.broadcast %mul3A_16 : i32 to vector<16xi32>
      %ge3A_115 = arith.cmpi sge, %get3A_109, %ge3A_114 : vector<16xi32>
      %lt3A = vector.broadcast %mul3A_19 : i32 to vector<16xi32>
      %lt3A_116 = arith.cmpi slt, %get3A_109, %lt3A : vector<16xi32>
      %and3A = arith.andi %ge3A_115, %lt3A_116 : vector<16xi1>
      %sub3A_117 = vector.broadcast %mul3A_16 : i32 to vector<16xi32>
      %sub3A_118 = arith.subi %get3A_109, %sub3A_117 : vector<16xi32>
      %shift_right_logical3A = arith.constant 10 : i32
      %shift_right_logical3A_119 = vector.broadcast %shift_right_logical3A : i32 to vector<16xi32>
      %shift_right_logical3A_120 = arith.shrui %sub3A_118, %shift_right_logical3A_119 : vector<16xi32>
      %jit3A = arith.constant 47 : i32
      %broadcast_in_dim3A_121 = vector.broadcast %jit3A : i32 to vector<16xi32>
      %select_n3A = arith.select %and3A, %shift_right_logical3A_120, %broadcast_in_dim3A_121 : vector<16xi1>, vector<16xi32>
      %unique3A, %unique3A_122 = tpu.scan_count mask(%and3A : vector<16xi1>) value(%select_n3A : vector<16xi32>) : vector<16xi1>, vector<16xi32>
      %gather3A = tpu.vector_load_idx %arg12[%select_n3A] : memref<48xi32, #tpu.memory_space<vmem>>[vector<16xi32>], vector<16xi32>,
      %gather3A_123 = tpu.vector_load_idx %arg11[%select_n3A] : memref<48xi32, #tpu.memory_space<vmem>>[vector<16xi32>], vector<16xi32>,
      %add3A_124 = arith.addi %gather3A_123, %gather3A : vector<16xi32>
      %add3A_125 = arith.addi %add3A_124, %unique3A_122 : vector<16xi32>
      %sub3A_126 = arith.constant 1 : i32
      %sub3A_127 = vector.broadcast %sub3A_126 : i32 to vector<16xi32>
      %sub3A_128 = arith.subi %add3A_125, %sub3A_127 : vector<16xi32>
      %min3A_129 = arith.constant 16399 : i32
      %min3A_130 = vector.broadcast %min3A_129 : i32 to vector<16xi32>
      %min3A_131 = arith.minsi %sub3A_128, %min3A_130 : vector<16xi32>
      tpu.vector_store_idx %arg8[%min3A_131], %get3A_109 masked %and3A : memref<16400xi32, #tpu.memory_space<vmem>>[vector<16xi32>], vector<16xi32>, vector<16xi1>
      tpu.vector_store_idx %arg9[%min3A_131], %add3A_113 masked %and3A : memref<16400xi32, #tpu.memory_space<vmem>>[vector<16xi32>], vector<16xi32>, vector<16xi1>
      %select_n3A_132 = arith.select %and3A, %broadcast_in_dim3A_5, %broadcast_in_dim3A_3 : vector<16xi1>, vector<16xi32>
      tpu.vector_store_idx %arg12[%select_n3A], %select_n3A_132 {add = true} : memref<48xi32, #tpu.memory_space<vmem>>[vector<16xi32>], vector<16xi32>,
      %scan3A_133 = arith.constant 1 : i32
      %scan3A_134 = arith.addi %scan3A_102, %scan3A_133 : i32
      %mul3A_135 = arith.constant 1 : i32
      %mul3A_136 = arith.muli %scan3A_134, %mul3A_135 : i32
      %add3A_137 = arith.constant 0 : i32
      %add3A_138 = arith.addi %add3A_137, %mul3A_136 : i32
      %mul3A_139 = arith.constant 16 : i32
      %mul3A_140 = arith.muli %add3A_138, %mul3A_139 : i32
      %get3A_141 = arith.index_cast %mul3A_140 : i32 to index
      %get3A_142 = tpu.vector_load %arg7[%get3A_141] {strides = array<i32>} : memref<16384xi32, #tpu.memory_space<vmem>>, vector<16xi32>,
      %mul3A_143 = arith.constant 16 : i32
      %mul3A_144 = arith.muli %add3A_138, %mul3A_143 : i32
      %add3A_145 = vector.broadcast %mul3A_144 : i32 to vector<16xi32>
      %add3A_146 = arith.addi %add3A_145, %iota3A : vector<16xi32>
      %ge3A_147 = vector.broadcast %mul3A_16 : i32 to vector<16xi32>
      %ge3A_148 = arith.cmpi sge, %get3A_142, %ge3A_147 : vector<16xi32>
      %lt3A_149 = vector.broadcast %mul3A_19 : i32 to vector<16xi32>
      %lt3A_150 = arith.cmpi slt, %get3A_142, %lt3A_149 : vector<16xi32>
      %and3A_151 = arith.andi %ge3A_148, %lt3A_150 : vector<16xi1>
      %sub3A_152 = vector.broadcast %mul3A_16 : i32 to vector<16xi32>
      %sub3A_153 = arith.subi %get3A_142, %sub3A_152 : vector<16xi32>
      %shift_right_logical3A_154 = arith.constant 10 : i32
      %shift_right_logical3A_155 = vector.broadcast %shift_right_logical3A_154 : i32 to vector<16xi32>
      %shift_right_logical3A_156 = arith.shrui %sub3A_153, %shift_right_logical3A_155 : vector<16xi32>
      %jit3A_157 = arith.constant 47 : i32
      %broadcast_in_dim3A_158 = vector.broadcast %jit3A_157 : i32 to vector<16xi32>
      %select_n3A_159 = arith.select %and3A_151, %shift_right_logical3A_156, %broadcast_in_dim3A_158 : vector<16xi1>, vector<16xi32>
      %unique3A_160, %unique3A_161 = tpu.scan_count mask(%and3A_151 : vector<16xi1>) value(%select_n3A_159 : vector<16xi32>) : vector<16xi1>, vector<16xi32>
      %gather3A_162 = tpu.vector_load_idx %arg12[%select_n3A_159] : memref<48xi32, #tpu.memory_space<vmem>>[vector<16xi32>], vector<16xi32>,
      %gather3A_163 = tpu.vector_load_idx %arg11[%select_n3A_159] : memref<48xi32, #tpu.memory_space<vmem>>[vector<16xi32>], vector<16xi32>,
      %add3A_164 = arith.addi %gather3A_163, %gather3A_162 : vector<16xi32>
      %add3A_165 = arith.addi %add3A_164, %unique3A_161 : vector<16xi32>
      %sub3A_166 = arith.constant 1 : i32
      %sub3A_167 = vector.broadcast %sub3A_166 : i32 to vector<16xi32>
      %sub3A_168 = arith.subi %add3A_165, %sub3A_167 : vector<16xi32>
      %min3A_169 = arith.constant 16399 : i32
      %min3A_170 = vector.broadcast %min3A_169 : i32 to vector<16xi32>
      %min3A_171 = arith.minsi %sub3A_168, %min3A_170 : vector<16xi32>
      tpu.vector_store_idx %arg8[%min3A_171], %get3A_142 masked %and3A_151 : memref<16400xi32, #tpu.memory_space<vmem>>[vector<16xi32>], vector<16xi32>, vector<16xi1>
      tpu.vector_store_idx %arg9[%min3A_171], %add3A_146 masked %and3A_151 : memref<16400xi32, #tpu.memory_space<vmem>>[vector<16xi32>], vector<16xi32>, vector<16xi1>
      %select_n3A_172 = arith.select %and3A_151, %broadcast_in_dim3A_5, %broadcast_in_dim3A_3 : vector<16xi1>, vector<16xi32>
      tpu.vector_store_idx %arg12[%select_n3A_159], %select_n3A_172 {add = true} : memref<48xi32, #tpu.memory_space<vmem>>[vector<16xi32>], vector<16xi32>,
      %scan3A_173 = arith.constant 2 : i32
      %scan3A_174 = arith.addi %scan3A_102, %scan3A_173 : i32
      %mul3A_175 = arith.constant 1 : i32
      %mul3A_176 = arith.muli %scan3A_174, %mul3A_175 : i32
      %add3A_177 = arith.constant 0 : i32
      %add3A_178 = arith.addi %add3A_177, %mul3A_176 : i32
      %mul3A_179 = arith.constant 16 : i32
      %mul3A_180 = arith.muli %add3A_178, %mul3A_179 : i32
      %get3A_181 = arith.index_cast %mul3A_180 : i32 to index
      %get3A_182 = tpu.vector_load %arg7[%get3A_181] {strides = array<i32>} : memref<16384xi32, #tpu.memory_space<vmem>>, vector<16xi32>,
      %mul3A_183 = arith.constant 16 : i32
      %mul3A_184 = arith.muli %add3A_178, %mul3A_183 : i32
      %add3A_185 = vector.broadcast %mul3A_184 : i32 to vector<16xi32>
      %add3A_186 = arith.addi %add3A_185, %iota3A : vector<16xi32>
      %ge3A_187 = vector.broadcast %mul3A_16 : i32 to vector<16xi32>
      %ge3A_188 = arith.cmpi sge, %get3A_182, %ge3A_187 : vector<16xi32>
      %lt3A_189 = vector.broadcast %mul3A_19 : i32 to vector<16xi32>
      %lt3A_190 = arith.cmpi slt, %get3A_182, %lt3A_189 : vector<16xi32>
      %and3A_191 = arith.andi %ge3A_188, %lt3A_190 : vector<16xi1>
      %sub3A_192 = vector.broadcast %mul3A_16 : i32 to vector<16xi32>
      %sub3A_193 = arith.subi %get3A_182, %sub3A_192 : vector<16xi32>
      %shift_right_logical3A_194 = arith.constant 10 : i32
      %shift_right_logical3A_195 = vector.broadcast %shift_right_logical3A_194 : i32 to vector<16xi32>
      %shift_right_logical3A_196 = arith.shrui %sub3A_193, %shift_right_logical3A_195 : vector<16xi32>
      %jit3A_197 = arith.constant 47 : i32
      %broadcast_in_dim3A_198 = vector.broadcast %jit3A_197 : i32 to vector<16xi32>
      %select_n3A_199 = arith.select %and3A_191, %shift_right_logical3A_196, %broadcast_in_dim3A_198 : vector<16xi1>, vector<16xi32>
      %unique3A_200, %unique3A_201 = tpu.scan_count mask(%and3A_191 : vector<16xi1>) value(%select_n3A_199 : vector<16xi32>) : vector<16xi1>, vector<16xi32>
      %gather3A_202 = tpu.vector_load_idx %arg12[%select_n3A_199] : memref<48xi32, #tpu.memory_space<vmem>>[vector<16xi32>], vector<16xi32>,
      %gather3A_203 = tpu.vector_load_idx %arg11[%select_n3A_199] : memref<48xi32, #tpu.memory_space<vmem>>[vector<16xi32>], vector<16xi32>,
      %add3A_204 = arith.addi %gather3A_203, %gather3A_202 : vector<16xi32>
      %add3A_205 = arith.addi %add3A_204, %unique3A_201 : vector<16xi32>
      %sub3A_206 = arith.constant 1 : i32
      %sub3A_207 = vector.broadcast %sub3A_206 : i32 to vector<16xi32>
      %sub3A_208 = arith.subi %add3A_205, %sub3A_207 : vector<16xi32>
      %min3A_209 = arith.constant 16399 : i32
      %min3A_210 = vector.broadcast %min3A_209 : i32 to vector<16xi32>
      %min3A_211 = arith.minsi %sub3A_208, %min3A_210 : vector<16xi32>
      tpu.vector_store_idx %arg8[%min3A_211], %get3A_182 masked %and3A_191 : memref<16400xi32, #tpu.memory_space<vmem>>[vector<16xi32>], vector<16xi32>, vector<16xi1>
      tpu.vector_store_idx %arg9[%min3A_211], %add3A_186 masked %and3A_191 : memref<16400xi32, #tpu.memory_space<vmem>>[vector<16xi32>], vector<16xi32>, vector<16xi1>
      %select_n3A_212 = arith.select %and3A_191, %broadcast_in_dim3A_5, %broadcast_in_dim3A_3 : vector<16xi1>, vector<16xi32>
      tpu.vector_store_idx %arg12[%select_n3A_199], %select_n3A_212 {add = true} : memref<48xi32, #tpu.memory_space<vmem>>[vector<16xi32>], vector<16xi32>,
      %scan3A_213 = arith.constant 3 : i32
      %scan3A_214 = arith.addi %scan3A_102, %scan3A_213 : i32
      %mul3A_215 = arith.constant 1 : i32
      %mul3A_216 = arith.muli %scan3A_214, %mul3A_215 : i32
      %add3A_217 = arith.constant 0 : i32
      %add3A_218 = arith.addi %add3A_217, %mul3A_216 : i32
      %mul3A_219 = arith.constant 16 : i32
      %mul3A_220 = arith.muli %add3A_218, %mul3A_219 : i32
      %get3A_221 = arith.index_cast %mul3A_220 : i32 to index
      %get3A_222 = tpu.vector_load %arg7[%get3A_221] {strides = array<i32>} : memref<16384xi32, #tpu.memory_space<vmem>>, vector<16xi32>,
      %mul3A_223 = arith.constant 16 : i32
      %mul3A_224 = arith.muli %add3A_218, %mul3A_223 : i32
      %add3A_225 = vector.broadcast %mul3A_224 : i32 to vector<16xi32>
      %add3A_226 = arith.addi %add3A_225, %iota3A : vector<16xi32>
      %ge3A_227 = vector.broadcast %mul3A_16 : i32 to vector<16xi32>
      %ge3A_228 = arith.cmpi sge, %get3A_222, %ge3A_227 : vector<16xi32>
      %lt3A_229 = vector.broadcast %mul3A_19 : i32 to vector<16xi32>
      %lt3A_230 = arith.cmpi slt, %get3A_222, %lt3A_229 : vector<16xi32>
      %and3A_231 = arith.andi %ge3A_228, %lt3A_230 : vector<16xi1>
      %sub3A_232 = vector.broadcast %mul3A_16 : i32 to vector<16xi32>
      %sub3A_233 = arith.subi %get3A_222, %sub3A_232 : vector<16xi32>
      %shift_right_logical3A_234 = arith.constant 10 : i32
      %shift_right_logical3A_235 = vector.broadcast %shift_right_logical3A_234 : i32 to vector<16xi32>
      %shift_right_logical3A_236 = arith.shrui %sub3A_233, %shift_right_logical3A_235 : vector<16xi32>
      %jit3A_237 = arith.constant 47 : i32
      %broadcast_in_dim3A_238 = vector.broadcast %jit3A_237 : i32 to vector<16xi32>
      %select_n3A_239 = arith.select %and3A_231, %shift_right_logical3A_236, %broadcast_in_dim3A_238 : vector<16xi1>, vector<16xi32>
      %unique3A_240, %unique3A_241 = tpu.scan_count mask(%and3A_231 : vector<16xi1>) value(%select_n3A_239 : vector<16xi32>) : vector<16xi1>, vector<16xi32>
      %gather3A_242 = tpu.vector_load_idx %arg12[%select_n3A_239] : memref<48xi32, #tpu.memory_space<vmem>>[vector<16xi32>], vector<16xi32>,
      %gather3A_243 = tpu.vector_load_idx %arg11[%select_n3A_239] : memref<48xi32, #tpu.memory_space<vmem>>[vector<16xi32>], vector<16xi32>,
      %add3A_244 = arith.addi %gather3A_243, %gather3A_242 : vector<16xi32>
      %add3A_245 = arith.addi %add3A_244, %unique3A_241 : vector<16xi32>
      %sub3A_246 = arith.constant 1 : i32
      %sub3A_247 = vector.broadcast %sub3A_246 : i32 to vector<16xi32>
      %sub3A_248 = arith.subi %add3A_245, %sub3A_247 : vector<16xi32>
      %min3A_249 = arith.constant 16399 : i32
      %min3A_250 = vector.broadcast %min3A_249 : i32 to vector<16xi32>
      %min3A_251 = arith.minsi %sub3A_248, %min3A_250 : vector<16xi32>
      tpu.vector_store_idx %arg8[%min3A_251], %get3A_222 masked %and3A_231 : memref<16400xi32, #tpu.memory_space<vmem>>[vector<16xi32>], vector<16xi32>, vector<16xi1>
      tpu.vector_store_idx %arg9[%min3A_251], %add3A_226 masked %and3A_231 : memref<16400xi32, #tpu.memory_space<vmem>>[vector<16xi32>], vector<16xi32>, vector<16xi1>
      %select_n3A_252 = arith.select %and3A_231, %broadcast_in_dim3A_5, %broadcast_in_dim3A_3 : vector<16xi1>, vector<16xi32>
      tpu.vector_store_idx %arg12[%select_n3A_239], %select_n3A_252 {add = true} : memref<48xi32, #tpu.memory_space<vmem>>[vector<16xi32>], vector<16xi32>,
    }
    %scan3A_40 = arith.constant 1024 : i32
    %add3A_41 = arith.constant 0 : i32
    %add3A_42 = arith.addi %add3A_10, %add3A_41 : i32
    %ne3A = arith.constant 976 : i32
    %ne3A_43 = arith.cmpi ne, %add3A_42, %ne3A : i32
    %convert_element_type3A_44 = arith.extui %ne3A_43 : i1 to i32
    %cond3A = arith.constant 0 : i32
    %cond3A_45 = arith.constant 0 : i32
    %cond3A_46 = arith.cmpi ne, %convert_element_type3A_44, %cond3A_45 : i32
    scf.if %cond3A_46 {
      %mul3A_102 = arith.constant 1024 : i32
      %mul3A_103 = arith.muli %add3A_42, %mul3A_102 : i32
      %multiple_of3A = tpu.assume_multiple %mul3A_103, 1024 : i32
      %dma_start3A = arith.constant 0 : i32
      %dma_start3A_104 = arith.constant 0 : i32
      %dma_start3A_105 = tpu.memref_slice %arg13[%cond3A, %dma_start3A, %dma_start3A_104] : memref<2x32x1024xf32, #tpu.memory_space<vmem>> -> memref<1x32x1024xf32, #tpu.memory_space<vmem>>
      %dma_start3A_106 = tpu.memref_squeeze %dma_start3A_105 : memref<1x32x1024xf32, #tpu.memory_space<vmem>> -> memref<32x1024xf32, #tpu.memory_space<vmem>>
      %dma_start3A_107 = arith.constant 0 : i32
      %dma_start3A_108 = tpu.memref_slice %arg3[%dma_start3A_107, %multiple_of3A] : memref<64x1000000xf32, #tpu.memory_space<hbm>> -> memref<32x1024xf32, #tpu.memory_space<hbm>>
      %dma_start3A_109 = arith.constant 0 : i32
      %dma_start3A_110 = arith.constant 0 : i32
      %dma_start3A_111 = tpu.memref_slice %arg13[%cond3A, %dma_start3A_109, %dma_start3A_110] : memref<2x32x1024xf32, #tpu.memory_space<vmem>> -> memref<1x32x1024xf32, #tpu.memory_space<vmem>>
      %dma_start3A_112 = tpu.memref_squeeze %dma_start3A_111 : memref<1x32x1024xf32, #tpu.memory_space<vmem>> -> memref<32x1024xf32, #tpu.memory_space<vmem>>
      %dma_start3A_113 = arith.constant 0 : i32
      %dma_start3A_114 = tpu.memref_slice %arg3[%dma_start3A_113, %multiple_of3A] : memref<64x1000000xf32, #tpu.memory_space<hbm>> -> memref<32x1024xf32, #tpu.memory_space<hbm>>
      tpu.enqueue_dma source(%dma_start3A_114 : memref<32x1024xf32, #tpu.memory_space<hbm>>) target(%dma_start3A_112 : memref<32x1024xf32, #tpu.memory_space<vmem>>) target_semaphore(%arg16 : memref<!tpu.dma_semaphore, #tpu.memory_space<semaphore_mem>>)
    } else {
    }
    %eq3A_47 = arith.constant 976 : i32
    %eq3A_48 = arith.cmpi eq, %add3A_42, %eq3A_47 : i32
    %convert_element_type3A_49 = arith.extui %eq3A_48 : i1 to i32
    %cond3A_50 = arith.constant 0 : i32
    %cond3A_51 = arith.constant 0 : i32
    %cond3A_52 = arith.cmpi ne, %convert_element_type3A_49, %cond3A_51 : i32
    scf.if %cond3A_52 {
      %dma_start3A = arith.constant 0 : i32
      %dma_start3A_102 = arith.constant 0 : i32
      %dma_start3A_103 = tpu.memref_slice %arg13[%cond3A_50, %dma_start3A, %dma_start3A_102] : memref<2x32x1024xf32, #tpu.memory_space<vmem>> -> memref<1x32x1024xf32, #tpu.memory_space<vmem>>
      %dma_start3A_104 = tpu.memref_squeeze %dma_start3A_103 : memref<1x32x1024xf32, #tpu.memory_space<vmem>> -> memref<32x1024xf32, #tpu.memory_space<vmem>>
      %dma_start3A_105 = arith.constant 0 : i32
      %dma_start3A_106 = arith.constant 0 : i32
      %dma_start3A_107 = tpu.memref_slice %arg4[%dma_start3A_105, %dma_start3A_106] : memref<64x1024xf32, #tpu.memory_space<hbm>> -> memref<32x1024xf32, #tpu.memory_space<hbm>>
      %dma_start3A_108 = arith.constant 0 : i32
      %dma_start3A_109 = arith.constant 0 : i32
      %dma_start3A_110 = tpu.memref_slice %arg13[%cond3A_50, %dma_start3A_108, %dma_start3A_109] : memref<2x32x1024xf32, #tpu.memory_space<vmem>> -> memref<1x32x1024xf32, #tpu.memory_space<vmem>>
      %dma_start3A_111 = tpu.memref_squeeze %dma_start3A_110 : memref<1x32x1024xf32, #tpu.memory_space<vmem>> -> memref<32x1024xf32, #tpu.memory_space<vmem>>
      %dma_start3A_112 = arith.constant 0 : i32
      %dma_start3A_113 = arith.constant 0 : i32
      %dma_start3A_114 = tpu.memref_slice %arg4[%dma_start3A_112, %dma_start3A_113] : memref<64x1024xf32, #tpu.memory_space<hbm>> -> memref<32x1024xf32, #tpu.memory_space<hbm>>
      tpu.enqueue_dma source(%dma_start3A_114 : memref<32x1024xf32, #tpu.memory_space<hbm>>) target(%dma_start3A_111 : memref<32x1024xf32, #tpu.memory_space<vmem>>) target_semaphore(%arg16 : memref<!tpu.dma_semaphore, #tpu.memory_space<semaphore_mem>>)
    } else {
    }
    %while3A = arith.constant 0 : i32
    %while3A_53 = arith.constant 0 : i32
    %while3A_54 = arith.subi %add3A_14, %while3A : i32
    %while3A_55 = arith.addi %while3A, %while3A_54 : i32
    %while3A_56 = arith.constant 1 : i32
    %while3A_57 = arith.divsi %while3A_54, %while3A_56 : i32
    %while3A_58 = arith.muli %while3A_57, %while3A_56 : i32
    %while3A_59 = arith.addi %while3A, %while3A_58 : i32
    %while3A_60 = arith.constant 1 : i32
    %while3A_61 = scf.for %while3A_102 = %while3A to %while3A_59 step %while3A_60 iter_args(%while3A_103 = %while3A_53) -> (i32)  : i32 {
      %rem3A = arith.constant 2 : i32
      %rem3A_104 = arith.remsi %while3A_102, %rem3A : i32
      %dma_wait3A = arith.constant 0 : i32
      %dma_wait3A_105 = arith.constant 0 : i32
      %dma_wait3A_106 = tpu.memref_slice %arg13[%rem3A_104, %dma_wait3A, %dma_wait3A_105] : memref<2x32x1024xf32, #tpu.memory_space<vmem>> -> memref<1x32x1024xf32, #tpu.memory_space<vmem>>
      %dma_wait3A_107 = tpu.memref_squeeze %dma_wait3A_106 : memref<1x32x1024xf32, #tpu.memory_space<vmem>> -> memref<32x1024xf32, #tpu.memory_space<vmem>>
      %dma_wait3A_108 = arith.constant 0 : i32
      %dma_wait3A_109 = arith.constant 0 : i32
      %dma_wait3A_110 = tpu.memref_slice %arg3[%dma_wait3A_108, %dma_wait3A_109] : memref<64x1000000xf32, #tpu.memory_space<hbm>> -> memref<32x1024xf32, #tpu.memory_space<hbm>>
      %dma_wait3A_111 = arith.constant 0 : i32
      %dma_wait3A_112 = arith.constant 0 : i32
      %dma_wait3A_113 = tpu.memref_slice %arg13[%rem3A_104, %dma_wait3A_111, %dma_wait3A_112] : memref<2x32x1024xf32, #tpu.memory_space<vmem>> -> memref<1x32x1024xf32, #tpu.memory_space<vmem>>
      %dma_wait3A_114 = tpu.memref_squeeze %dma_wait3A_113 : memref<1x32x1024xf32, #tpu.memory_space<vmem>> -> memref<32x1024xf32, #tpu.memory_space<vmem>>
      %dma_wait3A_115 = arith.constant 0 : i32
      %dma_wait3A_116 = arith.constant 0 : i32
      %dma_wait3A_117 = tpu.memref_slice %arg3[%dma_wait3A_115, %dma_wait3A_116] : memref<64x1000000xf32, #tpu.memory_space<hbm>> -> memref<32x1024xf32, #tpu.memory_space<hbm>>
      tpu.wait_dma2 semaphore(%arg16 : memref<!tpu.dma_semaphore, #tpu.memory_space<semaphore_mem>>) src(%dma_wait3A_117 : memref<32x1024xf32, #tpu.memory_space<hbm>>) dst(%dma_wait3A_114 : memref<32x1024xf32, #tpu.memory_space<vmem>>)
      %add3A_118 = arith.constant 1 : i32
      %add3A_119 = arith.addi %while3A_102, %add3A_118 : i32
      %lt3A = arith.cmpi slt, %add3A_119, %add3A_14 : i32
      %convert_element_type3A_120 = arith.extui %lt3A : i1 to i32
      %cond3A_121 = arith.constant 0 : i32
      %cond3A_122 = arith.cmpi ne, %convert_element_type3A_120, %cond3A_121 : i32
      scf.if %cond3A_122 {
        %add3A_151 = arith.constant 1 : i32
        %add3A_152 = arith.addi %while3A_102, %add3A_151 : i32
        %add3A_153 = arith.constant 1 : i32
        %add3A_154 = arith.addi %while3A_102, %add3A_153 : i32
        %rem3A_155 = arith.constant 2 : i32
        %rem3A_156 = arith.remsi %add3A_154, %rem3A_155 : i32
        %add3A_157 = arith.addi %add3A_10, %add3A_152 : i32
        %ne3A_158 = arith.constant 976 : i32
        %ne3A_159 = arith.cmpi ne, %add3A_157, %ne3A_158 : i32
        %convert_element_type3A_160 = arith.extui %ne3A_159 : i1 to i32
        %cond3A_161 = arith.constant 0 : i32
        %cond3A_162 = arith.cmpi ne, %convert_element_type3A_160, %cond3A_161 : i32
        scf.if %cond3A_162 {
          %mul3A_168 = arith.constant 1024 : i32
          %mul3A_169 = arith.muli %add3A_157, %mul3A_168 : i32
          %multiple_of3A = tpu.assume_multiple %mul3A_169, 1024 : i32
          %dma_start3A = arith.constant 0 : i32
          %dma_start3A_170 = arith.constant 0 : i32
          %dma_start3A_171 = tpu.memref_slice %arg13[%rem3A_156, %dma_start3A, %dma_start3A_170] : memref<2x32x1024xf32, #tpu.memory_space<vmem>> -> memref<1x32x1024xf32, #tpu.memory_space<vmem>>
          %dma_start3A_172 = tpu.memref_squeeze %dma_start3A_171 : memref<1x32x1024xf32, #tpu.memory_space<vmem>> -> memref<32x1024xf32, #tpu.memory_space<vmem>>
          %dma_start3A_173 = arith.constant 0 : i32
          %dma_start3A_174 = tpu.memref_slice %arg3[%dma_start3A_173, %multiple_of3A] : memref<64x1000000xf32, #tpu.memory_space<hbm>> -> memref<32x1024xf32, #tpu.memory_space<hbm>>
          %dma_start3A_175 = arith.constant 0 : i32
          %dma_start3A_176 = arith.constant 0 : i32
          %dma_start3A_177 = tpu.memref_slice %arg13[%rem3A_156, %dma_start3A_175, %dma_start3A_176] : memref<2x32x1024xf32, #tpu.memory_space<vmem>> -> memref<1x32x1024xf32, #tpu.memory_space<vmem>>
          %dma_start3A_178 = tpu.memref_squeeze %dma_start3A_177 : memref<1x32x1024xf32, #tpu.memory_space<vmem>> -> memref<32x1024xf32, #tpu.memory_space<vmem>>
          %dma_start3A_179 = arith.constant 0 : i32
          %dma_start3A_180 = tpu.memref_slice %arg3[%dma_start3A_179, %multiple_of3A] : memref<64x1000000xf32, #tpu.memory_space<hbm>> -> memref<32x1024xf32, #tpu.memory_space<hbm>>
          tpu.enqueue_dma source(%dma_start3A_180 : memref<32x1024xf32, #tpu.memory_space<hbm>>) target(%dma_start3A_178 : memref<32x1024xf32, #tpu.memory_space<vmem>>) target_semaphore(%arg16 : memref<!tpu.dma_semaphore, #tpu.memory_space<semaphore_mem>>)
        } else {
        }
        %eq3A_163 = arith.constant 976 : i32
        %eq3A_164 = arith.cmpi eq, %add3A_157, %eq3A_163 : i32
        %convert_element_type3A_165 = arith.extui %eq3A_164 : i1 to i32
        %cond3A_166 = arith.constant 0 : i32
        %cond3A_167 = arith.cmpi ne, %convert_element_type3A_165, %cond3A_166 : i32
        scf.if %cond3A_167 {
          %dma_start3A = arith.constant 0 : i32
          %dma_start3A_168 = arith.constant 0 : i32
          %dma_start3A_169 = tpu.memref_slice %arg13[%rem3A_156, %dma_start3A, %dma_start3A_168] : memref<2x32x1024xf32, #tpu.memory_space<vmem>> -> memref<1x32x1024xf32, #tpu.memory_space<vmem>>
          %dma_start3A_170 = tpu.memref_squeeze %dma_start3A_169 : memref<1x32x1024xf32, #tpu.memory_space<vmem>> -> memref<32x1024xf32, #tpu.memory_space<vmem>>
          %dma_start3A_171 = arith.constant 0 : i32
          %dma_start3A_172 = arith.constant 0 : i32
          %dma_start3A_173 = tpu.memref_slice %arg4[%dma_start3A_171, %dma_start3A_172] : memref<64x1024xf32, #tpu.memory_space<hbm>> -> memref<32x1024xf32, #tpu.memory_space<hbm>>
          %dma_start3A_174 = arith.constant 0 : i32
          %dma_start3A_175 = arith.constant 0 : i32
          %dma_start3A_176 = tpu.memref_slice %arg13[%rem3A_156, %dma_start3A_174, %dma_start3A_175] : memref<2x32x1024xf32, #tpu.memory_space<vmem>> -> memref<1x32x1024xf32, #tpu.memory_space<vmem>>
          %dma_start3A_177 = tpu.memref_squeeze %dma_start3A_176 : memref<1x32x1024xf32, #tpu.memory_space<vmem>> -> memref<32x1024xf32, #tpu.memory_space<vmem>>
          %dma_start3A_178 = arith.constant 0 : i32
          %dma_start3A_179 = arith.constant 0 : i32
          %dma_start3A_180 = tpu.memref_slice %arg4[%dma_start3A_178, %dma_start3A_179] : memref<64x1024xf32, #tpu.memory_space<hbm>> -> memref<32x1024xf32, #tpu.memory_space<hbm>>
          tpu.enqueue_dma source(%dma_start3A_180 : memref<32x1024xf32, #tpu.memory_space<hbm>>) target(%dma_start3A_177 : memref<32x1024xf32, #tpu.memory_space<vmem>>) target_semaphore(%arg16 : memref<!tpu.dma_semaphore, #tpu.memory_space<semaphore_mem>>)
        } else {
        }
      } else {
      }
      %get3A = arith.index_cast %while3A_102 : i32 to index
      %get3A_123 = tpu.vector_load %arg10[%get3A] {strides = array<i32>} : memref<48xi32, #tpu.memory_space<vmem>>, vector<16xi32>,
      %mul3A_124 = arith.muli %get3A_123, %convert_element_type3A : vector<16xi32>
      %reduce_sum3A = arith.constant true
      %reduce_sum3A_125 = vector.broadcast %reduce_sum3A : i1 to vector<16xi1>
      %reduce_sum3A_126 = tpu.scan <sum>, %mul3A_124 masked %reduce_sum3A_125 : vector<16xi32>, vector<16xi1> -> vector<16xi32>
      %reduce_sum3A_127 = vector.extract %reduce_sum3A_126[15] : i32 from vector<16xi32>
      %get3A_128 = arith.index_cast %while3A_102 : i32 to index
      %get3A_129 = tpu.vector_load %arg11[%get3A_128] {strides = array<i32>} : memref<48xi32, #tpu.memory_space<vmem>>, vector<16xi32>,
      %mul3A_130 = arith.muli %get3A_129, %convert_element_type3A : vector<16xi32>
      %reduce_sum3A_131 = arith.constant true
      %reduce_sum3A_132 = vector.broadcast %reduce_sum3A_131 : i1 to vector<16xi1>
      %reduce_sum3A_133 = tpu.scan <sum>, %mul3A_130 masked %reduce_sum3A_132 : vector<16xi32>, vector<16xi1> -> vector<16xi32>
      %reduce_sum3A_134 = vector.extract %reduce_sum3A_133[15] : i32 from vector<16xi32>
      %add3A_135 = arith.constant 16 : i32
      %add3A_136 = arith.addi %reduce_sum3A_127, %add3A_135 : i32
      %sub3A_137 = arith.constant 1 : i32
      %sub3A_138 = arith.subi %add3A_136, %sub3A_137 : i32
      %div3A = arith.constant 16 : i32
      %div3A_139 = arith.divsi %sub3A_138, %div3A : i32
      %while3A_140 = arith.constant 0 : i32
      %while3A_141 = arith.subi %div3A_139, %while3A_140 : i32
      %while3A_142 = arith.addi %while3A_140, %while3A_141 : i32
      %while3A_143 = arith.constant 1 : i32
      %while3A_144 = arith.divsi %while3A_141, %while3A_143 : i32
      %while3A_145 = arith.muli %while3A_144, %while3A_143 : i32
      %while3A_146 = arith.addi %while3A_140, %while3A_145 : i32
      %while3A_147 = arith.constant 1 : i32
      %while3A_148 = scf.for %while3A_151 = %while3A_140 to %while3A_146 step %while3A_147 iter_args(%while3A_152 = %while3A_103) -> (i32)  : i32 {
        %rem3A_153 = arith.constant 4 : i32
        %rem3A_154 = arith.remsi %while3A_152, %rem3A_153 : i32
        %ge3A_155 = arith.constant 4 : i32
        %ge3A_156 = arith.cmpi sge, %while3A_152, %ge3A_155 : i32
        %convert_element_type3A_157 = arith.extui %ge3A_156 : i1 to i32
        %cond3A_158 = arith.constant 0 : i32
        %cond3A_159 = arith.cmpi ne, %convert_element_type3A_157, %cond3A_158 : i32
        scf.if %cond3A_159 {
          %dma_wait3A_352 = arith.constant 0 : i32
          %dma_wait3A_353 = arith.constant 0 : i32
          %dma_wait3A_354 = tpu.memref_slice %arg14[%rem3A_154, %dma_wait3A_352, %dma_wait3A_353] : memref<4x16x128xf32, #tpu.memory_space<vmem>> -> memref<1x16x128xf32, #tpu.memory_space<vmem>>
          %dma_wait3A_355 = tpu.memref_squeeze %dma_wait3A_354 : memref<1x16x128xf32, #tpu.memory_space<vmem>> -> memref<16x128xf32, #tpu.memory_space<vmem>>
          %dma_wait3A_356 = arith.constant 0 : i32
          %dma_wait3A_357 = arith.constant 0 : i32
          %dma_wait3A_358 = tpu.memref_slice %arg5[%dma_wait3A_356, %dma_wait3A_357] : memref<16400x128xf32, #tpu.memory_space<hbm>> -> memref<16x128xf32, #tpu.memory_space<hbm>>
          %dma_wait3A_359 = arith.constant 0 : i32
          %dma_wait3A_360 = arith.constant 0 : i32
          %dma_wait3A_361 = tpu.memref_slice %arg14[%rem3A_154, %dma_wait3A_359, %dma_wait3A_360] : memref<4x16x128xf32, #tpu.memory_space<vmem>> -> memref<1x16x128xf32, #tpu.memory_space<vmem>>
          %dma_wait3A_362 = tpu.memref_squeeze %dma_wait3A_361 : memref<1x16x128xf32, #tpu.memory_space<vmem>> -> memref<16x128xf32, #tpu.memory_space<vmem>>
          %dma_wait3A_363 = arith.constant 0 : i32
          %dma_wait3A_364 = arith.constant 0 : i32
          %dma_wait3A_365 = tpu.memref_slice %arg5[%dma_wait3A_363, %dma_wait3A_364] : memref<16400x128xf32, #tpu.memory_space<hbm>> -> memref<16x128xf32, #tpu.memory_space<hbm>>
          tpu.wait_dma2 semaphore(%arg17 : memref<!tpu.dma_semaphore, #tpu.memory_space<semaphore_mem>>) src(%dma_wait3A_365 : memref<16x128xf32, #tpu.memory_space<hbm>>) dst(%dma_wait3A_362 : memref<16x128xf32, #tpu.memory_space<vmem>>)
        } else {
        }
        %mul3A_160 = arith.constant 16 : i32
        %mul3A_161 = arith.muli %while3A_151, %mul3A_160 : i32
        %add3A_162 = arith.addi %reduce_sum3A_134, %mul3A_161 : i32
        %get3A_163 = arith.index_cast %add3A_162 : i32 to index
        %get3A_164 = tpu.vector_load %arg8[%get3A_163] {strides = array<i32>} : memref<16400xi32, #tpu.memory_space<vmem>>, vector<16xi32>,
        %mul3A_165 = arith.constant 16 : i32
        %mul3A_166 = arith.muli %while3A_151, %mul3A_165 : i32
        %add3A_167 = arith.addi %reduce_sum3A_134, %mul3A_166 : i32
        %get3A_168 = arith.index_cast %add3A_167 : i32 to index
        %get3A_169 = tpu.vector_load %arg9[%get3A_168] {strides = array<i32>} : memref<16400xi32, #tpu.memory_space<vmem>>, vector<16xi32>,
        %mul3A_170 = arith.constant 16 : i32
        %mul3A_171 = arith.muli %while3A_151, %mul3A_170 : i32
        %sub3A_172 = arith.subi %reduce_sum3A_127, %mul3A_171 : i32
        %lt3A_173 = vector.broadcast %sub3A_172 : i32 to vector<16xi32>
        %lt3A_174 = arith.cmpi slt, %iota3A, %lt3A_173 : vector<16xi32>
        %and3A = arith.constant 1023 : i32
        %and3A_175 = vector.broadcast %and3A : i32 to vector<16xi32>
        %and3A_176 = arith.andi %get3A_164, %and3A_175 : vector<16xi32>
        %broadcast_in_dim3A_177 = vector.broadcast %rem3A_154 : i32 to vector<16xi32>
        %broadcast_in_dim3A_178 = vector.broadcast %rem3A_104 : i32 to vector<16xi32>
        %broadcast_in_dim3A_179 = arith.constant 0 : i32
        %broadcast_in_dim3A_180 = vector.broadcast %broadcast_in_dim3A_179 : i32 to vector<16xi32>
        %gather3A = tpu.vector_load_idx %arg13[%broadcast_in_dim3A_178, %broadcast_in_dim3A_180, %and3A_176] : memref<2x32x1024xf32, #tpu.memory_space<vmem>>[vector<16xi32>, vector<16xi32>, vector<16xi32>], vector<16xf32>,
        %broadcast_in_dim3A_181 = arith.constant 0 : i32
        %broadcast_in_dim3A_182 = vector.broadcast %broadcast_in_dim3A_181 : i32 to vector<16xi32>
        tpu.vector_store_idx %arg14[%broadcast_in_dim3A_177, %iota3A, %broadcast_in_dim3A_182], %gather3A : memref<4x16x128xf32, #tpu.memory_space<vmem>>[vector<16xi32>, vector<16xi32>, vector<16xi32>], vector<16xf32>,
        %broadcast_in_dim3A_183 = arith.constant 1 : i32
        %broadcast_in_dim3A_184 = vector.broadcast %broadcast_in_dim3A_183 : i32 to vector<16xi32>
        %gather3A_185 = tpu.vector_load_idx %arg13[%broadcast_in_dim3A_178, %broadcast_in_dim3A_184, %and3A_176] : memref<2x32x1024xf32, #tpu.memory_space<vmem>>[vector<16xi32>, vector<16xi32>, vector<16xi32>], vector<16xf32>,
        %broadcast_in_dim3A_186 = arith.constant 1 : i32
        %broadcast_in_dim3A_187 = vector.broadcast %broadcast_in_dim3A_186 : i32 to vector<16xi32>
        tpu.vector_store_idx %arg14[%broadcast_in_dim3A_177, %iota3A, %broadcast_in_dim3A_187], %gather3A_185 : memref<4x16x128xf32, #tpu.memory_space<vmem>>[vector<16xi32>, vector<16xi32>, vector<16xi32>], vector<16xf32>,
        %broadcast_in_dim3A_188 = arith.constant 2 : i32
        %broadcast_in_dim3A_189 = vector.broadcast %broadcast_in_dim3A_188 : i32 to vector<16xi32>
        %gather3A_190 = tpu.vector_load_idx %arg13[%broadcast_in_dim3A_178, %broadcast_in_dim3A_189, %and3A_176] : memref<2x32x1024xf32, #tpu.memory_space<vmem>>[vector<16xi32>, vector<16xi32>, vector<16xi32>], vector<16xf32>,
        %broadcast_in_dim3A_191 = arith.constant 2 : i32
        %broadcast_in_dim3A_192 = vector.broadcast %broadcast_in_dim3A_191 : i32 to vector<16xi32>
        tpu.vector_store_idx %arg14[%broadcast_in_dim3A_177, %iota3A, %broadcast_in_dim3A_192], %gather3A_190 : memref<4x16x128xf32, #tpu.memory_space<vmem>>[vector<16xi32>, vector<16xi32>, vector<16xi32>], vector<16xf32>,
        %broadcast_in_dim3A_193 = arith.constant 3 : i32
        %broadcast_in_dim3A_194 = vector.broadcast %broadcast_in_dim3A_193 : i32 to vector<16xi32>
        %gather3A_195 = tpu.vector_load_idx %arg13[%broadcast_in_dim3A_178, %broadcast_in_dim3A_194, %and3A_176] : memref<2x32x1024xf32, #tpu.memory_space<vmem>>[vector<16xi32>, vector<16xi32>, vector<16xi32>], vector<16xf32>,
        %broadcast_in_dim3A_196 = arith.constant 3 : i32
        %broadcast_in_dim3A_197 = vector.broadcast %broadcast_in_dim3A_196 : i32 to vector<16xi32>
        tpu.vector_store_idx %arg14[%broadcast_in_dim3A_177, %iota3A, %broadcast_in_dim3A_197], %gather3A_195 : memref<4x16x128xf32, #tpu.memory_space<vmem>>[vector<16xi32>, vector<16xi32>, vector<16xi32>], vector<16xf32>,
        %broadcast_in_dim3A_198 = arith.constant 4 : i32
        %broadcast_in_dim3A_199 = vector.broadcast %broadcast_in_dim3A_198 : i32 to vector<16xi32>
        %gather3A_200 = tpu.vector_load_idx %arg13[%broadcast_in_dim3A_178, %broadcast_in_dim3A_199, %and3A_176] : memref<2x32x1024xf32, #tpu.memory_space<vmem>>[vector<16xi32>, vector<16xi32>, vector<16xi32>], vector<16xf32>,
        %broadcast_in_dim3A_201 = arith.constant 4 : i32
        %broadcast_in_dim3A_202 = vector.broadcast %broadcast_in_dim3A_201 : i32 to vector<16xi32>
        tpu.vector_store_idx %arg14[%broadcast_in_dim3A_177, %iota3A, %broadcast_in_dim3A_202], %gather3A_200 : memref<4x16x128xf32, #tpu.memory_space<vmem>>[vector<16xi32>, vector<16xi32>, vector<16xi32>], vector<16xf32>,
        %broadcast_in_dim3A_203 = arith.constant 5 : i32
        %broadcast_in_dim3A_204 = vector.broadcast %broadcast_in_dim3A_203 : i32 to vector<16xi32>
        %gather3A_205 = tpu.vector_load_idx %arg13[%broadcast_in_dim3A_178, %broadcast_in_dim3A_204, %and3A_176] : memref<2x32x1024xf32, #tpu.memory_space<vmem>>[vector<16xi32>, vector<16xi32>, vector<16xi32>], vector<16xf32>,
        %broadcast_in_dim3A_206 = arith.constant 5 : i32
        %broadcast_in_dim3A_207 = vector.broadcast %broadcast_in_dim3A_206 : i32 to vector<16xi32>
        tpu.vector_store_idx %arg14[%broadcast_in_dim3A_177, %iota3A, %broadcast_in_dim3A_207], %gather3A_205 : memref<4x16x128xf32, #tpu.memory_space<vmem>>[vector<16xi32>, vector<16xi32>, vector<16xi32>], vector<16xf32>,
        %broadcast_in_dim3A_208 = arith.constant 6 : i32
        %broadcast_in_dim3A_209 = vector.broadcast %broadcast_in_dim3A_208 : i32 to vector<16xi32>
        %gather3A_210 = tpu.vector_load_idx %arg13[%broadcast_in_dim3A_178, %broadcast_in_dim3A_209, %and3A_176] : memref<2x32x1024xf32, #tpu.memory_space<vmem>>[vector<16xi32>, vector<16xi32>, vector<16xi32>], vector<16xf32>,
        %broadcast_in_dim3A_211 = arith.constant 6 : i32
        %broadcast_in_dim3A_212 = vector.broadcast %broadcast_in_dim3A_211 : i32 to vector<16xi32>
        tpu.vector_store_idx %arg14[%broadcast_in_dim3A_177, %iota3A, %broadcast_in_dim3A_212], %gather3A_210 : memref<4x16x128xf32, #tpu.memory_space<vmem>>[vector<16xi32>, vector<16xi32>, vector<16xi32>], vector<16xf32>,
        %broadcast_in_dim3A_213 = arith.constant 7 : i32
        %broadcast_in_dim3A_214 = vector.broadcast %broadcast_in_dim3A_213 : i32 to vector<16xi32>
        %gather3A_215 = tpu.vector_load_idx %arg13[%broadcast_in_dim3A_178, %broadcast_in_dim3A_214, %and3A_176] : memref<2x32x1024xf32, #tpu.memory_space<vmem>>[vector<16xi32>, vector<16xi32>, vector<16xi32>], vector<16xf32>,
        %broadcast_in_dim3A_216 = arith.constant 7 : i32
        %broadcast_in_dim3A_217 = vector.broadcast %broadcast_in_dim3A_216 : i32 to vector<16xi32>
        tpu.vector_store_idx %arg14[%broadcast_in_dim3A_177, %iota3A, %broadcast_in_dim3A_217], %gather3A_215 : memref<4x16x128xf32, #tpu.memory_space<vmem>>[vector<16xi32>, vector<16xi32>, vector<16xi32>], vector<16xf32>,
        %broadcast_in_dim3A_218 = arith.constant 8 : i32
        %broadcast_in_dim3A_219 = vector.broadcast %broadcast_in_dim3A_218 : i32 to vector<16xi32>
        %gather3A_220 = tpu.vector_load_idx %arg13[%broadcast_in_dim3A_178, %broadcast_in_dim3A_219, %and3A_176] : memref<2x32x1024xf32, #tpu.memory_space<vmem>>[vector<16xi32>, vector<16xi32>, vector<16xi32>], vector<16xf32>,
        %broadcast_in_dim3A_221 = arith.constant 8 : i32
        %broadcast_in_dim3A_222 = vector.broadcast %broadcast_in_dim3A_221 : i32 to vector<16xi32>
        tpu.vector_store_idx %arg14[%broadcast_in_dim3A_177, %iota3A, %broadcast_in_dim3A_222], %gather3A_220 : memref<4x16x128xf32, #tpu.memory_space<vmem>>[vector<16xi32>, vector<16xi32>, vector<16xi32>], vector<16xf32>,
        %broadcast_in_dim3A_223 = arith.constant 9 : i32
        %broadcast_in_dim3A_224 = vector.broadcast %broadcast_in_dim3A_223 : i32 to vector<16xi32>
        %gather3A_225 = tpu.vector_load_idx %arg13[%broadcast_in_dim3A_178, %broadcast_in_dim3A_224, %and3A_176] : memref<2x32x1024xf32, #tpu.memory_space<vmem>>[vector<16xi32>, vector<16xi32>, vector<16xi32>], vector<16xf32>,
        %broadcast_in_dim3A_226 = arith.constant 9 : i32
        %broadcast_in_dim3A_227 = vector.broadcast %broadcast_in_dim3A_226 : i32 to vector<16xi32>
        tpu.vector_store_idx %arg14[%broadcast_in_dim3A_177, %iota3A, %broadcast_in_dim3A_227], %gather3A_225 : memref<4x16x128xf32, #tpu.memory_space<vmem>>[vector<16xi32>, vector<16xi32>, vector<16xi32>], vector<16xf32>,
        %broadcast_in_dim3A_228 = arith.constant 10 : i32
        %broadcast_in_dim3A_229 = vector.broadcast %broadcast_in_dim3A_228 : i32 to vector<16xi32>
        %gather3A_230 = tpu.vector_load_idx %arg13[%broadcast_in_dim3A_178, %broadcast_in_dim3A_229, %and3A_176] : memref<2x32x1024xf32, #tpu.memory_space<vmem>>[vector<16xi32>, vector<16xi32>, vector<16xi32>], vector<16xf32>,
        %broadcast_in_dim3A_231 = arith.constant 10 : i32
        %broadcast_in_dim3A_232 = vector.broadcast %broadcast_in_dim3A_231 : i32 to vector<16xi32>
        tpu.vector_store_idx %arg14[%broadcast_in_dim3A_177, %iota3A, %broadcast_in_dim3A_232], %gather3A_230 : memref<4x16x128xf32, #tpu.memory_space<vmem>>[vector<16xi32>, vector<16xi32>, vector<16xi32>], vector<16xf32>,
        %broadcast_in_dim3A_233 = arith.constant 11 : i32
        %broadcast_in_dim3A_234 = vector.broadcast %broadcast_in_dim3A_233 : i32 to vector<16xi32>
        %gather3A_235 = tpu.vector_load_idx %arg13[%broadcast_in_dim3A_178, %broadcast_in_dim3A_234, %and3A_176] : memref<2x32x1024xf32, #tpu.memory_space<vmem>>[vector<16xi32>, vector<16xi32>, vector<16xi32>], vector<16xf32>,
        %broadcast_in_dim3A_236 = arith.constant 11 : i32
        %broadcast_in_dim3A_237 = vector.broadcast %broadcast_in_dim3A_236 : i32 to vector<16xi32>
        tpu.vector_store_idx %arg14[%broadcast_in_dim3A_177, %iota3A, %broadcast_in_dim3A_237], %gather3A_235 : memref<4x16x128xf32, #tpu.memory_space<vmem>>[vector<16xi32>, vector<16xi32>, vector<16xi32>], vector<16xf32>,
        %broadcast_in_dim3A_238 = arith.constant 12 : i32
        %broadcast_in_dim3A_239 = vector.broadcast %broadcast_in_dim3A_238 : i32 to vector<16xi32>
        %gather3A_240 = tpu.vector_load_idx %arg13[%broadcast_in_dim3A_178, %broadcast_in_dim3A_239, %and3A_176] : memref<2x32x1024xf32, #tpu.memory_space<vmem>>[vector<16xi32>, vector<16xi32>, vector<16xi32>], vector<16xf32>,
        %broadcast_in_dim3A_241 = arith.constant 12 : i32
        %broadcast_in_dim3A_242 = vector.broadcast %broadcast_in_dim3A_241 : i32 to vector<16xi32>
        tpu.vector_store_idx %arg14[%broadcast_in_dim3A_177, %iota3A, %broadcast_in_dim3A_242], %gather3A_240 : memref<4x16x128xf32, #tpu.memory_space<vmem>>[vector<16xi32>, vector<16xi32>, vector<16xi32>], vector<16xf32>,
        %broadcast_in_dim3A_243 = arith.constant 13 : i32
        %broadcast_in_dim3A_244 = vector.broadcast %broadcast_in_dim3A_243 : i32 to vector<16xi32>
        %gather3A_245 = tpu.vector_load_idx %arg13[%broadcast_in_dim3A_178, %broadcast_in_dim3A_244, %and3A_176] : memref<2x32x1024xf32, #tpu.memory_space<vmem>>[vector<16xi32>, vector<16xi32>, vector<16xi32>], vector<16xf32>,
        %broadcast_in_dim3A_246 = arith.constant 13 : i32
        %broadcast_in_dim3A_247 = vector.broadcast %broadcast_in_dim3A_246 : i32 to vector<16xi32>
        tpu.vector_store_idx %arg14[%broadcast_in_dim3A_177, %iota3A, %broadcast_in_dim3A_247], %gather3A_245 : memref<4x16x128xf32, #tpu.memory_space<vmem>>[vector<16xi32>, vector<16xi32>, vector<16xi32>], vector<16xf32>,
        %broadcast_in_dim3A_248 = arith.constant 14 : i32
        %broadcast_in_dim3A_249 = vector.broadcast %broadcast_in_dim3A_248 : i32 to vector<16xi32>
        %gather3A_250 = tpu.vector_load_idx %arg13[%broadcast_in_dim3A_178, %broadcast_in_dim3A_249, %and3A_176] : memref<2x32x1024xf32, #tpu.memory_space<vmem>>[vector<16xi32>, vector<16xi32>, vector<16xi32>], vector<16xf32>,
        %broadcast_in_dim3A_251 = arith.constant 14 : i32
        %broadcast_in_dim3A_252 = vector.broadcast %broadcast_in_dim3A_251 : i32 to vector<16xi32>
        tpu.vector_store_idx %arg14[%broadcast_in_dim3A_177, %iota3A, %broadcast_in_dim3A_252], %gather3A_250 : memref<4x16x128xf32, #tpu.memory_space<vmem>>[vector<16xi32>, vector<16xi32>, vector<16xi32>], vector<16xf32>,
        %broadcast_in_dim3A_253 = arith.constant 15 : i32
        %broadcast_in_dim3A_254 = vector.broadcast %broadcast_in_dim3A_253 : i32 to vector<16xi32>
        %gather3A_255 = tpu.vector_load_idx %arg13[%broadcast_in_dim3A_178, %broadcast_in_dim3A_254, %and3A_176] : memref<2x32x1024xf32, #tpu.memory_space<vmem>>[vector<16xi32>, vector<16xi32>, vector<16xi32>], vector<16xf32>,
        %broadcast_in_dim3A_256 = arith.constant 15 : i32
        %broadcast_in_dim3A_257 = vector.broadcast %broadcast_in_dim3A_256 : i32 to vector<16xi32>
        tpu.vector_store_idx %arg14[%broadcast_in_dim3A_177, %iota3A, %broadcast_in_dim3A_257], %gather3A_255 : memref<4x16x128xf32, #tpu.memory_space<vmem>>[vector<16xi32>, vector<16xi32>, vector<16xi32>], vector<16xf32>,
        %broadcast_in_dim3A_258 = arith.constant 16 : i32
        %broadcast_in_dim3A_259 = vector.broadcast %broadcast_in_dim3A_258 : i32 to vector<16xi32>
        %gather3A_260 = tpu.vector_load_idx %arg13[%broadcast_in_dim3A_178, %broadcast_in_dim3A_259, %and3A_176] : memref<2x32x1024xf32, #tpu.memory_space<vmem>>[vector<16xi32>, vector<16xi32>, vector<16xi32>], vector<16xf32>,
        %broadcast_in_dim3A_261 = arith.constant 16 : i32
        %broadcast_in_dim3A_262 = vector.broadcast %broadcast_in_dim3A_261 : i32 to vector<16xi32>
        tpu.vector_store_idx %arg14[%broadcast_in_dim3A_177, %iota3A, %broadcast_in_dim3A_262], %gather3A_260 : memref<4x16x128xf32, #tpu.memory_space<vmem>>[vector<16xi32>, vector<16xi32>, vector<16xi32>], vector<16xf32>,
        %broadcast_in_dim3A_263 = arith.constant 17 : i32
        %broadcast_in_dim3A_264 = vector.broadcast %broadcast_in_dim3A_263 : i32 to vector<16xi32>
        %gather3A_265 = tpu.vector_load_idx %arg13[%broadcast_in_dim3A_178, %broadcast_in_dim3A_264, %and3A_176] : memref<2x32x1024xf32, #tpu.memory_space<vmem>>[vector<16xi32>, vector<16xi32>, vector<16xi32>], vector<16xf32>,
        %broadcast_in_dim3A_266 = arith.constant 17 : i32
        %broadcast_in_dim3A_267 = vector.broadcast %broadcast_in_dim3A_266 : i32 to vector<16xi32>
        tpu.vector_store_idx %arg14[%broadcast_in_dim3A_177, %iota3A, %broadcast_in_dim3A_267], %gather3A_265 : memref<4x16x128xf32, #tpu.memory_space<vmem>>[vector<16xi32>, vector<16xi32>, vector<16xi32>], vector<16xf32>,
        %broadcast_in_dim3A_268 = arith.constant 18 : i32
        %broadcast_in_dim3A_269 = vector.broadcast %broadcast_in_dim3A_268 : i32 to vector<16xi32>
        %gather3A_270 = tpu.vector_load_idx %arg13[%broadcast_in_dim3A_178, %broadcast_in_dim3A_269, %and3A_176] : memref<2x32x1024xf32, #tpu.memory_space<vmem>>[vector<16xi32>, vector<16xi32>, vector<16xi32>], vector<16xf32>,
        %broadcast_in_dim3A_271 = arith.constant 18 : i32
        %broadcast_in_dim3A_272 = vector.broadcast %broadcast_in_dim3A_271 : i32 to vector<16xi32>
        tpu.vector_store_idx %arg14[%broadcast_in_dim3A_177, %iota3A, %broadcast_in_dim3A_272], %gather3A_270 : memref<4x16x128xf32, #tpu.memory_space<vmem>>[vector<16xi32>, vector<16xi32>, vector<16xi32>], vector<16xf32>,
        %broadcast_in_dim3A_273 = arith.constant 19 : i32
        %broadcast_in_dim3A_274 = vector.broadcast %broadcast_in_dim3A_273 : i32 to vector<16xi32>
        %gather3A_275 = tpu.vector_load_idx %arg13[%broadcast_in_dim3A_178, %broadcast_in_dim3A_274, %and3A_176] : memref<2x32x1024xf32, #tpu.memory_space<vmem>>[vector<16xi32>, vector<16xi32>, vector<16xi32>], vector<16xf32>,
        %broadcast_in_dim3A_276 = arith.constant 19 : i32
        %broadcast_in_dim3A_277 = vector.broadcast %broadcast_in_dim3A_276 : i32 to vector<16xi32>
        tpu.vector_store_idx %arg14[%broadcast_in_dim3A_177, %iota3A, %broadcast_in_dim3A_277], %gather3A_275 : memref<4x16x128xf32, #tpu.memory_space<vmem>>[vector<16xi32>, vector<16xi32>, vector<16xi32>], vector<16xf32>,
        %broadcast_in_dim3A_278 = arith.constant 20 : i32
        %broadcast_in_dim3A_279 = vector.broadcast %broadcast_in_dim3A_278 : i32 to vector<16xi32>
        %gather3A_280 = tpu.vector_load_idx %arg13[%broadcast_in_dim3A_178, %broadcast_in_dim3A_279, %and3A_176] : memref<2x32x1024xf32, #tpu.memory_space<vmem>>[vector<16xi32>, vector<16xi32>, vector<16xi32>], vector<16xf32>,
        %broadcast_in_dim3A_281 = arith.constant 20 : i32
        %broadcast_in_dim3A_282 = vector.broadcast %broadcast_in_dim3A_281 : i32 to vector<16xi32>
        tpu.vector_store_idx %arg14[%broadcast_in_dim3A_177, %iota3A, %broadcast_in_dim3A_282], %gather3A_280 : memref<4x16x128xf32, #tpu.memory_space<vmem>>[vector<16xi32>, vector<16xi32>, vector<16xi32>], vector<16xf32>,
        %broadcast_in_dim3A_283 = arith.constant 21 : i32
        %broadcast_in_dim3A_284 = vector.broadcast %broadcast_in_dim3A_283 : i32 to vector<16xi32>
        %gather3A_285 = tpu.vector_load_idx %arg13[%broadcast_in_dim3A_178, %broadcast_in_dim3A_284, %and3A_176] : memref<2x32x1024xf32, #tpu.memory_space<vmem>>[vector<16xi32>, vector<16xi32>, vector<16xi32>], vector<16xf32>,
        %broadcast_in_dim3A_286 = arith.constant 21 : i32
        %broadcast_in_dim3A_287 = vector.broadcast %broadcast_in_dim3A_286 : i32 to vector<16xi32>
        tpu.vector_store_idx %arg14[%broadcast_in_dim3A_177, %iota3A, %broadcast_in_dim3A_287], %gather3A_285 : memref<4x16x128xf32, #tpu.memory_space<vmem>>[vector<16xi32>, vector<16xi32>, vector<16xi32>], vector<16xf32>,
        %broadcast_in_dim3A_288 = arith.constant 22 : i32
        %broadcast_in_dim3A_289 = vector.broadcast %broadcast_in_dim3A_288 : i32 to vector<16xi32>
        %gather3A_290 = tpu.vector_load_idx %arg13[%broadcast_in_dim3A_178, %broadcast_in_dim3A_289, %and3A_176] : memref<2x32x1024xf32, #tpu.memory_space<vmem>>[vector<16xi32>, vector<16xi32>, vector<16xi32>], vector<16xf32>,
        %broadcast_in_dim3A_291 = arith.constant 22 : i32
        %broadcast_in_dim3A_292 = vector.broadcast %broadcast_in_dim3A_291 : i32 to vector<16xi32>
        tpu.vector_store_idx %arg14[%broadcast_in_dim3A_177, %iota3A, %broadcast_in_dim3A_292], %gather3A_290 : memref<4x16x128xf32, #tpu.memory_space<vmem>>[vector<16xi32>, vector<16xi32>, vector<16xi32>], vector<16xf32>,
        %broadcast_in_dim3A_293 = arith.constant 23 : i32
        %broadcast_in_dim3A_294 = vector.broadcast %broadcast_in_dim3A_293 : i32 to vector<16xi32>
        %gather3A_295 = tpu.vector_load_idx %arg13[%broadcast_in_dim3A_178, %broadcast_in_dim3A_294, %and3A_176] : memref<2x32x1024xf32, #tpu.memory_space<vmem>>[vector<16xi32>, vector<16xi32>, vector<16xi32>], vector<16xf32>,
        %broadcast_in_dim3A_296 = arith.constant 23 : i32
        %broadcast_in_dim3A_297 = vector.broadcast %broadcast_in_dim3A_296 : i32 to vector<16xi32>
        tpu.vector_store_idx %arg14[%broadcast_in_dim3A_177, %iota3A, %broadcast_in_dim3A_297], %gather3A_295 : memref<4x16x128xf32, #tpu.memory_space<vmem>>[vector<16xi32>, vector<16xi32>, vector<16xi32>], vector<16xf32>,
        %broadcast_in_dim3A_298 = arith.constant 24 : i32
        %broadcast_in_dim3A_299 = vector.broadcast %broadcast_in_dim3A_298 : i32 to vector<16xi32>
        %gather3A_300 = tpu.vector_load_idx %arg13[%broadcast_in_dim3A_178, %broadcast_in_dim3A_299, %and3A_176] : memref<2x32x1024xf32, #tpu.memory_space<vmem>>[vector<16xi32>, vector<16xi32>, vector<16xi32>], vector<16xf32>,
        %broadcast_in_dim3A_301 = arith.constant 24 : i32
        %broadcast_in_dim3A_302 = vector.broadcast %broadcast_in_dim3A_301 : i32 to vector<16xi32>
        tpu.vector_store_idx %arg14[%broadcast_in_dim3A_177, %iota3A, %broadcast_in_dim3A_302], %gather3A_300 : memref<4x16x128xf32, #tpu.memory_space<vmem>>[vector<16xi32>, vector<16xi32>, vector<16xi32>], vector<16xf32>,
        %broadcast_in_dim3A_303 = arith.constant 25 : i32
        %broadcast_in_dim3A_304 = vector.broadcast %broadcast_in_dim3A_303 : i32 to vector<16xi32>
        %gather3A_305 = tpu.vector_load_idx %arg13[%broadcast_in_dim3A_178, %broadcast_in_dim3A_304, %and3A_176] : memref<2x32x1024xf32, #tpu.memory_space<vmem>>[vector<16xi32>, vector<16xi32>, vector<16xi32>], vector<16xf32>,
        %broadcast_in_dim3A_306 = arith.constant 25 : i32
        %broadcast_in_dim3A_307 = vector.broadcast %broadcast_in_dim3A_306 : i32 to vector<16xi32>
        tpu.vector_store_idx %arg14[%broadcast_in_dim3A_177, %iota3A, %broadcast_in_dim3A_307], %gather3A_305 : memref<4x16x128xf32, #tpu.memory_space<vmem>>[vector<16xi32>, vector<16xi32>, vector<16xi32>], vector<16xf32>,
        %broadcast_in_dim3A_308 = arith.constant 26 : i32
        %broadcast_in_dim3A_309 = vector.broadcast %broadcast_in_dim3A_308 : i32 to vector<16xi32>
        %gather3A_310 = tpu.vector_load_idx %arg13[%broadcast_in_dim3A_178, %broadcast_in_dim3A_309, %and3A_176] : memref<2x32x1024xf32, #tpu.memory_space<vmem>>[vector<16xi32>, vector<16xi32>, vector<16xi32>], vector<16xf32>,
        %broadcast_in_dim3A_311 = arith.constant 26 : i32
        %broadcast_in_dim3A_312 = vector.broadcast %broadcast_in_dim3A_311 : i32 to vector<16xi32>
        tpu.vector_store_idx %arg14[%broadcast_in_dim3A_177, %iota3A, %broadcast_in_dim3A_312], %gather3A_310 : memref<4x16x128xf32, #tpu.memory_space<vmem>>[vector<16xi32>, vector<16xi32>, vector<16xi32>], vector<16xf32>,
        %broadcast_in_dim3A_313 = arith.constant 27 : i32
        %broadcast_in_dim3A_314 = vector.broadcast %broadcast_in_dim3A_313 : i32 to vector<16xi32>
        %gather3A_315 = tpu.vector_load_idx %arg13[%broadcast_in_dim3A_178, %broadcast_in_dim3A_314, %and3A_176] : memref<2x32x1024xf32, #tpu.memory_space<vmem>>[vector<16xi32>, vector<16xi32>, vector<16xi32>], vector<16xf32>,
        %broadcast_in_dim3A_316 = arith.constant 27 : i32
        %broadcast_in_dim3A_317 = vector.broadcast %broadcast_in_dim3A_316 : i32 to vector<16xi32>
        tpu.vector_store_idx %arg14[%broadcast_in_dim3A_177, %iota3A, %broadcast_in_dim3A_317], %gather3A_315 : memref<4x16x128xf32, #tpu.memory_space<vmem>>[vector<16xi32>, vector<16xi32>, vector<16xi32>], vector<16xf32>,
        %broadcast_in_dim3A_318 = arith.constant 28 : i32
        %broadcast_in_dim3A_319 = vector.broadcast %broadcast_in_dim3A_318 : i32 to vector<16xi32>
        %gather3A_320 = tpu.vector_load_idx %arg13[%broadcast_in_dim3A_178, %broadcast_in_dim3A_319, %and3A_176] : memref<2x32x1024xf32, #tpu.memory_space<vmem>>[vector<16xi32>, vector<16xi32>, vector<16xi32>], vector<16xf32>,
        %broadcast_in_dim3A_321 = arith.constant 28 : i32
        %broadcast_in_dim3A_322 = vector.broadcast %broadcast_in_dim3A_321 : i32 to vector<16xi32>
        tpu.vector_store_idx %arg14[%broadcast_in_dim3A_177, %iota3A, %broadcast_in_dim3A_322], %gather3A_320 : memref<4x16x128xf32, #tpu.memory_space<vmem>>[vector<16xi32>, vector<16xi32>, vector<16xi32>], vector<16xf32>,
        %broadcast_in_dim3A_323 = arith.constant 29 : i32
        %broadcast_in_dim3A_324 = vector.broadcast %broadcast_in_dim3A_323 : i32 to vector<16xi32>
        %gather3A_325 = tpu.vector_load_idx %arg13[%broadcast_in_dim3A_178, %broadcast_in_dim3A_324, %and3A_176] : memref<2x32x1024xf32, #tpu.memory_space<vmem>>[vector<16xi32>, vector<16xi32>, vector<16xi32>], vector<16xf32>,
        %broadcast_in_dim3A_326 = arith.constant 29 : i32
        %broadcast_in_dim3A_327 = vector.broadcast %broadcast_in_dim3A_326 : i32 to vector<16xi32>
        tpu.vector_store_idx %arg14[%broadcast_in_dim3A_177, %iota3A, %broadcast_in_dim3A_327], %gather3A_325 : memref<4x16x128xf32, #tpu.memory_space<vmem>>[vector<16xi32>, vector<16xi32>, vector<16xi32>], vector<16xf32>,
        %broadcast_in_dim3A_328 = arith.constant 30 : i32
        %broadcast_in_dim3A_329 = vector.broadcast %broadcast_in_dim3A_328 : i32 to vector<16xi32>
        %gather3A_330 = tpu.vector_load_idx %arg13[%broadcast_in_dim3A_178, %broadcast_in_dim3A_329, %and3A_176] : memref<2x32x1024xf32, #tpu.memory_space<vmem>>[vector<16xi32>, vector<16xi32>, vector<16xi32>], vector<16xf32>,
        %broadcast_in_dim3A_331 = arith.constant 30 : i32
        %broadcast_in_dim3A_332 = vector.broadcast %broadcast_in_dim3A_331 : i32 to vector<16xi32>
        tpu.vector_store_idx %arg14[%broadcast_in_dim3A_177, %iota3A, %broadcast_in_dim3A_332], %gather3A_330 : memref<4x16x128xf32, #tpu.memory_space<vmem>>[vector<16xi32>, vector<16xi32>, vector<16xi32>], vector<16xf32>,
        %broadcast_in_dim3A_333 = arith.constant 31 : i32
        %broadcast_in_dim3A_334 = vector.broadcast %broadcast_in_dim3A_333 : i32 to vector<16xi32>
        %gather3A_335 = tpu.vector_load_idx %arg13[%broadcast_in_dim3A_178, %broadcast_in_dim3A_334, %and3A_176] : memref<2x32x1024xf32, #tpu.memory_space<vmem>>[vector<16xi32>, vector<16xi32>, vector<16xi32>], vector<16xf32>,
        %broadcast_in_dim3A_336 = arith.constant 31 : i32
        %broadcast_in_dim3A_337 = vector.broadcast %broadcast_in_dim3A_336 : i32 to vector<16xi32>
        tpu.vector_store_idx %arg14[%broadcast_in_dim3A_177, %iota3A, %broadcast_in_dim3A_337], %gather3A_335 : memref<4x16x128xf32, #tpu.memory_space<vmem>>[vector<16xi32>, vector<16xi32>, vector<16xi32>], vector<16xf32>,
        %add3A_338 = arith.constant 16384 : i32
        %add3A_339 = vector.broadcast %add3A_338 : i32 to vector<16xi32>
        %add3A_340 = arith.addi %add3A_339, %iota3A : vector<16xi32>
        %select_n3A = arith.select %lt3A_174, %get3A_169, %add3A_340 : vector<16xi1>, vector<16xi32>
        tpu.vector_store_idx %arg15[%broadcast_in_dim3A_177, %iota3A], %select_n3A : memref<4x16xi32, #tpu.memory_space<vmem>>[vector<16xi32>, vector<16xi32>], vector<16xi32>,
        %dma_start3A = arith.constant 0 : i32
        %dma_start3A_341 = arith.constant 0 : i32
        %dma_start3A_342 = tpu.memref_slice %arg14[%rem3A_154, %dma_start3A, %dma_start3A_341] : memref<4x16x128xf32, #tpu.memory_space<vmem>> -> memref<1x16x128xf32, #tpu.memory_space<vmem>>
        %dma_start3A_343 = tpu.memref_squeeze %dma_start3A_342 : memref<1x16x128xf32, #tpu.memory_space<vmem>> -> memref<16x128xf32, #tpu.memory_space<vmem>>
        %dma_start3A_344 = arith.constant 0 : i32
        %dma_start3A_345 = tpu.memref_slice %arg15[%rem3A_154, %dma_start3A_344] : memref<4x16xi32, #tpu.memory_space<vmem>> -> memref<1x16xi32, #tpu.memory_space<vmem>>
        %dma_start3A_346 = tpu.memref_squeeze %dma_start3A_345 : memref<1x16xi32, #tpu.memory_space<vmem>> -> memref<16xi32, #tpu.memory_space<vmem>>
        %dma_start3A_347 = arith.constant 0 : i32
        %dma_start3A_348 = arith.constant 0 : i32
        %dma_start3A_349 = tpu.memref_slice %arg5[%dma_start3A_347, %dma_start3A_348] : memref<16400x128xf32, #tpu.memory_space<hbm>> -> memref<16400x128xf32, #tpu.memory_space<hbm>>
        tpu.enqueue_indirect_dma source(%dma_start3A_343 : memref<16x128xf32, #tpu.memory_space<vmem>>) target(%dma_start3A_349 : memref<16400x128xf32, #tpu.memory_space<hbm>>) offsets(%dma_start3A_346 : memref<16xi32, #tpu.memory_space<vmem>>) semaphore(%arg17 : memref<!tpu.dma_semaphore, #tpu.memory_space<semaphore_mem>>)
        %add3A_350 = arith.constant 1 : i32
        %add3A_351 = arith.addi %while3A_152, %add3A_350 : i32
        scf.yield %add3A_351 : i32
      }
      %while3A_149 = arith.constant 1 : i32
      %while3A_150 = scf.for %while3A_151 = %while3A_146 to %while3A_142 step %while3A_149 iter_args(%while3A_152 = %while3A_148) -> (i32)  : i32 {
        %rem3A_153 = arith.constant 4 : i32
        %rem3A_154 = arith.remsi %while3A_152, %rem3A_153 : i32
        %ge3A_155 = arith.constant 4 : i32
        %ge3A_156 = arith.cmpi sge, %while3A_152, %ge3A_155 : i32
        %convert_element_type3A_157 = arith.extui %ge3A_156 : i1 to i32
        %cond3A_158 = arith.constant 0 : i32
        %cond3A_159 = arith.cmpi ne, %convert_element_type3A_157, %cond3A_158 : i32
        scf.if %cond3A_159 {
          %dma_wait3A_352 = arith.constant 0 : i32
          %dma_wait3A_353 = arith.constant 0 : i32
          %dma_wait3A_354 = tpu.memref_slice %arg14[%rem3A_154, %dma_wait3A_352, %dma_wait3A_353] : memref<4x16x128xf32, #tpu.memory_space<vmem>> -> memref<1x16x128xf32, #tpu.memory_space<vmem>>
          %dma_wait3A_355 = tpu.memref_squeeze %dma_wait3A_354 : memref<1x16x128xf32, #tpu.memory_space<vmem>> -> memref<16x128xf32, #tpu.memory_space<vmem>>
          %dma_wait3A_356 = arith.constant 0 : i32
          %dma_wait3A_357 = arith.constant 0 : i32
          %dma_wait3A_358 = tpu.memref_slice %arg5[%dma_wait3A_356, %dma_wait3A_357] : memref<16400x128xf32, #tpu.memory_space<hbm>> -> memref<16x128xf32, #tpu.memory_space<hbm>>
          %dma_wait3A_359 = arith.constant 0 : i32
          %dma_wait3A_360 = arith.constant 0 : i32
          %dma_wait3A_361 = tpu.memref_slice %arg14[%rem3A_154, %dma_wait3A_359, %dma_wait3A_360] : memref<4x16x128xf32, #tpu.memory_space<vmem>> -> memref<1x16x128xf32, #tpu.memory_space<vmem>>
          %dma_wait3A_362 = tpu.memref_squeeze %dma_wait3A_361 : memref<1x16x128xf32, #tpu.memory_space<vmem>> -> memref<16x128xf32, #tpu.memory_space<vmem>>
          %dma_wait3A_363 = arith.constant 0 : i32
          %dma_wait3A_364 = arith.constant 0 : i32
          %dma_wait3A_365 = tpu.memref_slice %arg5[%dma_wait3A_363, %dma_wait3A_364] : memref<16400x128xf32, #tpu.memory_space<hbm>> -> memref<16x128xf32, #tpu.memory_space<hbm>>
          tpu.wait_dma2 semaphore(%arg17 : memref<!tpu.dma_semaphore, #tpu.memory_space<semaphore_mem>>) src(%dma_wait3A_365 : memref<16x128xf32, #tpu.memory_space<hbm>>) dst(%dma_wait3A_362 : memref<16x128xf32, #tpu.memory_space<vmem>>)
        } else {
        }
        %mul3A_160 = arith.constant 16 : i32
        %mul3A_161 = arith.muli %while3A_151, %mul3A_160 : i32
        %add3A_162 = arith.addi %reduce_sum3A_134, %mul3A_161 : i32
        %get3A_163 = arith.index_cast %add3A_162 : i32 to index
        %get3A_164 = tpu.vector_load %arg8[%get3A_163] {strides = array<i32>} : memref<16400xi32, #tpu.memory_space<vmem>>, vector<16xi32>,
        %mul3A_165 = arith.constant 16 : i32
        %mul3A_166 = arith.muli %while3A_151, %mul3A_165 : i32
        %add3A_167 = arith.addi %reduce_sum3A_134, %mul3A_166 : i32
        %get3A_168 = arith.index_cast %add3A_167 : i32 to index
        %get3A_169 = tpu.vector_load %arg9[%get3A_168] {strides = array<i32>} : memref<16400xi32, #tpu.memory_space<vmem>>, vector<16xi32>,
        %mul3A_170 = arith.constant 16 : i32
        %mul3A_171 = arith.muli %while3A_151, %mul3A_170 : i32
        %sub3A_172 = arith.subi %reduce_sum3A_127, %mul3A_171 : i32
        %lt3A_173 = vector.broadcast %sub3A_172 : i32 to vector<16xi32>
        %lt3A_174 = arith.cmpi slt, %iota3A, %lt3A_173 : vector<16xi32>
        %and3A = arith.constant 1023 : i32
        %and3A_175 = vector.broadcast %and3A : i32 to vector<16xi32>
        %and3A_176 = arith.andi %get3A_164, %and3A_175 : vector<16xi32>
        %broadcast_in_dim3A_177 = vector.broadcast %rem3A_154 : i32 to vector<16xi32>
        %broadcast_in_dim3A_178 = vector.broadcast %rem3A_104 : i32 to vector<16xi32>
        %broadcast_in_dim3A_179 = arith.constant 0 : i32
        %broadcast_in_dim3A_180 = vector.broadcast %broadcast_in_dim3A_179 : i32 to vector<16xi32>
        %gather3A = tpu.vector_load_idx %arg13[%broadcast_in_dim3A_178, %broadcast_in_dim3A_180, %and3A_176] : memref<2x32x1024xf32, #tpu.memory_space<vmem>>[vector<16xi32>, vector<16xi32>, vector<16xi32>], vector<16xf32>,
        %broadcast_in_dim3A_181 = arith.constant 0 : i32
        %broadcast_in_dim3A_182 = vector.broadcast %broadcast_in_dim3A_181 : i32 to vector<16xi32>
        tpu.vector_store_idx %arg14[%broadcast_in_dim3A_177, %iota3A, %broadcast_in_dim3A_182], %gather3A : memref<4x16x128xf32, #tpu.memory_space<vmem>>[vector<16xi32>, vector<16xi32>, vector<16xi32>], vector<16xf32>,
        %broadcast_in_dim3A_183 = arith.constant 1 : i32
        %broadcast_in_dim3A_184 = vector.broadcast %broadcast_in_dim3A_183 : i32 to vector<16xi32>
        %gather3A_185 = tpu.vector_load_idx %arg13[%broadcast_in_dim3A_178, %broadcast_in_dim3A_184, %and3A_176] : memref<2x32x1024xf32, #tpu.memory_space<vmem>>[vector<16xi32>, vector<16xi32>, vector<16xi32>], vector<16xf32>,
        %broadcast_in_dim3A_186 = arith.constant 1 : i32
        %broadcast_in_dim3A_187 = vector.broadcast %broadcast_in_dim3A_186 : i32 to vector<16xi32>
        tpu.vector_store_idx %arg14[%broadcast_in_dim3A_177, %iota3A, %broadcast_in_dim3A_187], %gather3A_185 : memref<4x16x128xf32, #tpu.memory_space<vmem>>[vector<16xi32>, vector<16xi32>, vector<16xi32>], vector<16xf32>,
        %broadcast_in_dim3A_188 = arith.constant 2 : i32
        %broadcast_in_dim3A_189 = vector.broadcast %broadcast_in_dim3A_188 : i32 to vector<16xi32>
        %gather3A_190 = tpu.vector_load_idx %arg13[%broadcast_in_dim3A_178, %broadcast_in_dim3A_189, %and3A_176] : memref<2x32x1024xf32, #tpu.memory_space<vmem>>[vector<16xi32>, vector<16xi32>, vector<16xi32>], vector<16xf32>,
        %broadcast_in_dim3A_191 = arith.constant 2 : i32
        %broadcast_in_dim3A_192 = vector.broadcast %broadcast_in_dim3A_191 : i32 to vector<16xi32>
        tpu.vector_store_idx %arg14[%broadcast_in_dim3A_177, %iota3A, %broadcast_in_dim3A_192], %gather3A_190 : memref<4x16x128xf32, #tpu.memory_space<vmem>>[vector<16xi32>, vector<16xi32>, vector<16xi32>], vector<16xf32>,
        %broadcast_in_dim3A_193 = arith.constant 3 : i32
        %broadcast_in_dim3A_194 = vector.broadcast %broadcast_in_dim3A_193 : i32 to vector<16xi32>
        %gather3A_195 = tpu.vector_load_idx %arg13[%broadcast_in_dim3A_178, %broadcast_in_dim3A_194, %and3A_176] : memref<2x32x1024xf32, #tpu.memory_space<vmem>>[vector<16xi32>, vector<16xi32>, vector<16xi32>], vector<16xf32>,
        %broadcast_in_dim3A_196 = arith.constant 3 : i32
        %broadcast_in_dim3A_197 = vector.broadcast %broadcast_in_dim3A_196 : i32 to vector<16xi32>
        tpu.vector_store_idx %arg14[%broadcast_in_dim3A_177, %iota3A, %broadcast_in_dim3A_197], %gather3A_195 : memref<4x16x128xf32, #tpu.memory_space<vmem>>[vector<16xi32>, vector<16xi32>, vector<16xi32>], vector<16xf32>,
        %broadcast_in_dim3A_198 = arith.constant 4 : i32
        %broadcast_in_dim3A_199 = vector.broadcast %broadcast_in_dim3A_198 : i32 to vector<16xi32>
        %gather3A_200 = tpu.vector_load_idx %arg13[%broadcast_in_dim3A_178, %broadcast_in_dim3A_199, %and3A_176] : memref<2x32x1024xf32, #tpu.memory_space<vmem>>[vector<16xi32>, vector<16xi32>, vector<16xi32>], vector<16xf32>,
        %broadcast_in_dim3A_201 = arith.constant 4 : i32
        %broadcast_in_dim3A_202 = vector.broadcast %broadcast_in_dim3A_201 : i32 to vector<16xi32>
        tpu.vector_store_idx %arg14[%broadcast_in_dim3A_177, %iota3A, %broadcast_in_dim3A_202], %gather3A_200 : memref<4x16x128xf32, #tpu.memory_space<vmem>>[vector<16xi32>, vector<16xi32>, vector<16xi32>], vector<16xf32>,
        %broadcast_in_dim3A_203 = arith.constant 5 : i32
        %broadcast_in_dim3A_204 = vector.broadcast %broadcast_in_dim3A_203 : i32 to vector<16xi32>
        %gather3A_205 = tpu.vector_load_idx %arg13[%broadcast_in_dim3A_178, %broadcast_in_dim3A_204, %and3A_176] : memref<2x32x1024xf32, #tpu.memory_space<vmem>>[vector<16xi32>, vector<16xi32>, vector<16xi32>], vector<16xf32>,
        %broadcast_in_dim3A_206 = arith.constant 5 : i32
        %broadcast_in_dim3A_207 = vector.broadcast %broadcast_in_dim3A_206 : i32 to vector<16xi32>
        tpu.vector_store_idx %arg14[%broadcast_in_dim3A_177, %iota3A, %broadcast_in_dim3A_207], %gather3A_205 : memref<4x16x128xf32, #tpu.memory_space<vmem>>[vector<16xi32>, vector<16xi32>, vector<16xi32>], vector<16xf32>,
        %broadcast_in_dim3A_208 = arith.constant 6 : i32
        %broadcast_in_dim3A_209 = vector.broadcast %broadcast_in_dim3A_208 : i32 to vector<16xi32>
        %gather3A_210 = tpu.vector_load_idx %arg13[%broadcast_in_dim3A_178, %broadcast_in_dim3A_209, %and3A_176] : memref<2x32x1024xf32, #tpu.memory_space<vmem>>[vector<16xi32>, vector<16xi32>, vector<16xi32>], vector<16xf32>,
        %broadcast_in_dim3A_211 = arith.constant 6 : i32
        %broadcast_in_dim3A_212 = vector.broadcast %broadcast_in_dim3A_211 : i32 to vector<16xi32>
        tpu.vector_store_idx %arg14[%broadcast_in_dim3A_177, %iota3A, %broadcast_in_dim3A_212], %gather3A_210 : memref<4x16x128xf32, #tpu.memory_space<vmem>>[vector<16xi32>, vector<16xi32>, vector<16xi32>], vector<16xf32>,
        %broadcast_in_dim3A_213 = arith.constant 7 : i32
        %broadcast_in_dim3A_214 = vector.broadcast %broadcast_in_dim3A_213 : i32 to vector<16xi32>
        %gather3A_215 = tpu.vector_load_idx %arg13[%broadcast_in_dim3A_178, %broadcast_in_dim3A_214, %and3A_176] : memref<2x32x1024xf32, #tpu.memory_space<vmem>>[vector<16xi32>, vector<16xi32>, vector<16xi32>], vector<16xf32>,
        %broadcast_in_dim3A_216 = arith.constant 7 : i32
        %broadcast_in_dim3A_217 = vector.broadcast %broadcast_in_dim3A_216 : i32 to vector<16xi32>
        tpu.vector_store_idx %arg14[%broadcast_in_dim3A_177, %iota3A, %broadcast_in_dim3A_217], %gather3A_215 : memref<4x16x128xf32, #tpu.memory_space<vmem>>[vector<16xi32>, vector<16xi32>, vector<16xi32>], vector<16xf32>,
        %broadcast_in_dim3A_218 = arith.constant 8 : i32
        %broadcast_in_dim3A_219 = vector.broadcast %broadcast_in_dim3A_218 : i32 to vector<16xi32>
        %gather3A_220 = tpu.vector_load_idx %arg13[%broadcast_in_dim3A_178, %broadcast_in_dim3A_219, %and3A_176] : memref<2x32x1024xf32, #tpu.memory_space<vmem>>[vector<16xi32>, vector<16xi32>, vector<16xi32>], vector<16xf32>,
        %broadcast_in_dim3A_221 = arith.constant 8 : i32
        %broadcast_in_dim3A_222 = vector.broadcast %broadcast_in_dim3A_221 : i32 to vector<16xi32>
        tpu.vector_store_idx %arg14[%broadcast_in_dim3A_177, %iota3A, %broadcast_in_dim3A_222], %gather3A_220 : memref<4x16x128xf32, #tpu.memory_space<vmem>>[vector<16xi32>, vector<16xi32>, vector<16xi32>], vector<16xf32>,
        %broadcast_in_dim3A_223 = arith.constant 9 : i32
        %broadcast_in_dim3A_224 = vector.broadcast %broadcast_in_dim3A_223 : i32 to vector<16xi32>
        %gather3A_225 = tpu.vector_load_idx %arg13[%broadcast_in_dim3A_178, %broadcast_in_dim3A_224, %and3A_176] : memref<2x32x1024xf32, #tpu.memory_space<vmem>>[vector<16xi32>, vector<16xi32>, vector<16xi32>], vector<16xf32>,
        %broadcast_in_dim3A_226 = arith.constant 9 : i32
        %broadcast_in_dim3A_227 = vector.broadcast %broadcast_in_dim3A_226 : i32 to vector<16xi32>
        tpu.vector_store_idx %arg14[%broadcast_in_dim3A_177, %iota3A, %broadcast_in_dim3A_227], %gather3A_225 : memref<4x16x128xf32, #tpu.memory_space<vmem>>[vector<16xi32>, vector<16xi32>, vector<16xi32>], vector<16xf32>,
        %broadcast_in_dim3A_228 = arith.constant 10 : i32
        %broadcast_in_dim3A_229 = vector.broadcast %broadcast_in_dim3A_228 : i32 to vector<16xi32>
        %gather3A_230 = tpu.vector_load_idx %arg13[%broadcast_in_dim3A_178, %broadcast_in_dim3A_229, %and3A_176] : memref<2x32x1024xf32, #tpu.memory_space<vmem>>[vector<16xi32>, vector<16xi32>, vector<16xi32>], vector<16xf32>,
        %broadcast_in_dim3A_231 = arith.constant 10 : i32
        %broadcast_in_dim3A_232 = vector.broadcast %broadcast_in_dim3A_231 : i32 to vector<16xi32>
        tpu.vector_store_idx %arg14[%broadcast_in_dim3A_177, %iota3A, %broadcast_in_dim3A_232], %gather3A_230 : memref<4x16x128xf32, #tpu.memory_space<vmem>>[vector<16xi32>, vector<16xi32>, vector<16xi32>], vector<16xf32>,
        %broadcast_in_dim3A_233 = arith.constant 11 : i32
        %broadcast_in_dim3A_234 = vector.broadcast %broadcast_in_dim3A_233 : i32 to vector<16xi32>
        %gather3A_235 = tpu.vector_load_idx %arg13[%broadcast_in_dim3A_178, %broadcast_in_dim3A_234, %and3A_176] : memref<2x32x1024xf32, #tpu.memory_space<vmem>>[vector<16xi32>, vector<16xi32>, vector<16xi32>], vector<16xf32>,
        %broadcast_in_dim3A_236 = arith.constant 11 : i32
        %broadcast_in_dim3A_237 = vector.broadcast %broadcast_in_dim3A_236 : i32 to vector<16xi32>
        tpu.vector_store_idx %arg14[%broadcast_in_dim3A_177, %iota3A, %broadcast_in_dim3A_237], %gather3A_235 : memref<4x16x128xf32, #tpu.memory_space<vmem>>[vector<16xi32>, vector<16xi32>, vector<16xi32>], vector<16xf32>,
        %broadcast_in_dim3A_238 = arith.constant 12 : i32
        %broadcast_in_dim3A_239 = vector.broadcast %broadcast_in_dim3A_238 : i32 to vector<16xi32>
        %gather3A_240 = tpu.vector_load_idx %arg13[%broadcast_in_dim3A_178, %broadcast_in_dim3A_239, %and3A_176] : memref<2x32x1024xf32, #tpu.memory_space<vmem>>[vector<16xi32>, vector<16xi32>, vector<16xi32>], vector<16xf32>,
        %broadcast_in_dim3A_241 = arith.constant 12 : i32
        %broadcast_in_dim3A_242 = vector.broadcast %broadcast_in_dim3A_241 : i32 to vector<16xi32>
        tpu.vector_store_idx %arg14[%broadcast_in_dim3A_177, %iota3A, %broadcast_in_dim3A_242], %gather3A_240 : memref<4x16x128xf32, #tpu.memory_space<vmem>>[vector<16xi32>, vector<16xi32>, vector<16xi32>], vector<16xf32>,
        %broadcast_in_dim3A_243 = arith.constant 13 : i32
        %broadcast_in_dim3A_244 = vector.broadcast %broadcast_in_dim3A_243 : i32 to vector<16xi32>
        %gather3A_245 = tpu.vector_load_idx %arg13[%broadcast_in_dim3A_178, %broadcast_in_dim3A_244, %and3A_176] : memref<2x32x1024xf32, #tpu.memory_space<vmem>>[vector<16xi32>, vector<16xi32>, vector<16xi32>], vector<16xf32>,
        %broadcast_in_dim3A_246 = arith.constant 13 : i32
        %broadcast_in_dim3A_247 = vector.broadcast %broadcast_in_dim3A_246 : i32 to vector<16xi32>
        tpu.vector_store_idx %arg14[%broadcast_in_dim3A_177, %iota3A, %broadcast_in_dim3A_247], %gather3A_245 : memref<4x16x128xf32, #tpu.memory_space<vmem>>[vector<16xi32>, vector<16xi32>, vector<16xi32>], vector<16xf32>,
        %broadcast_in_dim3A_248 = arith.constant 14 : i32
        %broadcast_in_dim3A_249 = vector.broadcast %broadcast_in_dim3A_248 : i32 to vector<16xi32>
        %gather3A_250 = tpu.vector_load_idx %arg13[%broadcast_in_dim3A_178, %broadcast_in_dim3A_249, %and3A_176] : memref<2x32x1024xf32, #tpu.memory_space<vmem>>[vector<16xi32>, vector<16xi32>, vector<16xi32>], vector<16xf32>,
        %broadcast_in_dim3A_251 = arith.constant 14 : i32
        %broadcast_in_dim3A_252 = vector.broadcast %broadcast_in_dim3A_251 : i32 to vector<16xi32>
        tpu.vector_store_idx %arg14[%broadcast_in_dim3A_177, %iota3A, %broadcast_in_dim3A_252], %gather3A_250 : memref<4x16x128xf32, #tpu.memory_space<vmem>>[vector<16xi32>, vector<16xi32>, vector<16xi32>], vector<16xf32>,
        %broadcast_in_dim3A_253 = arith.constant 15 : i32
        %broadcast_in_dim3A_254 = vector.broadcast %broadcast_in_dim3A_253 : i32 to vector<16xi32>
        %gather3A_255 = tpu.vector_load_idx %arg13[%broadcast_in_dim3A_178, %broadcast_in_dim3A_254, %and3A_176] : memref<2x32x1024xf32, #tpu.memory_space<vmem>>[vector<16xi32>, vector<16xi32>, vector<16xi32>], vector<16xf32>,
        %broadcast_in_dim3A_256 = arith.constant 15 : i32
        %broadcast_in_dim3A_257 = vector.broadcast %broadcast_in_dim3A_256 : i32 to vector<16xi32>
        tpu.vector_store_idx %arg14[%broadcast_in_dim3A_177, %iota3A, %broadcast_in_dim3A_257], %gather3A_255 : memref<4x16x128xf32, #tpu.memory_space<vmem>>[vector<16xi32>, vector<16xi32>, vector<16xi32>], vector<16xf32>,
        %broadcast_in_dim3A_258 = arith.constant 16 : i32
        %broadcast_in_dim3A_259 = vector.broadcast %broadcast_in_dim3A_258 : i32 to vector<16xi32>
        %gather3A_260 = tpu.vector_load_idx %arg13[%broadcast_in_dim3A_178, %broadcast_in_dim3A_259, %and3A_176] : memref<2x32x1024xf32, #tpu.memory_space<vmem>>[vector<16xi32>, vector<16xi32>, vector<16xi32>], vector<16xf32>,
        %broadcast_in_dim3A_261 = arith.constant 16 : i32
        %broadcast_in_dim3A_262 = vector.broadcast %broadcast_in_dim3A_261 : i32 to vector<16xi32>
        tpu.vector_store_idx %arg14[%broadcast_in_dim3A_177, %iota3A, %broadcast_in_dim3A_262], %gather3A_260 : memref<4x16x128xf32, #tpu.memory_space<vmem>>[vector<16xi32>, vector<16xi32>, vector<16xi32>], vector<16xf32>,
        %broadcast_in_dim3A_263 = arith.constant 17 : i32
        %broadcast_in_dim3A_264 = vector.broadcast %broadcast_in_dim3A_263 : i32 to vector<16xi32>
        %gather3A_265 = tpu.vector_load_idx %arg13[%broadcast_in_dim3A_178, %broadcast_in_dim3A_264, %and3A_176] : memref<2x32x1024xf32, #tpu.memory_space<vmem>>[vector<16xi32>, vector<16xi32>, vector<16xi32>], vector<16xf32>,
        %broadcast_in_dim3A_266 = arith.constant 17 : i32
        %broadcast_in_dim3A_267 = vector.broadcast %broadcast_in_dim3A_266 : i32 to vector<16xi32>
        tpu.vector_store_idx %arg14[%broadcast_in_dim3A_177, %iota3A, %broadcast_in_dim3A_267], %gather3A_265 : memref<4x16x128xf32, #tpu.memory_space<vmem>>[vector<16xi32>, vector<16xi32>, vector<16xi32>], vector<16xf32>,
        %broadcast_in_dim3A_268 = arith.constant 18 : i32
        %broadcast_in_dim3A_269 = vector.broadcast %broadcast_in_dim3A_268 : i32 to vector<16xi32>
        %gather3A_270 = tpu.vector_load_idx %arg13[%broadcast_in_dim3A_178, %broadcast_in_dim3A_269, %and3A_176] : memref<2x32x1024xf32, #tpu.memory_space<vmem>>[vector<16xi32>, vector<16xi32>, vector<16xi32>], vector<16xf32>,
        %broadcast_in_dim3A_271 = arith.constant 18 : i32
        %broadcast_in_dim3A_272 = vector.broadcast %broadcast_in_dim3A_271 : i32 to vector<16xi32>
        tpu.vector_store_idx %arg14[%broadcast_in_dim3A_177, %iota3A, %broadcast_in_dim3A_272], %gather3A_270 : memref<4x16x128xf32, #tpu.memory_space<vmem>>[vector<16xi32>, vector<16xi32>, vector<16xi32>], vector<16xf32>,
        %broadcast_in_dim3A_273 = arith.constant 19 : i32
        %broadcast_in_dim3A_274 = vector.broadcast %broadcast_in_dim3A_273 : i32 to vector<16xi32>
        %gather3A_275 = tpu.vector_load_idx %arg13[%broadcast_in_dim3A_178, %broadcast_in_dim3A_274, %and3A_176] : memref<2x32x1024xf32, #tpu.memory_space<vmem>>[vector<16xi32>, vector<16xi32>, vector<16xi32>], vector<16xf32>,
        %broadcast_in_dim3A_276 = arith.constant 19 : i32
        %broadcast_in_dim3A_277 = vector.broadcast %broadcast_in_dim3A_276 : i32 to vector<16xi32>
        tpu.vector_store_idx %arg14[%broadcast_in_dim3A_177, %iota3A, %broadcast_in_dim3A_277], %gather3A_275 : memref<4x16x128xf32, #tpu.memory_space<vmem>>[vector<16xi32>, vector<16xi32>, vector<16xi32>], vector<16xf32>,
        %broadcast_in_dim3A_278 = arith.constant 20 : i32
        %broadcast_in_dim3A_279 = vector.broadcast %broadcast_in_dim3A_278 : i32 to vector<16xi32>
        %gather3A_280 = tpu.vector_load_idx %arg13[%broadcast_in_dim3A_178, %broadcast_in_dim3A_279, %and3A_176] : memref<2x32x1024xf32, #tpu.memory_space<vmem>>[vector<16xi32>, vector<16xi32>, vector<16xi32>], vector<16xf32>,
        %broadcast_in_dim3A_281 = arith.constant 20 : i32
        %broadcast_in_dim3A_282 = vector.broadcast %broadcast_in_dim3A_281 : i32 to vector<16xi32>
        tpu.vector_store_idx %arg14[%broadcast_in_dim3A_177, %iota3A, %broadcast_in_dim3A_282], %gather3A_280 : memref<4x16x128xf32, #tpu.memory_space<vmem>>[vector<16xi32>, vector<16xi32>, vector<16xi32>], vector<16xf32>,
        %broadcast_in_dim3A_283 = arith.constant 21 : i32
        %broadcast_in_dim3A_284 = vector.broadcast %broadcast_in_dim3A_283 : i32 to vector<16xi32>
        %gather3A_285 = tpu.vector_load_idx %arg13[%broadcast_in_dim3A_178, %broadcast_in_dim3A_284, %and3A_176] : memref<2x32x1024xf32, #tpu.memory_space<vmem>>[vector<16xi32>, vector<16xi32>, vector<16xi32>], vector<16xf32>,
        %broadcast_in_dim3A_286 = arith.constant 21 : i32
        %broadcast_in_dim3A_287 = vector.broadcast %broadcast_in_dim3A_286 : i32 to vector<16xi32>
        tpu.vector_store_idx %arg14[%broadcast_in_dim3A_177, %iota3A, %broadcast_in_dim3A_287], %gather3A_285 : memref<4x16x128xf32, #tpu.memory_space<vmem>>[vector<16xi32>, vector<16xi32>, vector<16xi32>], vector<16xf32>,
        %broadcast_in_dim3A_288 = arith.constant 22 : i32
        %broadcast_in_dim3A_289 = vector.broadcast %broadcast_in_dim3A_288 : i32 to vector<16xi32>
        %gather3A_290 = tpu.vector_load_idx %arg13[%broadcast_in_dim3A_178, %broadcast_in_dim3A_289, %and3A_176] : memref<2x32x1024xf32, #tpu.memory_space<vmem>>[vector<16xi32>, vector<16xi32>, vector<16xi32>], vector<16xf32>,
        %broadcast_in_dim3A_291 = arith.constant 22 : i32
        %broadcast_in_dim3A_292 = vector.broadcast %broadcast_in_dim3A_291 : i32 to vector<16xi32>
        tpu.vector_store_idx %arg14[%broadcast_in_dim3A_177, %iota3A, %broadcast_in_dim3A_292], %gather3A_290 : memref<4x16x128xf32, #tpu.memory_space<vmem>>[vector<16xi32>, vector<16xi32>, vector<16xi32>], vector<16xf32>,
        %broadcast_in_dim3A_293 = arith.constant 23 : i32
        %broadcast_in_dim3A_294 = vector.broadcast %broadcast_in_dim3A_293 : i32 to vector<16xi32>
        %gather3A_295 = tpu.vector_load_idx %arg13[%broadcast_in_dim3A_178, %broadcast_in_dim3A_294, %and3A_176] : memref<2x32x1024xf32, #tpu.memory_space<vmem>>[vector<16xi32>, vector<16xi32>, vector<16xi32>], vector<16xf32>,
        %broadcast_in_dim3A_296 = arith.constant 23 : i32
        %broadcast_in_dim3A_297 = vector.broadcast %broadcast_in_dim3A_296 : i32 to vector<16xi32>
        tpu.vector_store_idx %arg14[%broadcast_in_dim3A_177, %iota3A, %broadcast_in_dim3A_297], %gather3A_295 : memref<4x16x128xf32, #tpu.memory_space<vmem>>[vector<16xi32>, vector<16xi32>, vector<16xi32>], vector<16xf32>,
        %broadcast_in_dim3A_298 = arith.constant 24 : i32
        %broadcast_in_dim3A_299 = vector.broadcast %broadcast_in_dim3A_298 : i32 to vector<16xi32>
        %gather3A_300 = tpu.vector_load_idx %arg13[%broadcast_in_dim3A_178, %broadcast_in_dim3A_299, %and3A_176] : memref<2x32x1024xf32, #tpu.memory_space<vmem>>[vector<16xi32>, vector<16xi32>, vector<16xi32>], vector<16xf32>,
        %broadcast_in_dim3A_301 = arith.constant 24 : i32
        %broadcast_in_dim3A_302 = vector.broadcast %broadcast_in_dim3A_301 : i32 to vector<16xi32>
        tpu.vector_store_idx %arg14[%broadcast_in_dim3A_177, %iota3A, %broadcast_in_dim3A_302], %gather3A_300 : memref<4x16x128xf32, #tpu.memory_space<vmem>>[vector<16xi32>, vector<16xi32>, vector<16xi32>], vector<16xf32>,
        %broadcast_in_dim3A_303 = arith.constant 25 : i32
        %broadcast_in_dim3A_304 = vector.broadcast %broadcast_in_dim3A_303 : i32 to vector<16xi32>
        %gather3A_305 = tpu.vector_load_idx %arg13[%broadcast_in_dim3A_178, %broadcast_in_dim3A_304, %and3A_176] : memref<2x32x1024xf32, #tpu.memory_space<vmem>>[vector<16xi32>, vector<16xi32>, vector<16xi32>], vector<16xf32>,
        %broadcast_in_dim3A_306 = arith.constant 25 : i32
        %broadcast_in_dim3A_307 = vector.broadcast %broadcast_in_dim3A_306 : i32 to vector<16xi32>
        tpu.vector_store_idx %arg14[%broadcast_in_dim3A_177, %iota3A, %broadcast_in_dim3A_307], %gather3A_305 : memref<4x16x128xf32, #tpu.memory_space<vmem>>[vector<16xi32>, vector<16xi32>, vector<16xi32>], vector<16xf32>,
        %broadcast_in_dim3A_308 = arith.constant 26 : i32
        %broadcast_in_dim3A_309 = vector.broadcast %broadcast_in_dim3A_308 : i32 to vector<16xi32>
        %gather3A_310 = tpu.vector_load_idx %arg13[%broadcast_in_dim3A_178, %broadcast_in_dim3A_309, %and3A_176] : memref<2x32x1024xf32, #tpu.memory_space<vmem>>[vector<16xi32>, vector<16xi32>, vector<16xi32>], vector<16xf32>,
        %broadcast_in_dim3A_311 = arith.constant 26 : i32
        %broadcast_in_dim3A_312 = vector.broadcast %broadcast_in_dim3A_311 : i32 to vector<16xi32>
        tpu.vector_store_idx %arg14[%broadcast_in_dim3A_177, %iota3A, %broadcast_in_dim3A_312], %gather3A_310 : memref<4x16x128xf32, #tpu.memory_space<vmem>>[vector<16xi32>, vector<16xi32>, vector<16xi32>], vector<16xf32>,
        %broadcast_in_dim3A_313 = arith.constant 27 : i32
        %broadcast_in_dim3A_314 = vector.broadcast %broadcast_in_dim3A_313 : i32 to vector<16xi32>
        %gather3A_315 = tpu.vector_load_idx %arg13[%broadcast_in_dim3A_178, %broadcast_in_dim3A_314, %and3A_176] : memref<2x32x1024xf32, #tpu.memory_space<vmem>>[vector<16xi32>, vector<16xi32>, vector<16xi32>], vector<16xf32>,
        %broadcast_in_dim3A_316 = arith.constant 27 : i32
        %broadcast_in_dim3A_317 = vector.broadcast %broadcast_in_dim3A_316 : i32 to vector<16xi32>
        tpu.vector_store_idx %arg14[%broadcast_in_dim3A_177, %iota3A, %broadcast_in_dim3A_317], %gather3A_315 : memref<4x16x128xf32, #tpu.memory_space<vmem>>[vector<16xi32>, vector<16xi32>, vector<16xi32>], vector<16xf32>,
        %broadcast_in_dim3A_318 = arith.constant 28 : i32
        %broadcast_in_dim3A_319 = vector.broadcast %broadcast_in_dim3A_318 : i32 to vector<16xi32>
        %gather3A_320 = tpu.vector_load_idx %arg13[%broadcast_in_dim3A_178, %broadcast_in_dim3A_319, %and3A_176] : memref<2x32x1024xf32, #tpu.memory_space<vmem>>[vector<16xi32>, vector<16xi32>, vector<16xi32>], vector<16xf32>,
        %broadcast_in_dim3A_321 = arith.constant 28 : i32
        %broadcast_in_dim3A_322 = vector.broadcast %broadcast_in_dim3A_321 : i32 to vector<16xi32>
        tpu.vector_store_idx %arg14[%broadcast_in_dim3A_177, %iota3A, %broadcast_in_dim3A_322], %gather3A_320 : memref<4x16x128xf32, #tpu.memory_space<vmem>>[vector<16xi32>, vector<16xi32>, vector<16xi32>], vector<16xf32>,
        %broadcast_in_dim3A_323 = arith.constant 29 : i32
        %broadcast_in_dim3A_324 = vector.broadcast %broadcast_in_dim3A_323 : i32 to vector<16xi32>
        %gather3A_325 = tpu.vector_load_idx %arg13[%broadcast_in_dim3A_178, %broadcast_in_dim3A_324, %and3A_176] : memref<2x32x1024xf32, #tpu.memory_space<vmem>>[vector<16xi32>, vector<16xi32>, vector<16xi32>], vector<16xf32>,
        %broadcast_in_dim3A_326 = arith.constant 29 : i32
        %broadcast_in_dim3A_327 = vector.broadcast %broadcast_in_dim3A_326 : i32 to vector<16xi32>
        tpu.vector_store_idx %arg14[%broadcast_in_dim3A_177, %iota3A, %broadcast_in_dim3A_327], %gather3A_325 : memref<4x16x128xf32, #tpu.memory_space<vmem>>[vector<16xi32>, vector<16xi32>, vector<16xi32>], vector<16xf32>,
        %broadcast_in_dim3A_328 = arith.constant 30 : i32
        %broadcast_in_dim3A_329 = vector.broadcast %broadcast_in_dim3A_328 : i32 to vector<16xi32>
        %gather3A_330 = tpu.vector_load_idx %arg13[%broadcast_in_dim3A_178, %broadcast_in_dim3A_329, %and3A_176] : memref<2x32x1024xf32, #tpu.memory_space<vmem>>[vector<16xi32>, vector<16xi32>, vector<16xi32>], vector<16xf32>,
        %broadcast_in_dim3A_331 = arith.constant 30 : i32
        %broadcast_in_dim3A_332 = vector.broadcast %broadcast_in_dim3A_331 : i32 to vector<16xi32>
        tpu.vector_store_idx %arg14[%broadcast_in_dim3A_177, %iota3A, %broadcast_in_dim3A_332], %gather3A_330 : memref<4x16x128xf32, #tpu.memory_space<vmem>>[vector<16xi32>, vector<16xi32>, vector<16xi32>], vector<16xf32>,
        %broadcast_in_dim3A_333 = arith.constant 31 : i32
        %broadcast_in_dim3A_334 = vector.broadcast %broadcast_in_dim3A_333 : i32 to vector<16xi32>
        %gather3A_335 = tpu.vector_load_idx %arg13[%broadcast_in_dim3A_178, %broadcast_in_dim3A_334, %and3A_176] : memref<2x32x1024xf32, #tpu.memory_space<vmem>>[vector<16xi32>, vector<16xi32>, vector<16xi32>], vector<16xf32>,
        %broadcast_in_dim3A_336 = arith.constant 31 : i32
        %broadcast_in_dim3A_337 = vector.broadcast %broadcast_in_dim3A_336 : i32 to vector<16xi32>
        tpu.vector_store_idx %arg14[%broadcast_in_dim3A_177, %iota3A, %broadcast_in_dim3A_337], %gather3A_335 : memref<4x16x128xf32, #tpu.memory_space<vmem>>[vector<16xi32>, vector<16xi32>, vector<16xi32>], vector<16xf32>,
        %add3A_338 = arith.constant 16384 : i32
        %add3A_339 = vector.broadcast %add3A_338 : i32 to vector<16xi32>
        %add3A_340 = arith.addi %add3A_339, %iota3A : vector<16xi32>
        %select_n3A = arith.select %lt3A_174, %get3A_169, %add3A_340 : vector<16xi1>, vector<16xi32>
        tpu.vector_store_idx %arg15[%broadcast_in_dim3A_177, %iota3A], %select_n3A : memref<4x16xi32, #tpu.memory_space<vmem>>[vector<16xi32>, vector<16xi32>], vector<16xi32>,
        %dma_start3A = arith.constant 0 : i32
        %dma_start3A_341 = arith.constant 0 : i32
        %dma_start3A_342 = tpu.memref_slice %arg14[%rem3A_154, %dma_start3A, %dma_start3A_341] : memref<4x16x128xf32, #tpu.memory_space<vmem>> -> memref<1x16x128xf32, #tpu.memory_space<vmem>>
        %dma_start3A_343 = tpu.memref_squeeze %dma_start3A_342 : memref<1x16x128xf32, #tpu.memory_space<vmem>> -> memref<16x128xf32, #tpu.memory_space<vmem>>
        %dma_start3A_344 = arith.constant 0 : i32
        %dma_start3A_345 = tpu.memref_slice %arg15[%rem3A_154, %dma_start3A_344] : memref<4x16xi32, #tpu.memory_space<vmem>> -> memref<1x16xi32, #tpu.memory_space<vmem>>
        %dma_start3A_346 = tpu.memref_squeeze %dma_start3A_345 : memref<1x16xi32, #tpu.memory_space<vmem>> -> memref<16xi32, #tpu.memory_space<vmem>>
        %dma_start3A_347 = arith.constant 0 : i32
        %dma_start3A_348 = arith.constant 0 : i32
        %dma_start3A_349 = tpu.memref_slice %arg5[%dma_start3A_347, %dma_start3A_348] : memref<16400x128xf32, #tpu.memory_space<hbm>> -> memref<16400x128xf32, #tpu.memory_space<hbm>>
        tpu.enqueue_indirect_dma source(%dma_start3A_343 : memref<16x128xf32, #tpu.memory_space<vmem>>) target(%dma_start3A_349 : memref<16400x128xf32, #tpu.memory_space<hbm>>) offsets(%dma_start3A_346 : memref<16xi32, #tpu.memory_space<vmem>>) semaphore(%arg17 : memref<!tpu.dma_semaphore, #tpu.memory_space<semaphore_mem>>)
        %add3A_350 = arith.constant 1 : i32
        %add3A_351 = arith.addi %while3A_152, %add3A_350 : i32
        scf.yield %add3A_351 : i32
      }
      scf.yield %while3A_150 : i32
    }
    %while3A_62 = arith.constant 1 : i32
    %while3A_63 = scf.for %while3A_102 = %while3A_59 to %while3A_55 step %while3A_62 iter_args(%while3A_103 = %while3A_61) -> (i32)  : i32 {
      %rem3A = arith.constant 2 : i32
      %rem3A_104 = arith.remsi %while3A_102, %rem3A : i32
      %dma_wait3A = arith.constant 0 : i32
      %dma_wait3A_105 = arith.constant 0 : i32
      %dma_wait3A_106 = tpu.memref_slice %arg13[%rem3A_104, %dma_wait3A, %dma_wait3A_105] : memref<2x32x1024xf32, #tpu.memory_space<vmem>> -> memref<1x32x1024xf32, #tpu.memory_space<vmem>>
      %dma_wait3A_107 = tpu.memref_squeeze %dma_wait3A_106 : memref<1x32x1024xf32, #tpu.memory_space<vmem>> -> memref<32x1024xf32, #tpu.memory_space<vmem>>
      %dma_wait3A_108 = arith.constant 0 : i32
      %dma_wait3A_109 = arith.constant 0 : i32
      %dma_wait3A_110 = tpu.memref_slice %arg3[%dma_wait3A_108, %dma_wait3A_109] : memref<64x1000000xf32, #tpu.memory_space<hbm>> -> memref<32x1024xf32, #tpu.memory_space<hbm>>
      %dma_wait3A_111 = arith.constant 0 : i32
      %dma_wait3A_112 = arith.constant 0 : i32
      %dma_wait3A_113 = tpu.memref_slice %arg13[%rem3A_104, %dma_wait3A_111, %dma_wait3A_112] : memref<2x32x1024xf32, #tpu.memory_space<vmem>> -> memref<1x32x1024xf32, #tpu.memory_space<vmem>>
      %dma_wait3A_114 = tpu.memref_squeeze %dma_wait3A_113 : memref<1x32x1024xf32, #tpu.memory_space<vmem>> -> memref<32x1024xf32, #tpu.memory_space<vmem>>
      %dma_wait3A_115 = arith.constant 0 : i32
      %dma_wait3A_116 = arith.constant 0 : i32
      %dma_wait3A_117 = tpu.memref_slice %arg3[%dma_wait3A_115, %dma_wait3A_116] : memref<64x1000000xf32, #tpu.memory_space<hbm>> -> memref<32x1024xf32, #tpu.memory_space<hbm>>
      tpu.wait_dma2 semaphore(%arg16 : memref<!tpu.dma_semaphore, #tpu.memory_space<semaphore_mem>>) src(%dma_wait3A_117 : memref<32x1024xf32, #tpu.memory_space<hbm>>) dst(%dma_wait3A_114 : memref<32x1024xf32, #tpu.memory_space<vmem>>)
      %add3A_118 = arith.constant 1 : i32
      %add3A_119 = arith.addi %while3A_102, %add3A_118 : i32
      %lt3A = arith.cmpi slt, %add3A_119, %add3A_14 : i32
      %convert_element_type3A_120 = arith.extui %lt3A : i1 to i32
      %cond3A_121 = arith.constant 0 : i32
      %cond3A_122 = arith.cmpi ne, %convert_element_type3A_120, %cond3A_121 : i32
      scf.if %cond3A_122 {
        %add3A_151 = arith.constant 1 : i32
        %add3A_152 = arith.addi %while3A_102, %add3A_151 : i32
        %add3A_153 = arith.constant 1 : i32
        %add3A_154 = arith.addi %while3A_102, %add3A_153 : i32
        %rem3A_155 = arith.constant 2 : i32
        %rem3A_156 = arith.remsi %add3A_154, %rem3A_155 : i32
        %add3A_157 = arith.addi %add3A_10, %add3A_152 : i32
        %ne3A_158 = arith.constant 976 : i32
        %ne3A_159 = arith.cmpi ne, %add3A_157, %ne3A_158 : i32
        %convert_element_type3A_160 = arith.extui %ne3A_159 : i1 to i32
        %cond3A_161 = arith.constant 0 : i32
        %cond3A_162 = arith.cmpi ne, %convert_element_type3A_160, %cond3A_161 : i32
        scf.if %cond3A_162 {
          %mul3A_168 = arith.constant 1024 : i32
          %mul3A_169 = arith.muli %add3A_157, %mul3A_168 : i32
          %multiple_of3A = tpu.assume_multiple %mul3A_169, 1024 : i32
          %dma_start3A = arith.constant 0 : i32
          %dma_start3A_170 = arith.constant 0 : i32
          %dma_start3A_171 = tpu.memref_slice %arg13[%rem3A_156, %dma_start3A, %dma_start3A_170] : memref<2x32x1024xf32, #tpu.memory_space<vmem>> -> memref<1x32x1024xf32, #tpu.memory_space<vmem>>
          %dma_start3A_172 = tpu.memref_squeeze %dma_start3A_171 : memref<1x32x1024xf32, #tpu.memory_space<vmem>> -> memref<32x1024xf32, #tpu.memory_space<vmem>>
          %dma_start3A_173 = arith.constant 0 : i32
          %dma_start3A_174 = tpu.memref_slice %arg3[%dma_start3A_173, %multiple_of3A] : memref<64x1000000xf32, #tpu.memory_space<hbm>> -> memref<32x1024xf32, #tpu.memory_space<hbm>>
          %dma_start3A_175 = arith.constant 0 : i32
          %dma_start3A_176 = arith.constant 0 : i32
          %dma_start3A_177 = tpu.memref_slice %arg13[%rem3A_156, %dma_start3A_175, %dma_start3A_176] : memref<2x32x1024xf32, #tpu.memory_space<vmem>> -> memref<1x32x1024xf32, #tpu.memory_space<vmem>>
          %dma_start3A_178 = tpu.memref_squeeze %dma_start3A_177 : memref<1x32x1024xf32, #tpu.memory_space<vmem>> -> memref<32x1024xf32, #tpu.memory_space<vmem>>
          %dma_start3A_179 = arith.constant 0 : i32
          %dma_start3A_180 = tpu.memref_slice %arg3[%dma_start3A_179, %multiple_of3A] : memref<64x1000000xf32, #tpu.memory_space<hbm>> -> memref<32x1024xf32, #tpu.memory_space<hbm>>
          tpu.enqueue_dma source(%dma_start3A_180 : memref<32x1024xf32, #tpu.memory_space<hbm>>) target(%dma_start3A_178 : memref<32x1024xf32, #tpu.memory_space<vmem>>) target_semaphore(%arg16 : memref<!tpu.dma_semaphore, #tpu.memory_space<semaphore_mem>>)
        } else {
        }
        %eq3A_163 = arith.constant 976 : i32
        %eq3A_164 = arith.cmpi eq, %add3A_157, %eq3A_163 : i32
        %convert_element_type3A_165 = arith.extui %eq3A_164 : i1 to i32
        %cond3A_166 = arith.constant 0 : i32
        %cond3A_167 = arith.cmpi ne, %convert_element_type3A_165, %cond3A_166 : i32
        scf.if %cond3A_167 {
          %dma_start3A = arith.constant 0 : i32
          %dma_start3A_168 = arith.constant 0 : i32
          %dma_start3A_169 = tpu.memref_slice %arg13[%rem3A_156, %dma_start3A, %dma_start3A_168] : memref<2x32x1024xf32, #tpu.memory_space<vmem>> -> memref<1x32x1024xf32, #tpu.memory_space<vmem>>
          %dma_start3A_170 = tpu.memref_squeeze %dma_start3A_169 : memref<1x32x1024xf32, #tpu.memory_space<vmem>> -> memref<32x1024xf32, #tpu.memory_space<vmem>>
          %dma_start3A_171 = arith.constant 0 : i32
          %dma_start3A_172 = arith.constant 0 : i32
          %dma_start3A_173 = tpu.memref_slice %arg4[%dma_start3A_171, %dma_start3A_172] : memref<64x1024xf32, #tpu.memory_space<hbm>> -> memref<32x1024xf32, #tpu.memory_space<hbm>>
          %dma_start3A_174 = arith.constant 0 : i32
          %dma_start3A_175 = arith.constant 0 : i32
          %dma_start3A_176 = tpu.memref_slice %arg13[%rem3A_156, %dma_start3A_174, %dma_start3A_175] : memref<2x32x1024xf32, #tpu.memory_space<vmem>> -> memref<1x32x1024xf32, #tpu.memory_space<vmem>>
          %dma_start3A_177 = tpu.memref_squeeze %dma_start3A_176 : memref<1x32x1024xf32, #tpu.memory_space<vmem>> -> memref<32x1024xf32, #tpu.memory_space<vmem>>
          %dma_start3A_178 = arith.constant 0 : i32
          %dma_start3A_179 = arith.constant 0 : i32
          %dma_start3A_180 = tpu.memref_slice %arg4[%dma_start3A_178, %dma_start3A_179] : memref<64x1024xf32, #tpu.memory_space<hbm>> -> memref<32x1024xf32, #tpu.memory_space<hbm>>
          tpu.enqueue_dma source(%dma_start3A_180 : memref<32x1024xf32, #tpu.memory_space<hbm>>) target(%dma_start3A_177 : memref<32x1024xf32, #tpu.memory_space<vmem>>) target_semaphore(%arg16 : memref<!tpu.dma_semaphore, #tpu.memory_space<semaphore_mem>>)
        } else {
        }
      } else {
      }
      %get3A = arith.index_cast %while3A_102 : i32 to index
      %get3A_123 = tpu.vector_load %arg10[%get3A] {strides = array<i32>} : memref<48xi32, #tpu.memory_space<vmem>>, vector<16xi32>,
      %mul3A_124 = arith.muli %get3A_123, %convert_element_type3A : vector<16xi32>
      %reduce_sum3A = arith.constant true
      %reduce_sum3A_125 = vector.broadcast %reduce_sum3A : i1 to vector<16xi1>
      %reduce_sum3A_126 = tpu.scan <sum>, %mul3A_124 masked %reduce_sum3A_125 : vector<16xi32>, vector<16xi1> -> vector<16xi32>
      %reduce_sum3A_127 = vector.extract %reduce_sum3A_126[15] : i32 from vector<16xi32>
      %get3A_128 = arith.index_cast %while3A_102 : i32 to index
      %get3A_129 = tpu.vector_load %arg11[%get3A_128] {strides = array<i32>} : memref<48xi32, #tpu.memory_space<vmem>>, vector<16xi32>,
      %mul3A_130 = arith.muli %get3A_129, %convert_element_type3A : vector<16xi32>
      %reduce_sum3A_131 = arith.constant true
      %reduce_sum3A_132 = vector.broadcast %reduce_sum3A_131 : i1 to vector<16xi1>
      %reduce_sum3A_133 = tpu.scan <sum>, %mul3A_130 masked %reduce_sum3A_132 : vector<16xi32>, vector<16xi1> -> vector<16xi32>
      %reduce_sum3A_134 = vector.extract %reduce_sum3A_133[15] : i32 from vector<16xi32>
      %add3A_135 = arith.constant 16 : i32
      %add3A_136 = arith.addi %reduce_sum3A_127, %add3A_135 : i32
      %sub3A_137 = arith.constant 1 : i32
      %sub3A_138 = arith.subi %add3A_136, %sub3A_137 : i32
      %div3A = arith.constant 16 : i32
      %div3A_139 = arith.divsi %sub3A_138, %div3A : i32
      %while3A_140 = arith.constant 0 : i32
      %while3A_141 = arith.subi %div3A_139, %while3A_140 : i32
      %while3A_142 = arith.addi %while3A_140, %while3A_141 : i32
      %while3A_143 = arith.constant 1 : i32
      %while3A_144 = arith.divsi %while3A_141, %while3A_143 : i32
      %while3A_145 = arith.muli %while3A_144, %while3A_143 : i32
      %while3A_146 = arith.addi %while3A_140, %while3A_145 : i32
      %while3A_147 = arith.constant 1 : i32
      %while3A_148 = scf.for %while3A_151 = %while3A_140 to %while3A_146 step %while3A_147 iter_args(%while3A_152 = %while3A_103) -> (i32)  : i32 {
        %rem3A_153 = arith.constant 4 : i32
        %rem3A_154 = arith.remsi %while3A_152, %rem3A_153 : i32
        %ge3A_155 = arith.constant 4 : i32
        %ge3A_156 = arith.cmpi sge, %while3A_152, %ge3A_155 : i32
        %convert_element_type3A_157 = arith.extui %ge3A_156 : i1 to i32
        %cond3A_158 = arith.constant 0 : i32
        %cond3A_159 = arith.cmpi ne, %convert_element_type3A_157, %cond3A_158 : i32
        scf.if %cond3A_159 {
          %dma_wait3A_352 = arith.constant 0 : i32
          %dma_wait3A_353 = arith.constant 0 : i32
          %dma_wait3A_354 = tpu.memref_slice %arg14[%rem3A_154, %dma_wait3A_352, %dma_wait3A_353] : memref<4x16x128xf32, #tpu.memory_space<vmem>> -> memref<1x16x128xf32, #tpu.memory_space<vmem>>
          %dma_wait3A_355 = tpu.memref_squeeze %dma_wait3A_354 : memref<1x16x128xf32, #tpu.memory_space<vmem>> -> memref<16x128xf32, #tpu.memory_space<vmem>>
          %dma_wait3A_356 = arith.constant 0 : i32
          %dma_wait3A_357 = arith.constant 0 : i32
          %dma_wait3A_358 = tpu.memref_slice %arg5[%dma_wait3A_356, %dma_wait3A_357] : memref<16400x128xf32, #tpu.memory_space<hbm>> -> memref<16x128xf32, #tpu.memory_space<hbm>>
          %dma_wait3A_359 = arith.constant 0 : i32
          %dma_wait3A_360 = arith.constant 0 : i32
          %dma_wait3A_361 = tpu.memref_slice %arg14[%rem3A_154, %dma_wait3A_359, %dma_wait3A_360] : memref<4x16x128xf32, #tpu.memory_space<vmem>> -> memref<1x16x128xf32, #tpu.memory_space<vmem>>
          %dma_wait3A_362 = tpu.memref_squeeze %dma_wait3A_361 : memref<1x16x128xf32, #tpu.memory_space<vmem>> -> memref<16x128xf32, #tpu.memory_space<vmem>>
          %dma_wait3A_363 = arith.constant 0 : i32
          %dma_wait3A_364 = arith.constant 0 : i32
          %dma_wait3A_365 = tpu.memref_slice %arg5[%dma_wait3A_363, %dma_wait3A_364] : memref<16400x128xf32, #tpu.memory_space<hbm>> -> memref<16x128xf32, #tpu.memory_space<hbm>>
          tpu.wait_dma2 semaphore(%arg17 : memref<!tpu.dma_semaphore, #tpu.memory_space<semaphore_mem>>) src(%dma_wait3A_365 : memref<16x128xf32, #tpu.memory_space<hbm>>) dst(%dma_wait3A_362 : memref<16x128xf32, #tpu.memory_space<vmem>>)
        } else {
        }
        %mul3A_160 = arith.constant 16 : i32
        %mul3A_161 = arith.muli %while3A_151, %mul3A_160 : i32
        %add3A_162 = arith.addi %reduce_sum3A_134, %mul3A_161 : i32
        %get3A_163 = arith.index_cast %add3A_162 : i32 to index
        %get3A_164 = tpu.vector_load %arg8[%get3A_163] {strides = array<i32>} : memref<16400xi32, #tpu.memory_space<vmem>>, vector<16xi32>,
        %mul3A_165 = arith.constant 16 : i32
        %mul3A_166 = arith.muli %while3A_151, %mul3A_165 : i32
        %add3A_167 = arith.addi %reduce_sum3A_134, %mul3A_166 : i32
        %get3A_168 = arith.index_cast %add3A_167 : i32 to index
        %get3A_169 = tpu.vector_load %arg9[%get3A_168] {strides = array<i32>} : memref<16400xi32, #tpu.memory_space<vmem>>, vector<16xi32>,
        %mul3A_170 = arith.constant 16 : i32
        %mul3A_171 = arith.muli %while3A_151, %mul3A_170 : i32
        %sub3A_172 = arith.subi %reduce_sum3A_127, %mul3A_171 : i32
        %lt3A_173 = vector.broadcast %sub3A_172 : i32 to vector<16xi32>
        %lt3A_174 = arith.cmpi slt, %iota3A, %lt3A_173 : vector<16xi32>
        %and3A = arith.constant 1023 : i32
        %and3A_175 = vector.broadcast %and3A : i32 to vector<16xi32>
        %and3A_176 = arith.andi %get3A_164, %and3A_175 : vector<16xi32>
        %broadcast_in_dim3A_177 = vector.broadcast %rem3A_154 : i32 to vector<16xi32>
        %broadcast_in_dim3A_178 = vector.broadcast %rem3A_104 : i32 to vector<16xi32>
        %broadcast_in_dim3A_179 = arith.constant 0 : i32
        %broadcast_in_dim3A_180 = vector.broadcast %broadcast_in_dim3A_179 : i32 to vector<16xi32>
        %gather3A = tpu.vector_load_idx %arg13[%broadcast_in_dim3A_178, %broadcast_in_dim3A_180, %and3A_176] : memref<2x32x1024xf32, #tpu.memory_space<vmem>>[vector<16xi32>, vector<16xi32>, vector<16xi32>], vector<16xf32>,
        %broadcast_in_dim3A_181 = arith.constant 0 : i32
        %broadcast_in_dim3A_182 = vector.broadcast %broadcast_in_dim3A_181 : i32 to vector<16xi32>
        tpu.vector_store_idx %arg14[%broadcast_in_dim3A_177, %iota3A, %broadcast_in_dim3A_182], %gather3A : memref<4x16x128xf32, #tpu.memory_space<vmem>>[vector<16xi32>, vector<16xi32>, vector<16xi32>], vector<16xf32>,
        %broadcast_in_dim3A_183 = arith.constant 1 : i32
        %broadcast_in_dim3A_184 = vector.broadcast %broadcast_in_dim3A_183 : i32 to vector<16xi32>
        %gather3A_185 = tpu.vector_load_idx %arg13[%broadcast_in_dim3A_178, %broadcast_in_dim3A_184, %and3A_176] : memref<2x32x1024xf32, #tpu.memory_space<vmem>>[vector<16xi32>, vector<16xi32>, vector<16xi32>], vector<16xf32>,
        %broadcast_in_dim3A_186 = arith.constant 1 : i32
        %broadcast_in_dim3A_187 = vector.broadcast %broadcast_in_dim3A_186 : i32 to vector<16xi32>
        tpu.vector_store_idx %arg14[%broadcast_in_dim3A_177, %iota3A, %broadcast_in_dim3A_187], %gather3A_185 : memref<4x16x128xf32, #tpu.memory_space<vmem>>[vector<16xi32>, vector<16xi32>, vector<16xi32>], vector<16xf32>,
        %broadcast_in_dim3A_188 = arith.constant 2 : i32
        %broadcast_in_dim3A_189 = vector.broadcast %broadcast_in_dim3A_188 : i32 to vector<16xi32>
        %gather3A_190 = tpu.vector_load_idx %arg13[%broadcast_in_dim3A_178, %broadcast_in_dim3A_189, %and3A_176] : memref<2x32x1024xf32, #tpu.memory_space<vmem>>[vector<16xi32>, vector<16xi32>, vector<16xi32>], vector<16xf32>,
        %broadcast_in_dim3A_191 = arith.constant 2 : i32
        %broadcast_in_dim3A_192 = vector.broadcast %broadcast_in_dim3A_191 : i32 to vector<16xi32>
        tpu.vector_store_idx %arg14[%broadcast_in_dim3A_177, %iota3A, %broadcast_in_dim3A_192], %gather3A_190 : memref<4x16x128xf32, #tpu.memory_space<vmem>>[vector<16xi32>, vector<16xi32>, vector<16xi32>], vector<16xf32>,
        %broadcast_in_dim3A_193 = arith.constant 3 : i32
        %broadcast_in_dim3A_194 = vector.broadcast %broadcast_in_dim3A_193 : i32 to vector<16xi32>
        %gather3A_195 = tpu.vector_load_idx %arg13[%broadcast_in_dim3A_178, %broadcast_in_dim3A_194, %and3A_176] : memref<2x32x1024xf32, #tpu.memory_space<vmem>>[vector<16xi32>, vector<16xi32>, vector<16xi32>], vector<16xf32>,
        %broadcast_in_dim3A_196 = arith.constant 3 : i32
        %broadcast_in_dim3A_197 = vector.broadcast %broadcast_in_dim3A_196 : i32 to vector<16xi32>
        tpu.vector_store_idx %arg14[%broadcast_in_dim3A_177, %iota3A, %broadcast_in_dim3A_197], %gather3A_195 : memref<4x16x128xf32, #tpu.memory_space<vmem>>[vector<16xi32>, vector<16xi32>, vector<16xi32>], vector<16xf32>,
        %broadcast_in_dim3A_198 = arith.constant 4 : i32
        %broadcast_in_dim3A_199 = vector.broadcast %broadcast_in_dim3A_198 : i32 to vector<16xi32>
        %gather3A_200 = tpu.vector_load_idx %arg13[%broadcast_in_dim3A_178, %broadcast_in_dim3A_199, %and3A_176] : memref<2x32x1024xf32, #tpu.memory_space<vmem>>[vector<16xi32>, vector<16xi32>, vector<16xi32>], vector<16xf32>,
        %broadcast_in_dim3A_201 = arith.constant 4 : i32
        %broadcast_in_dim3A_202 = vector.broadcast %broadcast_in_dim3A_201 : i32 to vector<16xi32>
        tpu.vector_store_idx %arg14[%broadcast_in_dim3A_177, %iota3A, %broadcast_in_dim3A_202], %gather3A_200 : memref<4x16x128xf32, #tpu.memory_space<vmem>>[vector<16xi32>, vector<16xi32>, vector<16xi32>], vector<16xf32>,
        %broadcast_in_dim3A_203 = arith.constant 5 : i32
        %broadcast_in_dim3A_204 = vector.broadcast %broadcast_in_dim3A_203 : i32 to vector<16xi32>
        %gather3A_205 = tpu.vector_load_idx %arg13[%broadcast_in_dim3A_178, %broadcast_in_dim3A_204, %and3A_176] : memref<2x32x1024xf32, #tpu.memory_space<vmem>>[vector<16xi32>, vector<16xi32>, vector<16xi32>], vector<16xf32>,
        %broadcast_in_dim3A_206 = arith.constant 5 : i32
        %broadcast_in_dim3A_207 = vector.broadcast %broadcast_in_dim3A_206 : i32 to vector<16xi32>
        tpu.vector_store_idx %arg14[%broadcast_in_dim3A_177, %iota3A, %broadcast_in_dim3A_207], %gather3A_205 : memref<4x16x128xf32, #tpu.memory_space<vmem>>[vector<16xi32>, vector<16xi32>, vector<16xi32>], vector<16xf32>,
        %broadcast_in_dim3A_208 = arith.constant 6 : i32
        %broadcast_in_dim3A_209 = vector.broadcast %broadcast_in_dim3A_208 : i32 to vector<16xi32>
        %gather3A_210 = tpu.vector_load_idx %arg13[%broadcast_in_dim3A_178, %broadcast_in_dim3A_209, %and3A_176] : memref<2x32x1024xf32, #tpu.memory_space<vmem>>[vector<16xi32>, vector<16xi32>, vector<16xi32>], vector<16xf32>,
        %broadcast_in_dim3A_211 = arith.constant 6 : i32
        %broadcast_in_dim3A_212 = vector.broadcast %broadcast_in_dim3A_211 : i32 to vector<16xi32>
        tpu.vector_store_idx %arg14[%broadcast_in_dim3A_177, %iota3A, %broadcast_in_dim3A_212], %gather3A_210 : memref<4x16x128xf32, #tpu.memory_space<vmem>>[vector<16xi32>, vector<16xi32>, vector<16xi32>], vector<16xf32>,
        %broadcast_in_dim3A_213 = arith.constant 7 : i32
        %broadcast_in_dim3A_214 = vector.broadcast %broadcast_in_dim3A_213 : i32 to vector<16xi32>
        %gather3A_215 = tpu.vector_load_idx %arg13[%broadcast_in_dim3A_178, %broadcast_in_dim3A_214, %and3A_176] : memref<2x32x1024xf32, #tpu.memory_space<vmem>>[vector<16xi32>, vector<16xi32>, vector<16xi32>], vector<16xf32>,
        %broadcast_in_dim3A_216 = arith.constant 7 : i32
        %broadcast_in_dim3A_217 = vector.broadcast %broadcast_in_dim3A_216 : i32 to vector<16xi32>
        tpu.vector_store_idx %arg14[%broadcast_in_dim3A_177, %iota3A, %broadcast_in_dim3A_217], %gather3A_215 : memref<4x16x128xf32, #tpu.memory_space<vmem>>[vector<16xi32>, vector<16xi32>, vector<16xi32>], vector<16xf32>,
        %broadcast_in_dim3A_218 = arith.constant 8 : i32
        %broadcast_in_dim3A_219 = vector.broadcast %broadcast_in_dim3A_218 : i32 to vector<16xi32>
        %gather3A_220 = tpu.vector_load_idx %arg13[%broadcast_in_dim3A_178, %broadcast_in_dim3A_219, %and3A_176] : memref<2x32x1024xf32, #tpu.memory_space<vmem>>[vector<16xi32>, vector<16xi32>, vector<16xi32>], vector<16xf32>,
        %broadcast_in_dim3A_221 = arith.constant 8 : i32
        %broadcast_in_dim3A_222 = vector.broadcast %broadcast_in_dim3A_221 : i32 to vector<16xi32>
        tpu.vector_store_idx %arg14[%broadcast_in_dim3A_177, %iota3A, %broadcast_in_dim3A_222], %gather3A_220 : memref<4x16x128xf32, #tpu.memory_space<vmem>>[vector<16xi32>, vector<16xi32>, vector<16xi32>], vector<16xf32>,
        %broadcast_in_dim3A_223 = arith.constant 9 : i32
        %broadcast_in_dim3A_224 = vector.broadcast %broadcast_in_dim3A_223 : i32 to vector<16xi32>
        %gather3A_225 = tpu.vector_load_idx %arg13[%broadcast_in_dim3A_178, %broadcast_in_dim3A_224, %and3A_176] : memref<2x32x1024xf32, #tpu.memory_space<vmem>>[vector<16xi32>, vector<16xi32>, vector<16xi32>], vector<16xf32>,
        %broadcast_in_dim3A_226 = arith.constant 9 : i32
        %broadcast_in_dim3A_227 = vector.broadcast %broadcast_in_dim3A_226 : i32 to vector<16xi32>
        tpu.vector_store_idx %arg14[%broadcast_in_dim3A_177, %iota3A, %broadcast_in_dim3A_227], %gather3A_225 : memref<4x16x128xf32, #tpu.memory_space<vmem>>[vector<16xi32>, vector<16xi32>, vector<16xi32>], vector<16xf32>,
        %broadcast_in_dim3A_228 = arith.constant 10 : i32
        %broadcast_in_dim3A_229 = vector.broadcast %broadcast_in_dim3A_228 : i32 to vector<16xi32>
        %gather3A_230 = tpu.vector_load_idx %arg13[%broadcast_in_dim3A_178, %broadcast_in_dim3A_229, %and3A_176] : memref<2x32x1024xf32, #tpu.memory_space<vmem>>[vector<16xi32>, vector<16xi32>, vector<16xi32>], vector<16xf32>,
        %broadcast_in_dim3A_231 = arith.constant 10 : i32
        %broadcast_in_dim3A_232 = vector.broadcast %broadcast_in_dim3A_231 : i32 to vector<16xi32>
        tpu.vector_store_idx %arg14[%broadcast_in_dim3A_177, %iota3A, %broadcast_in_dim3A_232], %gather3A_230 : memref<4x16x128xf32, #tpu.memory_space<vmem>>[vector<16xi32>, vector<16xi32>, vector<16xi32>], vector<16xf32>,
        %broadcast_in_dim3A_233 = arith.constant 11 : i32
        %broadcast_in_dim3A_234 = vector.broadcast %broadcast_in_dim3A_233 : i32 to vector<16xi32>
        %gather3A_235 = tpu.vector_load_idx %arg13[%broadcast_in_dim3A_178, %broadcast_in_dim3A_234, %and3A_176] : memref<2x32x1024xf32, #tpu.memory_space<vmem>>[vector<16xi32>, vector<16xi32>, vector<16xi32>], vector<16xf32>,
        %broadcast_in_dim3A_236 = arith.constant 11 : i32
        %broadcast_in_dim3A_237 = vector.broadcast %broadcast_in_dim3A_236 : i32 to vector<16xi32>
        tpu.vector_store_idx %arg14[%broadcast_in_dim3A_177, %iota3A, %broadcast_in_dim3A_237], %gather3A_235 : memref<4x16x128xf32, #tpu.memory_space<vmem>>[vector<16xi32>, vector<16xi32>, vector<16xi32>], vector<16xf32>,
        %broadcast_in_dim3A_238 = arith.constant 12 : i32
        %broadcast_in_dim3A_239 = vector.broadcast %broadcast_in_dim3A_238 : i32 to vector<16xi32>
        %gather3A_240 = tpu.vector_load_idx %arg13[%broadcast_in_dim3A_178, %broadcast_in_dim3A_239, %and3A_176] : memref<2x32x1024xf32, #tpu.memory_space<vmem>>[vector<16xi32>, vector<16xi32>, vector<16xi32>], vector<16xf32>,
        %broadcast_in_dim3A_241 = arith.constant 12 : i32
        %broadcast_in_dim3A_242 = vector.broadcast %broadcast_in_dim3A_241 : i32 to vector<16xi32>
        tpu.vector_store_idx %arg14[%broadcast_in_dim3A_177, %iota3A, %broadcast_in_dim3A_242], %gather3A_240 : memref<4x16x128xf32, #tpu.memory_space<vmem>>[vector<16xi32>, vector<16xi32>, vector<16xi32>], vector<16xf32>,
        %broadcast_in_dim3A_243 = arith.constant 13 : i32
        %broadcast_in_dim3A_244 = vector.broadcast %broadcast_in_dim3A_243 : i32 to vector<16xi32>
        %gather3A_245 = tpu.vector_load_idx %arg13[%broadcast_in_dim3A_178, %broadcast_in_dim3A_244, %and3A_176] : memref<2x32x1024xf32, #tpu.memory_space<vmem>>[vector<16xi32>, vector<16xi32>, vector<16xi32>], vector<16xf32>,
        %broadcast_in_dim3A_246 = arith.constant 13 : i32
        %broadcast_in_dim3A_247 = vector.broadcast %broadcast_in_dim3A_246 : i32 to vector<16xi32>
        tpu.vector_store_idx %arg14[%broadcast_in_dim3A_177, %iota3A, %broadcast_in_dim3A_247], %gather3A_245 : memref<4x16x128xf32, #tpu.memory_space<vmem>>[vector<16xi32>, vector<16xi32>, vector<16xi32>], vector<16xf32>,
        %broadcast_in_dim3A_248 = arith.constant 14 : i32
        %broadcast_in_dim3A_249 = vector.broadcast %broadcast_in_dim3A_248 : i32 to vector<16xi32>
        %gather3A_250 = tpu.vector_load_idx %arg13[%broadcast_in_dim3A_178, %broadcast_in_dim3A_249, %and3A_176] : memref<2x32x1024xf32, #tpu.memory_space<vmem>>[vector<16xi32>, vector<16xi32>, vector<16xi32>], vector<16xf32>,
        %broadcast_in_dim3A_251 = arith.constant 14 : i32
        %broadcast_in_dim3A_252 = vector.broadcast %broadcast_in_dim3A_251 : i32 to vector<16xi32>
        tpu.vector_store_idx %arg14[%broadcast_in_dim3A_177, %iota3A, %broadcast_in_dim3A_252], %gather3A_250 : memref<4x16x128xf32, #tpu.memory_space<vmem>>[vector<16xi32>, vector<16xi32>, vector<16xi32>], vector<16xf32>,
        %broadcast_in_dim3A_253 = arith.constant 15 : i32
        %broadcast_in_dim3A_254 = vector.broadcast %broadcast_in_dim3A_253 : i32 to vector<16xi32>
        %gather3A_255 = tpu.vector_load_idx %arg13[%broadcast_in_dim3A_178, %broadcast_in_dim3A_254, %and3A_176] : memref<2x32x1024xf32, #tpu.memory_space<vmem>>[vector<16xi32>, vector<16xi32>, vector<16xi32>], vector<16xf32>,
        %broadcast_in_dim3A_256 = arith.constant 15 : i32
        %broadcast_in_dim3A_257 = vector.broadcast %broadcast_in_dim3A_256 : i32 to vector<16xi32>
        tpu.vector_store_idx %arg14[%broadcast_in_dim3A_177, %iota3A, %broadcast_in_dim3A_257], %gather3A_255 : memref<4x16x128xf32, #tpu.memory_space<vmem>>[vector<16xi32>, vector<16xi32>, vector<16xi32>], vector<16xf32>,
        %broadcast_in_dim3A_258 = arith.constant 16 : i32
        %broadcast_in_dim3A_259 = vector.broadcast %broadcast_in_dim3A_258 : i32 to vector<16xi32>
        %gather3A_260 = tpu.vector_load_idx %arg13[%broadcast_in_dim3A_178, %broadcast_in_dim3A_259, %and3A_176] : memref<2x32x1024xf32, #tpu.memory_space<vmem>>[vector<16xi32>, vector<16xi32>, vector<16xi32>], vector<16xf32>,
        %broadcast_in_dim3A_261 = arith.constant 16 : i32
        %broadcast_in_dim3A_262 = vector.broadcast %broadcast_in_dim3A_261 : i32 to vector<16xi32>
        tpu.vector_store_idx %arg14[%broadcast_in_dim3A_177, %iota3A, %broadcast_in_dim3A_262], %gather3A_260 : memref<4x16x128xf32, #tpu.memory_space<vmem>>[vector<16xi32>, vector<16xi32>, vector<16xi32>], vector<16xf32>,
        %broadcast_in_dim3A_263 = arith.constant 17 : i32
        %broadcast_in_dim3A_264 = vector.broadcast %broadcast_in_dim3A_263 : i32 to vector<16xi32>
        %gather3A_265 = tpu.vector_load_idx %arg13[%broadcast_in_dim3A_178, %broadcast_in_dim3A_264, %and3A_176] : memref<2x32x1024xf32, #tpu.memory_space<vmem>>[vector<16xi32>, vector<16xi32>, vector<16xi32>], vector<16xf32>,
        %broadcast_in_dim3A_266 = arith.constant 17 : i32
        %broadcast_in_dim3A_267 = vector.broadcast %broadcast_in_dim3A_266 : i32 to vector<16xi32>
        tpu.vector_store_idx %arg14[%broadcast_in_dim3A_177, %iota3A, %broadcast_in_dim3A_267], %gather3A_265 : memref<4x16x128xf32, #tpu.memory_space<vmem>>[vector<16xi32>, vector<16xi32>, vector<16xi32>], vector<16xf32>,
        %broadcast_in_dim3A_268 = arith.constant 18 : i32
        %broadcast_in_dim3A_269 = vector.broadcast %broadcast_in_dim3A_268 : i32 to vector<16xi32>
        %gather3A_270 = tpu.vector_load_idx %arg13[%broadcast_in_dim3A_178, %broadcast_in_dim3A_269, %and3A_176] : memref<2x32x1024xf32, #tpu.memory_space<vmem>>[vector<16xi32>, vector<16xi32>, vector<16xi32>], vector<16xf32>,
        %broadcast_in_dim3A_271 = arith.constant 18 : i32
        %broadcast_in_dim3A_272 = vector.broadcast %broadcast_in_dim3A_271 : i32 to vector<16xi32>
        tpu.vector_store_idx %arg14[%broadcast_in_dim3A_177, %iota3A, %broadcast_in_dim3A_272], %gather3A_270 : memref<4x16x128xf32, #tpu.memory_space<vmem>>[vector<16xi32>, vector<16xi32>, vector<16xi32>], vector<16xf32>,
        %broadcast_in_dim3A_273 = arith.constant 19 : i32
        %broadcast_in_dim3A_274 = vector.broadcast %broadcast_in_dim3A_273 : i32 to vector<16xi32>
        %gather3A_275 = tpu.vector_load_idx %arg13[%broadcast_in_dim3A_178, %broadcast_in_dim3A_274, %and3A_176] : memref<2x32x1024xf32, #tpu.memory_space<vmem>>[vector<16xi32>, vector<16xi32>, vector<16xi32>], vector<16xf32>,
        %broadcast_in_dim3A_276 = arith.constant 19 : i32
        %broadcast_in_dim3A_277 = vector.broadcast %broadcast_in_dim3A_276 : i32 to vector<16xi32>
        tpu.vector_store_idx %arg14[%broadcast_in_dim3A_177, %iota3A, %broadcast_in_dim3A_277], %gather3A_275 : memref<4x16x128xf32, #tpu.memory_space<vmem>>[vector<16xi32>, vector<16xi32>, vector<16xi32>], vector<16xf32>,
        %broadcast_in_dim3A_278 = arith.constant 20 : i32
        %broadcast_in_dim3A_279 = vector.broadcast %broadcast_in_dim3A_278 : i32 to vector<16xi32>
        %gather3A_280 = tpu.vector_load_idx %arg13[%broadcast_in_dim3A_178, %broadcast_in_dim3A_279, %and3A_176] : memref<2x32x1024xf32, #tpu.memory_space<vmem>>[vector<16xi32>, vector<16xi32>, vector<16xi32>], vector<16xf32>,
        %broadcast_in_dim3A_281 = arith.constant 20 : i32
        %broadcast_in_dim3A_282 = vector.broadcast %broadcast_in_dim3A_281 : i32 to vector<16xi32>
        tpu.vector_store_idx %arg14[%broadcast_in_dim3A_177, %iota3A, %broadcast_in_dim3A_282], %gather3A_280 : memref<4x16x128xf32, #tpu.memory_space<vmem>>[vector<16xi32>, vector<16xi32>, vector<16xi32>], vector<16xf32>,
        %broadcast_in_dim3A_283 = arith.constant 21 : i32
        %broadcast_in_dim3A_284 = vector.broadcast %broadcast_in_dim3A_283 : i32 to vector<16xi32>
        %gather3A_285 = tpu.vector_load_idx %arg13[%broadcast_in_dim3A_178, %broadcast_in_dim3A_284, %and3A_176] : memref<2x32x1024xf32, #tpu.memory_space<vmem>>[vector<16xi32>, vector<16xi32>, vector<16xi32>], vector<16xf32>,
        %broadcast_in_dim3A_286 = arith.constant 21 : i32
        %broadcast_in_dim3A_287 = vector.broadcast %broadcast_in_dim3A_286 : i32 to vector<16xi32>
        tpu.vector_store_idx %arg14[%broadcast_in_dim3A_177, %iota3A, %broadcast_in_dim3A_287], %gather3A_285 : memref<4x16x128xf32, #tpu.memory_space<vmem>>[vector<16xi32>, vector<16xi32>, vector<16xi32>], vector<16xf32>,
        %broadcast_in_dim3A_288 = arith.constant 22 : i32
        %broadcast_in_dim3A_289 = vector.broadcast %broadcast_in_dim3A_288 : i32 to vector<16xi32>
        %gather3A_290 = tpu.vector_load_idx %arg13[%broadcast_in_dim3A_178, %broadcast_in_dim3A_289, %and3A_176] : memref<2x32x1024xf32, #tpu.memory_space<vmem>>[vector<16xi32>, vector<16xi32>, vector<16xi32>], vector<16xf32>,
        %broadcast_in_dim3A_291 = arith.constant 22 : i32
        %broadcast_in_dim3A_292 = vector.broadcast %broadcast_in_dim3A_291 : i32 to vector<16xi32>
        tpu.vector_store_idx %arg14[%broadcast_in_dim3A_177, %iota3A, %broadcast_in_dim3A_292], %gather3A_290 : memref<4x16x128xf32, #tpu.memory_space<vmem>>[vector<16xi32>, vector<16xi32>, vector<16xi32>], vector<16xf32>,
        %broadcast_in_dim3A_293 = arith.constant 23 : i32
        %broadcast_in_dim3A_294 = vector.broadcast %broadcast_in_dim3A_293 : i32 to vector<16xi32>
        %gather3A_295 = tpu.vector_load_idx %arg13[%broadcast_in_dim3A_178, %broadcast_in_dim3A_294, %and3A_176] : memref<2x32x1024xf32, #tpu.memory_space<vmem>>[vector<16xi32>, vector<16xi32>, vector<16xi32>], vector<16xf32>,
        %broadcast_in_dim3A_296 = arith.constant 23 : i32
        %broadcast_in_dim3A_297 = vector.broadcast %broadcast_in_dim3A_296 : i32 to vector<16xi32>
        tpu.vector_store_idx %arg14[%broadcast_in_dim3A_177, %iota3A, %broadcast_in_dim3A_297], %gather3A_295 : memref<4x16x128xf32, #tpu.memory_space<vmem>>[vector<16xi32>, vector<16xi32>, vector<16xi32>], vector<16xf32>,
        %broadcast_in_dim3A_298 = arith.constant 24 : i32
        %broadcast_in_dim3A_299 = vector.broadcast %broadcast_in_dim3A_298 : i32 to vector<16xi32>
        %gather3A_300 = tpu.vector_load_idx %arg13[%broadcast_in_dim3A_178, %broadcast_in_dim3A_299, %and3A_176] : memref<2x32x1024xf32, #tpu.memory_space<vmem>>[vector<16xi32>, vector<16xi32>, vector<16xi32>], vector<16xf32>,
        %broadcast_in_dim3A_301 = arith.constant 24 : i32
        %broadcast_in_dim3A_302 = vector.broadcast %broadcast_in_dim3A_301 : i32 to vector<16xi32>
        tpu.vector_store_idx %arg14[%broadcast_in_dim3A_177, %iota3A, %broadcast_in_dim3A_302], %gather3A_300 : memref<4x16x128xf32, #tpu.memory_space<vmem>>[vector<16xi32>, vector<16xi32>, vector<16xi32>], vector<16xf32>,
        %broadcast_in_dim3A_303 = arith.constant 25 : i32
        %broadcast_in_dim3A_304 = vector.broadcast %broadcast_in_dim3A_303 : i32 to vector<16xi32>
        %gather3A_305 = tpu.vector_load_idx %arg13[%broadcast_in_dim3A_178, %broadcast_in_dim3A_304, %and3A_176] : memref<2x32x1024xf32, #tpu.memory_space<vmem>>[vector<16xi32>, vector<16xi32>, vector<16xi32>], vector<16xf32>,
        %broadcast_in_dim3A_306 = arith.constant 25 : i32
        %broadcast_in_dim3A_307 = vector.broadcast %broadcast_in_dim3A_306 : i32 to vector<16xi32>
        tpu.vector_store_idx %arg14[%broadcast_in_dim3A_177, %iota3A, %broadcast_in_dim3A_307], %gather3A_305 : memref<4x16x128xf32, #tpu.memory_space<vmem>>[vector<16xi32>, vector<16xi32>, vector<16xi32>], vector<16xf32>,
        %broadcast_in_dim3A_308 = arith.constant 26 : i32
        %broadcast_in_dim3A_309 = vector.broadcast %broadcast_in_dim3A_308 : i32 to vector<16xi32>
        %gather3A_310 = tpu.vector_load_idx %arg13[%broadcast_in_dim3A_178, %broadcast_in_dim3A_309, %and3A_176] : memref<2x32x1024xf32, #tpu.memory_space<vmem>>[vector<16xi32>, vector<16xi32>, vector<16xi32>], vector<16xf32>,
        %broadcast_in_dim3A_311 = arith.constant 26 : i32
        %broadcast_in_dim3A_312 = vector.broadcast %broadcast_in_dim3A_311 : i32 to vector<16xi32>
        tpu.vector_store_idx %arg14[%broadcast_in_dim3A_177, %iota3A, %broadcast_in_dim3A_312], %gather3A_310 : memref<4x16x128xf32, #tpu.memory_space<vmem>>[vector<16xi32>, vector<16xi32>, vector<16xi32>], vector<16xf32>,
        %broadcast_in_dim3A_313 = arith.constant 27 : i32
        %broadcast_in_dim3A_314 = vector.broadcast %broadcast_in_dim3A_313 : i32 to vector<16xi32>
        %gather3A_315 = tpu.vector_load_idx %arg13[%broadcast_in_dim3A_178, %broadcast_in_dim3A_314, %and3A_176] : memref<2x32x1024xf32, #tpu.memory_space<vmem>>[vector<16xi32>, vector<16xi32>, vector<16xi32>], vector<16xf32>,
        %broadcast_in_dim3A_316 = arith.constant 27 : i32
        %broadcast_in_dim3A_317 = vector.broadcast %broadcast_in_dim3A_316 : i32 to vector<16xi32>
        tpu.vector_store_idx %arg14[%broadcast_in_dim3A_177, %iota3A, %broadcast_in_dim3A_317], %gather3A_315 : memref<4x16x128xf32, #tpu.memory_space<vmem>>[vector<16xi32>, vector<16xi32>, vector<16xi32>], vector<16xf32>,
        %broadcast_in_dim3A_318 = arith.constant 28 : i32
        %broadcast_in_dim3A_319 = vector.broadcast %broadcast_in_dim3A_318 : i32 to vector<16xi32>
        %gather3A_320 = tpu.vector_load_idx %arg13[%broadcast_in_dim3A_178, %broadcast_in_dim3A_319, %and3A_176] : memref<2x32x1024xf32, #tpu.memory_space<vmem>>[vector<16xi32>, vector<16xi32>, vector<16xi32>], vector<16xf32>,
        %broadcast_in_dim3A_321 = arith.constant 28 : i32
        %broadcast_in_dim3A_322 = vector.broadcast %broadcast_in_dim3A_321 : i32 to vector<16xi32>
        tpu.vector_store_idx %arg14[%broadcast_in_dim3A_177, %iota3A, %broadcast_in_dim3A_322], %gather3A_320 : memref<4x16x128xf32, #tpu.memory_space<vmem>>[vector<16xi32>, vector<16xi32>, vector<16xi32>], vector<16xf32>,
        %broadcast_in_dim3A_323 = arith.constant 29 : i32
        %broadcast_in_dim3A_324 = vector.broadcast %broadcast_in_dim3A_323 : i32 to vector<16xi32>
        %gather3A_325 = tpu.vector_load_idx %arg13[%broadcast_in_dim3A_178, %broadcast_in_dim3A_324, %and3A_176] : memref<2x32x1024xf32, #tpu.memory_space<vmem>>[vector<16xi32>, vector<16xi32>, vector<16xi32>], vector<16xf32>,
        %broadcast_in_dim3A_326 = arith.constant 29 : i32
        %broadcast_in_dim3A_327 = vector.broadcast %broadcast_in_dim3A_326 : i32 to vector<16xi32>
        tpu.vector_store_idx %arg14[%broadcast_in_dim3A_177, %iota3A, %broadcast_in_dim3A_327], %gather3A_325 : memref<4x16x128xf32, #tpu.memory_space<vmem>>[vector<16xi32>, vector<16xi32>, vector<16xi32>], vector<16xf32>,
        %broadcast_in_dim3A_328 = arith.constant 30 : i32
        %broadcast_in_dim3A_329 = vector.broadcast %broadcast_in_dim3A_328 : i32 to vector<16xi32>
        %gather3A_330 = tpu.vector_load_idx %arg13[%broadcast_in_dim3A_178, %broadcast_in_dim3A_329, %and3A_176] : memref<2x32x1024xf32, #tpu.memory_space<vmem>>[vector<16xi32>, vector<16xi32>, vector<16xi32>], vector<16xf32>,
        %broadcast_in_dim3A_331 = arith.constant 30 : i32
        %broadcast_in_dim3A_332 = vector.broadcast %broadcast_in_dim3A_331 : i32 to vector<16xi32>
        tpu.vector_store_idx %arg14[%broadcast_in_dim3A_177, %iota3A, %broadcast_in_dim3A_332], %gather3A_330 : memref<4x16x128xf32, #tpu.memory_space<vmem>>[vector<16xi32>, vector<16xi32>, vector<16xi32>], vector<16xf32>,
        %broadcast_in_dim3A_333 = arith.constant 31 : i32
        %broadcast_in_dim3A_334 = vector.broadcast %broadcast_in_dim3A_333 : i32 to vector<16xi32>
        %gather3A_335 = tpu.vector_load_idx %arg13[%broadcast_in_dim3A_178, %broadcast_in_dim3A_334, %and3A_176] : memref<2x32x1024xf32, #tpu.memory_space<vmem>>[vector<16xi32>, vector<16xi32>, vector<16xi32>], vector<16xf32>,
        %broadcast_in_dim3A_336 = arith.constant 31 : i32
        %broadcast_in_dim3A_337 = vector.broadcast %broadcast_in_dim3A_336 : i32 to vector<16xi32>
        tpu.vector_store_idx %arg14[%broadcast_in_dim3A_177, %iota3A, %broadcast_in_dim3A_337], %gather3A_335 : memref<4x16x128xf32, #tpu.memory_space<vmem>>[vector<16xi32>, vector<16xi32>, vector<16xi32>], vector<16xf32>,
        %add3A_338 = arith.constant 16384 : i32
        %add3A_339 = vector.broadcast %add3A_338 : i32 to vector<16xi32>
        %add3A_340 = arith.addi %add3A_339, %iota3A : vector<16xi32>
        %select_n3A = arith.select %lt3A_174, %get3A_169, %add3A_340 : vector<16xi1>, vector<16xi32>
        tpu.vector_store_idx %arg15[%broadcast_in_dim3A_177, %iota3A], %select_n3A : memref<4x16xi32, #tpu.memory_space<vmem>>[vector<16xi32>, vector<16xi32>], vector<16xi32>,
        %dma_start3A = arith.constant 0 : i32
        %dma_start3A_341 = arith.constant 0 : i32
        %dma_start3A_342 = tpu.memref_slice %arg14[%rem3A_154, %dma_start3A, %dma_start3A_341] : memref<4x16x128xf32, #tpu.memory_space<vmem>> -> memref<1x16x128xf32, #tpu.memory_space<vmem>>
        %dma_start3A_343 = tpu.memref_squeeze %dma_start3A_342 : memref<1x16x128xf32, #tpu.memory_space<vmem>> -> memref<16x128xf32, #tpu.memory_space<vmem>>
        %dma_start3A_344 = arith.constant 0 : i32
        %dma_start3A_345 = tpu.memref_slice %arg15[%rem3A_154, %dma_start3A_344] : memref<4x16xi32, #tpu.memory_space<vmem>> -> memref<1x16xi32, #tpu.memory_space<vmem>>
        %dma_start3A_346 = tpu.memref_squeeze %dma_start3A_345 : memref<1x16xi32, #tpu.memory_space<vmem>> -> memref<16xi32, #tpu.memory_space<vmem>>
        %dma_start3A_347 = arith.constant 0 : i32
        %dma_start3A_348 = arith.constant 0 : i32
        %dma_start3A_349 = tpu.memref_slice %arg5[%dma_start3A_347, %dma_start3A_348] : memref<16400x128xf32, #tpu.memory_space<hbm>> -> memref<16400x128xf32, #tpu.memory_space<hbm>>
        tpu.enqueue_indirect_dma source(%dma_start3A_343 : memref<16x128xf32, #tpu.memory_space<vmem>>) target(%dma_start3A_349 : memref<16400x128xf32, #tpu.memory_space<hbm>>) offsets(%dma_start3A_346 : memref<16xi32, #tpu.memory_space<vmem>>) semaphore(%arg17 : memref<!tpu.dma_semaphore, #tpu.memory_space<semaphore_mem>>)
        %add3A_350 = arith.constant 1 : i32
        %add3A_351 = arith.addi %while3A_152, %add3A_350 : i32
        scf.yield %add3A_351 : i32
      }
      %while3A_149 = arith.constant 1 : i32
      %while3A_150 = scf.for %while3A_151 = %while3A_146 to %while3A_142 step %while3A_149 iter_args(%while3A_152 = %while3A_148) -> (i32)  : i32 {
        %rem3A_153 = arith.constant 4 : i32
        %rem3A_154 = arith.remsi %while3A_152, %rem3A_153 : i32
        %ge3A_155 = arith.constant 4 : i32
        %ge3A_156 = arith.cmpi sge, %while3A_152, %ge3A_155 : i32
        %convert_element_type3A_157 = arith.extui %ge3A_156 : i1 to i32
        %cond3A_158 = arith.constant 0 : i32
        %cond3A_159 = arith.cmpi ne, %convert_element_type3A_157, %cond3A_158 : i32
        scf.if %cond3A_159 {
          %dma_wait3A_352 = arith.constant 0 : i32
          %dma_wait3A_353 = arith.constant 0 : i32
          %dma_wait3A_354 = tpu.memref_slice %arg14[%rem3A_154, %dma_wait3A_352, %dma_wait3A_353] : memref<4x16x128xf32, #tpu.memory_space<vmem>> -> memref<1x16x128xf32, #tpu.memory_space<vmem>>
          %dma_wait3A_355 = tpu.memref_squeeze %dma_wait3A_354 : memref<1x16x128xf32, #tpu.memory_space<vmem>> -> memref<16x128xf32, #tpu.memory_space<vmem>>
          %dma_wait3A_356 = arith.constant 0 : i32
          %dma_wait3A_357 = arith.constant 0 : i32
          %dma_wait3A_358 = tpu.memref_slice %arg5[%dma_wait3A_356, %dma_wait3A_357] : memref<16400x128xf32, #tpu.memory_space<hbm>> -> memref<16x128xf32, #tpu.memory_space<hbm>>
          %dma_wait3A_359 = arith.constant 0 : i32
          %dma_wait3A_360 = arith.constant 0 : i32
          %dma_wait3A_361 = tpu.memref_slice %arg14[%rem3A_154, %dma_wait3A_359, %dma_wait3A_360] : memref<4x16x128xf32, #tpu.memory_space<vmem>> -> memref<1x16x128xf32, #tpu.memory_space<vmem>>
          %dma_wait3A_362 = tpu.memref_squeeze %dma_wait3A_361 : memref<1x16x128xf32, #tpu.memory_space<vmem>> -> memref<16x128xf32, #tpu.memory_space<vmem>>
          %dma_wait3A_363 = arith.constant 0 : i32
          %dma_wait3A_364 = arith.constant 0 : i32
          %dma_wait3A_365 = tpu.memref_slice %arg5[%dma_wait3A_363, %dma_wait3A_364] : memref<16400x128xf32, #tpu.memory_space<hbm>> -> memref<16x128xf32, #tpu.memory_space<hbm>>
          tpu.wait_dma2 semaphore(%arg17 : memref<!tpu.dma_semaphore, #tpu.memory_space<semaphore_mem>>) src(%dma_wait3A_365 : memref<16x128xf32, #tpu.memory_space<hbm>>) dst(%dma_wait3A_362 : memref<16x128xf32, #tpu.memory_space<vmem>>)
        } else {
        }
        %mul3A_160 = arith.constant 16 : i32
        %mul3A_161 = arith.muli %while3A_151, %mul3A_160 : i32
        %add3A_162 = arith.addi %reduce_sum3A_134, %mul3A_161 : i32
        %get3A_163 = arith.index_cast %add3A_162 : i32 to index
        %get3A_164 = tpu.vector_load %arg8[%get3A_163] {strides = array<i32>} : memref<16400xi32, #tpu.memory_space<vmem>>, vector<16xi32>,
        %mul3A_165 = arith.constant 16 : i32
        %mul3A_166 = arith.muli %while3A_151, %mul3A_165 : i32
        %add3A_167 = arith.addi %reduce_sum3A_134, %mul3A_166 : i32
        %get3A_168 = arith.index_cast %add3A_167 : i32 to index
        %get3A_169 = tpu.vector_load %arg9[%get3A_168] {strides = array<i32>} : memref<16400xi32, #tpu.memory_space<vmem>>, vector<16xi32>,
        %mul3A_170 = arith.constant 16 : i32
        %mul3A_171 = arith.muli %while3A_151, %mul3A_170 : i32
        %sub3A_172 = arith.subi %reduce_sum3A_127, %mul3A_171 : i32
        %lt3A_173 = vector.broadcast %sub3A_172 : i32 to vector<16xi32>
        %lt3A_174 = arith.cmpi slt, %iota3A, %lt3A_173 : vector<16xi32>
        %and3A = arith.constant 1023 : i32
        %and3A_175 = vector.broadcast %and3A : i32 to vector<16xi32>
        %and3A_176 = arith.andi %get3A_164, %and3A_175 : vector<16xi32>
        %broadcast_in_dim3A_177 = vector.broadcast %rem3A_154 : i32 to vector<16xi32>
        %broadcast_in_dim3A_178 = vector.broadcast %rem3A_104 : i32 to vector<16xi32>
        %broadcast_in_dim3A_179 = arith.constant 0 : i32
        %broadcast_in_dim3A_180 = vector.broadcast %broadcast_in_dim3A_179 : i32 to vector<16xi32>
        %gather3A = tpu.vector_load_idx %arg13[%broadcast_in_dim3A_178, %broadcast_in_dim3A_180, %and3A_176] : memref<2x32x1024xf32, #tpu.memory_space<vmem>>[vector<16xi32>, vector<16xi32>, vector<16xi32>], vector<16xf32>,
        %broadcast_in_dim3A_181 = arith.constant 0 : i32
        %broadcast_in_dim3A_182 = vector.broadcast %broadcast_in_dim3A_181 : i32 to vector<16xi32>
        tpu.vector_store_idx %arg14[%broadcast_in_dim3A_177, %iota3A, %broadcast_in_dim3A_182], %gather3A : memref<4x16x128xf32, #tpu.memory_space<vmem>>[vector<16xi32>, vector<16xi32>, vector<16xi32>], vector<16xf32>,
        %broadcast_in_dim3A_183 = arith.constant 1 : i32
        %broadcast_in_dim3A_184 = vector.broadcast %broadcast_in_dim3A_183 : i32 to vector<16xi32>
        %gather3A_185 = tpu.vector_load_idx %arg13[%broadcast_in_dim3A_178, %broadcast_in_dim3A_184, %and3A_176] : memref<2x32x1024xf32, #tpu.memory_space<vmem>>[vector<16xi32>, vector<16xi32>, vector<16xi32>], vector<16xf32>,
        %broadcast_in_dim3A_186 = arith.constant 1 : i32
        %broadcast_in_dim3A_187 = vector.broadcast %broadcast_in_dim3A_186 : i32 to vector<16xi32>
        tpu.vector_store_idx %arg14[%broadcast_in_dim3A_177, %iota3A, %broadcast_in_dim3A_187], %gather3A_185 : memref<4x16x128xf32, #tpu.memory_space<vmem>>[vector<16xi32>, vector<16xi32>, vector<16xi32>], vector<16xf32>,
        %broadcast_in_dim3A_188 = arith.constant 2 : i32
        %broadcast_in_dim3A_189 = vector.broadcast %broadcast_in_dim3A_188 : i32 to vector<16xi32>
        %gather3A_190 = tpu.vector_load_idx %arg13[%broadcast_in_dim3A_178, %broadcast_in_dim3A_189, %and3A_176] : memref<2x32x1024xf32, #tpu.memory_space<vmem>>[vector<16xi32>, vector<16xi32>, vector<16xi32>], vector<16xf32>,
        %broadcast_in_dim3A_191 = arith.constant 2 : i32
        %broadcast_in_dim3A_192 = vector.broadcast %broadcast_in_dim3A_191 : i32 to vector<16xi32>
        tpu.vector_store_idx %arg14[%broadcast_in_dim3A_177, %iota3A, %broadcast_in_dim3A_192], %gather3A_190 : memref<4x16x128xf32, #tpu.memory_space<vmem>>[vector<16xi32>, vector<16xi32>, vector<16xi32>], vector<16xf32>,
        %broadcast_in_dim3A_193 = arith.constant 3 : i32
        %broadcast_in_dim3A_194 = vector.broadcast %broadcast_in_dim3A_193 : i32 to vector<16xi32>
        %gather3A_195 = tpu.vector_load_idx %arg13[%broadcast_in_dim3A_178, %broadcast_in_dim3A_194, %and3A_176] : memref<2x32x1024xf32, #tpu.memory_space<vmem>>[vector<16xi32>, vector<16xi32>, vector<16xi32>], vector<16xf32>,
        %broadcast_in_dim3A_196 = arith.constant 3 : i32
        %broadcast_in_dim3A_197 = vector.broadcast %broadcast_in_dim3A_196 : i32 to vector<16xi32>
        tpu.vector_store_idx %arg14[%broadcast_in_dim3A_177, %iota3A, %broadcast_in_dim3A_197], %gather3A_195 : memref<4x16x128xf32, #tpu.memory_space<vmem>>[vector<16xi32>, vector<16xi32>, vector<16xi32>], vector<16xf32>,
        %broadcast_in_dim3A_198 = arith.constant 4 : i32
        %broadcast_in_dim3A_199 = vector.broadcast %broadcast_in_dim3A_198 : i32 to vector<16xi32>
        %gather3A_200 = tpu.vector_load_idx %arg13[%broadcast_in_dim3A_178, %broadcast_in_dim3A_199, %and3A_176] : memref<2x32x1024xf32, #tpu.memory_space<vmem>>[vector<16xi32>, vector<16xi32>, vector<16xi32>], vector<16xf32>,
        %broadcast_in_dim3A_201 = arith.constant 4 : i32
        %broadcast_in_dim3A_202 = vector.broadcast %broadcast_in_dim3A_201 : i32 to vector<16xi32>
        tpu.vector_store_idx %arg14[%broadcast_in_dim3A_177, %iota3A, %broadcast_in_dim3A_202], %gather3A_200 : memref<4x16x128xf32, #tpu.memory_space<vmem>>[vector<16xi32>, vector<16xi32>, vector<16xi32>], vector<16xf32>,
        %broadcast_in_dim3A_203 = arith.constant 5 : i32
        %broadcast_in_dim3A_204 = vector.broadcast %broadcast_in_dim3A_203 : i32 to vector<16xi32>
        %gather3A_205 = tpu.vector_load_idx %arg13[%broadcast_in_dim3A_178, %broadcast_in_dim3A_204, %and3A_176] : memref<2x32x1024xf32, #tpu.memory_space<vmem>>[vector<16xi32>, vector<16xi32>, vector<16xi32>], vector<16xf32>,
        %broadcast_in_dim3A_206 = arith.constant 5 : i32
        %broadcast_in_dim3A_207 = vector.broadcast %broadcast_in_dim3A_206 : i32 to vector<16xi32>
        tpu.vector_store_idx %arg14[%broadcast_in_dim3A_177, %iota3A, %broadcast_in_dim3A_207], %gather3A_205 : memref<4x16x128xf32, #tpu.memory_space<vmem>>[vector<16xi32>, vector<16xi32>, vector<16xi32>], vector<16xf32>,
        %broadcast_in_dim3A_208 = arith.constant 6 : i32
        %broadcast_in_dim3A_209 = vector.broadcast %broadcast_in_dim3A_208 : i32 to vector<16xi32>
        %gather3A_210 = tpu.vector_load_idx %arg13[%broadcast_in_dim3A_178, %broadcast_in_dim3A_209, %and3A_176] : memref<2x32x1024xf32, #tpu.memory_space<vmem>>[vector<16xi32>, vector<16xi32>, vector<16xi32>], vector<16xf32>,
        %broadcast_in_dim3A_211 = arith.constant 6 : i32
        %broadcast_in_dim3A_212 = vector.broadcast %broadcast_in_dim3A_211 : i32 to vector<16xi32>
        tpu.vector_store_idx %arg14[%broadcast_in_dim3A_177, %iota3A, %broadcast_in_dim3A_212], %gather3A_210 : memref<4x16x128xf32, #tpu.memory_space<vmem>>[vector<16xi32>, vector<16xi32>, vector<16xi32>], vector<16xf32>,
        %broadcast_in_dim3A_213 = arith.constant 7 : i32
        %broadcast_in_dim3A_214 = vector.broadcast %broadcast_in_dim3A_213 : i32 to vector<16xi32>
        %gather3A_215 = tpu.vector_load_idx %arg13[%broadcast_in_dim3A_178, %broadcast_in_dim3A_214, %and3A_176] : memref<2x32x1024xf32, #tpu.memory_space<vmem>>[vector<16xi32>, vector<16xi32>, vector<16xi32>], vector<16xf32>,
        %broadcast_in_dim3A_216 = arith.constant 7 : i32
        %broadcast_in_dim3A_217 = vector.broadcast %broadcast_in_dim3A_216 : i32 to vector<16xi32>
        tpu.vector_store_idx %arg14[%broadcast_in_dim3A_177, %iota3A, %broadcast_in_dim3A_217], %gather3A_215 : memref<4x16x128xf32, #tpu.memory_space<vmem>>[vector<16xi32>, vector<16xi32>, vector<16xi32>], vector<16xf32>,
        %broadcast_in_dim3A_218 = arith.constant 8 : i32
        %broadcast_in_dim3A_219 = vector.broadcast %broadcast_in_dim3A_218 : i32 to vector<16xi32>
        %gather3A_220 = tpu.vector_load_idx %arg13[%broadcast_in_dim3A_178, %broadcast_in_dim3A_219, %and3A_176] : memref<2x32x1024xf32, #tpu.memory_space<vmem>>[vector<16xi32>, vector<16xi32>, vector<16xi32>], vector<16xf32>,
        %broadcast_in_dim3A_221 = arith.constant 8 : i32
        %broadcast_in_dim3A_222 = vector.broadcast %broadcast_in_dim3A_221 : i32 to vector<16xi32>
        tpu.vector_store_idx %arg14[%broadcast_in_dim3A_177, %iota3A, %broadcast_in_dim3A_222], %gather3A_220 : memref<4x16x128xf32, #tpu.memory_space<vmem>>[vector<16xi32>, vector<16xi32>, vector<16xi32>], vector<16xf32>,
        %broadcast_in_dim3A_223 = arith.constant 9 : i32
        %broadcast_in_dim3A_224 = vector.broadcast %broadcast_in_dim3A_223 : i32 to vector<16xi32>
        %gather3A_225 = tpu.vector_load_idx %arg13[%broadcast_in_dim3A_178, %broadcast_in_dim3A_224, %and3A_176] : memref<2x32x1024xf32, #tpu.memory_space<vmem>>[vector<16xi32>, vector<16xi32>, vector<16xi32>], vector<16xf32>,
        %broadcast_in_dim3A_226 = arith.constant 9 : i32
        %broadcast_in_dim3A_227 = vector.broadcast %broadcast_in_dim3A_226 : i32 to vector<16xi32>
        tpu.vector_store_idx %arg14[%broadcast_in_dim3A_177, %iota3A, %broadcast_in_dim3A_227], %gather3A_225 : memref<4x16x128xf32, #tpu.memory_space<vmem>>[vector<16xi32>, vector<16xi32>, vector<16xi32>], vector<16xf32>,
        %broadcast_in_dim3A_228 = arith.constant 10 : i32
        %broadcast_in_dim3A_229 = vector.broadcast %broadcast_in_dim3A_228 : i32 to vector<16xi32>
        %gather3A_230 = tpu.vector_load_idx %arg13[%broadcast_in_dim3A_178, %broadcast_in_dim3A_229, %and3A_176] : memref<2x32x1024xf32, #tpu.memory_space<vmem>>[vector<16xi32>, vector<16xi32>, vector<16xi32>], vector<16xf32>,
        %broadcast_in_dim3A_231 = arith.constant 10 : i32
        %broadcast_in_dim3A_232 = vector.broadcast %broadcast_in_dim3A_231 : i32 to vector<16xi32>
        tpu.vector_store_idx %arg14[%broadcast_in_dim3A_177, %iota3A, %broadcast_in_dim3A_232], %gather3A_230 : memref<4x16x128xf32, #tpu.memory_space<vmem>>[vector<16xi32>, vector<16xi32>, vector<16xi32>], vector<16xf32>,
        %broadcast_in_dim3A_233 = arith.constant 11 : i32
        %broadcast_in_dim3A_234 = vector.broadcast %broadcast_in_dim3A_233 : i32 to vector<16xi32>
        %gather3A_235 = tpu.vector_load_idx %arg13[%broadcast_in_dim3A_178, %broadcast_in_dim3A_234, %and3A_176] : memref<2x32x1024xf32, #tpu.memory_space<vmem>>[vector<16xi32>, vector<16xi32>, vector<16xi32>], vector<16xf32>,
        %broadcast_in_dim3A_236 = arith.constant 11 : i32
        %broadcast_in_dim3A_237 = vector.broadcast %broadcast_in_dim3A_236 : i32 to vector<16xi32>
        tpu.vector_store_idx %arg14[%broadcast_in_dim3A_177, %iota3A, %broadcast_in_dim3A_237], %gather3A_235 : memref<4x16x128xf32, #tpu.memory_space<vmem>>[vector<16xi32>, vector<16xi32>, vector<16xi32>], vector<16xf32>,
        %broadcast_in_dim3A_238 = arith.constant 12 : i32
        %broadcast_in_dim3A_239 = vector.broadcast %broadcast_in_dim3A_238 : i32 to vector<16xi32>
        %gather3A_240 = tpu.vector_load_idx %arg13[%broadcast_in_dim3A_178, %broadcast_in_dim3A_239, %and3A_176] : memref<2x32x1024xf32, #tpu.memory_space<vmem>>[vector<16xi32>, vector<16xi32>, vector<16xi32>], vector<16xf32>,
        %broadcast_in_dim3A_241 = arith.constant 12 : i32
        %broadcast_in_dim3A_242 = vector.broadcast %broadcast_in_dim3A_241 : i32 to vector<16xi32>
        tpu.vector_store_idx %arg14[%broadcast_in_dim3A_177, %iota3A, %broadcast_in_dim3A_242], %gather3A_240 : memref<4x16x128xf32, #tpu.memory_space<vmem>>[vector<16xi32>, vector<16xi32>, vector<16xi32>], vector<16xf32>,
        %broadcast_in_dim3A_243 = arith.constant 13 : i32
        %broadcast_in_dim3A_244 = vector.broadcast %broadcast_in_dim3A_243 : i32 to vector<16xi32>
        %gather3A_245 = tpu.vector_load_idx %arg13[%broadcast_in_dim3A_178, %broadcast_in_dim3A_244, %and3A_176] : memref<2x32x1024xf32, #tpu.memory_space<vmem>>[vector<16xi32>, vector<16xi32>, vector<16xi32>], vector<16xf32>,
        %broadcast_in_dim3A_246 = arith.constant 13 : i32
        %broadcast_in_dim3A_247 = vector.broadcast %broadcast_in_dim3A_246 : i32 to vector<16xi32>
        tpu.vector_store_idx %arg14[%broadcast_in_dim3A_177, %iota3A, %broadcast_in_dim3A_247], %gather3A_245 : memref<4x16x128xf32, #tpu.memory_space<vmem>>[vector<16xi32>, vector<16xi32>, vector<16xi32>], vector<16xf32>,
        %broadcast_in_dim3A_248 = arith.constant 14 : i32
        %broadcast_in_dim3A_249 = vector.broadcast %broadcast_in_dim3A_248 : i32 to vector<16xi32>
        %gather3A_250 = tpu.vector_load_idx %arg13[%broadcast_in_dim3A_178, %broadcast_in_dim3A_249, %and3A_176] : memref<2x32x1024xf32, #tpu.memory_space<vmem>>[vector<16xi32>, vector<16xi32>, vector<16xi32>], vector<16xf32>,
        %broadcast_in_dim3A_251 = arith.constant 14 : i32
        %broadcast_in_dim3A_252 = vector.broadcast %broadcast_in_dim3A_251 : i32 to vector<16xi32>
        tpu.vector_store_idx %arg14[%broadcast_in_dim3A_177, %iota3A, %broadcast_in_dim3A_252], %gather3A_250 : memref<4x16x128xf32, #tpu.memory_space<vmem>>[vector<16xi32>, vector<16xi32>, vector<16xi32>], vector<16xf32>,
        %broadcast_in_dim3A_253 = arith.constant 15 : i32
        %broadcast_in_dim3A_254 = vector.broadcast %broadcast_in_dim3A_253 : i32 to vector<16xi32>
        %gather3A_255 = tpu.vector_load_idx %arg13[%broadcast_in_dim3A_178, %broadcast_in_dim3A_254, %and3A_176] : memref<2x32x1024xf32, #tpu.memory_space<vmem>>[vector<16xi32>, vector<16xi32>, vector<16xi32>], vector<16xf32>,
        %broadcast_in_dim3A_256 = arith.constant 15 : i32
        %broadcast_in_dim3A_257 = vector.broadcast %broadcast_in_dim3A_256 : i32 to vector<16xi32>
        tpu.vector_store_idx %arg14[%broadcast_in_dim3A_177, %iota3A, %broadcast_in_dim3A_257], %gather3A_255 : memref<4x16x128xf32, #tpu.memory_space<vmem>>[vector<16xi32>, vector<16xi32>, vector<16xi32>], vector<16xf32>,
        %broadcast_in_dim3A_258 = arith.constant 16 : i32
        %broadcast_in_dim3A_259 = vector.broadcast %broadcast_in_dim3A_258 : i32 to vector<16xi32>
        %gather3A_260 = tpu.vector_load_idx %arg13[%broadcast_in_dim3A_178, %broadcast_in_dim3A_259, %and3A_176] : memref<2x32x1024xf32, #tpu.memory_space<vmem>>[vector<16xi32>, vector<16xi32>, vector<16xi32>], vector<16xf32>,
        %broadcast_in_dim3A_261 = arith.constant 16 : i32
        %broadcast_in_dim3A_262 = vector.broadcast %broadcast_in_dim3A_261 : i32 to vector<16xi32>
        tpu.vector_store_idx %arg14[%broadcast_in_dim3A_177, %iota3A, %broadcast_in_dim3A_262], %gather3A_260 : memref<4x16x128xf32, #tpu.memory_space<vmem>>[vector<16xi32>, vector<16xi32>, vector<16xi32>], vector<16xf32>,
        %broadcast_in_dim3A_263 = arith.constant 17 : i32
        %broadcast_in_dim3A_264 = vector.broadcast %broadcast_in_dim3A_263 : i32 to vector<16xi32>
        %gather3A_265 = tpu.vector_load_idx %arg13[%broadcast_in_dim3A_178, %broadcast_in_dim3A_264, %and3A_176] : memref<2x32x1024xf32, #tpu.memory_space<vmem>>[vector<16xi32>, vector<16xi32>, vector<16xi32>], vector<16xf32>,
        %broadcast_in_dim3A_266 = arith.constant 17 : i32
        %broadcast_in_dim3A_267 = vector.broadcast %broadcast_in_dim3A_266 : i32 to vector<16xi32>
        tpu.vector_store_idx %arg14[%broadcast_in_dim3A_177, %iota3A, %broadcast_in_dim3A_267], %gather3A_265 : memref<4x16x128xf32, #tpu.memory_space<vmem>>[vector<16xi32>, vector<16xi32>, vector<16xi32>], vector<16xf32>,
        %broadcast_in_dim3A_268 = arith.constant 18 : i32
        %broadcast_in_dim3A_269 = vector.broadcast %broadcast_in_dim3A_268 : i32 to vector<16xi32>
        %gather3A_270 = tpu.vector_load_idx %arg13[%broadcast_in_dim3A_178, %broadcast_in_dim3A_269, %and3A_176] : memref<2x32x1024xf32, #tpu.memory_space<vmem>>[vector<16xi32>, vector<16xi32>, vector<16xi32>], vector<16xf32>,
        %broadcast_in_dim3A_271 = arith.constant 18 : i32
        %broadcast_in_dim3A_272 = vector.broadcast %broadcast_in_dim3A_271 : i32 to vector<16xi32>
        tpu.vector_store_idx %arg14[%broadcast_in_dim3A_177, %iota3A, %broadcast_in_dim3A_272], %gather3A_270 : memref<4x16x128xf32, #tpu.memory_space<vmem>>[vector<16xi32>, vector<16xi32>, vector<16xi32>], vector<16xf32>,
        %broadcast_in_dim3A_273 = arith.constant 19 : i32
        %broadcast_in_dim3A_274 = vector.broadcast %broadcast_in_dim3A_273 : i32 to vector<16xi32>
        %gather3A_275 = tpu.vector_load_idx %arg13[%broadcast_in_dim3A_178, %broadcast_in_dim3A_274, %and3A_176] : memref<2x32x1024xf32, #tpu.memory_space<vmem>>[vector<16xi32>, vector<16xi32>, vector<16xi32>], vector<16xf32>,
        %broadcast_in_dim3A_276 = arith.constant 19 : i32
        %broadcast_in_dim3A_277 = vector.broadcast %broadcast_in_dim3A_276 : i32 to vector<16xi32>
        tpu.vector_store_idx %arg14[%broadcast_in_dim3A_177, %iota3A, %broadcast_in_dim3A_277], %gather3A_275 : memref<4x16x128xf32, #tpu.memory_space<vmem>>[vector<16xi32>, vector<16xi32>, vector<16xi32>], vector<16xf32>,
        %broadcast_in_dim3A_278 = arith.constant 20 : i32
        %broadcast_in_dim3A_279 = vector.broadcast %broadcast_in_dim3A_278 : i32 to vector<16xi32>
        %gather3A_280 = tpu.vector_load_idx %arg13[%broadcast_in_dim3A_178, %broadcast_in_dim3A_279, %and3A_176] : memref<2x32x1024xf32, #tpu.memory_space<vmem>>[vector<16xi32>, vector<16xi32>, vector<16xi32>], vector<16xf32>,
        %broadcast_in_dim3A_281 = arith.constant 20 : i32
        %broadcast_in_dim3A_282 = vector.broadcast %broadcast_in_dim3A_281 : i32 to vector<16xi32>
        tpu.vector_store_idx %arg14[%broadcast_in_dim3A_177, %iota3A, %broadcast_in_dim3A_282], %gather3A_280 : memref<4x16x128xf32, #tpu.memory_space<vmem>>[vector<16xi32>, vector<16xi32>, vector<16xi32>], vector<16xf32>,
        %broadcast_in_dim3A_283 = arith.constant 21 : i32
        %broadcast_in_dim3A_284 = vector.broadcast %broadcast_in_dim3A_283 : i32 to vector<16xi32>
        %gather3A_285 = tpu.vector_load_idx %arg13[%broadcast_in_dim3A_178, %broadcast_in_dim3A_284, %and3A_176] : memref<2x32x1024xf32, #tpu.memory_space<vmem>>[vector<16xi32>, vector<16xi32>, vector<16xi32>], vector<16xf32>,
        %broadcast_in_dim3A_286 = arith.constant 21 : i32
        %broadcast_in_dim3A_287 = vector.broadcast %broadcast_in_dim3A_286 : i32 to vector<16xi32>
        tpu.vector_store_idx %arg14[%broadcast_in_dim3A_177, %iota3A, %broadcast_in_dim3A_287], %gather3A_285 : memref<4x16x128xf32, #tpu.memory_space<vmem>>[vector<16xi32>, vector<16xi32>, vector<16xi32>], vector<16xf32>,
        %broadcast_in_dim3A_288 = arith.constant 22 : i32
        %broadcast_in_dim3A_289 = vector.broadcast %broadcast_in_dim3A_288 : i32 to vector<16xi32>
        %gather3A_290 = tpu.vector_load_idx %arg13[%broadcast_in_dim3A_178, %broadcast_in_dim3A_289, %and3A_176] : memref<2x32x1024xf32, #tpu.memory_space<vmem>>[vector<16xi32>, vector<16xi32>, vector<16xi32>], vector<16xf32>,
        %broadcast_in_dim3A_291 = arith.constant 22 : i32
        %broadcast_in_dim3A_292 = vector.broadcast %broadcast_in_dim3A_291 : i32 to vector<16xi32>
        tpu.vector_store_idx %arg14[%broadcast_in_dim3A_177, %iota3A, %broadcast_in_dim3A_292], %gather3A_290 : memref<4x16x128xf32, #tpu.memory_space<vmem>>[vector<16xi32>, vector<16xi32>, vector<16xi32>], vector<16xf32>,
        %broadcast_in_dim3A_293 = arith.constant 23 : i32
        %broadcast_in_dim3A_294 = vector.broadcast %broadcast_in_dim3A_293 : i32 to vector<16xi32>
        %gather3A_295 = tpu.vector_load_idx %arg13[%broadcast_in_dim3A_178, %broadcast_in_dim3A_294, %and3A_176] : memref<2x32x1024xf32, #tpu.memory_space<vmem>>[vector<16xi32>, vector<16xi32>, vector<16xi32>], vector<16xf32>,
        %broadcast_in_dim3A_296 = arith.constant 23 : i32
        %broadcast_in_dim3A_297 = vector.broadcast %broadcast_in_dim3A_296 : i32 to vector<16xi32>
        tpu.vector_store_idx %arg14[%broadcast_in_dim3A_177, %iota3A, %broadcast_in_dim3A_297], %gather3A_295 : memref<4x16x128xf32, #tpu.memory_space<vmem>>[vector<16xi32>, vector<16xi32>, vector<16xi32>], vector<16xf32>,
        %broadcast_in_dim3A_298 = arith.constant 24 : i32
        %broadcast_in_dim3A_299 = vector.broadcast %broadcast_in_dim3A_298 : i32 to vector<16xi32>
        %gather3A_300 = tpu.vector_load_idx %arg13[%broadcast_in_dim3A_178, %broadcast_in_dim3A_299, %and3A_176] : memref<2x32x1024xf32, #tpu.memory_space<vmem>>[vector<16xi32>, vector<16xi32>, vector<16xi32>], vector<16xf32>,
        %broadcast_in_dim3A_301 = arith.constant 24 : i32
        %broadcast_in_dim3A_302 = vector.broadcast %broadcast_in_dim3A_301 : i32 to vector<16xi32>
        tpu.vector_store_idx %arg14[%broadcast_in_dim3A_177, %iota3A, %broadcast_in_dim3A_302], %gather3A_300 : memref<4x16x128xf32, #tpu.memory_space<vmem>>[vector<16xi32>, vector<16xi32>, vector<16xi32>], vector<16xf32>,
        %broadcast_in_dim3A_303 = arith.constant 25 : i32
        %broadcast_in_dim3A_304 = vector.broadcast %broadcast_in_dim3A_303 : i32 to vector<16xi32>
        %gather3A_305 = tpu.vector_load_idx %arg13[%broadcast_in_dim3A_178, %broadcast_in_dim3A_304, %and3A_176] : memref<2x32x1024xf32, #tpu.memory_space<vmem>>[vector<16xi32>, vector<16xi32>, vector<16xi32>], vector<16xf32>,
        %broadcast_in_dim3A_306 = arith.constant 25 : i32
        %broadcast_in_dim3A_307 = vector.broadcast %broadcast_in_dim3A_306 : i32 to vector<16xi32>
        tpu.vector_store_idx %arg14[%broadcast_in_dim3A_177, %iota3A, %broadcast_in_dim3A_307], %gather3A_305 : memref<4x16x128xf32, #tpu.memory_space<vmem>>[vector<16xi32>, vector<16xi32>, vector<16xi32>], vector<16xf32>,
        %broadcast_in_dim3A_308 = arith.constant 26 : i32
        %broadcast_in_dim3A_309 = vector.broadcast %broadcast_in_dim3A_308 : i32 to vector<16xi32>
        %gather3A_310 = tpu.vector_load_idx %arg13[%broadcast_in_dim3A_178, %broadcast_in_dim3A_309, %and3A_176] : memref<2x32x1024xf32, #tpu.memory_space<vmem>>[vector<16xi32>, vector<16xi32>, vector<16xi32>], vector<16xf32>,
        %broadcast_in_dim3A_311 = arith.constant 26 : i32
        %broadcast_in_dim3A_312 = vector.broadcast %broadcast_in_dim3A_311 : i32 to vector<16xi32>
        tpu.vector_store_idx %arg14[%broadcast_in_dim3A_177, %iota3A, %broadcast_in_dim3A_312], %gather3A_310 : memref<4x16x128xf32, #tpu.memory_space<vmem>>[vector<16xi32>, vector<16xi32>, vector<16xi32>], vector<16xf32>,
        %broadcast_in_dim3A_313 = arith.constant 27 : i32
        %broadcast_in_dim3A_314 = vector.broadcast %broadcast_in_dim3A_313 : i32 to vector<16xi32>
        %gather3A_315 = tpu.vector_load_idx %arg13[%broadcast_in_dim3A_178, %broadcast_in_dim3A_314, %and3A_176] : memref<2x32x1024xf32, #tpu.memory_space<vmem>>[vector<16xi32>, vector<16xi32>, vector<16xi32>], vector<16xf32>,
        %broadcast_in_dim3A_316 = arith.constant 27 : i32
        %broadcast_in_dim3A_317 = vector.broadcast %broadcast_in_dim3A_316 : i32 to vector<16xi32>
        tpu.vector_store_idx %arg14[%broadcast_in_dim3A_177, %iota3A, %broadcast_in_dim3A_317], %gather3A_315 : memref<4x16x128xf32, #tpu.memory_space<vmem>>[vector<16xi32>, vector<16xi32>, vector<16xi32>], vector<16xf32>,
        %broadcast_in_dim3A_318 = arith.constant 28 : i32
        %broadcast_in_dim3A_319 = vector.broadcast %broadcast_in_dim3A_318 : i32 to vector<16xi32>
        %gather3A_320 = tpu.vector_load_idx %arg13[%broadcast_in_dim3A_178, %broadcast_in_dim3A_319, %and3A_176] : memref<2x32x1024xf32, #tpu.memory_space<vmem>>[vector<16xi32>, vector<16xi32>, vector<16xi32>], vector<16xf32>,
        %broadcast_in_dim3A_321 = arith.constant 28 : i32
        %broadcast_in_dim3A_322 = vector.broadcast %broadcast_in_dim3A_321 : i32 to vector<16xi32>
        tpu.vector_store_idx %arg14[%broadcast_in_dim3A_177, %iota3A, %broadcast_in_dim3A_322], %gather3A_320 : memref<4x16x128xf32, #tpu.memory_space<vmem>>[vector<16xi32>, vector<16xi32>, vector<16xi32>], vector<16xf32>,
        %broadcast_in_dim3A_323 = arith.constant 29 : i32
        %broadcast_in_dim3A_324 = vector.broadcast %broadcast_in_dim3A_323 : i32 to vector<16xi32>
        %gather3A_325 = tpu.vector_load_idx %arg13[%broadcast_in_dim3A_178, %broadcast_in_dim3A_324, %and3A_176] : memref<2x32x1024xf32, #tpu.memory_space<vmem>>[vector<16xi32>, vector<16xi32>, vector<16xi32>], vector<16xf32>,
        %broadcast_in_dim3A_326 = arith.constant 29 : i32
        %broadcast_in_dim3A_327 = vector.broadcast %broadcast_in_dim3A_326 : i32 to vector<16xi32>
        tpu.vector_store_idx %arg14[%broadcast_in_dim3A_177, %iota3A, %broadcast_in_dim3A_327], %gather3A_325 : memref<4x16x128xf32, #tpu.memory_space<vmem>>[vector<16xi32>, vector<16xi32>, vector<16xi32>], vector<16xf32>,
        %broadcast_in_dim3A_328 = arith.constant 30 : i32
        %broadcast_in_dim3A_329 = vector.broadcast %broadcast_in_dim3A_328 : i32 to vector<16xi32>
        %gather3A_330 = tpu.vector_load_idx %arg13[%broadcast_in_dim3A_178, %broadcast_in_dim3A_329, %and3A_176] : memref<2x32x1024xf32, #tpu.memory_space<vmem>>[vector<16xi32>, vector<16xi32>, vector<16xi32>], vector<16xf32>,
        %broadcast_in_dim3A_331 = arith.constant 30 : i32
        %broadcast_in_dim3A_332 = vector.broadcast %broadcast_in_dim3A_331 : i32 to vector<16xi32>
        tpu.vector_store_idx %arg14[%broadcast_in_dim3A_177, %iota3A, %broadcast_in_dim3A_332], %gather3A_330 : memref<4x16x128xf32, #tpu.memory_space<vmem>>[vector<16xi32>, vector<16xi32>, vector<16xi32>], vector<16xf32>,
        %broadcast_in_dim3A_333 = arith.constant 31 : i32
        %broadcast_in_dim3A_334 = vector.broadcast %broadcast_in_dim3A_333 : i32 to vector<16xi32>
        %gather3A_335 = tpu.vector_load_idx %arg13[%broadcast_in_dim3A_178, %broadcast_in_dim3A_334, %and3A_176] : memref<2x32x1024xf32, #tpu.memory_space<vmem>>[vector<16xi32>, vector<16xi32>, vector<16xi32>], vector<16xf32>,
        %broadcast_in_dim3A_336 = arith.constant 31 : i32
        %broadcast_in_dim3A_337 = vector.broadcast %broadcast_in_dim3A_336 : i32 to vector<16xi32>
        tpu.vector_store_idx %arg14[%broadcast_in_dim3A_177, %iota3A, %broadcast_in_dim3A_337], %gather3A_335 : memref<4x16x128xf32, #tpu.memory_space<vmem>>[vector<16xi32>, vector<16xi32>, vector<16xi32>], vector<16xf32>,
        %add3A_338 = arith.constant 16384 : i32
        %add3A_339 = vector.broadcast %add3A_338 : i32 to vector<16xi32>
        %add3A_340 = arith.addi %add3A_339, %iota3A : vector<16xi32>
        %select_n3A = arith.select %lt3A_174, %get3A_169, %add3A_340 : vector<16xi1>, vector<16xi32>
        tpu.vector_store_idx %arg15[%broadcast_in_dim3A_177, %iota3A], %select_n3A : memref<4x16xi32, #tpu.memory_space<vmem>>[vector<16xi32>, vector<16xi32>], vector<16xi32>,
        %dma_start3A = arith.constant 0 : i32
        %dma_start3A_341 = arith.constant 0 : i32
        %dma_start3A_342 = tpu.memref_slice %arg14[%rem3A_154, %dma_start3A, %dma_start3A_341] : memref<4x16x128xf32, #tpu.memory_space<vmem>> -> memref<1x16x128xf32, #tpu.memory_space<vmem>>
        %dma_start3A_343 = tpu.memref_squeeze %dma_start3A_342 : memref<1x16x128xf32, #tpu.memory_space<vmem>> -> memref<16x128xf32, #tpu.memory_space<vmem>>
        %dma_start3A_344 = arith.constant 0 : i32
        %dma_start3A_345 = tpu.memref_slice %arg15[%rem3A_154, %dma_start3A_344] : memref<4x16xi32, #tpu.memory_space<vmem>> -> memref<1x16xi32, #tpu.memory_space<vmem>>
        %dma_start3A_346 = tpu.memref_squeeze %dma_start3A_345 : memref<1x16xi32, #tpu.memory_space<vmem>> -> memref<16xi32, #tpu.memory_space<vmem>>
        %dma_start3A_347 = arith.constant 0 : i32
        %dma_start3A_348 = arith.constant 0 : i32
        %dma_start3A_349 = tpu.memref_slice %arg5[%dma_start3A_347, %dma_start3A_348] : memref<16400x128xf32, #tpu.memory_space<hbm>> -> memref<16400x128xf32, #tpu.memory_space<hbm>>
        tpu.enqueue_indirect_dma source(%dma_start3A_343 : memref<16x128xf32, #tpu.memory_space<vmem>>) target(%dma_start3A_349 : memref<16400x128xf32, #tpu.memory_space<hbm>>) offsets(%dma_start3A_346 : memref<16xi32, #tpu.memory_space<vmem>>) semaphore(%arg17 : memref<!tpu.dma_semaphore, #tpu.memory_space<semaphore_mem>>)
        %add3A_350 = arith.constant 1 : i32
        %add3A_351 = arith.addi %while3A_152, %add3A_350 : i32
        scf.yield %add3A_351 : i32
      }
      scf.yield %while3A_150 : i32
    }
    %add3A_64 = arith.constant 0 : i32
    %add3A_65 = arith.addi %add3A_10, %add3A_64 : i32
    %ne3A_66 = arith.constant 976 : i32
    %ne3A_67 = arith.cmpi ne, %add3A_65, %ne3A_66 : i32
    %convert_element_type3A_68 = arith.extui %ne3A_67 : i1 to i32
    %cond3A_69 = arith.constant 0 : i32
    %cond3A_70 = arith.constant 0 : i32
    %cond3A_71 = arith.cmpi ne, %convert_element_type3A_68, %cond3A_70 : i32
    scf.if %cond3A_71 {
      %mul3A_102 = arith.constant 1024 : i32
      %mul3A_103 = arith.muli %add3A_65, %mul3A_102 : i32
      %multiple_of3A = tpu.assume_multiple %mul3A_103, 1024 : i32
      %dma_start3A = arith.constant 0 : i32
      %dma_start3A_104 = arith.constant 0 : i32
      %dma_start3A_105 = tpu.memref_slice %arg13[%cond3A_69, %dma_start3A, %dma_start3A_104] : memref<2x32x1024xf32, #tpu.memory_space<vmem>> -> memref<1x32x1024xf32, #tpu.memory_space<vmem>>
      %dma_start3A_106 = tpu.memref_squeeze %dma_start3A_105 : memref<1x32x1024xf32, #tpu.memory_space<vmem>> -> memref<32x1024xf32, #tpu.memory_space<vmem>>
      %dma_start3A_107 = arith.constant 32 : i32
      %dma_start3A_108 = tpu.memref_slice %arg3[%dma_start3A_107, %multiple_of3A] : memref<64x1000000xf32, #tpu.memory_space<hbm>> -> memref<32x1024xf32, #tpu.memory_space<hbm>>
      %dma_start3A_109 = arith.constant 0 : i32
      %dma_start3A_110 = arith.constant 0 : i32
      %dma_start3A_111 = tpu.memref_slice %arg13[%cond3A_69, %dma_start3A_109, %dma_start3A_110] : memref<2x32x1024xf32, #tpu.memory_space<vmem>> -> memref<1x32x1024xf32, #tpu.memory_space<vmem>>
      %dma_start3A_112 = tpu.memref_squeeze %dma_start3A_111 : memref<1x32x1024xf32, #tpu.memory_space<vmem>> -> memref<32x1024xf32, #tpu.memory_space<vmem>>
      %dma_start3A_113 = arith.constant 32 : i32
      %dma_start3A_114 = tpu.memref_slice %arg3[%dma_start3A_113, %multiple_of3A] : memref<64x1000000xf32, #tpu.memory_space<hbm>> -> memref<32x1024xf32, #tpu.memory_space<hbm>>
      tpu.enqueue_dma source(%dma_start3A_114 : memref<32x1024xf32, #tpu.memory_space<hbm>>) target(%dma_start3A_112 : memref<32x1024xf32, #tpu.memory_space<vmem>>) target_semaphore(%arg16 : memref<!tpu.dma_semaphore, #tpu.memory_space<semaphore_mem>>)
    } else {
    }
    %eq3A_72 = arith.constant 976 : i32
    %eq3A_73 = arith.cmpi eq, %add3A_65, %eq3A_72 : i32
    %convert_element_type3A_74 = arith.extui %eq3A_73 : i1 to i32
    %cond3A_75 = arith.constant 0 : i32
    %cond3A_76 = arith.constant 0 : i32
    %cond3A_77 = arith.cmpi ne, %convert_element_type3A_74, %cond3A_76 : i32
    scf.if %cond3A_77 {
      %dma_start3A = arith.constant 0 : i32
      %dma_start3A_102 = arith.constant 0 : i32
      %dma_start3A_103 = tpu.memref_slice %arg13[%cond3A_75, %dma_start3A, %dma_start3A_102] : memref<2x32x1024xf32, #tpu.memory_space<vmem>> -> memref<1x32x1024xf32, #tpu.memory_space<vmem>>
      %dma_start3A_104 = tpu.memref_squeeze %dma_start3A_103 : memref<1x32x1024xf32, #tpu.memory_space<vmem>> -> memref<32x1024xf32, #tpu.memory_space<vmem>>
      %dma_start3A_105 = arith.constant 32 : i32
      %dma_start3A_106 = arith.constant 0 : i32
      %dma_start3A_107 = tpu.memref_slice %arg4[%dma_start3A_105, %dma_start3A_106] : memref<64x1024xf32, #tpu.memory_space<hbm>> -> memref<32x1024xf32, #tpu.memory_space<hbm>>
      %dma_start3A_108 = arith.constant 0 : i32
      %dma_start3A_109 = arith.constant 0 : i32
      %dma_start3A_110 = tpu.memref_slice %arg13[%cond3A_75, %dma_start3A_108, %dma_start3A_109] : memref<2x32x1024xf32, #tpu.memory_space<vmem>> -> memref<1x32x1024xf32, #tpu.memory_space<vmem>>
      %dma_start3A_111 = tpu.memref_squeeze %dma_start3A_110 : memref<1x32x1024xf32, #tpu.memory_space<vmem>> -> memref<32x1024xf32, #tpu.memory_space<vmem>>
      %dma_start3A_112 = arith.constant 32 : i32
      %dma_start3A_113 = arith.constant 0 : i32
      %dma_start3A_114 = tpu.memref_slice %arg4[%dma_start3A_112, %dma_start3A_113] : memref<64x1024xf32, #tpu.memory_space<hbm>> -> memref<32x1024xf32, #tpu.memory_space<hbm>>
      tpu.enqueue_dma source(%dma_start3A_114 : memref<32x1024xf32, #tpu.memory_space<hbm>>) target(%dma_start3A_111 : memref<32x1024xf32, #tpu.memory_space<vmem>>) target_semaphore(%arg16 : memref<!tpu.dma_semaphore, #tpu.memory_space<semaphore_mem>>)
    } else {
    }
    %while3A_78 = arith.constant 0 : i32
    %while3A_79 = arith.subi %add3A_14, %while3A_78 : i32
    %while3A_80 = arith.addi %while3A_78, %while3A_79 : i32
    %while3A_81 = arith.constant 1 : i32
    %while3A_82 = arith.divsi %while3A_79, %while3A_81 : i32
    %while3A_83 = arith.muli %while3A_82, %while3A_81 : i32
    %while3A_84 = arith.addi %while3A_78, %while3A_83 : i32
    %while3A_85 = arith.constant 1 : i32
    %while3A_86 = scf.for %while3A_102 = %while3A_78 to %while3A_84 step %while3A_85 iter_args(%while3A_103 = %while3A_63) -> (i32)  : i32 {
      %rem3A = arith.constant 2 : i32
      %rem3A_104 = arith.remsi %while3A_102, %rem3A : i32
      %dma_wait3A = arith.constant 0 : i32
      %dma_wait3A_105 = arith.constant 0 : i32
      %dma_wait3A_106 = tpu.memref_slice %arg13[%rem3A_104, %dma_wait3A, %dma_wait3A_105] : memref<2x32x1024xf32, #tpu.memory_space<vmem>> -> memref<1x32x1024xf32, #tpu.memory_space<vmem>>
      %dma_wait3A_107 = tpu.memref_squeeze %dma_wait3A_106 : memref<1x32x1024xf32, #tpu.memory_space<vmem>> -> memref<32x1024xf32, #tpu.memory_space<vmem>>
      %dma_wait3A_108 = arith.constant 0 : i32
      %dma_wait3A_109 = arith.constant 0 : i32
      %dma_wait3A_110 = tpu.memref_slice %arg3[%dma_wait3A_108, %dma_wait3A_109] : memref<64x1000000xf32, #tpu.memory_space<hbm>> -> memref<32x1024xf32, #tpu.memory_space<hbm>>
      %dma_wait3A_111 = arith.constant 0 : i32
      %dma_wait3A_112 = arith.constant 0 : i32
      %dma_wait3A_113 = tpu.memref_slice %arg13[%rem3A_104, %dma_wait3A_111, %dma_wait3A_112] : memref<2x32x1024xf32, #tpu.memory_space<vmem>> -> memref<1x32x1024xf32, #tpu.memory_space<vmem>>
      %dma_wait3A_114 = tpu.memref_squeeze %dma_wait3A_113 : memref<1x32x1024xf32, #tpu.memory_space<vmem>> -> memref<32x1024xf32, #tpu.memory_space<vmem>>
      %dma_wait3A_115 = arith.constant 0 : i32
      %dma_wait3A_116 = arith.constant 0 : i32
      %dma_wait3A_117 = tpu.memref_slice %arg3[%dma_wait3A_115, %dma_wait3A_116] : memref<64x1000000xf32, #tpu.memory_space<hbm>> -> memref<32x1024xf32, #tpu.memory_space<hbm>>
      tpu.wait_dma2 semaphore(%arg16 : memref<!tpu.dma_semaphore, #tpu.memory_space<semaphore_mem>>) src(%dma_wait3A_117 : memref<32x1024xf32, #tpu.memory_space<hbm>>) dst(%dma_wait3A_114 : memref<32x1024xf32, #tpu.memory_space<vmem>>)
      %add3A_118 = arith.constant 1 : i32
      %add3A_119 = arith.addi %while3A_102, %add3A_118 : i32
      %lt3A = arith.cmpi slt, %add3A_119, %add3A_14 : i32
      %convert_element_type3A_120 = arith.extui %lt3A : i1 to i32
      %cond3A_121 = arith.constant 0 : i32
      %cond3A_122 = arith.cmpi ne, %convert_element_type3A_120, %cond3A_121 : i32
      scf.if %cond3A_122 {
        %add3A_151 = arith.constant 1 : i32
        %add3A_152 = arith.addi %while3A_102, %add3A_151 : i32
        %add3A_153 = arith.constant 1 : i32
        %add3A_154 = arith.addi %while3A_102, %add3A_153 : i32
        %rem3A_155 = arith.constant 2 : i32
        %rem3A_156 = arith.remsi %add3A_154, %rem3A_155 : i32
        %add3A_157 = arith.addi %add3A_10, %add3A_152 : i32
        %ne3A_158 = arith.constant 976 : i32
        %ne3A_159 = arith.cmpi ne, %add3A_157, %ne3A_158 : i32
        %convert_element_type3A_160 = arith.extui %ne3A_159 : i1 to i32
        %cond3A_161 = arith.constant 0 : i32
        %cond3A_162 = arith.cmpi ne, %convert_element_type3A_160, %cond3A_161 : i32
        scf.if %cond3A_162 {
          %mul3A_168 = arith.constant 1024 : i32
          %mul3A_169 = arith.muli %add3A_157, %mul3A_168 : i32
          %multiple_of3A = tpu.assume_multiple %mul3A_169, 1024 : i32
          %dma_start3A = arith.constant 0 : i32
          %dma_start3A_170 = arith.constant 0 : i32
          %dma_start3A_171 = tpu.memref_slice %arg13[%rem3A_156, %dma_start3A, %dma_start3A_170] : memref<2x32x1024xf32, #tpu.memory_space<vmem>> -> memref<1x32x1024xf32, #tpu.memory_space<vmem>>
          %dma_start3A_172 = tpu.memref_squeeze %dma_start3A_171 : memref<1x32x1024xf32, #tpu.memory_space<vmem>> -> memref<32x1024xf32, #tpu.memory_space<vmem>>
          %dma_start3A_173 = arith.constant 32 : i32
          %dma_start3A_174 = tpu.memref_slice %arg3[%dma_start3A_173, %multiple_of3A] : memref<64x1000000xf32, #tpu.memory_space<hbm>> -> memref<32x1024xf32, #tpu.memory_space<hbm>>
          %dma_start3A_175 = arith.constant 0 : i32
          %dma_start3A_176 = arith.constant 0 : i32
          %dma_start3A_177 = tpu.memref_slice %arg13[%rem3A_156, %dma_start3A_175, %dma_start3A_176] : memref<2x32x1024xf32, #tpu.memory_space<vmem>> -> memref<1x32x1024xf32, #tpu.memory_space<vmem>>
          %dma_start3A_178 = tpu.memref_squeeze %dma_start3A_177 : memref<1x32x1024xf32, #tpu.memory_space<vmem>> -> memref<32x1024xf32, #tpu.memory_space<vmem>>
          %dma_start3A_179 = arith.constant 32 : i32
          %dma_start3A_180 = tpu.memref_slice %arg3[%dma_start3A_179, %multiple_of3A] : memref<64x1000000xf32, #tpu.memory_space<hbm>> -> memref<32x1024xf32, #tpu.memory_space<hbm>>
          tpu.enqueue_dma source(%dma_start3A_180 : memref<32x1024xf32, #tpu.memory_space<hbm>>) target(%dma_start3A_178 : memref<32x1024xf32, #tpu.memory_space<vmem>>) target_semaphore(%arg16 : memref<!tpu.dma_semaphore, #tpu.memory_space<semaphore_mem>>)
        } else {
        }
        %eq3A_163 = arith.constant 976 : i32
        %eq3A_164 = arith.cmpi eq, %add3A_157, %eq3A_163 : i32
        %convert_element_type3A_165 = arith.extui %eq3A_164 : i1 to i32
        %cond3A_166 = arith.constant 0 : i32
        %cond3A_167 = arith.cmpi ne, %convert_element_type3A_165, %cond3A_166 : i32
        scf.if %cond3A_167 {
          %dma_start3A = arith.constant 0 : i32
          %dma_start3A_168 = arith.constant 0 : i32
          %dma_start3A_169 = tpu.memref_slice %arg13[%rem3A_156, %dma_start3A, %dma_start3A_168] : memref<2x32x1024xf32, #tpu.memory_space<vmem>> -> memref<1x32x1024xf32, #tpu.memory_space<vmem>>
          %dma_start3A_170 = tpu.memref_squeeze %dma_start3A_169 : memref<1x32x1024xf32, #tpu.memory_space<vmem>> -> memref<32x1024xf32, #tpu.memory_space<vmem>>
          %dma_start3A_171 = arith.constant 32 : i32
          %dma_start3A_172 = arith.constant 0 : i32
          %dma_start3A_173 = tpu.memref_slice %arg4[%dma_start3A_171, %dma_start3A_172] : memref<64x1024xf32, #tpu.memory_space<hbm>> -> memref<32x1024xf32, #tpu.memory_space<hbm>>
          %dma_start3A_174 = arith.constant 0 : i32
          %dma_start3A_175 = arith.constant 0 : i32
          %dma_start3A_176 = tpu.memref_slice %arg13[%rem3A_156, %dma_start3A_174, %dma_start3A_175] : memref<2x32x1024xf32, #tpu.memory_space<vmem>> -> memref<1x32x1024xf32, #tpu.memory_space<vmem>>
          %dma_start3A_177 = tpu.memref_squeeze %dma_start3A_176 : memref<1x32x1024xf32, #tpu.memory_space<vmem>> -> memref<32x1024xf32, #tpu.memory_space<vmem>>
          %dma_start3A_178 = arith.constant 32 : i32
          %dma_start3A_179 = arith.constant 0 : i32
          %dma_start3A_180 = tpu.memref_slice %arg4[%dma_start3A_178, %dma_start3A_179] : memref<64x1024xf32, #tpu.memory_space<hbm>> -> memref<32x1024xf32, #tpu.memory_space<hbm>>
          tpu.enqueue_dma source(%dma_start3A_180 : memref<32x1024xf32, #tpu.memory_space<hbm>>) target(%dma_start3A_177 : memref<32x1024xf32, #tpu.memory_space<vmem>>) target_semaphore(%arg16 : memref<!tpu.dma_semaphore, #tpu.memory_space<semaphore_mem>>)
        } else {
        }
      } else {
      }
      %get3A = arith.index_cast %while3A_102 : i32 to index
      %get3A_123 = tpu.vector_load %arg10[%get3A] {strides = array<i32>} : memref<48xi32, #tpu.memory_space<vmem>>, vector<16xi32>,
      %mul3A_124 = arith.muli %get3A_123, %convert_element_type3A : vector<16xi32>
      %reduce_sum3A = arith.constant true
      %reduce_sum3A_125 = vector.broadcast %reduce_sum3A : i1 to vector<16xi1>
      %reduce_sum3A_126 = tpu.scan <sum>, %mul3A_124 masked %reduce_sum3A_125 : vector<16xi32>, vector<16xi1> -> vector<16xi32>
      %reduce_sum3A_127 = vector.extract %reduce_sum3A_126[15] : i32 from vector<16xi32>
      %get3A_128 = arith.index_cast %while3A_102 : i32 to index
      %get3A_129 = tpu.vector_load %arg11[%get3A_128] {strides = array<i32>} : memref<48xi32, #tpu.memory_space<vmem>>, vector<16xi32>,
      %mul3A_130 = arith.muli %get3A_129, %convert_element_type3A : vector<16xi32>
      %reduce_sum3A_131 = arith.constant true
      %reduce_sum3A_132 = vector.broadcast %reduce_sum3A_131 : i1 to vector<16xi1>
      %reduce_sum3A_133 = tpu.scan <sum>, %mul3A_130 masked %reduce_sum3A_132 : vector<16xi32>, vector<16xi1> -> vector<16xi32>
      %reduce_sum3A_134 = vector.extract %reduce_sum3A_133[15] : i32 from vector<16xi32>
      %add3A_135 = arith.constant 16 : i32
      %add3A_136 = arith.addi %reduce_sum3A_127, %add3A_135 : i32
      %sub3A_137 = arith.constant 1 : i32
      %sub3A_138 = arith.subi %add3A_136, %sub3A_137 : i32
      %div3A = arith.constant 16 : i32
      %div3A_139 = arith.divsi %sub3A_138, %div3A : i32
      %while3A_140 = arith.constant 0 : i32
      %while3A_141 = arith.subi %div3A_139, %while3A_140 : i32
      %while3A_142 = arith.addi %while3A_140, %while3A_141 : i32
      %while3A_143 = arith.constant 1 : i32
      %while3A_144 = arith.divsi %while3A_141, %while3A_143 : i32
      %while3A_145 = arith.muli %while3A_144, %while3A_143 : i32
      %while3A_146 = arith.addi %while3A_140, %while3A_145 : i32
      %while3A_147 = arith.constant 1 : i32
      %while3A_148 = scf.for %while3A_151 = %while3A_140 to %while3A_146 step %while3A_147 iter_args(%while3A_152 = %while3A_103) -> (i32)  : i32 {
        %rem3A_153 = arith.constant 4 : i32
        %rem3A_154 = arith.remsi %while3A_152, %rem3A_153 : i32
        %ge3A_155 = arith.constant 4 : i32
        %ge3A_156 = arith.cmpi sge, %while3A_152, %ge3A_155 : i32
        %convert_element_type3A_157 = arith.extui %ge3A_156 : i1 to i32
        %cond3A_158 = arith.constant 0 : i32
        %cond3A_159 = arith.cmpi ne, %convert_element_type3A_157, %cond3A_158 : i32
        scf.if %cond3A_159 {
          %dma_wait3A_352 = arith.constant 0 : i32
          %dma_wait3A_353 = arith.constant 0 : i32
          %dma_wait3A_354 = tpu.memref_slice %arg14[%rem3A_154, %dma_wait3A_352, %dma_wait3A_353] : memref<4x16x128xf32, #tpu.memory_space<vmem>> -> memref<1x16x128xf32, #tpu.memory_space<vmem>>
          %dma_wait3A_355 = tpu.memref_squeeze %dma_wait3A_354 : memref<1x16x128xf32, #tpu.memory_space<vmem>> -> memref<16x128xf32, #tpu.memory_space<vmem>>
          %dma_wait3A_356 = arith.constant 0 : i32
          %dma_wait3A_357 = arith.constant 0 : i32
          %dma_wait3A_358 = tpu.memref_slice %arg5[%dma_wait3A_356, %dma_wait3A_357] : memref<16400x128xf32, #tpu.memory_space<hbm>> -> memref<16x128xf32, #tpu.memory_space<hbm>>
          %dma_wait3A_359 = arith.constant 0 : i32
          %dma_wait3A_360 = arith.constant 0 : i32
          %dma_wait3A_361 = tpu.memref_slice %arg14[%rem3A_154, %dma_wait3A_359, %dma_wait3A_360] : memref<4x16x128xf32, #tpu.memory_space<vmem>> -> memref<1x16x128xf32, #tpu.memory_space<vmem>>
          %dma_wait3A_362 = tpu.memref_squeeze %dma_wait3A_361 : memref<1x16x128xf32, #tpu.memory_space<vmem>> -> memref<16x128xf32, #tpu.memory_space<vmem>>
          %dma_wait3A_363 = arith.constant 0 : i32
          %dma_wait3A_364 = arith.constant 0 : i32
          %dma_wait3A_365 = tpu.memref_slice %arg5[%dma_wait3A_363, %dma_wait3A_364] : memref<16400x128xf32, #tpu.memory_space<hbm>> -> memref<16x128xf32, #tpu.memory_space<hbm>>
          tpu.wait_dma2 semaphore(%arg17 : memref<!tpu.dma_semaphore, #tpu.memory_space<semaphore_mem>>) src(%dma_wait3A_365 : memref<16x128xf32, #tpu.memory_space<hbm>>) dst(%dma_wait3A_362 : memref<16x128xf32, #tpu.memory_space<vmem>>)
        } else {
        }
        %mul3A_160 = arith.constant 16 : i32
        %mul3A_161 = arith.muli %while3A_151, %mul3A_160 : i32
        %add3A_162 = arith.addi %reduce_sum3A_134, %mul3A_161 : i32
        %get3A_163 = arith.index_cast %add3A_162 : i32 to index
        %get3A_164 = tpu.vector_load %arg8[%get3A_163] {strides = array<i32>} : memref<16400xi32, #tpu.memory_space<vmem>>, vector<16xi32>,
        %mul3A_165 = arith.constant 16 : i32
        %mul3A_166 = arith.muli %while3A_151, %mul3A_165 : i32
        %add3A_167 = arith.addi %reduce_sum3A_134, %mul3A_166 : i32
        %get3A_168 = arith.index_cast %add3A_167 : i32 to index
        %get3A_169 = tpu.vector_load %arg9[%get3A_168] {strides = array<i32>} : memref<16400xi32, #tpu.memory_space<vmem>>, vector<16xi32>,
        %mul3A_170 = arith.constant 16 : i32
        %mul3A_171 = arith.muli %while3A_151, %mul3A_170 : i32
        %sub3A_172 = arith.subi %reduce_sum3A_127, %mul3A_171 : i32
        %lt3A_173 = vector.broadcast %sub3A_172 : i32 to vector<16xi32>
        %lt3A_174 = arith.cmpi slt, %iota3A, %lt3A_173 : vector<16xi32>
        %and3A = arith.constant 1023 : i32
        %and3A_175 = vector.broadcast %and3A : i32 to vector<16xi32>
        %and3A_176 = arith.andi %get3A_164, %and3A_175 : vector<16xi32>
        %broadcast_in_dim3A_177 = vector.broadcast %rem3A_154 : i32 to vector<16xi32>
        %broadcast_in_dim3A_178 = vector.broadcast %rem3A_104 : i32 to vector<16xi32>
        %broadcast_in_dim3A_179 = arith.constant 0 : i32
        %broadcast_in_dim3A_180 = vector.broadcast %broadcast_in_dim3A_179 : i32 to vector<16xi32>
        %gather3A = tpu.vector_load_idx %arg13[%broadcast_in_dim3A_178, %broadcast_in_dim3A_180, %and3A_176] : memref<2x32x1024xf32, #tpu.memory_space<vmem>>[vector<16xi32>, vector<16xi32>, vector<16xi32>], vector<16xf32>,
        %broadcast_in_dim3A_181 = arith.constant 0 : i32
        %broadcast_in_dim3A_182 = vector.broadcast %broadcast_in_dim3A_181 : i32 to vector<16xi32>
        tpu.vector_store_idx %arg14[%broadcast_in_dim3A_177, %iota3A, %broadcast_in_dim3A_182], %gather3A : memref<4x16x128xf32, #tpu.memory_space<vmem>>[vector<16xi32>, vector<16xi32>, vector<16xi32>], vector<16xf32>,
        %broadcast_in_dim3A_183 = arith.constant 1 : i32
        %broadcast_in_dim3A_184 = vector.broadcast %broadcast_in_dim3A_183 : i32 to vector<16xi32>
        %gather3A_185 = tpu.vector_load_idx %arg13[%broadcast_in_dim3A_178, %broadcast_in_dim3A_184, %and3A_176] : memref<2x32x1024xf32, #tpu.memory_space<vmem>>[vector<16xi32>, vector<16xi32>, vector<16xi32>], vector<16xf32>,
        %broadcast_in_dim3A_186 = arith.constant 1 : i32
        %broadcast_in_dim3A_187 = vector.broadcast %broadcast_in_dim3A_186 : i32 to vector<16xi32>
        tpu.vector_store_idx %arg14[%broadcast_in_dim3A_177, %iota3A, %broadcast_in_dim3A_187], %gather3A_185 : memref<4x16x128xf32, #tpu.memory_space<vmem>>[vector<16xi32>, vector<16xi32>, vector<16xi32>], vector<16xf32>,
        %broadcast_in_dim3A_188 = arith.constant 2 : i32
        %broadcast_in_dim3A_189 = vector.broadcast %broadcast_in_dim3A_188 : i32 to vector<16xi32>
        %gather3A_190 = tpu.vector_load_idx %arg13[%broadcast_in_dim3A_178, %broadcast_in_dim3A_189, %and3A_176] : memref<2x32x1024xf32, #tpu.memory_space<vmem>>[vector<16xi32>, vector<16xi32>, vector<16xi32>], vector<16xf32>,
        %broadcast_in_dim3A_191 = arith.constant 2 : i32
        %broadcast_in_dim3A_192 = vector.broadcast %broadcast_in_dim3A_191 : i32 to vector<16xi32>
        tpu.vector_store_idx %arg14[%broadcast_in_dim3A_177, %iota3A, %broadcast_in_dim3A_192], %gather3A_190 : memref<4x16x128xf32, #tpu.memory_space<vmem>>[vector<16xi32>, vector<16xi32>, vector<16xi32>], vector<16xf32>,
        %broadcast_in_dim3A_193 = arith.constant 3 : i32
        %broadcast_in_dim3A_194 = vector.broadcast %broadcast_in_dim3A_193 : i32 to vector<16xi32>
        %gather3A_195 = tpu.vector_load_idx %arg13[%broadcast_in_dim3A_178, %broadcast_in_dim3A_194, %and3A_176] : memref<2x32x1024xf32, #tpu.memory_space<vmem>>[vector<16xi32>, vector<16xi32>, vector<16xi32>], vector<16xf32>,
        %broadcast_in_dim3A_196 = arith.constant 3 : i32
        %broadcast_in_dim3A_197 = vector.broadcast %broadcast_in_dim3A_196 : i32 to vector<16xi32>
        tpu.vector_store_idx %arg14[%broadcast_in_dim3A_177, %iota3A, %broadcast_in_dim3A_197], %gather3A_195 : memref<4x16x128xf32, #tpu.memory_space<vmem>>[vector<16xi32>, vector<16xi32>, vector<16xi32>], vector<16xf32>,
        %broadcast_in_dim3A_198 = arith.constant 4 : i32
        %broadcast_in_dim3A_199 = vector.broadcast %broadcast_in_dim3A_198 : i32 to vector<16xi32>
        %gather3A_200 = tpu.vector_load_idx %arg13[%broadcast_in_dim3A_178, %broadcast_in_dim3A_199, %and3A_176] : memref<2x32x1024xf32, #tpu.memory_space<vmem>>[vector<16xi32>, vector<16xi32>, vector<16xi32>], vector<16xf32>,
        %broadcast_in_dim3A_201 = arith.constant 4 : i32
        %broadcast_in_dim3A_202 = vector.broadcast %broadcast_in_dim3A_201 : i32 to vector<16xi32>
        tpu.vector_store_idx %arg14[%broadcast_in_dim3A_177, %iota3A, %broadcast_in_dim3A_202], %gather3A_200 : memref<4x16x128xf32, #tpu.memory_space<vmem>>[vector<16xi32>, vector<16xi32>, vector<16xi32>], vector<16xf32>,
        %broadcast_in_dim3A_203 = arith.constant 5 : i32
        %broadcast_in_dim3A_204 = vector.broadcast %broadcast_in_dim3A_203 : i32 to vector<16xi32>
        %gather3A_205 = tpu.vector_load_idx %arg13[%broadcast_in_dim3A_178, %broadcast_in_dim3A_204, %and3A_176] : memref<2x32x1024xf32, #tpu.memory_space<vmem>>[vector<16xi32>, vector<16xi32>, vector<16xi32>], vector<16xf32>,
        %broadcast_in_dim3A_206 = arith.constant 5 : i32
        %broadcast_in_dim3A_207 = vector.broadcast %broadcast_in_dim3A_206 : i32 to vector<16xi32>
        tpu.vector_store_idx %arg14[%broadcast_in_dim3A_177, %iota3A, %broadcast_in_dim3A_207], %gather3A_205 : memref<4x16x128xf32, #tpu.memory_space<vmem>>[vector<16xi32>, vector<16xi32>, vector<16xi32>], vector<16xf32>,
        %broadcast_in_dim3A_208 = arith.constant 6 : i32
        %broadcast_in_dim3A_209 = vector.broadcast %broadcast_in_dim3A_208 : i32 to vector<16xi32>
        %gather3A_210 = tpu.vector_load_idx %arg13[%broadcast_in_dim3A_178, %broadcast_in_dim3A_209, %and3A_176] : memref<2x32x1024xf32, #tpu.memory_space<vmem>>[vector<16xi32>, vector<16xi32>, vector<16xi32>], vector<16xf32>,
        %broadcast_in_dim3A_211 = arith.constant 6 : i32
        %broadcast_in_dim3A_212 = vector.broadcast %broadcast_in_dim3A_211 : i32 to vector<16xi32>
        tpu.vector_store_idx %arg14[%broadcast_in_dim3A_177, %iota3A, %broadcast_in_dim3A_212], %gather3A_210 : memref<4x16x128xf32, #tpu.memory_space<vmem>>[vector<16xi32>, vector<16xi32>, vector<16xi32>], vector<16xf32>,
        %broadcast_in_dim3A_213 = arith.constant 7 : i32
        %broadcast_in_dim3A_214 = vector.broadcast %broadcast_in_dim3A_213 : i32 to vector<16xi32>
        %gather3A_215 = tpu.vector_load_idx %arg13[%broadcast_in_dim3A_178, %broadcast_in_dim3A_214, %and3A_176] : memref<2x32x1024xf32, #tpu.memory_space<vmem>>[vector<16xi32>, vector<16xi32>, vector<16xi32>], vector<16xf32>,
        %broadcast_in_dim3A_216 = arith.constant 7 : i32
        %broadcast_in_dim3A_217 = vector.broadcast %broadcast_in_dim3A_216 : i32 to vector<16xi32>
        tpu.vector_store_idx %arg14[%broadcast_in_dim3A_177, %iota3A, %broadcast_in_dim3A_217], %gather3A_215 : memref<4x16x128xf32, #tpu.memory_space<vmem>>[vector<16xi32>, vector<16xi32>, vector<16xi32>], vector<16xf32>,
        %broadcast_in_dim3A_218 = arith.constant 8 : i32
        %broadcast_in_dim3A_219 = vector.broadcast %broadcast_in_dim3A_218 : i32 to vector<16xi32>
        %gather3A_220 = tpu.vector_load_idx %arg13[%broadcast_in_dim3A_178, %broadcast_in_dim3A_219, %and3A_176] : memref<2x32x1024xf32, #tpu.memory_space<vmem>>[vector<16xi32>, vector<16xi32>, vector<16xi32>], vector<16xf32>,
        %broadcast_in_dim3A_221 = arith.constant 8 : i32
        %broadcast_in_dim3A_222 = vector.broadcast %broadcast_in_dim3A_221 : i32 to vector<16xi32>
        tpu.vector_store_idx %arg14[%broadcast_in_dim3A_177, %iota3A, %broadcast_in_dim3A_222], %gather3A_220 : memref<4x16x128xf32, #tpu.memory_space<vmem>>[vector<16xi32>, vector<16xi32>, vector<16xi32>], vector<16xf32>,
        %broadcast_in_dim3A_223 = arith.constant 9 : i32
        %broadcast_in_dim3A_224 = vector.broadcast %broadcast_in_dim3A_223 : i32 to vector<16xi32>
        %gather3A_225 = tpu.vector_load_idx %arg13[%broadcast_in_dim3A_178, %broadcast_in_dim3A_224, %and3A_176] : memref<2x32x1024xf32, #tpu.memory_space<vmem>>[vector<16xi32>, vector<16xi32>, vector<16xi32>], vector<16xf32>,
        %broadcast_in_dim3A_226 = arith.constant 9 : i32
        %broadcast_in_dim3A_227 = vector.broadcast %broadcast_in_dim3A_226 : i32 to vector<16xi32>
        tpu.vector_store_idx %arg14[%broadcast_in_dim3A_177, %iota3A, %broadcast_in_dim3A_227], %gather3A_225 : memref<4x16x128xf32, #tpu.memory_space<vmem>>[vector<16xi32>, vector<16xi32>, vector<16xi32>], vector<16xf32>,
        %broadcast_in_dim3A_228 = arith.constant 10 : i32
        %broadcast_in_dim3A_229 = vector.broadcast %broadcast_in_dim3A_228 : i32 to vector<16xi32>
        %gather3A_230 = tpu.vector_load_idx %arg13[%broadcast_in_dim3A_178, %broadcast_in_dim3A_229, %and3A_176] : memref<2x32x1024xf32, #tpu.memory_space<vmem>>[vector<16xi32>, vector<16xi32>, vector<16xi32>], vector<16xf32>,
        %broadcast_in_dim3A_231 = arith.constant 10 : i32
        %broadcast_in_dim3A_232 = vector.broadcast %broadcast_in_dim3A_231 : i32 to vector<16xi32>
        tpu.vector_store_idx %arg14[%broadcast_in_dim3A_177, %iota3A, %broadcast_in_dim3A_232], %gather3A_230 : memref<4x16x128xf32, #tpu.memory_space<vmem>>[vector<16xi32>, vector<16xi32>, vector<16xi32>], vector<16xf32>,
        %broadcast_in_dim3A_233 = arith.constant 11 : i32
        %broadcast_in_dim3A_234 = vector.broadcast %broadcast_in_dim3A_233 : i32 to vector<16xi32>
        %gather3A_235 = tpu.vector_load_idx %arg13[%broadcast_in_dim3A_178, %broadcast_in_dim3A_234, %and3A_176] : memref<2x32x1024xf32, #tpu.memory_space<vmem>>[vector<16xi32>, vector<16xi32>, vector<16xi32>], vector<16xf32>,
        %broadcast_in_dim3A_236 = arith.constant 11 : i32
        %broadcast_in_dim3A_237 = vector.broadcast %broadcast_in_dim3A_236 : i32 to vector<16xi32>
        tpu.vector_store_idx %arg14[%broadcast_in_dim3A_177, %iota3A, %broadcast_in_dim3A_237], %gather3A_235 : memref<4x16x128xf32, #tpu.memory_space<vmem>>[vector<16xi32>, vector<16xi32>, vector<16xi32>], vector<16xf32>,
        %broadcast_in_dim3A_238 = arith.constant 12 : i32
        %broadcast_in_dim3A_239 = vector.broadcast %broadcast_in_dim3A_238 : i32 to vector<16xi32>
        %gather3A_240 = tpu.vector_load_idx %arg13[%broadcast_in_dim3A_178, %broadcast_in_dim3A_239, %and3A_176] : memref<2x32x1024xf32, #tpu.memory_space<vmem>>[vector<16xi32>, vector<16xi32>, vector<16xi32>], vector<16xf32>,
        %broadcast_in_dim3A_241 = arith.constant 12 : i32
        %broadcast_in_dim3A_242 = vector.broadcast %broadcast_in_dim3A_241 : i32 to vector<16xi32>
        tpu.vector_store_idx %arg14[%broadcast_in_dim3A_177, %iota3A, %broadcast_in_dim3A_242], %gather3A_240 : memref<4x16x128xf32, #tpu.memory_space<vmem>>[vector<16xi32>, vector<16xi32>, vector<16xi32>], vector<16xf32>,
        %broadcast_in_dim3A_243 = arith.constant 13 : i32
        %broadcast_in_dim3A_244 = vector.broadcast %broadcast_in_dim3A_243 : i32 to vector<16xi32>
        %gather3A_245 = tpu.vector_load_idx %arg13[%broadcast_in_dim3A_178, %broadcast_in_dim3A_244, %and3A_176] : memref<2x32x1024xf32, #tpu.memory_space<vmem>>[vector<16xi32>, vector<16xi32>, vector<16xi32>], vector<16xf32>,
        %broadcast_in_dim3A_246 = arith.constant 13 : i32
        %broadcast_in_dim3A_247 = vector.broadcast %broadcast_in_dim3A_246 : i32 to vector<16xi32>
        tpu.vector_store_idx %arg14[%broadcast_in_dim3A_177, %iota3A, %broadcast_in_dim3A_247], %gather3A_245 : memref<4x16x128xf32, #tpu.memory_space<vmem>>[vector<16xi32>, vector<16xi32>, vector<16xi32>], vector<16xf32>,
        %broadcast_in_dim3A_248 = arith.constant 14 : i32
        %broadcast_in_dim3A_249 = vector.broadcast %broadcast_in_dim3A_248 : i32 to vector<16xi32>
        %gather3A_250 = tpu.vector_load_idx %arg13[%broadcast_in_dim3A_178, %broadcast_in_dim3A_249, %and3A_176] : memref<2x32x1024xf32, #tpu.memory_space<vmem>>[vector<16xi32>, vector<16xi32>, vector<16xi32>], vector<16xf32>,
        %broadcast_in_dim3A_251 = arith.constant 14 : i32
        %broadcast_in_dim3A_252 = vector.broadcast %broadcast_in_dim3A_251 : i32 to vector<16xi32>
        tpu.vector_store_idx %arg14[%broadcast_in_dim3A_177, %iota3A, %broadcast_in_dim3A_252], %gather3A_250 : memref<4x16x128xf32, #tpu.memory_space<vmem>>[vector<16xi32>, vector<16xi32>, vector<16xi32>], vector<16xf32>,
        %broadcast_in_dim3A_253 = arith.constant 15 : i32
        %broadcast_in_dim3A_254 = vector.broadcast %broadcast_in_dim3A_253 : i32 to vector<16xi32>
        %gather3A_255 = tpu.vector_load_idx %arg13[%broadcast_in_dim3A_178, %broadcast_in_dim3A_254, %and3A_176] : memref<2x32x1024xf32, #tpu.memory_space<vmem>>[vector<16xi32>, vector<16xi32>, vector<16xi32>], vector<16xf32>,
        %broadcast_in_dim3A_256 = arith.constant 15 : i32
        %broadcast_in_dim3A_257 = vector.broadcast %broadcast_in_dim3A_256 : i32 to vector<16xi32>
        tpu.vector_store_idx %arg14[%broadcast_in_dim3A_177, %iota3A, %broadcast_in_dim3A_257], %gather3A_255 : memref<4x16x128xf32, #tpu.memory_space<vmem>>[vector<16xi32>, vector<16xi32>, vector<16xi32>], vector<16xf32>,
        %broadcast_in_dim3A_258 = arith.constant 16 : i32
        %broadcast_in_dim3A_259 = vector.broadcast %broadcast_in_dim3A_258 : i32 to vector<16xi32>
        %gather3A_260 = tpu.vector_load_idx %arg13[%broadcast_in_dim3A_178, %broadcast_in_dim3A_259, %and3A_176] : memref<2x32x1024xf32, #tpu.memory_space<vmem>>[vector<16xi32>, vector<16xi32>, vector<16xi32>], vector<16xf32>,
        %broadcast_in_dim3A_261 = arith.constant 16 : i32
        %broadcast_in_dim3A_262 = vector.broadcast %broadcast_in_dim3A_261 : i32 to vector<16xi32>
        tpu.vector_store_idx %arg14[%broadcast_in_dim3A_177, %iota3A, %broadcast_in_dim3A_262], %gather3A_260 : memref<4x16x128xf32, #tpu.memory_space<vmem>>[vector<16xi32>, vector<16xi32>, vector<16xi32>], vector<16xf32>,
        %broadcast_in_dim3A_263 = arith.constant 17 : i32
        %broadcast_in_dim3A_264 = vector.broadcast %broadcast_in_dim3A_263 : i32 to vector<16xi32>
        %gather3A_265 = tpu.vector_load_idx %arg13[%broadcast_in_dim3A_178, %broadcast_in_dim3A_264, %and3A_176] : memref<2x32x1024xf32, #tpu.memory_space<vmem>>[vector<16xi32>, vector<16xi32>, vector<16xi32>], vector<16xf32>,
        %broadcast_in_dim3A_266 = arith.constant 17 : i32
        %broadcast_in_dim3A_267 = vector.broadcast %broadcast_in_dim3A_266 : i32 to vector<16xi32>
        tpu.vector_store_idx %arg14[%broadcast_in_dim3A_177, %iota3A, %broadcast_in_dim3A_267], %gather3A_265 : memref<4x16x128xf32, #tpu.memory_space<vmem>>[vector<16xi32>, vector<16xi32>, vector<16xi32>], vector<16xf32>,
        %broadcast_in_dim3A_268 = arith.constant 18 : i32
        %broadcast_in_dim3A_269 = vector.broadcast %broadcast_in_dim3A_268 : i32 to vector<16xi32>
        %gather3A_270 = tpu.vector_load_idx %arg13[%broadcast_in_dim3A_178, %broadcast_in_dim3A_269, %and3A_176] : memref<2x32x1024xf32, #tpu.memory_space<vmem>>[vector<16xi32>, vector<16xi32>, vector<16xi32>], vector<16xf32>,
        %broadcast_in_dim3A_271 = arith.constant 18 : i32
        %broadcast_in_dim3A_272 = vector.broadcast %broadcast_in_dim3A_271 : i32 to vector<16xi32>
        tpu.vector_store_idx %arg14[%broadcast_in_dim3A_177, %iota3A, %broadcast_in_dim3A_272], %gather3A_270 : memref<4x16x128xf32, #tpu.memory_space<vmem>>[vector<16xi32>, vector<16xi32>, vector<16xi32>], vector<16xf32>,
        %broadcast_in_dim3A_273 = arith.constant 19 : i32
        %broadcast_in_dim3A_274 = vector.broadcast %broadcast_in_dim3A_273 : i32 to vector<16xi32>
        %gather3A_275 = tpu.vector_load_idx %arg13[%broadcast_in_dim3A_178, %broadcast_in_dim3A_274, %and3A_176] : memref<2x32x1024xf32, #tpu.memory_space<vmem>>[vector<16xi32>, vector<16xi32>, vector<16xi32>], vector<16xf32>,
        %broadcast_in_dim3A_276 = arith.constant 19 : i32
        %broadcast_in_dim3A_277 = vector.broadcast %broadcast_in_dim3A_276 : i32 to vector<16xi32>
        tpu.vector_store_idx %arg14[%broadcast_in_dim3A_177, %iota3A, %broadcast_in_dim3A_277], %gather3A_275 : memref<4x16x128xf32, #tpu.memory_space<vmem>>[vector<16xi32>, vector<16xi32>, vector<16xi32>], vector<16xf32>,
        %broadcast_in_dim3A_278 = arith.constant 20 : i32
        %broadcast_in_dim3A_279 = vector.broadcast %broadcast_in_dim3A_278 : i32 to vector<16xi32>
        %gather3A_280 = tpu.vector_load_idx %arg13[%broadcast_in_dim3A_178, %broadcast_in_dim3A_279, %and3A_176] : memref<2x32x1024xf32, #tpu.memory_space<vmem>>[vector<16xi32>, vector<16xi32>, vector<16xi32>], vector<16xf32>,
        %broadcast_in_dim3A_281 = arith.constant 20 : i32
        %broadcast_in_dim3A_282 = vector.broadcast %broadcast_in_dim3A_281 : i32 to vector<16xi32>
        tpu.vector_store_idx %arg14[%broadcast_in_dim3A_177, %iota3A, %broadcast_in_dim3A_282], %gather3A_280 : memref<4x16x128xf32, #tpu.memory_space<vmem>>[vector<16xi32>, vector<16xi32>, vector<16xi32>], vector<16xf32>,
        %broadcast_in_dim3A_283 = arith.constant 21 : i32
        %broadcast_in_dim3A_284 = vector.broadcast %broadcast_in_dim3A_283 : i32 to vector<16xi32>
        %gather3A_285 = tpu.vector_load_idx %arg13[%broadcast_in_dim3A_178, %broadcast_in_dim3A_284, %and3A_176] : memref<2x32x1024xf32, #tpu.memory_space<vmem>>[vector<16xi32>, vector<16xi32>, vector<16xi32>], vector<16xf32>,
        %broadcast_in_dim3A_286 = arith.constant 21 : i32
        %broadcast_in_dim3A_287 = vector.broadcast %broadcast_in_dim3A_286 : i32 to vector<16xi32>
        tpu.vector_store_idx %arg14[%broadcast_in_dim3A_177, %iota3A, %broadcast_in_dim3A_287], %gather3A_285 : memref<4x16x128xf32, #tpu.memory_space<vmem>>[vector<16xi32>, vector<16xi32>, vector<16xi32>], vector<16xf32>,
        %broadcast_in_dim3A_288 = arith.constant 22 : i32
        %broadcast_in_dim3A_289 = vector.broadcast %broadcast_in_dim3A_288 : i32 to vector<16xi32>
        %gather3A_290 = tpu.vector_load_idx %arg13[%broadcast_in_dim3A_178, %broadcast_in_dim3A_289, %and3A_176] : memref<2x32x1024xf32, #tpu.memory_space<vmem>>[vector<16xi32>, vector<16xi32>, vector<16xi32>], vector<16xf32>,
        %broadcast_in_dim3A_291 = arith.constant 22 : i32
        %broadcast_in_dim3A_292 = vector.broadcast %broadcast_in_dim3A_291 : i32 to vector<16xi32>
        tpu.vector_store_idx %arg14[%broadcast_in_dim3A_177, %iota3A, %broadcast_in_dim3A_292], %gather3A_290 : memref<4x16x128xf32, #tpu.memory_space<vmem>>[vector<16xi32>, vector<16xi32>, vector<16xi32>], vector<16xf32>,
        %broadcast_in_dim3A_293 = arith.constant 23 : i32
        %broadcast_in_dim3A_294 = vector.broadcast %broadcast_in_dim3A_293 : i32 to vector<16xi32>
        %gather3A_295 = tpu.vector_load_idx %arg13[%broadcast_in_dim3A_178, %broadcast_in_dim3A_294, %and3A_176] : memref<2x32x1024xf32, #tpu.memory_space<vmem>>[vector<16xi32>, vector<16xi32>, vector<16xi32>], vector<16xf32>,
        %broadcast_in_dim3A_296 = arith.constant 23 : i32
        %broadcast_in_dim3A_297 = vector.broadcast %broadcast_in_dim3A_296 : i32 to vector<16xi32>
        tpu.vector_store_idx %arg14[%broadcast_in_dim3A_177, %iota3A, %broadcast_in_dim3A_297], %gather3A_295 : memref<4x16x128xf32, #tpu.memory_space<vmem>>[vector<16xi32>, vector<16xi32>, vector<16xi32>], vector<16xf32>,
        %broadcast_in_dim3A_298 = arith.constant 24 : i32
        %broadcast_in_dim3A_299 = vector.broadcast %broadcast_in_dim3A_298 : i32 to vector<16xi32>
        %gather3A_300 = tpu.vector_load_idx %arg13[%broadcast_in_dim3A_178, %broadcast_in_dim3A_299, %and3A_176] : memref<2x32x1024xf32, #tpu.memory_space<vmem>>[vector<16xi32>, vector<16xi32>, vector<16xi32>], vector<16xf32>,
        %broadcast_in_dim3A_301 = arith.constant 24 : i32
        %broadcast_in_dim3A_302 = vector.broadcast %broadcast_in_dim3A_301 : i32 to vector<16xi32>
        tpu.vector_store_idx %arg14[%broadcast_in_dim3A_177, %iota3A, %broadcast_in_dim3A_302], %gather3A_300 : memref<4x16x128xf32, #tpu.memory_space<vmem>>[vector<16xi32>, vector<16xi32>, vector<16xi32>], vector<16xf32>,
        %broadcast_in_dim3A_303 = arith.constant 25 : i32
        %broadcast_in_dim3A_304 = vector.broadcast %broadcast_in_dim3A_303 : i32 to vector<16xi32>
        %gather3A_305 = tpu.vector_load_idx %arg13[%broadcast_in_dim3A_178, %broadcast_in_dim3A_304, %and3A_176] : memref<2x32x1024xf32, #tpu.memory_space<vmem>>[vector<16xi32>, vector<16xi32>, vector<16xi32>], vector<16xf32>,
        %broadcast_in_dim3A_306 = arith.constant 25 : i32
        %broadcast_in_dim3A_307 = vector.broadcast %broadcast_in_dim3A_306 : i32 to vector<16xi32>
        tpu.vector_store_idx %arg14[%broadcast_in_dim3A_177, %iota3A, %broadcast_in_dim3A_307], %gather3A_305 : memref<4x16x128xf32, #tpu.memory_space<vmem>>[vector<16xi32>, vector<16xi32>, vector<16xi32>], vector<16xf32>,
        %broadcast_in_dim3A_308 = arith.constant 26 : i32
        %broadcast_in_dim3A_309 = vector.broadcast %broadcast_in_dim3A_308 : i32 to vector<16xi32>
        %gather3A_310 = tpu.vector_load_idx %arg13[%broadcast_in_dim3A_178, %broadcast_in_dim3A_309, %and3A_176] : memref<2x32x1024xf32, #tpu.memory_space<vmem>>[vector<16xi32>, vector<16xi32>, vector<16xi32>], vector<16xf32>,
        %broadcast_in_dim3A_311 = arith.constant 26 : i32
        %broadcast_in_dim3A_312 = vector.broadcast %broadcast_in_dim3A_311 : i32 to vector<16xi32>
        tpu.vector_store_idx %arg14[%broadcast_in_dim3A_177, %iota3A, %broadcast_in_dim3A_312], %gather3A_310 : memref<4x16x128xf32, #tpu.memory_space<vmem>>[vector<16xi32>, vector<16xi32>, vector<16xi32>], vector<16xf32>,
        %broadcast_in_dim3A_313 = arith.constant 27 : i32
        %broadcast_in_dim3A_314 = vector.broadcast %broadcast_in_dim3A_313 : i32 to vector<16xi32>
        %gather3A_315 = tpu.vector_load_idx %arg13[%broadcast_in_dim3A_178, %broadcast_in_dim3A_314, %and3A_176] : memref<2x32x1024xf32, #tpu.memory_space<vmem>>[vector<16xi32>, vector<16xi32>, vector<16xi32>], vector<16xf32>,
        %broadcast_in_dim3A_316 = arith.constant 27 : i32
        %broadcast_in_dim3A_317 = vector.broadcast %broadcast_in_dim3A_316 : i32 to vector<16xi32>
        tpu.vector_store_idx %arg14[%broadcast_in_dim3A_177, %iota3A, %broadcast_in_dim3A_317], %gather3A_315 : memref<4x16x128xf32, #tpu.memory_space<vmem>>[vector<16xi32>, vector<16xi32>, vector<16xi32>], vector<16xf32>,
        %broadcast_in_dim3A_318 = arith.constant 28 : i32
        %broadcast_in_dim3A_319 = vector.broadcast %broadcast_in_dim3A_318 : i32 to vector<16xi32>
        %gather3A_320 = tpu.vector_load_idx %arg13[%broadcast_in_dim3A_178, %broadcast_in_dim3A_319, %and3A_176] : memref<2x32x1024xf32, #tpu.memory_space<vmem>>[vector<16xi32>, vector<16xi32>, vector<16xi32>], vector<16xf32>,
        %broadcast_in_dim3A_321 = arith.constant 28 : i32
        %broadcast_in_dim3A_322 = vector.broadcast %broadcast_in_dim3A_321 : i32 to vector<16xi32>
        tpu.vector_store_idx %arg14[%broadcast_in_dim3A_177, %iota3A, %broadcast_in_dim3A_322], %gather3A_320 : memref<4x16x128xf32, #tpu.memory_space<vmem>>[vector<16xi32>, vector<16xi32>, vector<16xi32>], vector<16xf32>,
        %broadcast_in_dim3A_323 = arith.constant 29 : i32
        %broadcast_in_dim3A_324 = vector.broadcast %broadcast_in_dim3A_323 : i32 to vector<16xi32>
        %gather3A_325 = tpu.vector_load_idx %arg13[%broadcast_in_dim3A_178, %broadcast_in_dim3A_324, %and3A_176] : memref<2x32x1024xf32, #tpu.memory_space<vmem>>[vector<16xi32>, vector<16xi32>, vector<16xi32>], vector<16xf32>,
        %broadcast_in_dim3A_326 = arith.constant 29 : i32
        %broadcast_in_dim3A_327 = vector.broadcast %broadcast_in_dim3A_326 : i32 to vector<16xi32>
        tpu.vector_store_idx %arg14[%broadcast_in_dim3A_177, %iota3A, %broadcast_in_dim3A_327], %gather3A_325 : memref<4x16x128xf32, #tpu.memory_space<vmem>>[vector<16xi32>, vector<16xi32>, vector<16xi32>], vector<16xf32>,
        %broadcast_in_dim3A_328 = arith.constant 30 : i32
        %broadcast_in_dim3A_329 = vector.broadcast %broadcast_in_dim3A_328 : i32 to vector<16xi32>
        %gather3A_330 = tpu.vector_load_idx %arg13[%broadcast_in_dim3A_178, %broadcast_in_dim3A_329, %and3A_176] : memref<2x32x1024xf32, #tpu.memory_space<vmem>>[vector<16xi32>, vector<16xi32>, vector<16xi32>], vector<16xf32>,
        %broadcast_in_dim3A_331 = arith.constant 30 : i32
        %broadcast_in_dim3A_332 = vector.broadcast %broadcast_in_dim3A_331 : i32 to vector<16xi32>
        tpu.vector_store_idx %arg14[%broadcast_in_dim3A_177, %iota3A, %broadcast_in_dim3A_332], %gather3A_330 : memref<4x16x128xf32, #tpu.memory_space<vmem>>[vector<16xi32>, vector<16xi32>, vector<16xi32>], vector<16xf32>,
        %broadcast_in_dim3A_333 = arith.constant 31 : i32
        %broadcast_in_dim3A_334 = vector.broadcast %broadcast_in_dim3A_333 : i32 to vector<16xi32>
        %gather3A_335 = tpu.vector_load_idx %arg13[%broadcast_in_dim3A_178, %broadcast_in_dim3A_334, %and3A_176] : memref<2x32x1024xf32, #tpu.memory_space<vmem>>[vector<16xi32>, vector<16xi32>, vector<16xi32>], vector<16xf32>,
        %broadcast_in_dim3A_336 = arith.constant 31 : i32
        %broadcast_in_dim3A_337 = vector.broadcast %broadcast_in_dim3A_336 : i32 to vector<16xi32>
        tpu.vector_store_idx %arg14[%broadcast_in_dim3A_177, %iota3A, %broadcast_in_dim3A_337], %gather3A_335 : memref<4x16x128xf32, #tpu.memory_space<vmem>>[vector<16xi32>, vector<16xi32>, vector<16xi32>], vector<16xf32>,
        %add3A_338 = arith.constant 16384 : i32
        %add3A_339 = vector.broadcast %add3A_338 : i32 to vector<16xi32>
        %add3A_340 = arith.addi %add3A_339, %iota3A : vector<16xi32>
        %select_n3A = arith.select %lt3A_174, %get3A_169, %add3A_340 : vector<16xi1>, vector<16xi32>
        tpu.vector_store_idx %arg15[%broadcast_in_dim3A_177, %iota3A], %select_n3A : memref<4x16xi32, #tpu.memory_space<vmem>>[vector<16xi32>, vector<16xi32>], vector<16xi32>,
        %dma_start3A = arith.constant 0 : i32
        %dma_start3A_341 = arith.constant 0 : i32
        %dma_start3A_342 = tpu.memref_slice %arg14[%rem3A_154, %dma_start3A, %dma_start3A_341] : memref<4x16x128xf32, #tpu.memory_space<vmem>> -> memref<1x16x128xf32, #tpu.memory_space<vmem>>
        %dma_start3A_343 = tpu.memref_squeeze %dma_start3A_342 : memref<1x16x128xf32, #tpu.memory_space<vmem>> -> memref<16x128xf32, #tpu.memory_space<vmem>>
        %dma_start3A_344 = arith.constant 0 : i32
        %dma_start3A_345 = tpu.memref_slice %arg15[%rem3A_154, %dma_start3A_344] : memref<4x16xi32, #tpu.memory_space<vmem>> -> memref<1x16xi32, #tpu.memory_space<vmem>>
        %dma_start3A_346 = tpu.memref_squeeze %dma_start3A_345 : memref<1x16xi32, #tpu.memory_space<vmem>> -> memref<16xi32, #tpu.memory_space<vmem>>
        %dma_start3A_347 = arith.constant 0 : i32
        %dma_start3A_348 = arith.constant 0 : i32
        %dma_start3A_349 = tpu.memref_slice %arg6[%dma_start3A_347, %dma_start3A_348] : memref<16400x128xf32, #tpu.memory_space<hbm>> -> memref<16400x128xf32, #tpu.memory_space<hbm>>
        tpu.enqueue_indirect_dma source(%dma_start3A_343 : memref<16x128xf32, #tpu.memory_space<vmem>>) target(%dma_start3A_349 : memref<16400x128xf32, #tpu.memory_space<hbm>>) offsets(%dma_start3A_346 : memref<16xi32, #tpu.memory_space<vmem>>) semaphore(%arg17 : memref<!tpu.dma_semaphore, #tpu.memory_space<semaphore_mem>>)
        %add3A_350 = arith.constant 1 : i32
        %add3A_351 = arith.addi %while3A_152, %add3A_350 : i32
        scf.yield %add3A_351 : i32
      }
      %while3A_149 = arith.constant 1 : i32
      %while3A_150 = scf.for %while3A_151 = %while3A_146 to %while3A_142 step %while3A_149 iter_args(%while3A_152 = %while3A_148) -> (i32)  : i32 {
        %rem3A_153 = arith.constant 4 : i32
        %rem3A_154 = arith.remsi %while3A_152, %rem3A_153 : i32
        %ge3A_155 = arith.constant 4 : i32
        %ge3A_156 = arith.cmpi sge, %while3A_152, %ge3A_155 : i32
        %convert_element_type3A_157 = arith.extui %ge3A_156 : i1 to i32
        %cond3A_158 = arith.constant 0 : i32
        %cond3A_159 = arith.cmpi ne, %convert_element_type3A_157, %cond3A_158 : i32
        scf.if %cond3A_159 {
          %dma_wait3A_352 = arith.constant 0 : i32
          %dma_wait3A_353 = arith.constant 0 : i32
          %dma_wait3A_354 = tpu.memref_slice %arg14[%rem3A_154, %dma_wait3A_352, %dma_wait3A_353] : memref<4x16x128xf32, #tpu.memory_space<vmem>> -> memref<1x16x128xf32, #tpu.memory_space<vmem>>
          %dma_wait3A_355 = tpu.memref_squeeze %dma_wait3A_354 : memref<1x16x128xf32, #tpu.memory_space<vmem>> -> memref<16x128xf32, #tpu.memory_space<vmem>>
          %dma_wait3A_356 = arith.constant 0 : i32
          %dma_wait3A_357 = arith.constant 0 : i32
          %dma_wait3A_358 = tpu.memref_slice %arg5[%dma_wait3A_356, %dma_wait3A_357] : memref<16400x128xf32, #tpu.memory_space<hbm>> -> memref<16x128xf32, #tpu.memory_space<hbm>>
          %dma_wait3A_359 = arith.constant 0 : i32
          %dma_wait3A_360 = arith.constant 0 : i32
          %dma_wait3A_361 = tpu.memref_slice %arg14[%rem3A_154, %dma_wait3A_359, %dma_wait3A_360] : memref<4x16x128xf32, #tpu.memory_space<vmem>> -> memref<1x16x128xf32, #tpu.memory_space<vmem>>
          %dma_wait3A_362 = tpu.memref_squeeze %dma_wait3A_361 : memref<1x16x128xf32, #tpu.memory_space<vmem>> -> memref<16x128xf32, #tpu.memory_space<vmem>>
          %dma_wait3A_363 = arith.constant 0 : i32
          %dma_wait3A_364 = arith.constant 0 : i32
          %dma_wait3A_365 = tpu.memref_slice %arg5[%dma_wait3A_363, %dma_wait3A_364] : memref<16400x128xf32, #tpu.memory_space<hbm>> -> memref<16x128xf32, #tpu.memory_space<hbm>>
          tpu.wait_dma2 semaphore(%arg17 : memref<!tpu.dma_semaphore, #tpu.memory_space<semaphore_mem>>) src(%dma_wait3A_365 : memref<16x128xf32, #tpu.memory_space<hbm>>) dst(%dma_wait3A_362 : memref<16x128xf32, #tpu.memory_space<vmem>>)
        } else {
        }
        %mul3A_160 = arith.constant 16 : i32
        %mul3A_161 = arith.muli %while3A_151, %mul3A_160 : i32
        %add3A_162 = arith.addi %reduce_sum3A_134, %mul3A_161 : i32
        %get3A_163 = arith.index_cast %add3A_162 : i32 to index
        %get3A_164 = tpu.vector_load %arg8[%get3A_163] {strides = array<i32>} : memref<16400xi32, #tpu.memory_space<vmem>>, vector<16xi32>,
        %mul3A_165 = arith.constant 16 : i32
        %mul3A_166 = arith.muli %while3A_151, %mul3A_165 : i32
        %add3A_167 = arith.addi %reduce_sum3A_134, %mul3A_166 : i32
        %get3A_168 = arith.index_cast %add3A_167 : i32 to index
        %get3A_169 = tpu.vector_load %arg9[%get3A_168] {strides = array<i32>} : memref<16400xi32, #tpu.memory_space<vmem>>, vector<16xi32>,
        %mul3A_170 = arith.constant 16 : i32
        %mul3A_171 = arith.muli %while3A_151, %mul3A_170 : i32
        %sub3A_172 = arith.subi %reduce_sum3A_127, %mul3A_171 : i32
        %lt3A_173 = vector.broadcast %sub3A_172 : i32 to vector<16xi32>
        %lt3A_174 = arith.cmpi slt, %iota3A, %lt3A_173 : vector<16xi32>
        %and3A = arith.constant 1023 : i32
        %and3A_175 = vector.broadcast %and3A : i32 to vector<16xi32>
        %and3A_176 = arith.andi %get3A_164, %and3A_175 : vector<16xi32>
        %broadcast_in_dim3A_177 = vector.broadcast %rem3A_154 : i32 to vector<16xi32>
        %broadcast_in_dim3A_178 = vector.broadcast %rem3A_104 : i32 to vector<16xi32>
        %broadcast_in_dim3A_179 = arith.constant 0 : i32
        %broadcast_in_dim3A_180 = vector.broadcast %broadcast_in_dim3A_179 : i32 to vector<16xi32>
        %gather3A = tpu.vector_load_idx %arg13[%broadcast_in_dim3A_178, %broadcast_in_dim3A_180, %and3A_176] : memref<2x32x1024xf32, #tpu.memory_space<vmem>>[vector<16xi32>, vector<16xi32>, vector<16xi32>], vector<16xf32>,
        %broadcast_in_dim3A_181 = arith.constant 0 : i32
        %broadcast_in_dim3A_182 = vector.broadcast %broadcast_in_dim3A_181 : i32 to vector<16xi32>
        tpu.vector_store_idx %arg14[%broadcast_in_dim3A_177, %iota3A, %broadcast_in_dim3A_182], %gather3A : memref<4x16x128xf32, #tpu.memory_space<vmem>>[vector<16xi32>, vector<16xi32>, vector<16xi32>], vector<16xf32>,
        %broadcast_in_dim3A_183 = arith.constant 1 : i32
        %broadcast_in_dim3A_184 = vector.broadcast %broadcast_in_dim3A_183 : i32 to vector<16xi32>
        %gather3A_185 = tpu.vector_load_idx %arg13[%broadcast_in_dim3A_178, %broadcast_in_dim3A_184, %and3A_176] : memref<2x32x1024xf32, #tpu.memory_space<vmem>>[vector<16xi32>, vector<16xi32>, vector<16xi32>], vector<16xf32>,
        %broadcast_in_dim3A_186 = arith.constant 1 : i32
        %broadcast_in_dim3A_187 = vector.broadcast %broadcast_in_dim3A_186 : i32 to vector<16xi32>
        tpu.vector_store_idx %arg14[%broadcast_in_dim3A_177, %iota3A, %broadcast_in_dim3A_187], %gather3A_185 : memref<4x16x128xf32, #tpu.memory_space<vmem>>[vector<16xi32>, vector<16xi32>, vector<16xi32>], vector<16xf32>,
        %broadcast_in_dim3A_188 = arith.constant 2 : i32
        %broadcast_in_dim3A_189 = vector.broadcast %broadcast_in_dim3A_188 : i32 to vector<16xi32>
        %gather3A_190 = tpu.vector_load_idx %arg13[%broadcast_in_dim3A_178, %broadcast_in_dim3A_189, %and3A_176] : memref<2x32x1024xf32, #tpu.memory_space<vmem>>[vector<16xi32>, vector<16xi32>, vector<16xi32>], vector<16xf32>,
        %broadcast_in_dim3A_191 = arith.constant 2 : i32
        %broadcast_in_dim3A_192 = vector.broadcast %broadcast_in_dim3A_191 : i32 to vector<16xi32>
        tpu.vector_store_idx %arg14[%broadcast_in_dim3A_177, %iota3A, %broadcast_in_dim3A_192], %gather3A_190 : memref<4x16x128xf32, #tpu.memory_space<vmem>>[vector<16xi32>, vector<16xi32>, vector<16xi32>], vector<16xf32>,
        %broadcast_in_dim3A_193 = arith.constant 3 : i32
        %broadcast_in_dim3A_194 = vector.broadcast %broadcast_in_dim3A_193 : i32 to vector<16xi32>
        %gather3A_195 = tpu.vector_load_idx %arg13[%broadcast_in_dim3A_178, %broadcast_in_dim3A_194, %and3A_176] : memref<2x32x1024xf32, #tpu.memory_space<vmem>>[vector<16xi32>, vector<16xi32>, vector<16xi32>], vector<16xf32>,
        %broadcast_in_dim3A_196 = arith.constant 3 : i32
        %broadcast_in_dim3A_197 = vector.broadcast %broadcast_in_dim3A_196 : i32 to vector<16xi32>
        tpu.vector_store_idx %arg14[%broadcast_in_dim3A_177, %iota3A, %broadcast_in_dim3A_197], %gather3A_195 : memref<4x16x128xf32, #tpu.memory_space<vmem>>[vector<16xi32>, vector<16xi32>, vector<16xi32>], vector<16xf32>,
        %broadcast_in_dim3A_198 = arith.constant 4 : i32
        %broadcast_in_dim3A_199 = vector.broadcast %broadcast_in_dim3A_198 : i32 to vector<16xi32>
        %gather3A_200 = tpu.vector_load_idx %arg13[%broadcast_in_dim3A_178, %broadcast_in_dim3A_199, %and3A_176] : memref<2x32x1024xf32, #tpu.memory_space<vmem>>[vector<16xi32>, vector<16xi32>, vector<16xi32>], vector<16xf32>,
        %broadcast_in_dim3A_201 = arith.constant 4 : i32
        %broadcast_in_dim3A_202 = vector.broadcast %broadcast_in_dim3A_201 : i32 to vector<16xi32>
        tpu.vector_store_idx %arg14[%broadcast_in_dim3A_177, %iota3A, %broadcast_in_dim3A_202], %gather3A_200 : memref<4x16x128xf32, #tpu.memory_space<vmem>>[vector<16xi32>, vector<16xi32>, vector<16xi32>], vector<16xf32>,
        %broadcast_in_dim3A_203 = arith.constant 5 : i32
        %broadcast_in_dim3A_204 = vector.broadcast %broadcast_in_dim3A_203 : i32 to vector<16xi32>
        %gather3A_205 = tpu.vector_load_idx %arg13[%broadcast_in_dim3A_178, %broadcast_in_dim3A_204, %and3A_176] : memref<2x32x1024xf32, #tpu.memory_space<vmem>>[vector<16xi32>, vector<16xi32>, vector<16xi32>], vector<16xf32>,
        %broadcast_in_dim3A_206 = arith.constant 5 : i32
        %broadcast_in_dim3A_207 = vector.broadcast %broadcast_in_dim3A_206 : i32 to vector<16xi32>
        tpu.vector_store_idx %arg14[%broadcast_in_dim3A_177, %iota3A, %broadcast_in_dim3A_207], %gather3A_205 : memref<4x16x128xf32, #tpu.memory_space<vmem>>[vector<16xi32>, vector<16xi32>, vector<16xi32>], vector<16xf32>,
        %broadcast_in_dim3A_208 = arith.constant 6 : i32
        %broadcast_in_dim3A_209 = vector.broadcast %broadcast_in_dim3A_208 : i32 to vector<16xi32>
        %gather3A_210 = tpu.vector_load_idx %arg13[%broadcast_in_dim3A_178, %broadcast_in_dim3A_209, %and3A_176] : memref<2x32x1024xf32, #tpu.memory_space<vmem>>[vector<16xi32>, vector<16xi32>, vector<16xi32>], vector<16xf32>,
        %broadcast_in_dim3A_211 = arith.constant 6 : i32
        %broadcast_in_dim3A_212 = vector.broadcast %broadcast_in_dim3A_211 : i32 to vector<16xi32>
        tpu.vector_store_idx %arg14[%broadcast_in_dim3A_177, %iota3A, %broadcast_in_dim3A_212], %gather3A_210 : memref<4x16x128xf32, #tpu.memory_space<vmem>>[vector<16xi32>, vector<16xi32>, vector<16xi32>], vector<16xf32>,
        %broadcast_in_dim3A_213 = arith.constant 7 : i32
        %broadcast_in_dim3A_214 = vector.broadcast %broadcast_in_dim3A_213 : i32 to vector<16xi32>
        %gather3A_215 = tpu.vector_load_idx %arg13[%broadcast_in_dim3A_178, %broadcast_in_dim3A_214, %and3A_176] : memref<2x32x1024xf32, #tpu.memory_space<vmem>>[vector<16xi32>, vector<16xi32>, vector<16xi32>], vector<16xf32>,
        %broadcast_in_dim3A_216 = arith.constant 7 : i32
        %broadcast_in_dim3A_217 = vector.broadcast %broadcast_in_dim3A_216 : i32 to vector<16xi32>
        tpu.vector_store_idx %arg14[%broadcast_in_dim3A_177, %iota3A, %broadcast_in_dim3A_217], %gather3A_215 : memref<4x16x128xf32, #tpu.memory_space<vmem>>[vector<16xi32>, vector<16xi32>, vector<16xi32>], vector<16xf32>,
        %broadcast_in_dim3A_218 = arith.constant 8 : i32
        %broadcast_in_dim3A_219 = vector.broadcast %broadcast_in_dim3A_218 : i32 to vector<16xi32>
        %gather3A_220 = tpu.vector_load_idx %arg13[%broadcast_in_dim3A_178, %broadcast_in_dim3A_219, %and3A_176] : memref<2x32x1024xf32, #tpu.memory_space<vmem>>[vector<16xi32>, vector<16xi32>, vector<16xi32>], vector<16xf32>,
        %broadcast_in_dim3A_221 = arith.constant 8 : i32
        %broadcast_in_dim3A_222 = vector.broadcast %broadcast_in_dim3A_221 : i32 to vector<16xi32>
        tpu.vector_store_idx %arg14[%broadcast_in_dim3A_177, %iota3A, %broadcast_in_dim3A_222], %gather3A_220 : memref<4x16x128xf32, #tpu.memory_space<vmem>>[vector<16xi32>, vector<16xi32>, vector<16xi32>], vector<16xf32>,
        %broadcast_in_dim3A_223 = arith.constant 9 : i32
        %broadcast_in_dim3A_224 = vector.broadcast %broadcast_in_dim3A_223 : i32 to vector<16xi32>
        %gather3A_225 = tpu.vector_load_idx %arg13[%broadcast_in_dim3A_178, %broadcast_in_dim3A_224, %and3A_176] : memref<2x32x1024xf32, #tpu.memory_space<vmem>>[vector<16xi32>, vector<16xi32>, vector<16xi32>], vector<16xf32>,
        %broadcast_in_dim3A_226 = arith.constant 9 : i32
        %broadcast_in_dim3A_227 = vector.broadcast %broadcast_in_dim3A_226 : i32 to vector<16xi32>
        tpu.vector_store_idx %arg14[%broadcast_in_dim3A_177, %iota3A, %broadcast_in_dim3A_227], %gather3A_225 : memref<4x16x128xf32, #tpu.memory_space<vmem>>[vector<16xi32>, vector<16xi32>, vector<16xi32>], vector<16xf32>,
        %broadcast_in_dim3A_228 = arith.constant 10 : i32
        %broadcast_in_dim3A_229 = vector.broadcast %broadcast_in_dim3A_228 : i32 to vector<16xi32>
        %gather3A_230 = tpu.vector_load_idx %arg13[%broadcast_in_dim3A_178, %broadcast_in_dim3A_229, %and3A_176] : memref<2x32x1024xf32, #tpu.memory_space<vmem>>[vector<16xi32>, vector<16xi32>, vector<16xi32>], vector<16xf32>,
        %broadcast_in_dim3A_231 = arith.constant 10 : i32
        %broadcast_in_dim3A_232 = vector.broadcast %broadcast_in_dim3A_231 : i32 to vector<16xi32>
        tpu.vector_store_idx %arg14[%broadcast_in_dim3A_177, %iota3A, %broadcast_in_dim3A_232], %gather3A_230 : memref<4x16x128xf32, #tpu.memory_space<vmem>>[vector<16xi32>, vector<16xi32>, vector<16xi32>], vector<16xf32>,
        %broadcast_in_dim3A_233 = arith.constant 11 : i32
        %broadcast_in_dim3A_234 = vector.broadcast %broadcast_in_dim3A_233 : i32 to vector<16xi32>
        %gather3A_235 = tpu.vector_load_idx %arg13[%broadcast_in_dim3A_178, %broadcast_in_dim3A_234, %and3A_176] : memref<2x32x1024xf32, #tpu.memory_space<vmem>>[vector<16xi32>, vector<16xi32>, vector<16xi32>], vector<16xf32>,
        %broadcast_in_dim3A_236 = arith.constant 11 : i32
        %broadcast_in_dim3A_237 = vector.broadcast %broadcast_in_dim3A_236 : i32 to vector<16xi32>
        tpu.vector_store_idx %arg14[%broadcast_in_dim3A_177, %iota3A, %broadcast_in_dim3A_237], %gather3A_235 : memref<4x16x128xf32, #tpu.memory_space<vmem>>[vector<16xi32>, vector<16xi32>, vector<16xi32>], vector<16xf32>,
        %broadcast_in_dim3A_238 = arith.constant 12 : i32
        %broadcast_in_dim3A_239 = vector.broadcast %broadcast_in_dim3A_238 : i32 to vector<16xi32>
        %gather3A_240 = tpu.vector_load_idx %arg13[%broadcast_in_dim3A_178, %broadcast_in_dim3A_239, %and3A_176] : memref<2x32x1024xf32, #tpu.memory_space<vmem>>[vector<16xi32>, vector<16xi32>, vector<16xi32>], vector<16xf32>,
        %broadcast_in_dim3A_241 = arith.constant 12 : i32
        %broadcast_in_dim3A_242 = vector.broadcast %broadcast_in_dim3A_241 : i32 to vector<16xi32>
        tpu.vector_store_idx %arg14[%broadcast_in_dim3A_177, %iota3A, %broadcast_in_dim3A_242], %gather3A_240 : memref<4x16x128xf32, #tpu.memory_space<vmem>>[vector<16xi32>, vector<16xi32>, vector<16xi32>], vector<16xf32>,
        %broadcast_in_dim3A_243 = arith.constant 13 : i32
        %broadcast_in_dim3A_244 = vector.broadcast %broadcast_in_dim3A_243 : i32 to vector<16xi32>
        %gather3A_245 = tpu.vector_load_idx %arg13[%broadcast_in_dim3A_178, %broadcast_in_dim3A_244, %and3A_176] : memref<2x32x1024xf32, #tpu.memory_space<vmem>>[vector<16xi32>, vector<16xi32>, vector<16xi32>], vector<16xf32>,
        %broadcast_in_dim3A_246 = arith.constant 13 : i32
        %broadcast_in_dim3A_247 = vector.broadcast %broadcast_in_dim3A_246 : i32 to vector<16xi32>
        tpu.vector_store_idx %arg14[%broadcast_in_dim3A_177, %iota3A, %broadcast_in_dim3A_247], %gather3A_245 : memref<4x16x128xf32, #tpu.memory_space<vmem>>[vector<16xi32>, vector<16xi32>, vector<16xi32>], vector<16xf32>,
        %broadcast_in_dim3A_248 = arith.constant 14 : i32
        %broadcast_in_dim3A_249 = vector.broadcast %broadcast_in_dim3A_248 : i32 to vector<16xi32>
        %gather3A_250 = tpu.vector_load_idx %arg13[%broadcast_in_dim3A_178, %broadcast_in_dim3A_249, %and3A_176] : memref<2x32x1024xf32, #tpu.memory_space<vmem>>[vector<16xi32>, vector<16xi32>, vector<16xi32>], vector<16xf32>,
        %broadcast_in_dim3A_251 = arith.constant 14 : i32
        %broadcast_in_dim3A_252 = vector.broadcast %broadcast_in_dim3A_251 : i32 to vector<16xi32>
        tpu.vector_store_idx %arg14[%broadcast_in_dim3A_177, %iota3A, %broadcast_in_dim3A_252], %gather3A_250 : memref<4x16x128xf32, #tpu.memory_space<vmem>>[vector<16xi32>, vector<16xi32>, vector<16xi32>], vector<16xf32>,
        %broadcast_in_dim3A_253 = arith.constant 15 : i32
        %broadcast_in_dim3A_254 = vector.broadcast %broadcast_in_dim3A_253 : i32 to vector<16xi32>
        %gather3A_255 = tpu.vector_load_idx %arg13[%broadcast_in_dim3A_178, %broadcast_in_dim3A_254, %and3A_176] : memref<2x32x1024xf32, #tpu.memory_space<vmem>>[vector<16xi32>, vector<16xi32>, vector<16xi32>], vector<16xf32>,
        %broadcast_in_dim3A_256 = arith.constant 15 : i32
        %broadcast_in_dim3A_257 = vector.broadcast %broadcast_in_dim3A_256 : i32 to vector<16xi32>
        tpu.vector_store_idx %arg14[%broadcast_in_dim3A_177, %iota3A, %broadcast_in_dim3A_257], %gather3A_255 : memref<4x16x128xf32, #tpu.memory_space<vmem>>[vector<16xi32>, vector<16xi32>, vector<16xi32>], vector<16xf32>,
        %broadcast_in_dim3A_258 = arith.constant 16 : i32
        %broadcast_in_dim3A_259 = vector.broadcast %broadcast_in_dim3A_258 : i32 to vector<16xi32>
        %gather3A_260 = tpu.vector_load_idx %arg13[%broadcast_in_dim3A_178, %broadcast_in_dim3A_259, %and3A_176] : memref<2x32x1024xf32, #tpu.memory_space<vmem>>[vector<16xi32>, vector<16xi32>, vector<16xi32>], vector<16xf32>,
        %broadcast_in_dim3A_261 = arith.constant 16 : i32
        %broadcast_in_dim3A_262 = vector.broadcast %broadcast_in_dim3A_261 : i32 to vector<16xi32>
        tpu.vector_store_idx %arg14[%broadcast_in_dim3A_177, %iota3A, %broadcast_in_dim3A_262], %gather3A_260 : memref<4x16x128xf32, #tpu.memory_space<vmem>>[vector<16xi32>, vector<16xi32>, vector<16xi32>], vector<16xf32>,
        %broadcast_in_dim3A_263 = arith.constant 17 : i32
        %broadcast_in_dim3A_264 = vector.broadcast %broadcast_in_dim3A_263 : i32 to vector<16xi32>
        %gather3A_265 = tpu.vector_load_idx %arg13[%broadcast_in_dim3A_178, %broadcast_in_dim3A_264, %and3A_176] : memref<2x32x1024xf32, #tpu.memory_space<vmem>>[vector<16xi32>, vector<16xi32>, vector<16xi32>], vector<16xf32>,
        %broadcast_in_dim3A_266 = arith.constant 17 : i32
        %broadcast_in_dim3A_267 = vector.broadcast %broadcast_in_dim3A_266 : i32 to vector<16xi32>
        tpu.vector_store_idx %arg14[%broadcast_in_dim3A_177, %iota3A, %broadcast_in_dim3A_267], %gather3A_265 : memref<4x16x128xf32, #tpu.memory_space<vmem>>[vector<16xi32>, vector<16xi32>, vector<16xi32>], vector<16xf32>,
        %broadcast_in_dim3A_268 = arith.constant 18 : i32
        %broadcast_in_dim3A_269 = vector.broadcast %broadcast_in_dim3A_268 : i32 to vector<16xi32>
        %gather3A_270 = tpu.vector_load_idx %arg13[%broadcast_in_dim3A_178, %broadcast_in_dim3A_269, %and3A_176] : memref<2x32x1024xf32, #tpu.memory_space<vmem>>[vector<16xi32>, vector<16xi32>, vector<16xi32>], vector<16xf32>,
        %broadcast_in_dim3A_271 = arith.constant 18 : i32
        %broadcast_in_dim3A_272 = vector.broadcast %broadcast_in_dim3A_271 : i32 to vector<16xi32>
        tpu.vector_store_idx %arg14[%broadcast_in_dim3A_177, %iota3A, %broadcast_in_dim3A_272], %gather3A_270 : memref<4x16x128xf32, #tpu.memory_space<vmem>>[vector<16xi32>, vector<16xi32>, vector<16xi32>], vector<16xf32>,
        %broadcast_in_dim3A_273 = arith.constant 19 : i32
        %broadcast_in_dim3A_274 = vector.broadcast %broadcast_in_dim3A_273 : i32 to vector<16xi32>
        %gather3A_275 = tpu.vector_load_idx %arg13[%broadcast_in_dim3A_178, %broadcast_in_dim3A_274, %and3A_176] : memref<2x32x1024xf32, #tpu.memory_space<vmem>>[vector<16xi32>, vector<16xi32>, vector<16xi32>], vector<16xf32>,
        %broadcast_in_dim3A_276 = arith.constant 19 : i32
        %broadcast_in_dim3A_277 = vector.broadcast %broadcast_in_dim3A_276 : i32 to vector<16xi32>
        tpu.vector_store_idx %arg14[%broadcast_in_dim3A_177, %iota3A, %broadcast_in_dim3A_277], %gather3A_275 : memref<4x16x128xf32, #tpu.memory_space<vmem>>[vector<16xi32>, vector<16xi32>, vector<16xi32>], vector<16xf32>,
        %broadcast_in_dim3A_278 = arith.constant 20 : i32
        %broadcast_in_dim3A_279 = vector.broadcast %broadcast_in_dim3A_278 : i32 to vector<16xi32>
        %gather3A_280 = tpu.vector_load_idx %arg13[%broadcast_in_dim3A_178, %broadcast_in_dim3A_279, %and3A_176] : memref<2x32x1024xf32, #tpu.memory_space<vmem>>[vector<16xi32>, vector<16xi32>, vector<16xi32>], vector<16xf32>,
        %broadcast_in_dim3A_281 = arith.constant 20 : i32
        %broadcast_in_dim3A_282 = vector.broadcast %broadcast_in_dim3A_281 : i32 to vector<16xi32>
        tpu.vector_store_idx %arg14[%broadcast_in_dim3A_177, %iota3A, %broadcast_in_dim3A_282], %gather3A_280 : memref<4x16x128xf32, #tpu.memory_space<vmem>>[vector<16xi32>, vector<16xi32>, vector<16xi32>], vector<16xf32>,
        %broadcast_in_dim3A_283 = arith.constant 21 : i32
        %broadcast_in_dim3A_284 = vector.broadcast %broadcast_in_dim3A_283 : i32 to vector<16xi32>
        %gather3A_285 = tpu.vector_load_idx %arg13[%broadcast_in_dim3A_178, %broadcast_in_dim3A_284, %and3A_176] : memref<2x32x1024xf32, #tpu.memory_space<vmem>>[vector<16xi32>, vector<16xi32>, vector<16xi32>], vector<16xf32>,
        %broadcast_in_dim3A_286 = arith.constant 21 : i32
        %broadcast_in_dim3A_287 = vector.broadcast %broadcast_in_dim3A_286 : i32 to vector<16xi32>
        tpu.vector_store_idx %arg14[%broadcast_in_dim3A_177, %iota3A, %broadcast_in_dim3A_287], %gather3A_285 : memref<4x16x128xf32, #tpu.memory_space<vmem>>[vector<16xi32>, vector<16xi32>, vector<16xi32>], vector<16xf32>,
        %broadcast_in_dim3A_288 = arith.constant 22 : i32
        %broadcast_in_dim3A_289 = vector.broadcast %broadcast_in_dim3A_288 : i32 to vector<16xi32>
        %gather3A_290 = tpu.vector_load_idx %arg13[%broadcast_in_dim3A_178, %broadcast_in_dim3A_289, %and3A_176] : memref<2x32x1024xf32, #tpu.memory_space<vmem>>[vector<16xi32>, vector<16xi32>, vector<16xi32>], vector<16xf32>,
        %broadcast_in_dim3A_291 = arith.constant 22 : i32
        %broadcast_in_dim3A_292 = vector.broadcast %broadcast_in_dim3A_291 : i32 to vector<16xi32>
        tpu.vector_store_idx %arg14[%broadcast_in_dim3A_177, %iota3A, %broadcast_in_dim3A_292], %gather3A_290 : memref<4x16x128xf32, #tpu.memory_space<vmem>>[vector<16xi32>, vector<16xi32>, vector<16xi32>], vector<16xf32>,
        %broadcast_in_dim3A_293 = arith.constant 23 : i32
        %broadcast_in_dim3A_294 = vector.broadcast %broadcast_in_dim3A_293 : i32 to vector<16xi32>
        %gather3A_295 = tpu.vector_load_idx %arg13[%broadcast_in_dim3A_178, %broadcast_in_dim3A_294, %and3A_176] : memref<2x32x1024xf32, #tpu.memory_space<vmem>>[vector<16xi32>, vector<16xi32>, vector<16xi32>], vector<16xf32>,
        %broadcast_in_dim3A_296 = arith.constant 23 : i32
        %broadcast_in_dim3A_297 = vector.broadcast %broadcast_in_dim3A_296 : i32 to vector<16xi32>
        tpu.vector_store_idx %arg14[%broadcast_in_dim3A_177, %iota3A, %broadcast_in_dim3A_297], %gather3A_295 : memref<4x16x128xf32, #tpu.memory_space<vmem>>[vector<16xi32>, vector<16xi32>, vector<16xi32>], vector<16xf32>,
        %broadcast_in_dim3A_298 = arith.constant 24 : i32
        %broadcast_in_dim3A_299 = vector.broadcast %broadcast_in_dim3A_298 : i32 to vector<16xi32>
        %gather3A_300 = tpu.vector_load_idx %arg13[%broadcast_in_dim3A_178, %broadcast_in_dim3A_299, %and3A_176] : memref<2x32x1024xf32, #tpu.memory_space<vmem>>[vector<16xi32>, vector<16xi32>, vector<16xi32>], vector<16xf32>,
        %broadcast_in_dim3A_301 = arith.constant 24 : i32
        %broadcast_in_dim3A_302 = vector.broadcast %broadcast_in_dim3A_301 : i32 to vector<16xi32>
        tpu.vector_store_idx %arg14[%broadcast_in_dim3A_177, %iota3A, %broadcast_in_dim3A_302], %gather3A_300 : memref<4x16x128xf32, #tpu.memory_space<vmem>>[vector<16xi32>, vector<16xi32>, vector<16xi32>], vector<16xf32>,
        %broadcast_in_dim3A_303 = arith.constant 25 : i32
        %broadcast_in_dim3A_304 = vector.broadcast %broadcast_in_dim3A_303 : i32 to vector<16xi32>
        %gather3A_305 = tpu.vector_load_idx %arg13[%broadcast_in_dim3A_178, %broadcast_in_dim3A_304, %and3A_176] : memref<2x32x1024xf32, #tpu.memory_space<vmem>>[vector<16xi32>, vector<16xi32>, vector<16xi32>], vector<16xf32>,
        %broadcast_in_dim3A_306 = arith.constant 25 : i32
        %broadcast_in_dim3A_307 = vector.broadcast %broadcast_in_dim3A_306 : i32 to vector<16xi32>
        tpu.vector_store_idx %arg14[%broadcast_in_dim3A_177, %iota3A, %broadcast_in_dim3A_307], %gather3A_305 : memref<4x16x128xf32, #tpu.memory_space<vmem>>[vector<16xi32>, vector<16xi32>, vector<16xi32>], vector<16xf32>,
        %broadcast_in_dim3A_308 = arith.constant 26 : i32
        %broadcast_in_dim3A_309 = vector.broadcast %broadcast_in_dim3A_308 : i32 to vector<16xi32>
        %gather3A_310 = tpu.vector_load_idx %arg13[%broadcast_in_dim3A_178, %broadcast_in_dim3A_309, %and3A_176] : memref<2x32x1024xf32, #tpu.memory_space<vmem>>[vector<16xi32>, vector<16xi32>, vector<16xi32>], vector<16xf32>,
        %broadcast_in_dim3A_311 = arith.constant 26 : i32
        %broadcast_in_dim3A_312 = vector.broadcast %broadcast_in_dim3A_311 : i32 to vector<16xi32>
        tpu.vector_store_idx %arg14[%broadcast_in_dim3A_177, %iota3A, %broadcast_in_dim3A_312], %gather3A_310 : memref<4x16x128xf32, #tpu.memory_space<vmem>>[vector<16xi32>, vector<16xi32>, vector<16xi32>], vector<16xf32>,
        %broadcast_in_dim3A_313 = arith.constant 27 : i32
        %broadcast_in_dim3A_314 = vector.broadcast %broadcast_in_dim3A_313 : i32 to vector<16xi32>
        %gather3A_315 = tpu.vector_load_idx %arg13[%broadcast_in_dim3A_178, %broadcast_in_dim3A_314, %and3A_176] : memref<2x32x1024xf32, #tpu.memory_space<vmem>>[vector<16xi32>, vector<16xi32>, vector<16xi32>], vector<16xf32>,
        %broadcast_in_dim3A_316 = arith.constant 27 : i32
        %broadcast_in_dim3A_317 = vector.broadcast %broadcast_in_dim3A_316 : i32 to vector<16xi32>
        tpu.vector_store_idx %arg14[%broadcast_in_dim3A_177, %iota3A, %broadcast_in_dim3A_317], %gather3A_315 : memref<4x16x128xf32, #tpu.memory_space<vmem>>[vector<16xi32>, vector<16xi32>, vector<16xi32>], vector<16xf32>,
        %broadcast_in_dim3A_318 = arith.constant 28 : i32
        %broadcast_in_dim3A_319 = vector.broadcast %broadcast_in_dim3A_318 : i32 to vector<16xi32>
        %gather3A_320 = tpu.vector_load_idx %arg13[%broadcast_in_dim3A_178, %broadcast_in_dim3A_319, %and3A_176] : memref<2x32x1024xf32, #tpu.memory_space<vmem>>[vector<16xi32>, vector<16xi32>, vector<16xi32>], vector<16xf32>,
        %broadcast_in_dim3A_321 = arith.constant 28 : i32
        %broadcast_in_dim3A_322 = vector.broadcast %broadcast_in_dim3A_321 : i32 to vector<16xi32>
        tpu.vector_store_idx %arg14[%broadcast_in_dim3A_177, %iota3A, %broadcast_in_dim3A_322], %gather3A_320 : memref<4x16x128xf32, #tpu.memory_space<vmem>>[vector<16xi32>, vector<16xi32>, vector<16xi32>], vector<16xf32>,
        %broadcast_in_dim3A_323 = arith.constant 29 : i32
        %broadcast_in_dim3A_324 = vector.broadcast %broadcast_in_dim3A_323 : i32 to vector<16xi32>
        %gather3A_325 = tpu.vector_load_idx %arg13[%broadcast_in_dim3A_178, %broadcast_in_dim3A_324, %and3A_176] : memref<2x32x1024xf32, #tpu.memory_space<vmem>>[vector<16xi32>, vector<16xi32>, vector<16xi32>], vector<16xf32>,
        %broadcast_in_dim3A_326 = arith.constant 29 : i32
        %broadcast_in_dim3A_327 = vector.broadcast %broadcast_in_dim3A_326 : i32 to vector<16xi32>
        tpu.vector_store_idx %arg14[%broadcast_in_dim3A_177, %iota3A, %broadcast_in_dim3A_327], %gather3A_325 : memref<4x16x128xf32, #tpu.memory_space<vmem>>[vector<16xi32>, vector<16xi32>, vector<16xi32>], vector<16xf32>,
        %broadcast_in_dim3A_328 = arith.constant 30 : i32
        %broadcast_in_dim3A_329 = vector.broadcast %broadcast_in_dim3A_328 : i32 to vector<16xi32>
        %gather3A_330 = tpu.vector_load_idx %arg13[%broadcast_in_dim3A_178, %broadcast_in_dim3A_329, %and3A_176] : memref<2x32x1024xf32, #tpu.memory_space<vmem>>[vector<16xi32>, vector<16xi32>, vector<16xi32>], vector<16xf32>,
        %broadcast_in_dim3A_331 = arith.constant 30 : i32
        %broadcast_in_dim3A_332 = vector.broadcast %broadcast_in_dim3A_331 : i32 to vector<16xi32>
        tpu.vector_store_idx %arg14[%broadcast_in_dim3A_177, %iota3A, %broadcast_in_dim3A_332], %gather3A_330 : memref<4x16x128xf32, #tpu.memory_space<vmem>>[vector<16xi32>, vector<16xi32>, vector<16xi32>], vector<16xf32>,
        %broadcast_in_dim3A_333 = arith.constant 31 : i32
        %broadcast_in_dim3A_334 = vector.broadcast %broadcast_in_dim3A_333 : i32 to vector<16xi32>
        %gather3A_335 = tpu.vector_load_idx %arg13[%broadcast_in_dim3A_178, %broadcast_in_dim3A_334, %and3A_176] : memref<2x32x1024xf32, #tpu.memory_space<vmem>>[vector<16xi32>, vector<16xi32>, vector<16xi32>], vector<16xf32>,
        %broadcast_in_dim3A_336 = arith.constant 31 : i32
        %broadcast_in_dim3A_337 = vector.broadcast %broadcast_in_dim3A_336 : i32 to vector<16xi32>
        tpu.vector_store_idx %arg14[%broadcast_in_dim3A_177, %iota3A, %broadcast_in_dim3A_337], %gather3A_335 : memref<4x16x128xf32, #tpu.memory_space<vmem>>[vector<16xi32>, vector<16xi32>, vector<16xi32>], vector<16xf32>,
        %add3A_338 = arith.constant 16384 : i32
        %add3A_339 = vector.broadcast %add3A_338 : i32 to vector<16xi32>
        %add3A_340 = arith.addi %add3A_339, %iota3A : vector<16xi32>
        %select_n3A = arith.select %lt3A_174, %get3A_169, %add3A_340 : vector<16xi1>, vector<16xi32>
        tpu.vector_store_idx %arg15[%broadcast_in_dim3A_177, %iota3A], %select_n3A : memref<4x16xi32, #tpu.memory_space<vmem>>[vector<16xi32>, vector<16xi32>], vector<16xi32>,
        %dma_start3A = arith.constant 0 : i32
        %dma_start3A_341 = arith.constant 0 : i32
        %dma_start3A_342 = tpu.memref_slice %arg14[%rem3A_154, %dma_start3A, %dma_start3A_341] : memref<4x16x128xf32, #tpu.memory_space<vmem>> -> memref<1x16x128xf32, #tpu.memory_space<vmem>>
        %dma_start3A_343 = tpu.memref_squeeze %dma_start3A_342 : memref<1x16x128xf32, #tpu.memory_space<vmem>> -> memref<16x128xf32, #tpu.memory_space<vmem>>
        %dma_start3A_344 = arith.constant 0 : i32
        %dma_start3A_345 = tpu.memref_slice %arg15[%rem3A_154, %dma_start3A_344] : memref<4x16xi32, #tpu.memory_space<vmem>> -> memref<1x16xi32, #tpu.memory_space<vmem>>
        %dma_start3A_346 = tpu.memref_squeeze %dma_start3A_345 : memref<1x16xi32, #tpu.memory_space<vmem>> -> memref<16xi32, #tpu.memory_space<vmem>>
        %dma_start3A_347 = arith.constant 0 : i32
        %dma_start3A_348 = arith.constant 0 : i32
        %dma_start3A_349 = tpu.memref_slice %arg6[%dma_start3A_347, %dma_start3A_348] : memref<16400x128xf32, #tpu.memory_space<hbm>> -> memref<16400x128xf32, #tpu.memory_space<hbm>>
        tpu.enqueue_indirect_dma source(%dma_start3A_343 : memref<16x128xf32, #tpu.memory_space<vmem>>) target(%dma_start3A_349 : memref<16400x128xf32, #tpu.memory_space<hbm>>) offsets(%dma_start3A_346 : memref<16xi32, #tpu.memory_space<vmem>>) semaphore(%arg17 : memref<!tpu.dma_semaphore, #tpu.memory_space<semaphore_mem>>)
        %add3A_350 = arith.constant 1 : i32
        %add3A_351 = arith.addi %while3A_152, %add3A_350 : i32
        scf.yield %add3A_351 : i32
      }
      scf.yield %while3A_150 : i32
    }
    %while3A_87 = arith.constant 1 : i32
    %while3A_88 = scf.for %while3A_102 = %while3A_84 to %while3A_80 step %while3A_87 iter_args(%while3A_103 = %while3A_86) -> (i32)  : i32 {
      %rem3A = arith.constant 2 : i32
      %rem3A_104 = arith.remsi %while3A_102, %rem3A : i32
      %dma_wait3A = arith.constant 0 : i32
      %dma_wait3A_105 = arith.constant 0 : i32
      %dma_wait3A_106 = tpu.memref_slice %arg13[%rem3A_104, %dma_wait3A, %dma_wait3A_105] : memref<2x32x1024xf32, #tpu.memory_space<vmem>> -> memref<1x32x1024xf32, #tpu.memory_space<vmem>>
      %dma_wait3A_107 = tpu.memref_squeeze %dma_wait3A_106 : memref<1x32x1024xf32, #tpu.memory_space<vmem>> -> memref<32x1024xf32, #tpu.memory_space<vmem>>
      %dma_wait3A_108 = arith.constant 0 : i32
      %dma_wait3A_109 = arith.constant 0 : i32
      %dma_wait3A_110 = tpu.memref_slice %arg3[%dma_wait3A_108, %dma_wait3A_109] : memref<64x1000000xf32, #tpu.memory_space<hbm>> -> memref<32x1024xf32, #tpu.memory_space<hbm>>
      %dma_wait3A_111 = arith.constant 0 : i32
      %dma_wait3A_112 = arith.constant 0 : i32
      %dma_wait3A_113 = tpu.memref_slice %arg13[%rem3A_104, %dma_wait3A_111, %dma_wait3A_112] : memref<2x32x1024xf32, #tpu.memory_space<vmem>> -> memref<1x32x1024xf32, #tpu.memory_space<vmem>>
      %dma_wait3A_114 = tpu.memref_squeeze %dma_wait3A_113 : memref<1x32x1024xf32, #tpu.memory_space<vmem>> -> memref<32x1024xf32, #tpu.memory_space<vmem>>
      %dma_wait3A_115 = arith.constant 0 : i32
      %dma_wait3A_116 = arith.constant 0 : i32
      %dma_wait3A_117 = tpu.memref_slice %arg3[%dma_wait3A_115, %dma_wait3A_116] : memref<64x1000000xf32, #tpu.memory_space<hbm>> -> memref<32x1024xf32, #tpu.memory_space<hbm>>
      tpu.wait_dma2 semaphore(%arg16 : memref<!tpu.dma_semaphore, #tpu.memory_space<semaphore_mem>>) src(%dma_wait3A_117 : memref<32x1024xf32, #tpu.memory_space<hbm>>) dst(%dma_wait3A_114 : memref<32x1024xf32, #tpu.memory_space<vmem>>)
      %add3A_118 = arith.constant 1 : i32
      %add3A_119 = arith.addi %while3A_102, %add3A_118 : i32
      %lt3A = arith.cmpi slt, %add3A_119, %add3A_14 : i32
      %convert_element_type3A_120 = arith.extui %lt3A : i1 to i32
      %cond3A_121 = arith.constant 0 : i32
      %cond3A_122 = arith.cmpi ne, %convert_element_type3A_120, %cond3A_121 : i32
      scf.if %cond3A_122 {
        %add3A_151 = arith.constant 1 : i32
        %add3A_152 = arith.addi %while3A_102, %add3A_151 : i32
        %add3A_153 = arith.constant 1 : i32
        %add3A_154 = arith.addi %while3A_102, %add3A_153 : i32
        %rem3A_155 = arith.constant 2 : i32
        %rem3A_156 = arith.remsi %add3A_154, %rem3A_155 : i32
        %add3A_157 = arith.addi %add3A_10, %add3A_152 : i32
        %ne3A_158 = arith.constant 976 : i32
        %ne3A_159 = arith.cmpi ne, %add3A_157, %ne3A_158 : i32
        %convert_element_type3A_160 = arith.extui %ne3A_159 : i1 to i32
        %cond3A_161 = arith.constant 0 : i32
        %cond3A_162 = arith.cmpi ne, %convert_element_type3A_160, %cond3A_161 : i32
        scf.if %cond3A_162 {
          %mul3A_168 = arith.constant 1024 : i32
          %mul3A_169 = arith.muli %add3A_157, %mul3A_168 : i32
          %multiple_of3A = tpu.assume_multiple %mul3A_169, 1024 : i32
          %dma_start3A = arith.constant 0 : i32
          %dma_start3A_170 = arith.constant 0 : i32
          %dma_start3A_171 = tpu.memref_slice %arg13[%rem3A_156, %dma_start3A, %dma_start3A_170] : memref<2x32x1024xf32, #tpu.memory_space<vmem>> -> memref<1x32x1024xf32, #tpu.memory_space<vmem>>
          %dma_start3A_172 = tpu.memref_squeeze %dma_start3A_171 : memref<1x32x1024xf32, #tpu.memory_space<vmem>> -> memref<32x1024xf32, #tpu.memory_space<vmem>>
          %dma_start3A_173 = arith.constant 32 : i32
          %dma_start3A_174 = tpu.memref_slice %arg3[%dma_start3A_173, %multiple_of3A] : memref<64x1000000xf32, #tpu.memory_space<hbm>> -> memref<32x1024xf32, #tpu.memory_space<hbm>>
          %dma_start3A_175 = arith.constant 0 : i32
          %dma_start3A_176 = arith.constant 0 : i32
          %dma_start3A_177 = tpu.memref_slice %arg13[%rem3A_156, %dma_start3A_175, %dma_start3A_176] : memref<2x32x1024xf32, #tpu.memory_space<vmem>> -> memref<1x32x1024xf32, #tpu.memory_space<vmem>>
          %dma_start3A_178 = tpu.memref_squeeze %dma_start3A_177 : memref<1x32x1024xf32, #tpu.memory_space<vmem>> -> memref<32x1024xf32, #tpu.memory_space<vmem>>
          %dma_start3A_179 = arith.constant 32 : i32
          %dma_start3A_180 = tpu.memref_slice %arg3[%dma_start3A_179, %multiple_of3A] : memref<64x1000000xf32, #tpu.memory_space<hbm>> -> memref<32x1024xf32, #tpu.memory_space<hbm>>
          tpu.enqueue_dma source(%dma_start3A_180 : memref<32x1024xf32, #tpu.memory_space<hbm>>) target(%dma_start3A_178 : memref<32x1024xf32, #tpu.memory_space<vmem>>) target_semaphore(%arg16 : memref<!tpu.dma_semaphore, #tpu.memory_space<semaphore_mem>>)
        } else {
        }
        %eq3A_163 = arith.constant 976 : i32
        %eq3A_164 = arith.cmpi eq, %add3A_157, %eq3A_163 : i32
        %convert_element_type3A_165 = arith.extui %eq3A_164 : i1 to i32
        %cond3A_166 = arith.constant 0 : i32
        %cond3A_167 = arith.cmpi ne, %convert_element_type3A_165, %cond3A_166 : i32
        scf.if %cond3A_167 {
          %dma_start3A = arith.constant 0 : i32
          %dma_start3A_168 = arith.constant 0 : i32
          %dma_start3A_169 = tpu.memref_slice %arg13[%rem3A_156, %dma_start3A, %dma_start3A_168] : memref<2x32x1024xf32, #tpu.memory_space<vmem>> -> memref<1x32x1024xf32, #tpu.memory_space<vmem>>
          %dma_start3A_170 = tpu.memref_squeeze %dma_start3A_169 : memref<1x32x1024xf32, #tpu.memory_space<vmem>> -> memref<32x1024xf32, #tpu.memory_space<vmem>>
          %dma_start3A_171 = arith.constant 32 : i32
          %dma_start3A_172 = arith.constant 0 : i32
          %dma_start3A_173 = tpu.memref_slice %arg4[%dma_start3A_171, %dma_start3A_172] : memref<64x1024xf32, #tpu.memory_space<hbm>> -> memref<32x1024xf32, #tpu.memory_space<hbm>>
          %dma_start3A_174 = arith.constant 0 : i32
          %dma_start3A_175 = arith.constant 0 : i32
          %dma_start3A_176 = tpu.memref_slice %arg13[%rem3A_156, %dma_start3A_174, %dma_start3A_175] : memref<2x32x1024xf32, #tpu.memory_space<vmem>> -> memref<1x32x1024xf32, #tpu.memory_space<vmem>>
          %dma_start3A_177 = tpu.memref_squeeze %dma_start3A_176 : memref<1x32x1024xf32, #tpu.memory_space<vmem>> -> memref<32x1024xf32, #tpu.memory_space<vmem>>
          %dma_start3A_178 = arith.constant 32 : i32
          %dma_start3A_179 = arith.constant 0 : i32
          %dma_start3A_180 = tpu.memref_slice %arg4[%dma_start3A_178, %dma_start3A_179] : memref<64x1024xf32, #tpu.memory_space<hbm>> -> memref<32x1024xf32, #tpu.memory_space<hbm>>
          tpu.enqueue_dma source(%dma_start3A_180 : memref<32x1024xf32, #tpu.memory_space<hbm>>) target(%dma_start3A_177 : memref<32x1024xf32, #tpu.memory_space<vmem>>) target_semaphore(%arg16 : memref<!tpu.dma_semaphore, #tpu.memory_space<semaphore_mem>>)
        } else {
        }
      } else {
      }
      %get3A = arith.index_cast %while3A_102 : i32 to index
      %get3A_123 = tpu.vector_load %arg10[%get3A] {strides = array<i32>} : memref<48xi32, #tpu.memory_space<vmem>>, vector<16xi32>,
      %mul3A_124 = arith.muli %get3A_123, %convert_element_type3A : vector<16xi32>
      %reduce_sum3A = arith.constant true
      %reduce_sum3A_125 = vector.broadcast %reduce_sum3A : i1 to vector<16xi1>
      %reduce_sum3A_126 = tpu.scan <sum>, %mul3A_124 masked %reduce_sum3A_125 : vector<16xi32>, vector<16xi1> -> vector<16xi32>
      %reduce_sum3A_127 = vector.extract %reduce_sum3A_126[15] : i32 from vector<16xi32>
      %get3A_128 = arith.index_cast %while3A_102 : i32 to index
      %get3A_129 = tpu.vector_load %arg11[%get3A_128] {strides = array<i32>} : memref<48xi32, #tpu.memory_space<vmem>>, vector<16xi32>,
      %mul3A_130 = arith.muli %get3A_129, %convert_element_type3A : vector<16xi32>
      %reduce_sum3A_131 = arith.constant true
      %reduce_sum3A_132 = vector.broadcast %reduce_sum3A_131 : i1 to vector<16xi1>
      %reduce_sum3A_133 = tpu.scan <sum>, %mul3A_130 masked %reduce_sum3A_132 : vector<16xi32>, vector<16xi1> -> vector<16xi32>
      %reduce_sum3A_134 = vector.extract %reduce_sum3A_133[15] : i32 from vector<16xi32>
      %add3A_135 = arith.constant 16 : i32
      %add3A_136 = arith.addi %reduce_sum3A_127, %add3A_135 : i32
      %sub3A_137 = arith.constant 1 : i32
      %sub3A_138 = arith.subi %add3A_136, %sub3A_137 : i32
      %div3A = arith.constant 16 : i32
      %div3A_139 = arith.divsi %sub3A_138, %div3A : i32
      %while3A_140 = arith.constant 0 : i32
      %while3A_141 = arith.subi %div3A_139, %while3A_140 : i32
      %while3A_142 = arith.addi %while3A_140, %while3A_141 : i32
      %while3A_143 = arith.constant 1 : i32
      %while3A_144 = arith.divsi %while3A_141, %while3A_143 : i32
      %while3A_145 = arith.muli %while3A_144, %while3A_143 : i32
      %while3A_146 = arith.addi %while3A_140, %while3A_145 : i32
      %while3A_147 = arith.constant 1 : i32
      %while3A_148 = scf.for %while3A_151 = %while3A_140 to %while3A_146 step %while3A_147 iter_args(%while3A_152 = %while3A_103) -> (i32)  : i32 {
        %rem3A_153 = arith.constant 4 : i32
        %rem3A_154 = arith.remsi %while3A_152, %rem3A_153 : i32
        %ge3A_155 = arith.constant 4 : i32
        %ge3A_156 = arith.cmpi sge, %while3A_152, %ge3A_155 : i32
        %convert_element_type3A_157 = arith.extui %ge3A_156 : i1 to i32
        %cond3A_158 = arith.constant 0 : i32
        %cond3A_159 = arith.cmpi ne, %convert_element_type3A_157, %cond3A_158 : i32
        scf.if %cond3A_159 {
          %dma_wait3A_352 = arith.constant 0 : i32
          %dma_wait3A_353 = arith.constant 0 : i32
          %dma_wait3A_354 = tpu.memref_slice %arg14[%rem3A_154, %dma_wait3A_352, %dma_wait3A_353] : memref<4x16x128xf32, #tpu.memory_space<vmem>> -> memref<1x16x128xf32, #tpu.memory_space<vmem>>
          %dma_wait3A_355 = tpu.memref_squeeze %dma_wait3A_354 : memref<1x16x128xf32, #tpu.memory_space<vmem>> -> memref<16x128xf32, #tpu.memory_space<vmem>>
          %dma_wait3A_356 = arith.constant 0 : i32
          %dma_wait3A_357 = arith.constant 0 : i32
          %dma_wait3A_358 = tpu.memref_slice %arg5[%dma_wait3A_356, %dma_wait3A_357] : memref<16400x128xf32, #tpu.memory_space<hbm>> -> memref<16x128xf32, #tpu.memory_space<hbm>>
          %dma_wait3A_359 = arith.constant 0 : i32
          %dma_wait3A_360 = arith.constant 0 : i32
          %dma_wait3A_361 = tpu.memref_slice %arg14[%rem3A_154, %dma_wait3A_359, %dma_wait3A_360] : memref<4x16x128xf32, #tpu.memory_space<vmem>> -> memref<1x16x128xf32, #tpu.memory_space<vmem>>
          %dma_wait3A_362 = tpu.memref_squeeze %dma_wait3A_361 : memref<1x16x128xf32, #tpu.memory_space<vmem>> -> memref<16x128xf32, #tpu.memory_space<vmem>>
          %dma_wait3A_363 = arith.constant 0 : i32
          %dma_wait3A_364 = arith.constant 0 : i32
          %dma_wait3A_365 = tpu.memref_slice %arg5[%dma_wait3A_363, %dma_wait3A_364] : memref<16400x128xf32, #tpu.memory_space<hbm>> -> memref<16x128xf32, #tpu.memory_space<hbm>>
          tpu.wait_dma2 semaphore(%arg17 : memref<!tpu.dma_semaphore, #tpu.memory_space<semaphore_mem>>) src(%dma_wait3A_365 : memref<16x128xf32, #tpu.memory_space<hbm>>) dst(%dma_wait3A_362 : memref<16x128xf32, #tpu.memory_space<vmem>>)
        } else {
        }
        %mul3A_160 = arith.constant 16 : i32
        %mul3A_161 = arith.muli %while3A_151, %mul3A_160 : i32
        %add3A_162 = arith.addi %reduce_sum3A_134, %mul3A_161 : i32
        %get3A_163 = arith.index_cast %add3A_162 : i32 to index
        %get3A_164 = tpu.vector_load %arg8[%get3A_163] {strides = array<i32>} : memref<16400xi32, #tpu.memory_space<vmem>>, vector<16xi32>,
        %mul3A_165 = arith.constant 16 : i32
        %mul3A_166 = arith.muli %while3A_151, %mul3A_165 : i32
        %add3A_167 = arith.addi %reduce_sum3A_134, %mul3A_166 : i32
        %get3A_168 = arith.index_cast %add3A_167 : i32 to index
        %get3A_169 = tpu.vector_load %arg9[%get3A_168] {strides = array<i32>} : memref<16400xi32, #tpu.memory_space<vmem>>, vector<16xi32>,
        %mul3A_170 = arith.constant 16 : i32
        %mul3A_171 = arith.muli %while3A_151, %mul3A_170 : i32
        %sub3A_172 = arith.subi %reduce_sum3A_127, %mul3A_171 : i32
        %lt3A_173 = vector.broadcast %sub3A_172 : i32 to vector<16xi32>
        %lt3A_174 = arith.cmpi slt, %iota3A, %lt3A_173 : vector<16xi32>
        %and3A = arith.constant 1023 : i32
        %and3A_175 = vector.broadcast %and3A : i32 to vector<16xi32>
        %and3A_176 = arith.andi %get3A_164, %and3A_175 : vector<16xi32>
        %broadcast_in_dim3A_177 = vector.broadcast %rem3A_154 : i32 to vector<16xi32>
        %broadcast_in_dim3A_178 = vector.broadcast %rem3A_104 : i32 to vector<16xi32>
        %broadcast_in_dim3A_179 = arith.constant 0 : i32
        %broadcast_in_dim3A_180 = vector.broadcast %broadcast_in_dim3A_179 : i32 to vector<16xi32>
        %gather3A = tpu.vector_load_idx %arg13[%broadcast_in_dim3A_178, %broadcast_in_dim3A_180, %and3A_176] : memref<2x32x1024xf32, #tpu.memory_space<vmem>>[vector<16xi32>, vector<16xi32>, vector<16xi32>], vector<16xf32>,
        %broadcast_in_dim3A_181 = arith.constant 0 : i32
        %broadcast_in_dim3A_182 = vector.broadcast %broadcast_in_dim3A_181 : i32 to vector<16xi32>
        tpu.vector_store_idx %arg14[%broadcast_in_dim3A_177, %iota3A, %broadcast_in_dim3A_182], %gather3A : memref<4x16x128xf32, #tpu.memory_space<vmem>>[vector<16xi32>, vector<16xi32>, vector<16xi32>], vector<16xf32>,
        %broadcast_in_dim3A_183 = arith.constant 1 : i32
        %broadcast_in_dim3A_184 = vector.broadcast %broadcast_in_dim3A_183 : i32 to vector<16xi32>
        %gather3A_185 = tpu.vector_load_idx %arg13[%broadcast_in_dim3A_178, %broadcast_in_dim3A_184, %and3A_176] : memref<2x32x1024xf32, #tpu.memory_space<vmem>>[vector<16xi32>, vector<16xi32>, vector<16xi32>], vector<16xf32>,
        %broadcast_in_dim3A_186 = arith.constant 1 : i32
        %broadcast_in_dim3A_187 = vector.broadcast %broadcast_in_dim3A_186 : i32 to vector<16xi32>
        tpu.vector_store_idx %arg14[%broadcast_in_dim3A_177, %iota3A, %broadcast_in_dim3A_187], %gather3A_185 : memref<4x16x128xf32, #tpu.memory_space<vmem>>[vector<16xi32>, vector<16xi32>, vector<16xi32>], vector<16xf32>,
        %broadcast_in_dim3A_188 = arith.constant 2 : i32
        %broadcast_in_dim3A_189 = vector.broadcast %broadcast_in_dim3A_188 : i32 to vector<16xi32>
        %gather3A_190 = tpu.vector_load_idx %arg13[%broadcast_in_dim3A_178, %broadcast_in_dim3A_189, %and3A_176] : memref<2x32x1024xf32, #tpu.memory_space<vmem>>[vector<16xi32>, vector<16xi32>, vector<16xi32>], vector<16xf32>,
        %broadcast_in_dim3A_191 = arith.constant 2 : i32
        %broadcast_in_dim3A_192 = vector.broadcast %broadcast_in_dim3A_191 : i32 to vector<16xi32>
        tpu.vector_store_idx %arg14[%broadcast_in_dim3A_177, %iota3A, %broadcast_in_dim3A_192], %gather3A_190 : memref<4x16x128xf32, #tpu.memory_space<vmem>>[vector<16xi32>, vector<16xi32>, vector<16xi32>], vector<16xf32>,
        %broadcast_in_dim3A_193 = arith.constant 3 : i32
        %broadcast_in_dim3A_194 = vector.broadcast %broadcast_in_dim3A_193 : i32 to vector<16xi32>
        %gather3A_195 = tpu.vector_load_idx %arg13[%broadcast_in_dim3A_178, %broadcast_in_dim3A_194, %and3A_176] : memref<2x32x1024xf32, #tpu.memory_space<vmem>>[vector<16xi32>, vector<16xi32>, vector<16xi32>], vector<16xf32>,
        %broadcast_in_dim3A_196 = arith.constant 3 : i32
        %broadcast_in_dim3A_197 = vector.broadcast %broadcast_in_dim3A_196 : i32 to vector<16xi32>
        tpu.vector_store_idx %arg14[%broadcast_in_dim3A_177, %iota3A, %broadcast_in_dim3A_197], %gather3A_195 : memref<4x16x128xf32, #tpu.memory_space<vmem>>[vector<16xi32>, vector<16xi32>, vector<16xi32>], vector<16xf32>,
        %broadcast_in_dim3A_198 = arith.constant 4 : i32
        %broadcast_in_dim3A_199 = vector.broadcast %broadcast_in_dim3A_198 : i32 to vector<16xi32>
        %gather3A_200 = tpu.vector_load_idx %arg13[%broadcast_in_dim3A_178, %broadcast_in_dim3A_199, %and3A_176] : memref<2x32x1024xf32, #tpu.memory_space<vmem>>[vector<16xi32>, vector<16xi32>, vector<16xi32>], vector<16xf32>,
        %broadcast_in_dim3A_201 = arith.constant 4 : i32
        %broadcast_in_dim3A_202 = vector.broadcast %broadcast_in_dim3A_201 : i32 to vector<16xi32>
        tpu.vector_store_idx %arg14[%broadcast_in_dim3A_177, %iota3A, %broadcast_in_dim3A_202], %gather3A_200 : memref<4x16x128xf32, #tpu.memory_space<vmem>>[vector<16xi32>, vector<16xi32>, vector<16xi32>], vector<16xf32>,
        %broadcast_in_dim3A_203 = arith.constant 5 : i32
        %broadcast_in_dim3A_204 = vector.broadcast %broadcast_in_dim3A_203 : i32 to vector<16xi32>
        %gather3A_205 = tpu.vector_load_idx %arg13[%broadcast_in_dim3A_178, %broadcast_in_dim3A_204, %and3A_176] : memref<2x32x1024xf32, #tpu.memory_space<vmem>>[vector<16xi32>, vector<16xi32>, vector<16xi32>], vector<16xf32>,
        %broadcast_in_dim3A_206 = arith.constant 5 : i32
        %broadcast_in_dim3A_207 = vector.broadcast %broadcast_in_dim3A_206 : i32 to vector<16xi32>
        tpu.vector_store_idx %arg14[%broadcast_in_dim3A_177, %iota3A, %broadcast_in_dim3A_207], %gather3A_205 : memref<4x16x128xf32, #tpu.memory_space<vmem>>[vector<16xi32>, vector<16xi32>, vector<16xi32>], vector<16xf32>,
        %broadcast_in_dim3A_208 = arith.constant 6 : i32
        %broadcast_in_dim3A_209 = vector.broadcast %broadcast_in_dim3A_208 : i32 to vector<16xi32>
        %gather3A_210 = tpu.vector_load_idx %arg13[%broadcast_in_dim3A_178, %broadcast_in_dim3A_209, %and3A_176] : memref<2x32x1024xf32, #tpu.memory_space<vmem>>[vector<16xi32>, vector<16xi32>, vector<16xi32>], vector<16xf32>,
        %broadcast_in_dim3A_211 = arith.constant 6 : i32
        %broadcast_in_dim3A_212 = vector.broadcast %broadcast_in_dim3A_211 : i32 to vector<16xi32>
        tpu.vector_store_idx %arg14[%broadcast_in_dim3A_177, %iota3A, %broadcast_in_dim3A_212], %gather3A_210 : memref<4x16x128xf32, #tpu.memory_space<vmem>>[vector<16xi32>, vector<16xi32>, vector<16xi32>], vector<16xf32>,
        %broadcast_in_dim3A_213 = arith.constant 7 : i32
        %broadcast_in_dim3A_214 = vector.broadcast %broadcast_in_dim3A_213 : i32 to vector<16xi32>
        %gather3A_215 = tpu.vector_load_idx %arg13[%broadcast_in_dim3A_178, %broadcast_in_dim3A_214, %and3A_176] : memref<2x32x1024xf32, #tpu.memory_space<vmem>>[vector<16xi32>, vector<16xi32>, vector<16xi32>], vector<16xf32>,
        %broadcast_in_dim3A_216 = arith.constant 7 : i32
        %broadcast_in_dim3A_217 = vector.broadcast %broadcast_in_dim3A_216 : i32 to vector<16xi32>
        tpu.vector_store_idx %arg14[%broadcast_in_dim3A_177, %iota3A, %broadcast_in_dim3A_217], %gather3A_215 : memref<4x16x128xf32, #tpu.memory_space<vmem>>[vector<16xi32>, vector<16xi32>, vector<16xi32>], vector<16xf32>,
        %broadcast_in_dim3A_218 = arith.constant 8 : i32
        %broadcast_in_dim3A_219 = vector.broadcast %broadcast_in_dim3A_218 : i32 to vector<16xi32>
        %gather3A_220 = tpu.vector_load_idx %arg13[%broadcast_in_dim3A_178, %broadcast_in_dim3A_219, %and3A_176] : memref<2x32x1024xf32, #tpu.memory_space<vmem>>[vector<16xi32>, vector<16xi32>, vector<16xi32>], vector<16xf32>,
        %broadcast_in_dim3A_221 = arith.constant 8 : i32
        %broadcast_in_dim3A_222 = vector.broadcast %broadcast_in_dim3A_221 : i32 to vector<16xi32>
        tpu.vector_store_idx %arg14[%broadcast_in_dim3A_177, %iota3A, %broadcast_in_dim3A_222], %gather3A_220 : memref<4x16x128xf32, #tpu.memory_space<vmem>>[vector<16xi32>, vector<16xi32>, vector<16xi32>], vector<16xf32>,
        %broadcast_in_dim3A_223 = arith.constant 9 : i32
        %broadcast_in_dim3A_224 = vector.broadcast %broadcast_in_dim3A_223 : i32 to vector<16xi32>
        %gather3A_225 = tpu.vector_load_idx %arg13[%broadcast_in_dim3A_178, %broadcast_in_dim3A_224, %and3A_176] : memref<2x32x1024xf32, #tpu.memory_space<vmem>>[vector<16xi32>, vector<16xi32>, vector<16xi32>], vector<16xf32>,
        %broadcast_in_dim3A_226 = arith.constant 9 : i32
        %broadcast_in_dim3A_227 = vector.broadcast %broadcast_in_dim3A_226 : i32 to vector<16xi32>
        tpu.vector_store_idx %arg14[%broadcast_in_dim3A_177, %iota3A, %broadcast_in_dim3A_227], %gather3A_225 : memref<4x16x128xf32, #tpu.memory_space<vmem>>[vector<16xi32>, vector<16xi32>, vector<16xi32>], vector<16xf32>,
        %broadcast_in_dim3A_228 = arith.constant 10 : i32
        %broadcast_in_dim3A_229 = vector.broadcast %broadcast_in_dim3A_228 : i32 to vector<16xi32>
        %gather3A_230 = tpu.vector_load_idx %arg13[%broadcast_in_dim3A_178, %broadcast_in_dim3A_229, %and3A_176] : memref<2x32x1024xf32, #tpu.memory_space<vmem>>[vector<16xi32>, vector<16xi32>, vector<16xi32>], vector<16xf32>,
        %broadcast_in_dim3A_231 = arith.constant 10 : i32
        %broadcast_in_dim3A_232 = vector.broadcast %broadcast_in_dim3A_231 : i32 to vector<16xi32>
        tpu.vector_store_idx %arg14[%broadcast_in_dim3A_177, %iota3A, %broadcast_in_dim3A_232], %gather3A_230 : memref<4x16x128xf32, #tpu.memory_space<vmem>>[vector<16xi32>, vector<16xi32>, vector<16xi32>], vector<16xf32>,
        %broadcast_in_dim3A_233 = arith.constant 11 : i32
        %broadcast_in_dim3A_234 = vector.broadcast %broadcast_in_dim3A_233 : i32 to vector<16xi32>
        %gather3A_235 = tpu.vector_load_idx %arg13[%broadcast_in_dim3A_178, %broadcast_in_dim3A_234, %and3A_176] : memref<2x32x1024xf32, #tpu.memory_space<vmem>>[vector<16xi32>, vector<16xi32>, vector<16xi32>], vector<16xf32>,
        %broadcast_in_dim3A_236 = arith.constant 11 : i32
        %broadcast_in_dim3A_237 = vector.broadcast %broadcast_in_dim3A_236 : i32 to vector<16xi32>
        tpu.vector_store_idx %arg14[%broadcast_in_dim3A_177, %iota3A, %broadcast_in_dim3A_237], %gather3A_235 : memref<4x16x128xf32, #tpu.memory_space<vmem>>[vector<16xi32>, vector<16xi32>, vector<16xi32>], vector<16xf32>,
        %broadcast_in_dim3A_238 = arith.constant 12 : i32
        %broadcast_in_dim3A_239 = vector.broadcast %broadcast_in_dim3A_238 : i32 to vector<16xi32>
        %gather3A_240 = tpu.vector_load_idx %arg13[%broadcast_in_dim3A_178, %broadcast_in_dim3A_239, %and3A_176] : memref<2x32x1024xf32, #tpu.memory_space<vmem>>[vector<16xi32>, vector<16xi32>, vector<16xi32>], vector<16xf32>,
        %broadcast_in_dim3A_241 = arith.constant 12 : i32
        %broadcast_in_dim3A_242 = vector.broadcast %broadcast_in_dim3A_241 : i32 to vector<16xi32>
        tpu.vector_store_idx %arg14[%broadcast_in_dim3A_177, %iota3A, %broadcast_in_dim3A_242], %gather3A_240 : memref<4x16x128xf32, #tpu.memory_space<vmem>>[vector<16xi32>, vector<16xi32>, vector<16xi32>], vector<16xf32>,
        %broadcast_in_dim3A_243 = arith.constant 13 : i32
        %broadcast_in_dim3A_244 = vector.broadcast %broadcast_in_dim3A_243 : i32 to vector<16xi32>
        %gather3A_245 = tpu.vector_load_idx %arg13[%broadcast_in_dim3A_178, %broadcast_in_dim3A_244, %and3A_176] : memref<2x32x1024xf32, #tpu.memory_space<vmem>>[vector<16xi32>, vector<16xi32>, vector<16xi32>], vector<16xf32>,
        %broadcast_in_dim3A_246 = arith.constant 13 : i32
        %broadcast_in_dim3A_247 = vector.broadcast %broadcast_in_dim3A_246 : i32 to vector<16xi32>
        tpu.vector_store_idx %arg14[%broadcast_in_dim3A_177, %iota3A, %broadcast_in_dim3A_247], %gather3A_245 : memref<4x16x128xf32, #tpu.memory_space<vmem>>[vector<16xi32>, vector<16xi32>, vector<16xi32>], vector<16xf32>,
        %broadcast_in_dim3A_248 = arith.constant 14 : i32
        %broadcast_in_dim3A_249 = vector.broadcast %broadcast_in_dim3A_248 : i32 to vector<16xi32>
        %gather3A_250 = tpu.vector_load_idx %arg13[%broadcast_in_dim3A_178, %broadcast_in_dim3A_249, %and3A_176] : memref<2x32x1024xf32, #tpu.memory_space<vmem>>[vector<16xi32>, vector<16xi32>, vector<16xi32>], vector<16xf32>,
        %broadcast_in_dim3A_251 = arith.constant 14 : i32
        %broadcast_in_dim3A_252 = vector.broadcast %broadcast_in_dim3A_251 : i32 to vector<16xi32>
        tpu.vector_store_idx %arg14[%broadcast_in_dim3A_177, %iota3A, %broadcast_in_dim3A_252], %gather3A_250 : memref<4x16x128xf32, #tpu.memory_space<vmem>>[vector<16xi32>, vector<16xi32>, vector<16xi32>], vector<16xf32>,
        %broadcast_in_dim3A_253 = arith.constant 15 : i32
        %broadcast_in_dim3A_254 = vector.broadcast %broadcast_in_dim3A_253 : i32 to vector<16xi32>
        %gather3A_255 = tpu.vector_load_idx %arg13[%broadcast_in_dim3A_178, %broadcast_in_dim3A_254, %and3A_176] : memref<2x32x1024xf32, #tpu.memory_space<vmem>>[vector<16xi32>, vector<16xi32>, vector<16xi32>], vector<16xf32>,
        %broadcast_in_dim3A_256 = arith.constant 15 : i32
        %broadcast_in_dim3A_257 = vector.broadcast %broadcast_in_dim3A_256 : i32 to vector<16xi32>
        tpu.vector_store_idx %arg14[%broadcast_in_dim3A_177, %iota3A, %broadcast_in_dim3A_257], %gather3A_255 : memref<4x16x128xf32, #tpu.memory_space<vmem>>[vector<16xi32>, vector<16xi32>, vector<16xi32>], vector<16xf32>,
        %broadcast_in_dim3A_258 = arith.constant 16 : i32
        %broadcast_in_dim3A_259 = vector.broadcast %broadcast_in_dim3A_258 : i32 to vector<16xi32>
        %gather3A_260 = tpu.vector_load_idx %arg13[%broadcast_in_dim3A_178, %broadcast_in_dim3A_259, %and3A_176] : memref<2x32x1024xf32, #tpu.memory_space<vmem>>[vector<16xi32>, vector<16xi32>, vector<16xi32>], vector<16xf32>,
        %broadcast_in_dim3A_261 = arith.constant 16 : i32
        %broadcast_in_dim3A_262 = vector.broadcast %broadcast_in_dim3A_261 : i32 to vector<16xi32>
        tpu.vector_store_idx %arg14[%broadcast_in_dim3A_177, %iota3A, %broadcast_in_dim3A_262], %gather3A_260 : memref<4x16x128xf32, #tpu.memory_space<vmem>>[vector<16xi32>, vector<16xi32>, vector<16xi32>], vector<16xf32>,
        %broadcast_in_dim3A_263 = arith.constant 17 : i32
        %broadcast_in_dim3A_264 = vector.broadcast %broadcast_in_dim3A_263 : i32 to vector<16xi32>
        %gather3A_265 = tpu.vector_load_idx %arg13[%broadcast_in_dim3A_178, %broadcast_in_dim3A_264, %and3A_176] : memref<2x32x1024xf32, #tpu.memory_space<vmem>>[vector<16xi32>, vector<16xi32>, vector<16xi32>], vector<16xf32>,
        %broadcast_in_dim3A_266 = arith.constant 17 : i32
        %broadcast_in_dim3A_267 = vector.broadcast %broadcast_in_dim3A_266 : i32 to vector<16xi32>
        tpu.vector_store_idx %arg14[%broadcast_in_dim3A_177, %iota3A, %broadcast_in_dim3A_267], %gather3A_265 : memref<4x16x128xf32, #tpu.memory_space<vmem>>[vector<16xi32>, vector<16xi32>, vector<16xi32>], vector<16xf32>,
        %broadcast_in_dim3A_268 = arith.constant 18 : i32
        %broadcast_in_dim3A_269 = vector.broadcast %broadcast_in_dim3A_268 : i32 to vector<16xi32>
        %gather3A_270 = tpu.vector_load_idx %arg13[%broadcast_in_dim3A_178, %broadcast_in_dim3A_269, %and3A_176] : memref<2x32x1024xf32, #tpu.memory_space<vmem>>[vector<16xi32>, vector<16xi32>, vector<16xi32>], vector<16xf32>,
        %broadcast_in_dim3A_271 = arith.constant 18 : i32
        %broadcast_in_dim3A_272 = vector.broadcast %broadcast_in_dim3A_271 : i32 to vector<16xi32>
        tpu.vector_store_idx %arg14[%broadcast_in_dim3A_177, %iota3A, %broadcast_in_dim3A_272], %gather3A_270 : memref<4x16x128xf32, #tpu.memory_space<vmem>>[vector<16xi32>, vector<16xi32>, vector<16xi32>], vector<16xf32>,
        %broadcast_in_dim3A_273 = arith.constant 19 : i32
        %broadcast_in_dim3A_274 = vector.broadcast %broadcast_in_dim3A_273 : i32 to vector<16xi32>
        %gather3A_275 = tpu.vector_load_idx %arg13[%broadcast_in_dim3A_178, %broadcast_in_dim3A_274, %and3A_176] : memref<2x32x1024xf32, #tpu.memory_space<vmem>>[vector<16xi32>, vector<16xi32>, vector<16xi32>], vector<16xf32>,
        %broadcast_in_dim3A_276 = arith.constant 19 : i32
        %broadcast_in_dim3A_277 = vector.broadcast %broadcast_in_dim3A_276 : i32 to vector<16xi32>
        tpu.vector_store_idx %arg14[%broadcast_in_dim3A_177, %iota3A, %broadcast_in_dim3A_277], %gather3A_275 : memref<4x16x128xf32, #tpu.memory_space<vmem>>[vector<16xi32>, vector<16xi32>, vector<16xi32>], vector<16xf32>,
        %broadcast_in_dim3A_278 = arith.constant 20 : i32
        %broadcast_in_dim3A_279 = vector.broadcast %broadcast_in_dim3A_278 : i32 to vector<16xi32>
        %gather3A_280 = tpu.vector_load_idx %arg13[%broadcast_in_dim3A_178, %broadcast_in_dim3A_279, %and3A_176] : memref<2x32x1024xf32, #tpu.memory_space<vmem>>[vector<16xi32>, vector<16xi32>, vector<16xi32>], vector<16xf32>,
        %broadcast_in_dim3A_281 = arith.constant 20 : i32
        %broadcast_in_dim3A_282 = vector.broadcast %broadcast_in_dim3A_281 : i32 to vector<16xi32>
        tpu.vector_store_idx %arg14[%broadcast_in_dim3A_177, %iota3A, %broadcast_in_dim3A_282], %gather3A_280 : memref<4x16x128xf32, #tpu.memory_space<vmem>>[vector<16xi32>, vector<16xi32>, vector<16xi32>], vector<16xf32>,
        %broadcast_in_dim3A_283 = arith.constant 21 : i32
        %broadcast_in_dim3A_284 = vector.broadcast %broadcast_in_dim3A_283 : i32 to vector<16xi32>
        %gather3A_285 = tpu.vector_load_idx %arg13[%broadcast_in_dim3A_178, %broadcast_in_dim3A_284, %and3A_176] : memref<2x32x1024xf32, #tpu.memory_space<vmem>>[vector<16xi32>, vector<16xi32>, vector<16xi32>], vector<16xf32>,
        %broadcast_in_dim3A_286 = arith.constant 21 : i32
        %broadcast_in_dim3A_287 = vector.broadcast %broadcast_in_dim3A_286 : i32 to vector<16xi32>
        tpu.vector_store_idx %arg14[%broadcast_in_dim3A_177, %iota3A, %broadcast_in_dim3A_287], %gather3A_285 : memref<4x16x128xf32, #tpu.memory_space<vmem>>[vector<16xi32>, vector<16xi32>, vector<16xi32>], vector<16xf32>,
        %broadcast_in_dim3A_288 = arith.constant 22 : i32
        %broadcast_in_dim3A_289 = vector.broadcast %broadcast_in_dim3A_288 : i32 to vector<16xi32>
        %gather3A_290 = tpu.vector_load_idx %arg13[%broadcast_in_dim3A_178, %broadcast_in_dim3A_289, %and3A_176] : memref<2x32x1024xf32, #tpu.memory_space<vmem>>[vector<16xi32>, vector<16xi32>, vector<16xi32>], vector<16xf32>,
        %broadcast_in_dim3A_291 = arith.constant 22 : i32
        %broadcast_in_dim3A_292 = vector.broadcast %broadcast_in_dim3A_291 : i32 to vector<16xi32>
        tpu.vector_store_idx %arg14[%broadcast_in_dim3A_177, %iota3A, %broadcast_in_dim3A_292], %gather3A_290 : memref<4x16x128xf32, #tpu.memory_space<vmem>>[vector<16xi32>, vector<16xi32>, vector<16xi32>], vector<16xf32>,
        %broadcast_in_dim3A_293 = arith.constant 23 : i32
        %broadcast_in_dim3A_294 = vector.broadcast %broadcast_in_dim3A_293 : i32 to vector<16xi32>
        %gather3A_295 = tpu.vector_load_idx %arg13[%broadcast_in_dim3A_178, %broadcast_in_dim3A_294, %and3A_176] : memref<2x32x1024xf32, #tpu.memory_space<vmem>>[vector<16xi32>, vector<16xi32>, vector<16xi32>], vector<16xf32>,
        %broadcast_in_dim3A_296 = arith.constant 23 : i32
        %broadcast_in_dim3A_297 = vector.broadcast %broadcast_in_dim3A_296 : i32 to vector<16xi32>
        tpu.vector_store_idx %arg14[%broadcast_in_dim3A_177, %iota3A, %broadcast_in_dim3A_297], %gather3A_295 : memref<4x16x128xf32, #tpu.memory_space<vmem>>[vector<16xi32>, vector<16xi32>, vector<16xi32>], vector<16xf32>,
        %broadcast_in_dim3A_298 = arith.constant 24 : i32
        %broadcast_in_dim3A_299 = vector.broadcast %broadcast_in_dim3A_298 : i32 to vector<16xi32>
        %gather3A_300 = tpu.vector_load_idx %arg13[%broadcast_in_dim3A_178, %broadcast_in_dim3A_299, %and3A_176] : memref<2x32x1024xf32, #tpu.memory_space<vmem>>[vector<16xi32>, vector<16xi32>, vector<16xi32>], vector<16xf32>,
        %broadcast_in_dim3A_301 = arith.constant 24 : i32
        %broadcast_in_dim3A_302 = vector.broadcast %broadcast_in_dim3A_301 : i32 to vector<16xi32>
        tpu.vector_store_idx %arg14[%broadcast_in_dim3A_177, %iota3A, %broadcast_in_dim3A_302], %gather3A_300 : memref<4x16x128xf32, #tpu.memory_space<vmem>>[vector<16xi32>, vector<16xi32>, vector<16xi32>], vector<16xf32>,
        %broadcast_in_dim3A_303 = arith.constant 25 : i32
        %broadcast_in_dim3A_304 = vector.broadcast %broadcast_in_dim3A_303 : i32 to vector<16xi32>
        %gather3A_305 = tpu.vector_load_idx %arg13[%broadcast_in_dim3A_178, %broadcast_in_dim3A_304, %and3A_176] : memref<2x32x1024xf32, #tpu.memory_space<vmem>>[vector<16xi32>, vector<16xi32>, vector<16xi32>], vector<16xf32>,
        %broadcast_in_dim3A_306 = arith.constant 25 : i32
        %broadcast_in_dim3A_307 = vector.broadcast %broadcast_in_dim3A_306 : i32 to vector<16xi32>
        tpu.vector_store_idx %arg14[%broadcast_in_dim3A_177, %iota3A, %broadcast_in_dim3A_307], %gather3A_305 : memref<4x16x128xf32, #tpu.memory_space<vmem>>[vector<16xi32>, vector<16xi32>, vector<16xi32>], vector<16xf32>,
        %broadcast_in_dim3A_308 = arith.constant 26 : i32
        %broadcast_in_dim3A_309 = vector.broadcast %broadcast_in_dim3A_308 : i32 to vector<16xi32>
        %gather3A_310 = tpu.vector_load_idx %arg13[%broadcast_in_dim3A_178, %broadcast_in_dim3A_309, %and3A_176] : memref<2x32x1024xf32, #tpu.memory_space<vmem>>[vector<16xi32>, vector<16xi32>, vector<16xi32>], vector<16xf32>,
        %broadcast_in_dim3A_311 = arith.constant 26 : i32
        %broadcast_in_dim3A_312 = vector.broadcast %broadcast_in_dim3A_311 : i32 to vector<16xi32>
        tpu.vector_store_idx %arg14[%broadcast_in_dim3A_177, %iota3A, %broadcast_in_dim3A_312], %gather3A_310 : memref<4x16x128xf32, #tpu.memory_space<vmem>>[vector<16xi32>, vector<16xi32>, vector<16xi32>], vector<16xf32>,
        %broadcast_in_dim3A_313 = arith.constant 27 : i32
        %broadcast_in_dim3A_314 = vector.broadcast %broadcast_in_dim3A_313 : i32 to vector<16xi32>
        %gather3A_315 = tpu.vector_load_idx %arg13[%broadcast_in_dim3A_178, %broadcast_in_dim3A_314, %and3A_176] : memref<2x32x1024xf32, #tpu.memory_space<vmem>>[vector<16xi32>, vector<16xi32>, vector<16xi32>], vector<16xf32>,
        %broadcast_in_dim3A_316 = arith.constant 27 : i32
        %broadcast_in_dim3A_317 = vector.broadcast %broadcast_in_dim3A_316 : i32 to vector<16xi32>
        tpu.vector_store_idx %arg14[%broadcast_in_dim3A_177, %iota3A, %broadcast_in_dim3A_317], %gather3A_315 : memref<4x16x128xf32, #tpu.memory_space<vmem>>[vector<16xi32>, vector<16xi32>, vector<16xi32>], vector<16xf32>,
        %broadcast_in_dim3A_318 = arith.constant 28 : i32
        %broadcast_in_dim3A_319 = vector.broadcast %broadcast_in_dim3A_318 : i32 to vector<16xi32>
        %gather3A_320 = tpu.vector_load_idx %arg13[%broadcast_in_dim3A_178, %broadcast_in_dim3A_319, %and3A_176] : memref<2x32x1024xf32, #tpu.memory_space<vmem>>[vector<16xi32>, vector<16xi32>, vector<16xi32>], vector<16xf32>,
        %broadcast_in_dim3A_321 = arith.constant 28 : i32
        %broadcast_in_dim3A_322 = vector.broadcast %broadcast_in_dim3A_321 : i32 to vector<16xi32>
        tpu.vector_store_idx %arg14[%broadcast_in_dim3A_177, %iota3A, %broadcast_in_dim3A_322], %gather3A_320 : memref<4x16x128xf32, #tpu.memory_space<vmem>>[vector<16xi32>, vector<16xi32>, vector<16xi32>], vector<16xf32>,
        %broadcast_in_dim3A_323 = arith.constant 29 : i32
        %broadcast_in_dim3A_324 = vector.broadcast %broadcast_in_dim3A_323 : i32 to vector<16xi32>
        %gather3A_325 = tpu.vector_load_idx %arg13[%broadcast_in_dim3A_178, %broadcast_in_dim3A_324, %and3A_176] : memref<2x32x1024xf32, #tpu.memory_space<vmem>>[vector<16xi32>, vector<16xi32>, vector<16xi32>], vector<16xf32>,
        %broadcast_in_dim3A_326 = arith.constant 29 : i32
        %broadcast_in_dim3A_327 = vector.broadcast %broadcast_in_dim3A_326 : i32 to vector<16xi32>
        tpu.vector_store_idx %arg14[%broadcast_in_dim3A_177, %iota3A, %broadcast_in_dim3A_327], %gather3A_325 : memref<4x16x128xf32, #tpu.memory_space<vmem>>[vector<16xi32>, vector<16xi32>, vector<16xi32>], vector<16xf32>,
        %broadcast_in_dim3A_328 = arith.constant 30 : i32
        %broadcast_in_dim3A_329 = vector.broadcast %broadcast_in_dim3A_328 : i32 to vector<16xi32>
        %gather3A_330 = tpu.vector_load_idx %arg13[%broadcast_in_dim3A_178, %broadcast_in_dim3A_329, %and3A_176] : memref<2x32x1024xf32, #tpu.memory_space<vmem>>[vector<16xi32>, vector<16xi32>, vector<16xi32>], vector<16xf32>,
        %broadcast_in_dim3A_331 = arith.constant 30 : i32
        %broadcast_in_dim3A_332 = vector.broadcast %broadcast_in_dim3A_331 : i32 to vector<16xi32>
        tpu.vector_store_idx %arg14[%broadcast_in_dim3A_177, %iota3A, %broadcast_in_dim3A_332], %gather3A_330 : memref<4x16x128xf32, #tpu.memory_space<vmem>>[vector<16xi32>, vector<16xi32>, vector<16xi32>], vector<16xf32>,
        %broadcast_in_dim3A_333 = arith.constant 31 : i32
        %broadcast_in_dim3A_334 = vector.broadcast %broadcast_in_dim3A_333 : i32 to vector<16xi32>
        %gather3A_335 = tpu.vector_load_idx %arg13[%broadcast_in_dim3A_178, %broadcast_in_dim3A_334, %and3A_176] : memref<2x32x1024xf32, #tpu.memory_space<vmem>>[vector<16xi32>, vector<16xi32>, vector<16xi32>], vector<16xf32>,
        %broadcast_in_dim3A_336 = arith.constant 31 : i32
        %broadcast_in_dim3A_337 = vector.broadcast %broadcast_in_dim3A_336 : i32 to vector<16xi32>
        tpu.vector_store_idx %arg14[%broadcast_in_dim3A_177, %iota3A, %broadcast_in_dim3A_337], %gather3A_335 : memref<4x16x128xf32, #tpu.memory_space<vmem>>[vector<16xi32>, vector<16xi32>, vector<16xi32>], vector<16xf32>,
        %add3A_338 = arith.constant 16384 : i32
        %add3A_339 = vector.broadcast %add3A_338 : i32 to vector<16xi32>
        %add3A_340 = arith.addi %add3A_339, %iota3A : vector<16xi32>
        %select_n3A = arith.select %lt3A_174, %get3A_169, %add3A_340 : vector<16xi1>, vector<16xi32>
        tpu.vector_store_idx %arg15[%broadcast_in_dim3A_177, %iota3A], %select_n3A : memref<4x16xi32, #tpu.memory_space<vmem>>[vector<16xi32>, vector<16xi32>], vector<16xi32>,
        %dma_start3A = arith.constant 0 : i32
        %dma_start3A_341 = arith.constant 0 : i32
        %dma_start3A_342 = tpu.memref_slice %arg14[%rem3A_154, %dma_start3A, %dma_start3A_341] : memref<4x16x128xf32, #tpu.memory_space<vmem>> -> memref<1x16x128xf32, #tpu.memory_space<vmem>>
        %dma_start3A_343 = tpu.memref_squeeze %dma_start3A_342 : memref<1x16x128xf32, #tpu.memory_space<vmem>> -> memref<16x128xf32, #tpu.memory_space<vmem>>
        %dma_start3A_344 = arith.constant 0 : i32
        %dma_start3A_345 = tpu.memref_slice %arg15[%rem3A_154, %dma_start3A_344] : memref<4x16xi32, #tpu.memory_space<vmem>> -> memref<1x16xi32, #tpu.memory_space<vmem>>
        %dma_start3A_346 = tpu.memref_squeeze %dma_start3A_345 : memref<1x16xi32, #tpu.memory_space<vmem>> -> memref<16xi32, #tpu.memory_space<vmem>>
        %dma_start3A_347 = arith.constant 0 : i32
        %dma_start3A_348 = arith.constant 0 : i32
        %dma_start3A_349 = tpu.memref_slice %arg6[%dma_start3A_347, %dma_start3A_348] : memref<16400x128xf32, #tpu.memory_space<hbm>> -> memref<16400x128xf32, #tpu.memory_space<hbm>>
        tpu.enqueue_indirect_dma source(%dma_start3A_343 : memref<16x128xf32, #tpu.memory_space<vmem>>) target(%dma_start3A_349 : memref<16400x128xf32, #tpu.memory_space<hbm>>) offsets(%dma_start3A_346 : memref<16xi32, #tpu.memory_space<vmem>>) semaphore(%arg17 : memref<!tpu.dma_semaphore, #tpu.memory_space<semaphore_mem>>)
        %add3A_350 = arith.constant 1 : i32
        %add3A_351 = arith.addi %while3A_152, %add3A_350 : i32
        scf.yield %add3A_351 : i32
      }
      %while3A_149 = arith.constant 1 : i32
      %while3A_150 = scf.for %while3A_151 = %while3A_146 to %while3A_142 step %while3A_149 iter_args(%while3A_152 = %while3A_148) -> (i32)  : i32 {
        %rem3A_153 = arith.constant 4 : i32
        %rem3A_154 = arith.remsi %while3A_152, %rem3A_153 : i32
        %ge3A_155 = arith.constant 4 : i32
        %ge3A_156 = arith.cmpi sge, %while3A_152, %ge3A_155 : i32
        %convert_element_type3A_157 = arith.extui %ge3A_156 : i1 to i32
        %cond3A_158 = arith.constant 0 : i32
        %cond3A_159 = arith.cmpi ne, %convert_element_type3A_157, %cond3A_158 : i32
        scf.if %cond3A_159 {
          %dma_wait3A_352 = arith.constant 0 : i32
          %dma_wait3A_353 = arith.constant 0 : i32
          %dma_wait3A_354 = tpu.memref_slice %arg14[%rem3A_154, %dma_wait3A_352, %dma_wait3A_353] : memref<4x16x128xf32, #tpu.memory_space<vmem>> -> memref<1x16x128xf32, #tpu.memory_space<vmem>>
          %dma_wait3A_355 = tpu.memref_squeeze %dma_wait3A_354 : memref<1x16x128xf32, #tpu.memory_space<vmem>> -> memref<16x128xf32, #tpu.memory_space<vmem>>
          %dma_wait3A_356 = arith.constant 0 : i32
          %dma_wait3A_357 = arith.constant 0 : i32
          %dma_wait3A_358 = tpu.memref_slice %arg5[%dma_wait3A_356, %dma_wait3A_357] : memref<16400x128xf32, #tpu.memory_space<hbm>> -> memref<16x128xf32, #tpu.memory_space<hbm>>
          %dma_wait3A_359 = arith.constant 0 : i32
          %dma_wait3A_360 = arith.constant 0 : i32
          %dma_wait3A_361 = tpu.memref_slice %arg14[%rem3A_154, %dma_wait3A_359, %dma_wait3A_360] : memref<4x16x128xf32, #tpu.memory_space<vmem>> -> memref<1x16x128xf32, #tpu.memory_space<vmem>>
          %dma_wait3A_362 = tpu.memref_squeeze %dma_wait3A_361 : memref<1x16x128xf32, #tpu.memory_space<vmem>> -> memref<16x128xf32, #tpu.memory_space<vmem>>
          %dma_wait3A_363 = arith.constant 0 : i32
          %dma_wait3A_364 = arith.constant 0 : i32
          %dma_wait3A_365 = tpu.memref_slice %arg5[%dma_wait3A_363, %dma_wait3A_364] : memref<16400x128xf32, #tpu.memory_space<hbm>> -> memref<16x128xf32, #tpu.memory_space<hbm>>
          tpu.wait_dma2 semaphore(%arg17 : memref<!tpu.dma_semaphore, #tpu.memory_space<semaphore_mem>>) src(%dma_wait3A_365 : memref<16x128xf32, #tpu.memory_space<hbm>>) dst(%dma_wait3A_362 : memref<16x128xf32, #tpu.memory_space<vmem>>)
        } else {
        }
        %mul3A_160 = arith.constant 16 : i32
        %mul3A_161 = arith.muli %while3A_151, %mul3A_160 : i32
        %add3A_162 = arith.addi %reduce_sum3A_134, %mul3A_161 : i32
        %get3A_163 = arith.index_cast %add3A_162 : i32 to index
        %get3A_164 = tpu.vector_load %arg8[%get3A_163] {strides = array<i32>} : memref<16400xi32, #tpu.memory_space<vmem>>, vector<16xi32>,
        %mul3A_165 = arith.constant 16 : i32
        %mul3A_166 = arith.muli %while3A_151, %mul3A_165 : i32
        %add3A_167 = arith.addi %reduce_sum3A_134, %mul3A_166 : i32
        %get3A_168 = arith.index_cast %add3A_167 : i32 to index
        %get3A_169 = tpu.vector_load %arg9[%get3A_168] {strides = array<i32>} : memref<16400xi32, #tpu.memory_space<vmem>>, vector<16xi32>,
        %mul3A_170 = arith.constant 16 : i32
        %mul3A_171 = arith.muli %while3A_151, %mul3A_170 : i32
        %sub3A_172 = arith.subi %reduce_sum3A_127, %mul3A_171 : i32
        %lt3A_173 = vector.broadcast %sub3A_172 : i32 to vector<16xi32>
        %lt3A_174 = arith.cmpi slt, %iota3A, %lt3A_173 : vector<16xi32>
        %and3A = arith.constant 1023 : i32
        %and3A_175 = vector.broadcast %and3A : i32 to vector<16xi32>
        %and3A_176 = arith.andi %get3A_164, %and3A_175 : vector<16xi32>
        %broadcast_in_dim3A_177 = vector.broadcast %rem3A_154 : i32 to vector<16xi32>
        %broadcast_in_dim3A_178 = vector.broadcast %rem3A_104 : i32 to vector<16xi32>
        %broadcast_in_dim3A_179 = arith.constant 0 : i32
        %broadcast_in_dim3A_180 = vector.broadcast %broadcast_in_dim3A_179 : i32 to vector<16xi32>
        %gather3A = tpu.vector_load_idx %arg13[%broadcast_in_dim3A_178, %broadcast_in_dim3A_180, %and3A_176] : memref<2x32x1024xf32, #tpu.memory_space<vmem>>[vector<16xi32>, vector<16xi32>, vector<16xi32>], vector<16xf32>,
        %broadcast_in_dim3A_181 = arith.constant 0 : i32
        %broadcast_in_dim3A_182 = vector.broadcast %broadcast_in_dim3A_181 : i32 to vector<16xi32>
        tpu.vector_store_idx %arg14[%broadcast_in_dim3A_177, %iota3A, %broadcast_in_dim3A_182], %gather3A : memref<4x16x128xf32, #tpu.memory_space<vmem>>[vector<16xi32>, vector<16xi32>, vector<16xi32>], vector<16xf32>,
        %broadcast_in_dim3A_183 = arith.constant 1 : i32
        %broadcast_in_dim3A_184 = vector.broadcast %broadcast_in_dim3A_183 : i32 to vector<16xi32>
        %gather3A_185 = tpu.vector_load_idx %arg13[%broadcast_in_dim3A_178, %broadcast_in_dim3A_184, %and3A_176] : memref<2x32x1024xf32, #tpu.memory_space<vmem>>[vector<16xi32>, vector<16xi32>, vector<16xi32>], vector<16xf32>,
        %broadcast_in_dim3A_186 = arith.constant 1 : i32
        %broadcast_in_dim3A_187 = vector.broadcast %broadcast_in_dim3A_186 : i32 to vector<16xi32>
        tpu.vector_store_idx %arg14[%broadcast_in_dim3A_177, %iota3A, %broadcast_in_dim3A_187], %gather3A_185 : memref<4x16x128xf32, #tpu.memory_space<vmem>>[vector<16xi32>, vector<16xi32>, vector<16xi32>], vector<16xf32>,
        %broadcast_in_dim3A_188 = arith.constant 2 : i32
        %broadcast_in_dim3A_189 = vector.broadcast %broadcast_in_dim3A_188 : i32 to vector<16xi32>
        %gather3A_190 = tpu.vector_load_idx %arg13[%broadcast_in_dim3A_178, %broadcast_in_dim3A_189, %and3A_176] : memref<2x32x1024xf32, #tpu.memory_space<vmem>>[vector<16xi32>, vector<16xi32>, vector<16xi32>], vector<16xf32>,
        %broadcast_in_dim3A_191 = arith.constant 2 : i32
        %broadcast_in_dim3A_192 = vector.broadcast %broadcast_in_dim3A_191 : i32 to vector<16xi32>
        tpu.vector_store_idx %arg14[%broadcast_in_dim3A_177, %iota3A, %broadcast_in_dim3A_192], %gather3A_190 : memref<4x16x128xf32, #tpu.memory_space<vmem>>[vector<16xi32>, vector<16xi32>, vector<16xi32>], vector<16xf32>,
        %broadcast_in_dim3A_193 = arith.constant 3 : i32
        %broadcast_in_dim3A_194 = vector.broadcast %broadcast_in_dim3A_193 : i32 to vector<16xi32>
        %gather3A_195 = tpu.vector_load_idx %arg13[%broadcast_in_dim3A_178, %broadcast_in_dim3A_194, %and3A_176] : memref<2x32x1024xf32, #tpu.memory_space<vmem>>[vector<16xi32>, vector<16xi32>, vector<16xi32>], vector<16xf32>,
        %broadcast_in_dim3A_196 = arith.constant 3 : i32
        %broadcast_in_dim3A_197 = vector.broadcast %broadcast_in_dim3A_196 : i32 to vector<16xi32>
        tpu.vector_store_idx %arg14[%broadcast_in_dim3A_177, %iota3A, %broadcast_in_dim3A_197], %gather3A_195 : memref<4x16x128xf32, #tpu.memory_space<vmem>>[vector<16xi32>, vector<16xi32>, vector<16xi32>], vector<16xf32>,
        %broadcast_in_dim3A_198 = arith.constant 4 : i32
        %broadcast_in_dim3A_199 = vector.broadcast %broadcast_in_dim3A_198 : i32 to vector<16xi32>
        %gather3A_200 = tpu.vector_load_idx %arg13[%broadcast_in_dim3A_178, %broadcast_in_dim3A_199, %and3A_176] : memref<2x32x1024xf32, #tpu.memory_space<vmem>>[vector<16xi32>, vector<16xi32>, vector<16xi32>], vector<16xf32>,
        %broadcast_in_dim3A_201 = arith.constant 4 : i32
        %broadcast_in_dim3A_202 = vector.broadcast %broadcast_in_dim3A_201 : i32 to vector<16xi32>
        tpu.vector_store_idx %arg14[%broadcast_in_dim3A_177, %iota3A, %broadcast_in_dim3A_202], %gather3A_200 : memref<4x16x128xf32, #tpu.memory_space<vmem>>[vector<16xi32>, vector<16xi32>, vector<16xi32>], vector<16xf32>,
        %broadcast_in_dim3A_203 = arith.constant 5 : i32
        %broadcast_in_dim3A_204 = vector.broadcast %broadcast_in_dim3A_203 : i32 to vector<16xi32>
        %gather3A_205 = tpu.vector_load_idx %arg13[%broadcast_in_dim3A_178, %broadcast_in_dim3A_204, %and3A_176] : memref<2x32x1024xf32, #tpu.memory_space<vmem>>[vector<16xi32>, vector<16xi32>, vector<16xi32>], vector<16xf32>,
        %broadcast_in_dim3A_206 = arith.constant 5 : i32
        %broadcast_in_dim3A_207 = vector.broadcast %broadcast_in_dim3A_206 : i32 to vector<16xi32>
        tpu.vector_store_idx %arg14[%broadcast_in_dim3A_177, %iota3A, %broadcast_in_dim3A_207], %gather3A_205 : memref<4x16x128xf32, #tpu.memory_space<vmem>>[vector<16xi32>, vector<16xi32>, vector<16xi32>], vector<16xf32>,
        %broadcast_in_dim3A_208 = arith.constant 6 : i32
        %broadcast_in_dim3A_209 = vector.broadcast %broadcast_in_dim3A_208 : i32 to vector<16xi32>
        %gather3A_210 = tpu.vector_load_idx %arg13[%broadcast_in_dim3A_178, %broadcast_in_dim3A_209, %and3A_176] : memref<2x32x1024xf32, #tpu.memory_space<vmem>>[vector<16xi32>, vector<16xi32>, vector<16xi32>], vector<16xf32>,
        %broadcast_in_dim3A_211 = arith.constant 6 : i32
        %broadcast_in_dim3A_212 = vector.broadcast %broadcast_in_dim3A_211 : i32 to vector<16xi32>
        tpu.vector_store_idx %arg14[%broadcast_in_dim3A_177, %iota3A, %broadcast_in_dim3A_212], %gather3A_210 : memref<4x16x128xf32, #tpu.memory_space<vmem>>[vector<16xi32>, vector<16xi32>, vector<16xi32>], vector<16xf32>,
        %broadcast_in_dim3A_213 = arith.constant 7 : i32
        %broadcast_in_dim3A_214 = vector.broadcast %broadcast_in_dim3A_213 : i32 to vector<16xi32>
        %gather3A_215 = tpu.vector_load_idx %arg13[%broadcast_in_dim3A_178, %broadcast_in_dim3A_214, %and3A_176] : memref<2x32x1024xf32, #tpu.memory_space<vmem>>[vector<16xi32>, vector<16xi32>, vector<16xi32>], vector<16xf32>,
        %broadcast_in_dim3A_216 = arith.constant 7 : i32
        %broadcast_in_dim3A_217 = vector.broadcast %broadcast_in_dim3A_216 : i32 to vector<16xi32>
        tpu.vector_store_idx %arg14[%broadcast_in_dim3A_177, %iota3A, %broadcast_in_dim3A_217], %gather3A_215 : memref<4x16x128xf32, #tpu.memory_space<vmem>>[vector<16xi32>, vector<16xi32>, vector<16xi32>], vector<16xf32>,
        %broadcast_in_dim3A_218 = arith.constant 8 : i32
        %broadcast_in_dim3A_219 = vector.broadcast %broadcast_in_dim3A_218 : i32 to vector<16xi32>
        %gather3A_220 = tpu.vector_load_idx %arg13[%broadcast_in_dim3A_178, %broadcast_in_dim3A_219, %and3A_176] : memref<2x32x1024xf32, #tpu.memory_space<vmem>>[vector<16xi32>, vector<16xi32>, vector<16xi32>], vector<16xf32>,
        %broadcast_in_dim3A_221 = arith.constant 8 : i32
        %broadcast_in_dim3A_222 = vector.broadcast %broadcast_in_dim3A_221 : i32 to vector<16xi32>
        tpu.vector_store_idx %arg14[%broadcast_in_dim3A_177, %iota3A, %broadcast_in_dim3A_222], %gather3A_220 : memref<4x16x128xf32, #tpu.memory_space<vmem>>[vector<16xi32>, vector<16xi32>, vector<16xi32>], vector<16xf32>,
        %broadcast_in_dim3A_223 = arith.constant 9 : i32
        %broadcast_in_dim3A_224 = vector.broadcast %broadcast_in_dim3A_223 : i32 to vector<16xi32>
        %gather3A_225 = tpu.vector_load_idx %arg13[%broadcast_in_dim3A_178, %broadcast_in_dim3A_224, %and3A_176] : memref<2x32x1024xf32, #tpu.memory_space<vmem>>[vector<16xi32>, vector<16xi32>, vector<16xi32>], vector<16xf32>,
        %broadcast_in_dim3A_226 = arith.constant 9 : i32
        %broadcast_in_dim3A_227 = vector.broadcast %broadcast_in_dim3A_226 : i32 to vector<16xi32>
        tpu.vector_store_idx %arg14[%broadcast_in_dim3A_177, %iota3A, %broadcast_in_dim3A_227], %gather3A_225 : memref<4x16x128xf32, #tpu.memory_space<vmem>>[vector<16xi32>, vector<16xi32>, vector<16xi32>], vector<16xf32>,
        %broadcast_in_dim3A_228 = arith.constant 10 : i32
        %broadcast_in_dim3A_229 = vector.broadcast %broadcast_in_dim3A_228 : i32 to vector<16xi32>
        %gather3A_230 = tpu.vector_load_idx %arg13[%broadcast_in_dim3A_178, %broadcast_in_dim3A_229, %and3A_176] : memref<2x32x1024xf32, #tpu.memory_space<vmem>>[vector<16xi32>, vector<16xi32>, vector<16xi32>], vector<16xf32>,
        %broadcast_in_dim3A_231 = arith.constant 10 : i32
        %broadcast_in_dim3A_232 = vector.broadcast %broadcast_in_dim3A_231 : i32 to vector<16xi32>
        tpu.vector_store_idx %arg14[%broadcast_in_dim3A_177, %iota3A, %broadcast_in_dim3A_232], %gather3A_230 : memref<4x16x128xf32, #tpu.memory_space<vmem>>[vector<16xi32>, vector<16xi32>, vector<16xi32>], vector<16xf32>,
        %broadcast_in_dim3A_233 = arith.constant 11 : i32
        %broadcast_in_dim3A_234 = vector.broadcast %broadcast_in_dim3A_233 : i32 to vector<16xi32>
        %gather3A_235 = tpu.vector_load_idx %arg13[%broadcast_in_dim3A_178, %broadcast_in_dim3A_234, %and3A_176] : memref<2x32x1024xf32, #tpu.memory_space<vmem>>[vector<16xi32>, vector<16xi32>, vector<16xi32>], vector<16xf32>,
        %broadcast_in_dim3A_236 = arith.constant 11 : i32
        %broadcast_in_dim3A_237 = vector.broadcast %broadcast_in_dim3A_236 : i32 to vector<16xi32>
        tpu.vector_store_idx %arg14[%broadcast_in_dim3A_177, %iota3A, %broadcast_in_dim3A_237], %gather3A_235 : memref<4x16x128xf32, #tpu.memory_space<vmem>>[vector<16xi32>, vector<16xi32>, vector<16xi32>], vector<16xf32>,
        %broadcast_in_dim3A_238 = arith.constant 12 : i32
        %broadcast_in_dim3A_239 = vector.broadcast %broadcast_in_dim3A_238 : i32 to vector<16xi32>
        %gather3A_240 = tpu.vector_load_idx %arg13[%broadcast_in_dim3A_178, %broadcast_in_dim3A_239, %and3A_176] : memref<2x32x1024xf32, #tpu.memory_space<vmem>>[vector<16xi32>, vector<16xi32>, vector<16xi32>], vector<16xf32>,
        %broadcast_in_dim3A_241 = arith.constant 12 : i32
        %broadcast_in_dim3A_242 = vector.broadcast %broadcast_in_dim3A_241 : i32 to vector<16xi32>
        tpu.vector_store_idx %arg14[%broadcast_in_dim3A_177, %iota3A, %broadcast_in_dim3A_242], %gather3A_240 : memref<4x16x128xf32, #tpu.memory_space<vmem>>[vector<16xi32>, vector<16xi32>, vector<16xi32>], vector<16xf32>,
        %broadcast_in_dim3A_243 = arith.constant 13 : i32
        %broadcast_in_dim3A_244 = vector.broadcast %broadcast_in_dim3A_243 : i32 to vector<16xi32>
        %gather3A_245 = tpu.vector_load_idx %arg13[%broadcast_in_dim3A_178, %broadcast_in_dim3A_244, %and3A_176] : memref<2x32x1024xf32, #tpu.memory_space<vmem>>[vector<16xi32>, vector<16xi32>, vector<16xi32>], vector<16xf32>,
        %broadcast_in_dim3A_246 = arith.constant 13 : i32
        %broadcast_in_dim3A_247 = vector.broadcast %broadcast_in_dim3A_246 : i32 to vector<16xi32>
        tpu.vector_store_idx %arg14[%broadcast_in_dim3A_177, %iota3A, %broadcast_in_dim3A_247], %gather3A_245 : memref<4x16x128xf32, #tpu.memory_space<vmem>>[vector<16xi32>, vector<16xi32>, vector<16xi32>], vector<16xf32>,
        %broadcast_in_dim3A_248 = arith.constant 14 : i32
        %broadcast_in_dim3A_249 = vector.broadcast %broadcast_in_dim3A_248 : i32 to vector<16xi32>
        %gather3A_250 = tpu.vector_load_idx %arg13[%broadcast_in_dim3A_178, %broadcast_in_dim3A_249, %and3A_176] : memref<2x32x1024xf32, #tpu.memory_space<vmem>>[vector<16xi32>, vector<16xi32>, vector<16xi32>], vector<16xf32>,
        %broadcast_in_dim3A_251 = arith.constant 14 : i32
        %broadcast_in_dim3A_252 = vector.broadcast %broadcast_in_dim3A_251 : i32 to vector<16xi32>
        tpu.vector_store_idx %arg14[%broadcast_in_dim3A_177, %iota3A, %broadcast_in_dim3A_252], %gather3A_250 : memref<4x16x128xf32, #tpu.memory_space<vmem>>[vector<16xi32>, vector<16xi32>, vector<16xi32>], vector<16xf32>,
        %broadcast_in_dim3A_253 = arith.constant 15 : i32
        %broadcast_in_dim3A_254 = vector.broadcast %broadcast_in_dim3A_253 : i32 to vector<16xi32>
        %gather3A_255 = tpu.vector_load_idx %arg13[%broadcast_in_dim3A_178, %broadcast_in_dim3A_254, %and3A_176] : memref<2x32x1024xf32, #tpu.memory_space<vmem>>[vector<16xi32>, vector<16xi32>, vector<16xi32>], vector<16xf32>,
        %broadcast_in_dim3A_256 = arith.constant 15 : i32
        %broadcast_in_dim3A_257 = vector.broadcast %broadcast_in_dim3A_256 : i32 to vector<16xi32>
        tpu.vector_store_idx %arg14[%broadcast_in_dim3A_177, %iota3A, %broadcast_in_dim3A_257], %gather3A_255 : memref<4x16x128xf32, #tpu.memory_space<vmem>>[vector<16xi32>, vector<16xi32>, vector<16xi32>], vector<16xf32>,
        %broadcast_in_dim3A_258 = arith.constant 16 : i32
        %broadcast_in_dim3A_259 = vector.broadcast %broadcast_in_dim3A_258 : i32 to vector<16xi32>
        %gather3A_260 = tpu.vector_load_idx %arg13[%broadcast_in_dim3A_178, %broadcast_in_dim3A_259, %and3A_176] : memref<2x32x1024xf32, #tpu.memory_space<vmem>>[vector<16xi32>, vector<16xi32>, vector<16xi32>], vector<16xf32>,
        %broadcast_in_dim3A_261 = arith.constant 16 : i32
        %broadcast_in_dim3A_262 = vector.broadcast %broadcast_in_dim3A_261 : i32 to vector<16xi32>
        tpu.vector_store_idx %arg14[%broadcast_in_dim3A_177, %iota3A, %broadcast_in_dim3A_262], %gather3A_260 : memref<4x16x128xf32, #tpu.memory_space<vmem>>[vector<16xi32>, vector<16xi32>, vector<16xi32>], vector<16xf32>,
        %broadcast_in_dim3A_263 = arith.constant 17 : i32
        %broadcast_in_dim3A_264 = vector.broadcast %broadcast_in_dim3A_263 : i32 to vector<16xi32>
        %gather3A_265 = tpu.vector_load_idx %arg13[%broadcast_in_dim3A_178, %broadcast_in_dim3A_264, %and3A_176] : memref<2x32x1024xf32, #tpu.memory_space<vmem>>[vector<16xi32>, vector<16xi32>, vector<16xi32>], vector<16xf32>,
        %broadcast_in_dim3A_266 = arith.constant 17 : i32
        %broadcast_in_dim3A_267 = vector.broadcast %broadcast_in_dim3A_266 : i32 to vector<16xi32>
        tpu.vector_store_idx %arg14[%broadcast_in_dim3A_177, %iota3A, %broadcast_in_dim3A_267], %gather3A_265 : memref<4x16x128xf32, #tpu.memory_space<vmem>>[vector<16xi32>, vector<16xi32>, vector<16xi32>], vector<16xf32>,
        %broadcast_in_dim3A_268 = arith.constant 18 : i32
        %broadcast_in_dim3A_269 = vector.broadcast %broadcast_in_dim3A_268 : i32 to vector<16xi32>
        %gather3A_270 = tpu.vector_load_idx %arg13[%broadcast_in_dim3A_178, %broadcast_in_dim3A_269, %and3A_176] : memref<2x32x1024xf32, #tpu.memory_space<vmem>>[vector<16xi32>, vector<16xi32>, vector<16xi32>], vector<16xf32>,
        %broadcast_in_dim3A_271 = arith.constant 18 : i32
        %broadcast_in_dim3A_272 = vector.broadcast %broadcast_in_dim3A_271 : i32 to vector<16xi32>
        tpu.vector_store_idx %arg14[%broadcast_in_dim3A_177, %iota3A, %broadcast_in_dim3A_272], %gather3A_270 : memref<4x16x128xf32, #tpu.memory_space<vmem>>[vector<16xi32>, vector<16xi32>, vector<16xi32>], vector<16xf32>,
        %broadcast_in_dim3A_273 = arith.constant 19 : i32
        %broadcast_in_dim3A_274 = vector.broadcast %broadcast_in_dim3A_273 : i32 to vector<16xi32>
        %gather3A_275 = tpu.vector_load_idx %arg13[%broadcast_in_dim3A_178, %broadcast_in_dim3A_274, %and3A_176] : memref<2x32x1024xf32, #tpu.memory_space<vmem>>[vector<16xi32>, vector<16xi32>, vector<16xi32>], vector<16xf32>,
        %broadcast_in_dim3A_276 = arith.constant 19 : i32
        %broadcast_in_dim3A_277 = vector.broadcast %broadcast_in_dim3A_276 : i32 to vector<16xi32>
        tpu.vector_store_idx %arg14[%broadcast_in_dim3A_177, %iota3A, %broadcast_in_dim3A_277], %gather3A_275 : memref<4x16x128xf32, #tpu.memory_space<vmem>>[vector<16xi32>, vector<16xi32>, vector<16xi32>], vector<16xf32>,
        %broadcast_in_dim3A_278 = arith.constant 20 : i32
        %broadcast_in_dim3A_279 = vector.broadcast %broadcast_in_dim3A_278 : i32 to vector<16xi32>
        %gather3A_280 = tpu.vector_load_idx %arg13[%broadcast_in_dim3A_178, %broadcast_in_dim3A_279, %and3A_176] : memref<2x32x1024xf32, #tpu.memory_space<vmem>>[vector<16xi32>, vector<16xi32>, vector<16xi32>], vector<16xf32>,
        %broadcast_in_dim3A_281 = arith.constant 20 : i32
        %broadcast_in_dim3A_282 = vector.broadcast %broadcast_in_dim3A_281 : i32 to vector<16xi32>
        tpu.vector_store_idx %arg14[%broadcast_in_dim3A_177, %iota3A, %broadcast_in_dim3A_282], %gather3A_280 : memref<4x16x128xf32, #tpu.memory_space<vmem>>[vector<16xi32>, vector<16xi32>, vector<16xi32>], vector<16xf32>,
        %broadcast_in_dim3A_283 = arith.constant 21 : i32
        %broadcast_in_dim3A_284 = vector.broadcast %broadcast_in_dim3A_283 : i32 to vector<16xi32>
        %gather3A_285 = tpu.vector_load_idx %arg13[%broadcast_in_dim3A_178, %broadcast_in_dim3A_284, %and3A_176] : memref<2x32x1024xf32, #tpu.memory_space<vmem>>[vector<16xi32>, vector<16xi32>, vector<16xi32>], vector<16xf32>,
        %broadcast_in_dim3A_286 = arith.constant 21 : i32
        %broadcast_in_dim3A_287 = vector.broadcast %broadcast_in_dim3A_286 : i32 to vector<16xi32>
        tpu.vector_store_idx %arg14[%broadcast_in_dim3A_177, %iota3A, %broadcast_in_dim3A_287], %gather3A_285 : memref<4x16x128xf32, #tpu.memory_space<vmem>>[vector<16xi32>, vector<16xi32>, vector<16xi32>], vector<16xf32>,
        %broadcast_in_dim3A_288 = arith.constant 22 : i32
        %broadcast_in_dim3A_289 = vector.broadcast %broadcast_in_dim3A_288 : i32 to vector<16xi32>
        %gather3A_290 = tpu.vector_load_idx %arg13[%broadcast_in_dim3A_178, %broadcast_in_dim3A_289, %and3A_176] : memref<2x32x1024xf32, #tpu.memory_space<vmem>>[vector<16xi32>, vector<16xi32>, vector<16xi32>], vector<16xf32>,
        %broadcast_in_dim3A_291 = arith.constant 22 : i32
        %broadcast_in_dim3A_292 = vector.broadcast %broadcast_in_dim3A_291 : i32 to vector<16xi32>
        tpu.vector_store_idx %arg14[%broadcast_in_dim3A_177, %iota3A, %broadcast_in_dim3A_292], %gather3A_290 : memref<4x16x128xf32, #tpu.memory_space<vmem>>[vector<16xi32>, vector<16xi32>, vector<16xi32>], vector<16xf32>,
        %broadcast_in_dim3A_293 = arith.constant 23 : i32
        %broadcast_in_dim3A_294 = vector.broadcast %broadcast_in_dim3A_293 : i32 to vector<16xi32>
        %gather3A_295 = tpu.vector_load_idx %arg13[%broadcast_in_dim3A_178, %broadcast_in_dim3A_294, %and3A_176] : memref<2x32x1024xf32, #tpu.memory_space<vmem>>[vector<16xi32>, vector<16xi32>, vector<16xi32>], vector<16xf32>,
        %broadcast_in_dim3A_296 = arith.constant 23 : i32
        %broadcast_in_dim3A_297 = vector.broadcast %broadcast_in_dim3A_296 : i32 to vector<16xi32>
        tpu.vector_store_idx %arg14[%broadcast_in_dim3A_177, %iota3A, %broadcast_in_dim3A_297], %gather3A_295 : memref<4x16x128xf32, #tpu.memory_space<vmem>>[vector<16xi32>, vector<16xi32>, vector<16xi32>], vector<16xf32>,
        %broadcast_in_dim3A_298 = arith.constant 24 : i32
        %broadcast_in_dim3A_299 = vector.broadcast %broadcast_in_dim3A_298 : i32 to vector<16xi32>
        %gather3A_300 = tpu.vector_load_idx %arg13[%broadcast_in_dim3A_178, %broadcast_in_dim3A_299, %and3A_176] : memref<2x32x1024xf32, #tpu.memory_space<vmem>>[vector<16xi32>, vector<16xi32>, vector<16xi32>], vector<16xf32>,
        %broadcast_in_dim3A_301 = arith.constant 24 : i32
        %broadcast_in_dim3A_302 = vector.broadcast %broadcast_in_dim3A_301 : i32 to vector<16xi32>
        tpu.vector_store_idx %arg14[%broadcast_in_dim3A_177, %iota3A, %broadcast_in_dim3A_302], %gather3A_300 : memref<4x16x128xf32, #tpu.memory_space<vmem>>[vector<16xi32>, vector<16xi32>, vector<16xi32>], vector<16xf32>,
        %broadcast_in_dim3A_303 = arith.constant 25 : i32
        %broadcast_in_dim3A_304 = vector.broadcast %broadcast_in_dim3A_303 : i32 to vector<16xi32>
        %gather3A_305 = tpu.vector_load_idx %arg13[%broadcast_in_dim3A_178, %broadcast_in_dim3A_304, %and3A_176] : memref<2x32x1024xf32, #tpu.memory_space<vmem>>[vector<16xi32>, vector<16xi32>, vector<16xi32>], vector<16xf32>,
        %broadcast_in_dim3A_306 = arith.constant 25 : i32
        %broadcast_in_dim3A_307 = vector.broadcast %broadcast_in_dim3A_306 : i32 to vector<16xi32>
        tpu.vector_store_idx %arg14[%broadcast_in_dim3A_177, %iota3A, %broadcast_in_dim3A_307], %gather3A_305 : memref<4x16x128xf32, #tpu.memory_space<vmem>>[vector<16xi32>, vector<16xi32>, vector<16xi32>], vector<16xf32>,
        %broadcast_in_dim3A_308 = arith.constant 26 : i32
        %broadcast_in_dim3A_309 = vector.broadcast %broadcast_in_dim3A_308 : i32 to vector<16xi32>
        %gather3A_310 = tpu.vector_load_idx %arg13[%broadcast_in_dim3A_178, %broadcast_in_dim3A_309, %and3A_176] : memref<2x32x1024xf32, #tpu.memory_space<vmem>>[vector<16xi32>, vector<16xi32>, vector<16xi32>], vector<16xf32>,
        %broadcast_in_dim3A_311 = arith.constant 26 : i32
        %broadcast_in_dim3A_312 = vector.broadcast %broadcast_in_dim3A_311 : i32 to vector<16xi32>
        tpu.vector_store_idx %arg14[%broadcast_in_dim3A_177, %iota3A, %broadcast_in_dim3A_312], %gather3A_310 : memref<4x16x128xf32, #tpu.memory_space<vmem>>[vector<16xi32>, vector<16xi32>, vector<16xi32>], vector<16xf32>,
        %broadcast_in_dim3A_313 = arith.constant 27 : i32
        %broadcast_in_dim3A_314 = vector.broadcast %broadcast_in_dim3A_313 : i32 to vector<16xi32>
        %gather3A_315 = tpu.vector_load_idx %arg13[%broadcast_in_dim3A_178, %broadcast_in_dim3A_314, %and3A_176] : memref<2x32x1024xf32, #tpu.memory_space<vmem>>[vector<16xi32>, vector<16xi32>, vector<16xi32>], vector<16xf32>,
        %broadcast_in_dim3A_316 = arith.constant 27 : i32
        %broadcast_in_dim3A_317 = vector.broadcast %broadcast_in_dim3A_316 : i32 to vector<16xi32>
        tpu.vector_store_idx %arg14[%broadcast_in_dim3A_177, %iota3A, %broadcast_in_dim3A_317], %gather3A_315 : memref<4x16x128xf32, #tpu.memory_space<vmem>>[vector<16xi32>, vector<16xi32>, vector<16xi32>], vector<16xf32>,
        %broadcast_in_dim3A_318 = arith.constant 28 : i32
        %broadcast_in_dim3A_319 = vector.broadcast %broadcast_in_dim3A_318 : i32 to vector<16xi32>
        %gather3A_320 = tpu.vector_load_idx %arg13[%broadcast_in_dim3A_178, %broadcast_in_dim3A_319, %and3A_176] : memref<2x32x1024xf32, #tpu.memory_space<vmem>>[vector<16xi32>, vector<16xi32>, vector<16xi32>], vector<16xf32>,
        %broadcast_in_dim3A_321 = arith.constant 28 : i32
        %broadcast_in_dim3A_322 = vector.broadcast %broadcast_in_dim3A_321 : i32 to vector<16xi32>
        tpu.vector_store_idx %arg14[%broadcast_in_dim3A_177, %iota3A, %broadcast_in_dim3A_322], %gather3A_320 : memref<4x16x128xf32, #tpu.memory_space<vmem>>[vector<16xi32>, vector<16xi32>, vector<16xi32>], vector<16xf32>,
        %broadcast_in_dim3A_323 = arith.constant 29 : i32
        %broadcast_in_dim3A_324 = vector.broadcast %broadcast_in_dim3A_323 : i32 to vector<16xi32>
        %gather3A_325 = tpu.vector_load_idx %arg13[%broadcast_in_dim3A_178, %broadcast_in_dim3A_324, %and3A_176] : memref<2x32x1024xf32, #tpu.memory_space<vmem>>[vector<16xi32>, vector<16xi32>, vector<16xi32>], vector<16xf32>,
        %broadcast_in_dim3A_326 = arith.constant 29 : i32
        %broadcast_in_dim3A_327 = vector.broadcast %broadcast_in_dim3A_326 : i32 to vector<16xi32>
        tpu.vector_store_idx %arg14[%broadcast_in_dim3A_177, %iota3A, %broadcast_in_dim3A_327], %gather3A_325 : memref<4x16x128xf32, #tpu.memory_space<vmem>>[vector<16xi32>, vector<16xi32>, vector<16xi32>], vector<16xf32>,
        %broadcast_in_dim3A_328 = arith.constant 30 : i32
        %broadcast_in_dim3A_329 = vector.broadcast %broadcast_in_dim3A_328 : i32 to vector<16xi32>
        %gather3A_330 = tpu.vector_load_idx %arg13[%broadcast_in_dim3A_178, %broadcast_in_dim3A_329, %and3A_176] : memref<2x32x1024xf32, #tpu.memory_space<vmem>>[vector<16xi32>, vector<16xi32>, vector<16xi32>], vector<16xf32>,
        %broadcast_in_dim3A_331 = arith.constant 30 : i32
        %broadcast_in_dim3A_332 = vector.broadcast %broadcast_in_dim3A_331 : i32 to vector<16xi32>
        tpu.vector_store_idx %arg14[%broadcast_in_dim3A_177, %iota3A, %broadcast_in_dim3A_332], %gather3A_330 : memref<4x16x128xf32, #tpu.memory_space<vmem>>[vector<16xi32>, vector<16xi32>, vector<16xi32>], vector<16xf32>,
        %broadcast_in_dim3A_333 = arith.constant 31 : i32
        %broadcast_in_dim3A_334 = vector.broadcast %broadcast_in_dim3A_333 : i32 to vector<16xi32>
        %gather3A_335 = tpu.vector_load_idx %arg13[%broadcast_in_dim3A_178, %broadcast_in_dim3A_334, %and3A_176] : memref<2x32x1024xf32, #tpu.memory_space<vmem>>[vector<16xi32>, vector<16xi32>, vector<16xi32>], vector<16xf32>,
        %broadcast_in_dim3A_336 = arith.constant 31 : i32
        %broadcast_in_dim3A_337 = vector.broadcast %broadcast_in_dim3A_336 : i32 to vector<16xi32>
        tpu.vector_store_idx %arg14[%broadcast_in_dim3A_177, %iota3A, %broadcast_in_dim3A_337], %gather3A_335 : memref<4x16x128xf32, #tpu.memory_space<vmem>>[vector<16xi32>, vector<16xi32>, vector<16xi32>], vector<16xf32>,
        %add3A_338 = arith.constant 16384 : i32
        %add3A_339 = vector.broadcast %add3A_338 : i32 to vector<16xi32>
        %add3A_340 = arith.addi %add3A_339, %iota3A : vector<16xi32>
        %select_n3A = arith.select %lt3A_174, %get3A_169, %add3A_340 : vector<16xi1>, vector<16xi32>
        tpu.vector_store_idx %arg15[%broadcast_in_dim3A_177, %iota3A], %select_n3A : memref<4x16xi32, #tpu.memory_space<vmem>>[vector<16xi32>, vector<16xi32>], vector<16xi32>,
        %dma_start3A = arith.constant 0 : i32
        %dma_start3A_341 = arith.constant 0 : i32
        %dma_start3A_342 = tpu.memref_slice %arg14[%rem3A_154, %dma_start3A, %dma_start3A_341] : memref<4x16x128xf32, #tpu.memory_space<vmem>> -> memref<1x16x128xf32, #tpu.memory_space<vmem>>
        %dma_start3A_343 = tpu.memref_squeeze %dma_start3A_342 : memref<1x16x128xf32, #tpu.memory_space<vmem>> -> memref<16x128xf32, #tpu.memory_space<vmem>>
        %dma_start3A_344 = arith.constant 0 : i32
        %dma_start3A_345 = tpu.memref_slice %arg15[%rem3A_154, %dma_start3A_344] : memref<4x16xi32, #tpu.memory_space<vmem>> -> memref<1x16xi32, #tpu.memory_space<vmem>>
        %dma_start3A_346 = tpu.memref_squeeze %dma_start3A_345 : memref<1x16xi32, #tpu.memory_space<vmem>> -> memref<16xi32, #tpu.memory_space<vmem>>
        %dma_start3A_347 = arith.constant 0 : i32
        %dma_start3A_348 = arith.constant 0 : i32
        %dma_start3A_349 = tpu.memref_slice %arg6[%dma_start3A_347, %dma_start3A_348] : memref<16400x128xf32, #tpu.memory_space<hbm>> -> memref<16400x128xf32, #tpu.memory_space<hbm>>
        tpu.enqueue_indirect_dma source(%dma_start3A_343 : memref<16x128xf32, #tpu.memory_space<vmem>>) target(%dma_start3A_349 : memref<16400x128xf32, #tpu.memory_space<hbm>>) offsets(%dma_start3A_346 : memref<16xi32, #tpu.memory_space<vmem>>) semaphore(%arg17 : memref<!tpu.dma_semaphore, #tpu.memory_space<semaphore_mem>>)
        %add3A_350 = arith.constant 1 : i32
        %add3A_351 = arith.addi %while3A_152, %add3A_350 : i32
        scf.yield %add3A_351 : i32
      }
      scf.yield %while3A_150 : i32
    }
    %min3A = arith.constant 4 : i32
    %min3A_89 = arith.minsi %while3A_88, %min3A : i32
    %while3A_90 = arith.constant 0 : i32
    %while3A_91 = arith.constant 0 : i32
    %while3A_92 = arith.subi %min3A_89, %while3A_90 : i32
    %while3A_93 = arith.addi %while3A_90, %while3A_92 : i32
    %while3A_94 = arith.constant 1 : i32
    %while3A_95 = arith.divsi %while3A_92, %while3A_94 : i32
    %while3A_96 = arith.muli %while3A_95, %while3A_94 : i32
    %while3A_97 = arith.addi %while3A_90, %while3A_96 : i32
    %while3A_98 = arith.constant 1 : i32
    %while3A_99 = scf.for %while3A_102 = %while3A_90 to %while3A_97 step %while3A_98 iter_args(%while3A_103 = %while3A_91) -> (i32)  : i32 {
      %sub3A_104 = arith.constant 1 : i32
      %sub3A_105 = arith.subi %while3A_88, %sub3A_104 : i32
      %sub3A_106 = arith.subi %sub3A_105, %while3A_102 : i32
      %rem3A = arith.constant 4 : i32
      %rem3A_107 = arith.remsi %sub3A_106, %rem3A : i32
      %dma_wait3A = arith.constant 0 : i32
      %dma_wait3A_108 = arith.constant 0 : i32
      %dma_wait3A_109 = tpu.memref_slice %arg14[%rem3A_107, %dma_wait3A, %dma_wait3A_108] : memref<4x16x128xf32, #tpu.memory_space<vmem>> -> memref<1x16x128xf32, #tpu.memory_space<vmem>>
      %dma_wait3A_110 = tpu.memref_squeeze %dma_wait3A_109 : memref<1x16x128xf32, #tpu.memory_space<vmem>> -> memref<16x128xf32, #tpu.memory_space<vmem>>
      %dma_wait3A_111 = arith.constant 0 : i32
      %dma_wait3A_112 = arith.constant 0 : i32
      %dma_wait3A_113 = tpu.memref_slice %arg5[%dma_wait3A_111, %dma_wait3A_112] : memref<16400x128xf32, #tpu.memory_space<hbm>> -> memref<16x128xf32, #tpu.memory_space<hbm>>
      %dma_wait3A_114 = arith.constant 0 : i32
      %dma_wait3A_115 = arith.constant 0 : i32
      %dma_wait3A_116 = tpu.memref_slice %arg14[%rem3A_107, %dma_wait3A_114, %dma_wait3A_115] : memref<4x16x128xf32, #tpu.memory_space<vmem>> -> memref<1x16x128xf32, #tpu.memory_space<vmem>>
      %dma_wait3A_117 = tpu.memref_squeeze %dma_wait3A_116 : memref<1x16x128xf32, #tpu.memory_space<vmem>> -> memref<16x128xf32, #tpu.memory_space<vmem>>
      %dma_wait3A_118 = arith.constant 0 : i32
      %dma_wait3A_119 = arith.constant 0 : i32
      %dma_wait3A_120 = tpu.memref_slice %arg5[%dma_wait3A_118, %dma_wait3A_119] : memref<16400x128xf32, #tpu.memory_space<hbm>> -> memref<16x128xf32, #tpu.memory_space<hbm>>
      tpu.wait_dma2 semaphore(%arg17 : memref<!tpu.dma_semaphore, #tpu.memory_space<semaphore_mem>>) src(%dma_wait3A_120 : memref<16x128xf32, #tpu.memory_space<hbm>>) dst(%dma_wait3A_117 : memref<16x128xf32, #tpu.memory_space<vmem>>)
      %while3A_121 = arith.constant 0 : i32
      scf.yield %while3A_121 : i32
    }
    %while3A_100 = arith.constant 1 : i32
    %while3A_101 = scf.for %while3A_102 = %while3A_97 to %while3A_93 step %while3A_100 iter_args(%while3A_103 = %while3A_99) -> (i32)  : i32 {
      %sub3A_104 = arith.constant 1 : i32
      %sub3A_105 = arith.subi %while3A_88, %sub3A_104 : i32
      %sub3A_106 = arith.subi %sub3A_105, %while3A_102 : i32
      %rem3A = arith.constant 4 : i32
      %rem3A_107 = arith.remsi %sub3A_106, %rem3A : i32
      %dma_wait3A = arith.constant 0 : i32
      %dma_wait3A_108 = arith.constant 0 : i32
      %dma_wait3A_109 = tpu.memref_slice %arg14[%rem3A_107, %dma_wait3A, %dma_wait3A_108] : memref<4x16x128xf32, #tpu.memory_space<vmem>> -> memref<1x16x128xf32, #tpu.memory_space<vmem>>
      %dma_wait3A_110 = tpu.memref_squeeze %dma_wait3A_109 : memref<1x16x128xf32, #tpu.memory_space<vmem>> -> memref<16x128xf32, #tpu.memory_space<vmem>>
      %dma_wait3A_111 = arith.constant 0 : i32
      %dma_wait3A_112 = arith.constant 0 : i32
      %dma_wait3A_113 = tpu.memref_slice %arg5[%dma_wait3A_111, %dma_wait3A_112] : memref<16400x128xf32, #tpu.memory_space<hbm>> -> memref<16x128xf32, #tpu.memory_space<hbm>>
      %dma_wait3A_114 = arith.constant 0 : i32
      %dma_wait3A_115 = arith.constant 0 : i32
      %dma_wait3A_116 = tpu.memref_slice %arg14[%rem3A_107, %dma_wait3A_114, %dma_wait3A_115] : memref<4x16x128xf32, #tpu.memory_space<vmem>> -> memref<1x16x128xf32, #tpu.memory_space<vmem>>
      %dma_wait3A_117 = tpu.memref_squeeze %dma_wait3A_116 : memref<1x16x128xf32, #tpu.memory_space<vmem>> -> memref<16x128xf32, #tpu.memory_space<vmem>>
      %dma_wait3A_118 = arith.constant 0 : i32
      %dma_wait3A_119 = arith.constant 0 : i32
      %dma_wait3A_120 = tpu.memref_slice %arg5[%dma_wait3A_118, %dma_wait3A_119] : memref<16400x128xf32, #tpu.memory_space<hbm>> -> memref<16x128xf32, #tpu.memory_space<hbm>>
      tpu.wait_dma2 semaphore(%arg17 : memref<!tpu.dma_semaphore, #tpu.memory_space<semaphore_mem>>) src(%dma_wait3A_120 : memref<16x128xf32, #tpu.memory_space<hbm>>) dst(%dma_wait3A_117 : memref<16x128xf32, #tpu.memory_space<vmem>>)
      %while3A_121 = arith.constant 0 : i32
      scf.yield %while3A_121 : i32
    }
    return
  }
}

</mosaic_0001>

<sc_bundles>
// kernel: kernel.3.cloned.1.call-start
scs
__scs_entry_jumppad:
0x0: {  	(pc) =	sbr.rel $0x88, $3  }
0x1: {  	(tag) =	ssettag $0x0;
	lr =	simm.s32 $0x1  }
0x2: {  	[smem:$0x3F9F] =	sst lr;
	_ =	strace $0xD0000000  }
0x3: {  	_ = 	snop  }
0x4: {  	_ = 	snop  }
0x5: {  	_ = 	snop  }
0x6: {  	_ = 	snop  }
0x7: {  	_ = 	snop  }
__scs_overlays_trampoline_lowered:
0x8: {  	[smem:$0x3FAE] =	sst s0  }
0x9: {  	[smem:$0x3FAF] =	sst s1  }
0xa: {  	[smem:$0x3FB0] =	sst s2  }
0xb: {  	[smem:$0x3FB1] =	sst s3  }
0xc: {  	[smem:$0x3FB2] =	sst s4  }
0xd: {  	[smem:$0x3FB3] =	sst s5  }
0xe: {  	[smem:$0x3FB4] =	sst s6  }
0xf: {  	[smem:$0x3FB5] =	sst s7  }
0x10: {  	[smem:$0x3FB6] =	sst s8  }
0x11: {  	[smem:$0x3FB7] =	sst s9;
	s0 =	simm.s32 @!p0 $0x0  }
0x12: {  	s1 =	sld [smem:$0x3F9D];
	s0 =	simm.s32 @p0 $0x1  }
0x13: {  	[smem:$0x3FB8] =	sst s0;
	s0 =	simm.s32 @!p1 $0x0  }
0x14: {  	s2 =	sld [smem:$0x3F9C];
	s0 =	simm.s32 @p1 $0x1  }
0x15: {  	[smem:$0x3FB9] =	sst s0;
	s0 =	simm.s32 @!p2 $0x0  }
0x16: {  	s3 =	sld [smem:$0x3FDB];
	s0 =	simm.s32 @p2 $0x1  }
0x17: {  	s4 =	simm.s32 $0x1BF5;
	[smem:$0x3FBB] =	sst s0  }
0x18: {  	s0 =	sld [smem:$0x3F9E];
	_ =	swait.ge [sflag:s4], $0x0  }
0x19: {  	s7 =	sld [smem:$0x3F9F]  }
0x1a: {  	s8 =	sadd.s32 $0xFFFFE003, lr  }
0x1b: {  	s9 =	sadd.s32 $0xFFFFFEF7, lr;
	s5 =	simm.s32 $0xFFFFFFFF;
	p2 =	slt.u32 s8, $0xFFFFF086  }
0x1c: {  	p1 =	slt.u32 s9, $0xF7A;
	s5 =	simm.s32 @!p2 $0x0  }
0x1d: {  	s5 =	simm.s32 @p1 $0x1;
	p0 =	seq.s32 s7, s2  }
0x1e: {  	s7 =	smul.u32 @!p0 $0xF7A, s2;
	p2 =	seq.s32 @!p0 s5, $0x0  }
0x1f: {  	s9 =	smul.u32 $0xF7A, s1;
	s8 =	simm.s32 @!p0 $0x1BF5;
	p2 =	por !p2, p0  }
0x20: {  	[sflag:s8] =	ssyncset.s32 @!p0 $0xFFFFF086;
	s6 =	sadd.s32 @!p0 s3, s7;
	s7 =	simm.s32 @!p0 $0x108  }
0x21: {  	s3 =	sadd.s32 s3, s9;
	s6 =	sadd.s32 @!p0 $0x88, s6;
	s7 =	simm.s32 @p2 $0x1082  }
0x22: {  	[simem:s7], [sflag:s8] =	dma.local @!p0 [hbm:s6], $0xF7A  }
0x23: {  	s9 =	sor.u32 $0xD0000000, s2;
	s6 =	simm.s32 $0x108;
	_ =	swait.ge @!p0 [sflag:s8], $0x0  }
0x24: {  	s3 =	sadd.s32 $0x88, s3;
	s6 =	simm.s32 @!p1 $0x1082;
	[sflag:s4] =	ssyncset.s32 $0xFFFFF086  }
0x25: {  	[simem:s6], [sflag:s4] =	dma.local [hbm:s3], $0xF7A  }
0x26: {  	[smem:$0x3F9F] =	sst s1;
	(tag) =	ssettag s2;
	_ =	strace s9  }
0x27: {  	s1 =	sld [smem:$0x3FAF]  }
0x28: {  	s2 =	sld [smem:$0x3FB0]  }
0x29: {  	s4 =	sld [smem:$0x3FB2]  }
0x2a: {  	p0 =	seq.s32 s5, $0x0;
	s5 =	sld [smem:$0x3FB3]  }
0x2b: {  	s6 =	sld [smem:$0x3FB4]  }
0x2c: {  	s7 =	sld [smem:$0x3FB5]  }
0x2d: {  	s3 =	simm.s32 $0x108;
	s8 =	sld [smem:$0x3FB6]  }
0x2e: {  	s3 =	simm.s32 @!p0 $0x1082;
	s9 =	sld [smem:$0x3FB7]  }
0x2f: {  	lr =	sadd.s32 s0, s3;
	s0 =	sld [smem:$0x3FAE]  }
0x30: {  	s3 =	sld [smem:$0x3FB1]  }
0x31: {  	[smem:$0x3FBA] =	sst s10  }
0x32: {  	s10 =	sld [smem:$0x3FB8];
	_ =	sdelay $0x3  }
0x33: {  	p0 =	seq.s32 s10, $0x1;
	s10 =	sld [smem:$0x3FBA];
	_ =	sdelay $0x3  }
0x34: {  	[smem:$0x3FBA] =	sst s10  }
0x35: {  	s10 =	sld [smem:$0x3FB9];
	_ =	sdelay $0x3  }
0x36: {  	p1 =	seq.s32 s10, $0x1;
	s10 =	sld [smem:$0x3FBA];
	_ =	sdelay $0x3  }
0x37: {  	[smem:$0x3FBA] =	sst s10  }
0x38: {  	s10 =	sld [smem:$0x3FBB]  }
0x39: {  	_ = 	snop;
	(pc) =	sbr.ind lr, $3  }
0x3a: {  	_ = 	snop  }
0x3b: {  	_ = 	snop  }
0x3c: {  	p2 =	seq.s32 s10, $0x1;
	s10 =	sld [smem:$0x3FBA]  }
0x3d: {  	_ =	shalt  }
0x3e: {  	_ =	shalt  }
0x3f: {  	_ =	shalt  }
0x40: {  	_ =	shalt  }
0x41: {  	_ =	shalt  }
0x42: {  	_ =	shalt  }
0x43: {  	_ =	shalt  }
0x44: {  	_ =	shalt  }
0x45: {  	_ =	shalt  }
0x46: {  	_ =	shalt  }
0x47: {  	_ =	shalt  }
0x48: {  	_ =	shalt  }
0x49: {  	_ =	shalt  }
0x4a: {  	_ =	shalt  }
0x4b: {  	_ =	shalt  }
0x4c: {  	_ =	shalt  }
0x4d: {  	_ =	shalt  }
0x4e: {  	_ =	shalt  }
0x4f: {  	_ =	shalt  }
0x50: {  	_ =	shalt  }
0x51: {  	_ =	shalt  }
0x52: {  	_ =	shalt  }
0x53: {  	_ =	shalt  }
0x54: {  	_ =	shalt  }
0x55: {  	_ =	shalt  }
0x56: {  	_ =	shalt  }
0x57: {  	_ =	shalt  }
0x58: {  	_ =	shalt  }
0x59: {  	_ =	shalt  }
0x5a: {  	_ =	shalt  }
0x5b: {  	_ =	shalt  }
0x5c: {  	_ =	shalt  }
0x5d: {  	_ =	shalt  }
0x5e: {  	_ =	shalt  }
0x5f: {  	_ =	shalt  }
0x60: {  	_ =	shalt  }
0x61: {  	_ =	shalt  }
0x62: {  	_ =	shalt  }
0x63: {  	_ =	shalt  }
0x64: {  	_ =	shalt  }
0x65: {  	_ =	shalt  }
0x66: {  	_ =	shalt  }
0x67: {  	_ =	shalt  }
0x68: {  	_ =	shalt  }
0x69: {  	_ =	shalt  }
0x6a: {  	_ =	shalt  }
0x6b: {  	_ =	shalt  }
0x6c: {  	_ =	shalt  }
0x6d: {  	_ =	shalt  }
0x6e: {  	_ =	shalt  }
0x6f: {  	_ =	shalt  }
0x70: {  	_ =	shalt  }
0x71: {  	_ =	shalt  }
0x72: {  	_ =	shalt  }
0x73: {  	_ =	shalt  }
0x74: {  	_ =	shalt  }
0x75: {  	_ =	shalt  }
0x76: {  	_ =	shalt  }
0x77: {  	_ =	shalt  }
0x78: {  	_ =	shalt  }
0x79: {  	_ =	shalt  }
0x7a: {  	_ =	shalt  }
0x7b: {  	_ =	shalt  }
0x7c: {  	_ =	shalt  }
0x7d: {  	_ =	shalt  }
0x7e: {  	_ =	shalt  }
0x7f: {  	_ =	shalt  }
0x80: {  	_ =	shalt  }
0x81: {  	_ =	shalt  }
0x82: {  	_ =	shalt  }
0x83: {  	_ =	shalt  }
0x84: {  	_ =	shalt  }
0x85: {  	_ =	shalt  }
0x86: {  	_ =	shalt  }
0x87: {  	_ =	shalt  }
.Lfunc_end0:
.L_simem_size_0:
called_computation_lowered:
.L_overlay_start_0:
0x88: {  	s2 =	sld [smem:$0x3FD9]  }
0x89: {  	s3 =	sld [smem:$0x3FFE];
	_ =	sdelay $0x1  }
0x8a: {  	s1 =	srdreg.scid  }
0x8b: {  	s0 =	sand.u32 $0x1, s1  }
0x8c: {  	s17 =	sshll.u32 s0, $0xA;
	s2 =	sadd.s32 s3, s2  }
0x8d: {  	s2 =	sadd.s32 s2, s17  }
0x8e: {  	[smem:$0x3FC6] =	sst s2  }
0x8f: {  	_ = 	snop  }
0x90: {  	s2 =	sld [smem:$0x3FC9]  }
0x91: {  	s18 =	sld [smem:$0x3FC8]  }
0x92: {  	s4 =	sld [smem:$0x3FD0];
	(tm) =	ssettm $0x1  }
0x93: {  	s5 =	sld [smem:$0x3FFB];
	_ =	sdelay $0x3  }
0x94: {  	_ =	strace s5  }
0x95: {  	s5 =	sld [smem:$0x3FFC];
	_ =	sdelay $0x3  }
0x96: {  	_ =	strace s5  }
0x97: {  	s5 =	sld [smem:$0x3FFD];
	_ =	sdelay $0x3  }
0x98: {  	_ =	strace s5  }
0x99: {  	_ =	strace $0x8FFFFFFF  }
0x9a: {  	s19 =	sld [smem:$0x3FDB];
	_ =	sdelay $0x1  }
0x9b: {  	s6 =	simm.s32 $_scs_section_size  }
0x9c: {  	s7 =	simm.s32 $_size__tile_overlayer_lowered;
	s8 =	simm.s32 $_tile_overlayer_lowered  }
0x9d: {  	s22 =	simm.s32 $0x1BFF;
	s21 =	sshll.u32 s8, $0x1;
	s5 =	sadd.s32 s6, s19  }
0x9e: {  	s9 =	simm.s32 $0x0;
	s20 =	sshll.u32 s7, $0x1;
	s7 =	sadd.s32 s21, s5  }
0x9f: {  	[timem:s9], [sflag:s22] =	dma.local [hbm:s7], s20  }
0xa0: {  	_ =	swait.ge [sflag:s22], s20  }
0xa1: {  	s6 =	ssub.s32 $0x0, s20;
	[sflag:s22] =	ssyncset.done $0x0  }
0xa2: {  	[sflag:s22] =	ssyncadd.s32 s6;
	_ =	sdelay $0x1  }
0xa3: {  	s23 =	simm.s32 $0x1B8B  }
0xa4: {  	_ =	swait.ge [sflag:s23], $0x1  }
0xa5: {  	[sflag:s23] =	ssyncset.done $0x0  }
0xa6: {  	s25 =	simm.s32 $0x1B8E;
	s24 =	sld [smem:$0x3FFE];
	[sflag:s23] =	ssyncadd.s32 $0xFFFFFFFF  }
0xa7: {  	s26 =	simm.s32 $execute0_lowered;
	[smem:$0x3FD2] =	sst s25  }
0xa8: {  	s7 =	sshll.u32 s26, $0x1;
	_ =	strace $0x80000046;
	[dreg:$0x1] =	wrdreg $0xFFFFFFFF  }
0xa9: {  	s28 =	simm.s32 $_size_execute0_lowered;
	s5 =	sadd.s32 s5, s7;
	[dreg:$0x0] =	wrdreg $0x0  }
0xaa: {  	s7 =	sshll.u32 s28, $0x1;
	[dreg:$0x2] =	wrdreg s5  }
0xab: {  	[dreg:$0x3] =	wrdreg s7  }
0xac: {  	[dreg:$0x4] =	wrdreg $0xC0  }
0xad: {  	_ =	task [dreg:s9], $0x5FFFF  }
0xae: {  	[dreg:$0x1] =	wrdreg $0xFFFFFFFF  }
0xaf: {  	[dreg:$0x0] =	wrdreg $0x60  }
0xb0: {  	[dreg:$0x2] =	wrdreg s2  }
0xb1: {  	[dreg:$0x3] =	wrdreg s18  }
0xb2: {  	[dreg:$0x4] =	wrdreg s4  }
0xb3: {  	[dreg:$0x5] =	wrdreg s24  }
0xb4: {  	[dreg:$0x6] =	wrdreg $0x9  }
0xb5: {  	_ =	task.clear_ibuf [dreg:s9], $0x7FFFF;
	_ =	strace $0x90000046  }
0xb6: {  	s29 =	simm.s32 $0x9;
	_ =	strace $0x80000048  }
0xb7: {  	_ =	swait.ge [sflag:s29], $0x1  }
0xb8: {  	[sflag:s29] =	ssyncadd.s32 $0xFFFFFFFF  }
0xb9: {  	_ =	strace $0x90000048  }
0xba: {  	_ =	sfence  }
0xbb: {  	s30 =	sld [smem:$0x0];
	_ =	sdelay $0x2  }
0xbc: {  	s31 =	sshll.u32 s1, $0xD;
	s1 =	sshrl.u32 s1, $0x2  }
0xbd: {  	s3 =	sand.u32 $0x4000, s31;
	s1 =	sadd.s32 s1, s30  }
0xbe: {  	s0 =	sor.u32 s3, s0;
	s1 =	sshll.u32 s1, $0x11  }
0xbf: {  	s0 =	sor.u32 s1, s0  }
0xc0: {  	s0 =	sadd.s32 $0x8F2B, s0  }
0xc1: {  	[sflag:s0] =	ssyncadd.remote.s32 $0x1  }
0xc2: {  	_ =	sfence.sel $0xFFFF  }
0xc3: {  	[dreg:$0x0] =	wrdreg $0xFFFFFFFF;
	(pc) =	sbr.abs _section_cstart, $3  }
0xc4: {  	[dreg:$0x1] =	wrdreg $0xFFFFFFFF  }
0xc5: {  	_ =	task.clear_ibuf [dreg:s9], $0x2FFFF;
	_ =	strace $0x9FFFFFFF  }
0xc6: {  	(tm) =	ssettm $0x7FFFFFFF  }
0xc7: {  	_ =	shalt  }
tec
execute0_lowered:
.L_overlay_start_1:
0x0: {  	(tag) =	ssettag $0x1  }
0x1: {  	s0 =	srdreg.scid;
	s2 =	rddreg [dreg:$0x1]  }
0x2: {  	s1 =	stileid.u32;
	s3 =	rddreg [dreg:$0x2]  }
0x3: {  	s7 =	rddreg [dreg:$0x3];
	s8 =	simm.s32 $0x0;
	s14 =	simm.s32 $0xC100  }
0x4: {  	s15 =	simm.s32 $0xC200;
	s16 =	simm.s32 $0xC180;
	s17 =	simm.s32 $0x4000  }
0x5: {  	s18 =	simm.s32 $0x8080;
	s20 =	simm.s32 $0x3;
	s22 =	simm.s32 $0xC280  }
0x6: {  	v0 =	vlaneseq.u32;
	s23 =	simm.s32 $0x1;
	s24 =	simm.s32 $0x1C280;
	s25 =	simm.s32 $0x1E280  }
0x7: {  	s26 =	simm.s32 $0x10;
	s0 =	sand.u32 $0x1, s0;
	s1 =	sshll.u32 s1, $0x1;
	v2 =	vmul.u32 $0x80, v0  }
0x8: {  	v4 =	vimm.s32 $0x0;
	vm0 =	vcmask $0x300;
	s28 =	simm.s32 $0x2;
	s29 =	simm.s32 $0x0;
	s1 =	sor.u32 s0, s1  }
0x9: {  	[smem:$0x7FF] =	sst s8;
	s8 =	sadd.s32 $0xA00, s7;
	v5 =	vsel vm0, $0xFFFFFFFF, v4;
	s4 =	smul.u32 $0x1E, s1;
	v6 =	vor.u32 $0x1, v2  }
0xa: {  	s0 =	ssub.s32 $0x2, s0;
	_ =	strace $0x80000047;
	s5 =	smax.u32 s1, $0xF;
	v7 =	vor.u32 $0x2, v2;
	v8 =	vor.u32 $0x3, v2;
	v9 =	vor.u32 $0x4, v2  }
0xb: {  	p0 =	sgt.u32 s1, $0xE;
	s10 =	sshrl.u32 s0, $0x1;
	v10 =	vor.u32 $0x5, v2;
	v11 =	vor.u32 $0x6, v2;
	v12 =	vor.u32 $0x7, v2;
	s4 =	sadd.s32 s4, s5  }
.Ltmp0:
0xc: {  	v13 =	vor.u32 $0x8, v2;
	v14 =	vor.u32 $0x9, v2;
	v15 =	vor.u32 $0xA, v2;
	s5 =	simm.s32 $0x1F;
	s6 =	sadd.s32 $0xFFFFFFF1, s4;
	(pc) =	sbr.rel .LBB2_1-.Ltmp0, $4  }
0xd: {  	v16 =	vor.u32 $0xB, v2;
	v17 =	vor.u32 $0xC, v2;
	v18 =	vor.u32 $0xD, v2;
	s0 =	ssub.s32 s0, s10;
	s5 =	simm.s32 @!p0 $0x1E;
	s31 =	sshll.u32 s6, $0xA  }
0xe: {  	v19 =	vor.u32 $0xE, v2;
	v20 =	vor.u32 $0xF, v2;
	v21 =	vor.u32 $0x10, v2;
	s0 =	smax.u32 s0, $0x1;
	s4 =	sadd.s32 s5, s6;
	s10 =	sadd.s32 s2, s31  }
0xf: {  	v22 =	vor.u32 $0x11, v2;
	v23 =	vor.u32 $0x12, v2;
	v24 =	vor.u32 $0x13, v2;
	[dreg:$0x6] =	wrdreg s0;
	s4 =	sshll.u32 s4, $0xA;
	s1 =	sadd.s32 $0x3D0A00, s10  }
0x10: {  	s9 =	sadd.s32 $0x40C00, s7;
	s12 =	sadd.s32 $0x1000, s3;
	v25 =	vor.u32 $0x14, v2;
	v1 =	vmov s31;
	v3 =	vmov s4;
	[dreg:$0x5] =	wrdreg s1  }
.LBB2_26:
0x11: {  	[sflag:s28] =	ssyncadd.s32 $0xFFFFF800  }
.LBB2_27:
0x12: {  	s29 =	sadd.s32 $0x1, s29;
	s0 =	rddreg [dreg:$0x6]  }
0x13: {  	p0 =	sne.s32 s29, s0  }
.Ltmp1:
0x14: {  	_ = 	snop;
	(pc) =	sbr.rel @!p0 .LBB2_28-.Ltmp1, $1  }
0x15: {  	_ =	sdelay $0x3  }
.LBB2_1:
0x16: {  	s0 =	rddreg [dreg:$0x0];
	s1 =	simm.s32 $0x0  }
0x17: {  	[tilespmem:s1], [sflag:$0x3] =	stream.linear.gather [hbm4b:s0+s1], $0x4000, $0x38;
	[tilespmem:$0x1E480] =	vst v63  }
0x18: {  	_ =	swait.ge [sflag:s20], $0x4000  }
0x19: {  	[sflag:s20] =	ssyncset.done $0x0  }
0x1a: {  	[sflag:s20] =	ssyncadd.s32 $0xFFFFC000  }
0x1b: {  	[tilespmem:$0xC100] =	vst v4  }
0x1c: {  	[tilespmem:$0xC200] =	vst v4  }
0x1d: {  	[tilespmem:$0xC110] =	vst v4  }
0x1e: {  	[tilespmem:$0xC210] =	vst v4  }
0x1f: {  	[tilespmem:$0xC120] =	vst v4  }
0x20: {  	s0 =	simm.s32 $0xFFFFFFF8;
	s1 =	simm.s32 $0x40;
	[tilespmem:$0xC220] =	vst v4  }
.LBB2_2:
0x21: {  	v26 =	vld [tilespmem:s1+$0xFFFFFFC0];
	_ =	sdelay $0x4  }
0x22: {  	vm0 =	vge.s32 v26, v1;
	vm1 =	vlt.s32 v26, v3;
	v26 =	vsub.s32 v26, v1  }
0x23: {  	vm0 =	vmand vm0, vm1;
	v26 =	vshrl.u32 v26, $0xA  }
0x24: {  	v26 =	vnsel vm0, $0x2F, v26;
	_ =	sdelay $0x3  }
0x25: {  	v27 =	vsel vm0, $0x1, v4  }
0x26: {  	[tilespmem:v26+s14+$0x0] =	vst.idx.add.s32.msk $0xffff, v27  }
0x27: {  	v26 =	vld [tilespmem:s1+$0xFFFFFFD0];
	_ =	sdelay $0x4  }
0x28: {  	vm14 =	vge.s32 v26, v1;
	vm15 =	vlt.s32 v26, v3;
	v26 =	vsub.s32 v26, v1  }
0x29: {  	vm0 =	vmand vm14, vm15;
	v26 =	vshrl.u32 v26, $0xA  }
0x2a: {  	v26 =	vnsel vm0, $0x2F, v26;
	_ =	sdelay $0x3  }
0x2b: {  	v27 =	vsel vm0, $0x1, v4  }
0x2c: {  	[tilespmem:v26+s14+$0x0] =	vst.idx.add.s32.msk $0xffff, v27  }
0x2d: {  	v26 =	vld [tilespmem:s1+$0xFFFFFFE0];
	_ =	sdelay $0x4  }
0x2e: {  	vm4 =	vge.s32 v26, v1;
	vm5 =	vlt.s32 v26, v3;
	v26 =	vsub.s32 v26, v1  }
0x2f: {  	vm0 =	vmand vm4, vm5;
	v26 =	vshrl.u32 v26, $0xA  }
0x30: {  	v26 =	vnsel vm0, $0x2F, v26;
	_ =	sdelay $0x3  }
0x31: {  	v27 =	vsel vm0, $0x1, v4  }
0x32: {  	[tilespmem:v26+s14+$0x0] =	vst.idx.add.s32.msk $0xffff, v27  }
0x33: {  	v26 =	vld [tilespmem:s1+$0xFFFFFFF0];
	_ =	sdelay $0x4  }
0x34: {  	vm6 =	vge.s32 v26, v1;
	vm7 =	vlt.s32 v26, v3;
	v26 =	vsub.s32 v26, v1  }
0x35: {  	vm0 =	vmand vm6, vm7;
	v26 =	vshrl.u32 v26, $0xA  }
0x36: {  	v26 =	vnsel vm0, $0x2F, v26;
	_ =	sdelay $0x3  }
0x37: {  	v27 =	vsel vm0, $0x1, v4  }
0x38: {  	[tilespmem:v26+s14+$0x0] =	vst.idx.add.s32.msk $0xffff, v27  }
0x39: {  	v26 =	vld [tilespmem:s1+$0x0];
	_ =	sdelay $0x4  }
0x3a: {  	vm8 =	vge.s32 v26, v1;
	vm9 =	vlt.s32 v26, v3;
	v26 =	vsub.s32 v26, v1  }
0x3b: {  	vm0 =	vmand vm8, vm9;
	v26 =	vshrl.u32 v26, $0xA  }
0x3c: {  	v26 =	vnsel vm0, $0x2F, v26;
	_ =	sdelay $0x3  }
0x3d: {  	v27 =	vsel vm0, $0x1, v4  }
0x3e: {  	[tilespmem:v26+s14+$0x0] =	vst.idx.add.s32.msk $0xffff, v27  }
0x3f: {  	v26 =	vld [tilespmem:s1+$0x10];
	_ =	sdelay $0x4  }
0x40: {  	vm10 =	vge.s32 v26, v1;
	vm11 =	vlt.s32 v26, v3;
	v26 =	vsub.s32 v26, v1  }
0x41: {  	vm0 =	vmand vm10, vm11;
	v26 =	vshrl.u32 v26, $0xA  }
0x42: {  	v26 =	vnsel vm0, $0x2F, v26;
	_ =	sdelay $0x3  }
0x43: {  	v27 =	vsel vm0, $0x1, v4  }
0x44: {  	[tilespmem:v26+s14+$0x0] =	vst.idx.add.s32.msk $0xffff, v27  }
0x45: {  	v26 =	vld [tilespmem:s1+$0x20];
	_ =	sdelay $0x4  }
0x46: {  	vm12 =	vge.s32 v26, v1;
	vm13 =	vlt.s32 v26, v3;
	v26 =	vsub.s32 v26, v1  }
0x47: {  	vm0 =	vmand vm12, vm13;
	v26 =	vshrl.u32 v26, $0xA  }
0x48: {  	v26 =	vnsel vm0, $0x2F, v26;
	_ =	sdelay $0x3  }
0x49: {  	v27 =	vsel vm0, $0x1, v4  }
0x4a: {  	[tilespmem:v26+s14+$0x0] =	vst.idx.add.s32.msk $0xffff, v27  }
0x4b: {  	v26 =	vld [tilespmem:s1+$0x30];
	_ =	sdelay $0x4  }
0x4c: {  	vm14 =	vge.s32 v26, v1;
	vm15 =	vlt.s32 v26, v3;
	v26 =	vsub.s32 v26, v1  }
0x4d: {  	s0 =	sadd.s32 $0x8, s0;
	vm0 =	vmand vm14, vm15;
	v26 =	vshrl.u32 v26, $0xA  }
0x4e: {  	p0 =	slt.u32 s0, $0x3F8;
	v26 =	vnsel vm0, $0x2F, v26  }
.Ltmp2:
0x4f: {  	_ = 	snop;
	(pc) =	sbr.rel @p0 .LBB2_2-.Ltmp2, $3  }
0x50: {  	_ =	sdelay $0x1  }
0x51: {  	v27 =	vsel vm0, $0x1, v4  }
0x52: {  	s1 =	sadd.s32 $0x80, s1;
	[tilespmem:v26+s14+$0x0] =	vst.idx.add.s32.msk $0xffff, v27  }
0x53: {  	v26 =	vld [tilespmem:$0xC100]  }
0x54: {  	v27 =	vld [tilespmem:$0xC110];
	_ =	sdelay $0x3  }
0x55: {  	(xrf0) =	vadd.scan.msk.s32 $0xffff, v26  }
0x56: {  	(xrf0) =	vadd.scan.msk.s32 $0xffff, v27;
	_ =	sdelay $0x4  }
0x57: {  	v28, _, _ =	vpop (xrf0)  }
0x58: {  	(v2sf) =	vpush v28, $0xF;
	v29, _, _ =	vpop (xrf0)  }
0x59: {  	(v2sf) =	vpush v29, $0xF;
	_ =	sdelay $0x5  }
0x5a: {  	v30 =	vld [tilespmem:$0xC120];
	_ =	sdelay $0x4  }
0x5b: {  	(xrf0) =	vadd.scan.msk.s32 $0xffff, v30  }
0x5c: {  	v31 =	vbroadcast v28, $0xF;
	_ =	sdelay $0x1  }
0x5d: {  	v27 =	vsub.s32 v31, v27;
	s0 =	spop (v2sf)  }
0x5e: {  	s1 =	spop (v2sf)  }
0x5f: {  	v26 =	vsub.s32 v28, v26;
	s0 =	sadd.s32 s0, s1  }
0x60: {  	[tilespmem:$0xC180] =	vst v26;
	v26 =	vadd.s32 v29, v27;
	v27, _, _ =	vpop (xrf0);
	v63 =	vsub.s32 s0, v30  }
0x61: {  	[tilespmem:$0xC190] =	vst v26;
	v26 =	vadd.s32 v27, v63  }
0x62: {  	s4 =	simm.s32 $0x20;
	s1 =	simm.s32 $0x0;
	s0 =	simm.s32 $0xFFFFFFFC;
	[tilespmem:$0xC1A0] =	vst v26  }
.LBB2_4:
0x63: {  	v26 =	vld [tilespmem:s4+$0xFFFFFFE0];
	_ =	sdelay $0x4  }
0x64: {  	vm0 =	vge.s32 v26, v1;
	vm1 =	vlt.s32 v26, v3;
	v27 =	vsub.s32 v26, v1  }
0x65: {  	vm0 =	vmand vm0, vm1;
	v27 =	vshrl.u32 v27, $0xA  }
0x66: {  	v27 =	vnsel vm0, $0x2F, v27  }
0x67: {  	(xrf1) =	vunique.msk.u32 vm0, v27;
	_ =	sdelay $0x7  }
0x68: {  	v28 =	vld.idx.msk [tilespmem:v27+s15+$0x0], $0xffff  }
0x69: {  	v29 =	vld.idx.msk [tilespmem:v27+s16+$0x0], $0xffff;
	_ =	sdelay $0x4  }
0x6a: {  	v28 =	vadd.s32 v29, v28;
	_, v30, _ =	vpop (xrf1)  }
0x6b: {  	v28 =	vadd.s32 v30, v28  }
0x6c: {  	v28 =	vadd.s32 $0xFFFFFFFF, v28  }
0x6d: {  	vm6 =	vlt.s32 v28, $0x400F  }
0x6e: {  	v28 =	vnsel vm6, $0x400F, v28;
	_ =	sdelay $0x4  }
0x6f: {  	v57 =	vor.u32 s1, v0;
	[tilespmem:v28+s17+$0x0] =	vst.idx.msk vm0, v26  }
0x70: {  	v26 =	vsel vm0, $0x1, v4;
	[tilespmem:v28+s18+$0x0] =	vst.idx.msk vm0, v57  }
0x71: {  	[tilespmem:v27+s15+$0x0] =	vst.idx.add.s32.msk $0xffff, v26  }
0x72: {  	v26 =	vld [tilespmem:s4+$0xFFFFFFF0];
	_ =	sdelay $0x4  }
0x73: {  	vm7 =	vge.s32 v26, v1;
	vm8 =	vlt.s32 v26, v3;
	v27 =	vsub.s32 v26, v1  }
0x74: {  	vm0 =	vmand vm7, vm8;
	v27 =	vshrl.u32 v27, $0xA  }
0x75: {  	v27 =	vnsel vm0, $0x2F, v27  }
0x76: {  	(xrf1) =	vunique.msk.u32 vm0, v27;
	_ =	sdelay $0x7  }
0x77: {  	v28 =	vld.idx.msk [tilespmem:v27+s15+$0x0], $0xffff  }
0x78: {  	v29 =	vld.idx.msk [tilespmem:v27+s16+$0x0], $0xffff;
	_ =	sdelay $0x4  }
0x79: {  	v28 =	vadd.s32 v29, v28;
	_, v58, _ =	vpop (xrf1)  }
0x7a: {  	v28 =	vadd.s32 v58, v28  }
0x7b: {  	v28 =	vadd.s32 $0xFFFFFFFF, v28  }
0x7c: {  	vm9 =	vlt.s32 v28, $0x400F  }
0x7d: {  	v28 =	vnsel vm9, $0x400F, v28;
	_ =	sdelay $0x3  }
0x7e: {  	s7 =	sadd.s32 $0x10, s1  }
0x7f: {  	v59 =	vor.u32 s7, v0;
	[tilespmem:v28+s17+$0x0] =	vst.idx.msk vm0, v26  }
0x80: {  	v26 =	vsel vm0, $0x1, v4;
	[tilespmem:v28+s18+$0x0] =	vst.idx.msk vm0, v59  }
0x81: {  	[tilespmem:v27+s15+$0x0] =	vst.idx.add.s32.msk $0xffff, v26  }
0x82: {  	v26 =	vld [tilespmem:s4+$0x0];
	_ =	sdelay $0x4  }
0x83: {  	vm10 =	vge.s32 v26, v1;
	vm11 =	vlt.s32 v26, v3;
	v27 =	vsub.s32 v26, v1  }
0x84: {  	vm0 =	vmand vm10, vm11;
	v27 =	vshrl.u32 v27, $0xA  }
0x85: {  	v27 =	vnsel vm0, $0x2F, v27  }
0x86: {  	(xrf1) =	vunique.msk.u32 vm0, v27;
	_ =	sdelay $0x7  }
0x87: {  	v28 =	vld.idx.msk [tilespmem:v27+s15+$0x0], $0xffff  }
0x88: {  	v29 =	vld.idx.msk [tilespmem:v27+s16+$0x0], $0xffff;
	_ =	sdelay $0x4  }
0x89: {  	v28 =	vadd.s32 v29, v28;
	_, v60, _ =	vpop (xrf1)  }
0x8a: {  	v28 =	vadd.s32 v60, v28  }
0x8b: {  	v28 =	vadd.s32 $0xFFFFFFFF, v28  }
0x8c: {  	vm12 =	vlt.s32 v28, $0x400F  }
0x8d: {  	v28 =	vnsel vm12, $0x400F, v28;
	_ =	sdelay $0x3  }
0x8e: {  	s30 =	sadd.s32 $0x20, s1  }
0x8f: {  	v61 =	vor.u32 s30, v0;
	[tilespmem:v28+s17+$0x0] =	vst.idx.msk vm0, v26  }
0x90: {  	v26 =	vsel vm0, $0x1, v4;
	[tilespmem:v28+s18+$0x0] =	vst.idx.msk vm0, v61  }
0x91: {  	[tilespmem:v27+s15+$0x0] =	vst.idx.add.s32.msk $0xffff, v26  }
0x92: {  	v26 =	vld [tilespmem:s4+$0x10];
	_ =	sdelay $0x4  }
0x93: {  	vm13 =	vge.s32 v26, v1;
	vm14 =	vlt.s32 v26, v3;
	v27 =	vsub.s32 v26, v1  }
0x94: {  	vm0 =	vmand vm13, vm14;
	v27 =	vshrl.u32 v27, $0xA  }
0x95: {  	v27 =	vnsel vm0, $0x2F, v27  }
0x96: {  	(xrf1) =	vunique.msk.u32 vm0, v27;
	_ =	sdelay $0x7  }
0x97: {  	v28 =	vld.idx.msk [tilespmem:v27+s15+$0x0], $0xffff  }
0x98: {  	v29 =	vld.idx.msk [tilespmem:v27+s16+$0x0], $0xffff;
	_ =	sdelay $0x4  }
0x99: {  	v28 =	vadd.s32 v29, v28;
	_, v62, _ =	vpop (xrf1)  }
0x9a: {  	v28 =	vadd.s32 v62, v28  }
0x9b: {  	v28 =	vadd.s32 $0xFFFFFFFF, v28  }
0x9c: {  	vm15 =	vlt.s32 v28, $0x400F  }
0x9d: {  	v28 =	vnsel vm15, $0x400F, v28  }
0x9e: {  	s0 =	sadd.s32 $0x4, s0  }
0x9f: {  	p0 =	slt.u32 s0, $0x3FC  }
.Ltmp3:
0xa0: {  	_ = 	snop;
	(pc) =	sbr.rel @p0 .LBB2_4-.Ltmp3, $4  }
0xa1: {  	s31 =	sadd.s32 $0x30, s1  }
0xa2: {  	v63 =	vor.u32 s31, v0;
	[tilespmem:v28+s17+$0x0] =	vst.idx.msk vm0, v26  }
0xa3: {  	v26 =	vsel vm0, $0x1, v4;
	[tilespmem:v28+s18+$0x0] =	vst.idx.msk vm0, v63  }
0xa4: {  	s1 =	sadd.s32 $0x40, s1;
	s4 =	sadd.s32 $0x40, s4;
	[tilespmem:v27+s15+$0x0] =	vst.idx.add.s32.msk $0xffff, v26  }
.Ltmp4:
0xa5: {  	(pc) =	sbr.rel .LBB2_7-.Ltmp4, $4  }
0xa6: {  	_ = 	snop  }
0xa7: {  	s0 =	simm.s32 $0x2000  }
0xa8: {  	s1 =	simm.s32 $0x7A1400;
	s30 =	simm.s32 $0x0;
	s31 =	simm.s32 $0x0  }
0xa9: {  	[tilespmem:s22], [sflag:$0x1] =	stream.strided.gather [hbm4b:s10+s0], $0x8000, s1, s0, $0x38;
	[tilespmem:$0x1E480] =	vst v63  }
.LBB2_9:
0xaa: {  	s1 =	smov.u32 s19  }
.LBB2_13:
0xab: {  	_ =	sdelay $0x3  }
0xac: {  	s7 =	simm.s32 @!p2 $0x2;
	[tilespmem:v43+s25+$0x0] =	vst.idx.msk @p0 $0xffff, v42  }
0xad: {  	[hbm4b:s8+s26] =	stream.indirect.scatter @p0 [tilespmem:s21], [sflag:$0x2], $0x80, s11, s26, $0xb8;
	[tilespmem:$0x1E480] =	vst v63  }
0xae: {  	_ =	swait.ge @!p2 [sflag:s7], $0x800  }
0xaf: {  	s1 =	sadd.s32 @p0 $0x10, s1;
	[sflag:s7] =	ssyncset.done @!p2 $0x0  }
0xb0: {  	s19 =	smov.u32 @p0 s1;
	[sflag:s7] =	ssyncadd.s32 @!p2 $0xFFFFF800  }
0xb1: {  	v30 =	vld [tilespmem:s19+$0x0];
	_ =	sdelay $0x4  }
0xb2: {  	v31 =	vshll.u32 v30, $0x3  }
0xb3: {  	s19 =	sshra.s32 s30, $0x1F;
	v32 =	vand.u32 $0x1C00, v31  }
0xb4: {  	s1 =	sshrl.u32 s19, $0x1E;
	v33 =	vand.u32 $0x7F, v30;
	v29 =	vor.u32 v29, v32  }
0xb5: {  	s1 =	sadd.s32 s1, s30;
	v34 =	vor.u32 v33, v29  }
0xb6: {  	s1 =	sand.u32 $0xFFFFFFFC, s1  }
0xb7: {  	s1 =	ssub.s32 s30, s1  }
0xb8: {  	v31 =	vmov s1  }
0xb9: {  	v30 =	vshll.u32 v31, $0xB  }
0xba: {  	v36 =	vor.u32 v2, v30;
	v35 =	vld.idx.msk [tilespmem:v34+s22+$0x0], $0xffff  }
0xbb: {  	v37 =	vor.u32 $0x80, v34;
	_ =	sdelay $0x3  }
0xbc: {  	v29 =	vld [tilespmem:s0+$0x0];
	[tilespmem:v36+s24+$0x0] =	vst.idx.msk $0xffff, v35  }
0xbd: {  	v40 =	vor.u32 v6, v30;
	v35 =	vld.idx.msk [tilespmem:v37+s22+$0x0], $0xffff  }
0xbe: {  	v41 =	vor.u32 $0x100, v34;
	_ =	sdelay $0x3  }
0xbf: {  	[tilespmem:v40+s24+$0x0] =	vst.idx.msk $0xffff, v35  }
0xc0: {  	v42 =	vor.u32 v7, v30;
	v35 =	vld.idx.msk [tilespmem:v41+s22+$0x0], $0xffff  }
0xc1: {  	v43 =	vor.u32 $0x180, v34;
	_ =	sdelay $0x3  }
0xc2: {  	[tilespmem:v42+s24+$0x0] =	vst.idx.msk $0xffff, v35  }
0xc3: {  	v44 =	vor.u32 v8, v30;
	v35 =	vld.idx.msk [tilespmem:v43+s22+$0x0], $0xffff  }
0xc4: {  	v45 =	vor.u32 $0x200, v34;
	_ =	sdelay $0x3  }
0xc5: {  	[tilespmem:v44+s24+$0x0] =	vst.idx.msk $0xffff, v35  }
0xc6: {  	v46 =	vor.u32 v9, v30;
	v35 =	vld.idx.msk [tilespmem:v45+s22+$0x0], $0xffff  }
0xc7: {  	v47 =	vor.u32 $0x280, v34;
	_ =	sdelay $0x3  }
0xc8: {  	[tilespmem:v46+s24+$0x0] =	vst.idx.msk $0xffff, v35  }
0xc9: {  	v48 =	vor.u32 v10, v30;
	v35 =	vld.idx.msk [tilespmem:v47+s22+$0x0], $0xffff  }
0xca: {  	v49 =	vor.u32 $0x300, v34;
	_ =	sdelay $0x3  }
0xcb: {  	[tilespmem:v48+s24+$0x0] =	vst.idx.msk $0xffff, v35  }
0xcc: {  	v50 =	vor.u32 v11, v30;
	v35 =	vld.idx.msk [tilespmem:v49+s22+$0x0], $0xffff  }
0xcd: {  	v34 =	vor.u32 $0x380, v34;
	_ =	sdelay $0x3  }
0xce: {  	[tilespmem:v50+s24+$0x0] =	vst.idx.msk $0xffff, v35  }
0xcf: {  	v28 =	vor.u32 v28, v32;
	v51 =	vor.u32 v12, v30;
	v34 =	vld.idx.msk [tilespmem:v34+s22+$0x0], $0xffff  }
0xd0: {  	v28 =	vor.u32 v28, v33;
	_ =	sdelay $0x3  }
0xd1: {  	[tilespmem:v51+s24+$0x0] =	vst.idx.msk $0xffff, v34  }
0xd2: {  	v52 =	vor.u32 v13, v30;
	v34 =	vld.idx.msk [tilespmem:v28+s22+$0x0], $0xffff  }
0xd3: {  	v53 =	vor.u32 $0x80, v28;
	_ =	sdelay $0x3  }
0xd4: {  	[tilespmem:v52+s24+$0x0] =	vst.idx.msk $0xffff, v34  }
0xd5: {  	v54 =	vor.u32 v14, v30;
	v34 =	vld.idx.msk [tilespmem:v53+s22+$0x0], $0xffff  }
0xd6: {  	v55 =	vor.u32 $0x100, v28;
	_ =	sdelay $0x3  }
0xd7: {  	[tilespmem:v54+s24+$0x0] =	vst.idx.msk $0xffff, v34  }
0xd8: {  	v56 =	vor.u32 v15, v30;
	v34 =	vld.idx.msk [tilespmem:v55+s22+$0x0], $0xffff  }
0xd9: {  	v57 =	vor.u32 $0x180, v28;
	_ =	sdelay $0x3  }
0xda: {  	[tilespmem:v56+s24+$0x0] =	vst.idx.msk $0xffff, v34  }
0xdb: {  	v58 =	vor.u32 v16, v30;
	v34 =	vld.idx.msk [tilespmem:v57+s22+$0x0], $0xffff  }
0xdc: {  	v59 =	vor.u32 $0x200, v28;
	_ =	sdelay $0x3  }
0xdd: {  	[tilespmem:v58+s24+$0x0] =	vst.idx.msk $0xffff, v34  }
0xde: {  	v60 =	vor.u32 v17, v30;
	v34 =	vld.idx.msk [tilespmem:v59+s22+$0x0], $0xffff  }
0xdf: {  	v61 =	vor.u32 $0x280, v28;
	_ =	sdelay $0x3  }
0xe0: {  	[tilespmem:v60+s24+$0x0] =	vst.idx.msk $0xffff, v34  }
0xe1: {  	v62 =	vor.u32 v18, v30;
	v34 =	vld.idx.msk [tilespmem:v61+s22+$0x0], $0xffff  }
0xe2: {  	v63 =	vor.u32 $0x300, v28;
	_ =	sdelay $0x3  }
0xe3: {  	[tilespmem:v62+s24+$0x0] =	vst.idx.msk $0xffff, v34  }
0xe4: {  	v39 =	vor.u32 v19, v30;
	v34 =	vld.idx.msk [tilespmem:v63+s22+$0x0], $0xffff  }
0xe5: {  	v28 =	vor.u32 $0x380, v28;
	_ =	sdelay $0x3  }
0xe6: {  	[tilespmem:v39+s24+$0x0] =	vst.idx.msk $0xffff, v34  }
0xe7: {  	v27 =	vor.u32 v27, v32;
	v40 =	vor.u32 v20, v30;
	v28 =	vld.idx.msk [tilespmem:v28+s22+$0x0], $0xffff  }
0xe8: {  	v27 =	vor.u32 v27, v33;
	_ =	sdelay $0x3  }
0xe9: {  	[tilespmem:v40+s24+$0x0] =	vst.idx.msk $0xffff, v28  }
0xea: {  	v41 =	vor.u32 v21, v30;
	v28 =	vld.idx.msk [tilespmem:v27+s22+$0x0], $0xffff  }
0xeb: {  	v42 =	vor.u32 $0x80, v27;
	_ =	sdelay $0x3  }
0xec: {  	[tilespmem:v41+s24+$0x0] =	vst.idx.msk $0xffff, v28  }
0xed: {  	v43 =	vor.u32 v22, v30;
	v28 =	vld.idx.msk [tilespmem:v42+s22+$0x0], $0xffff  }
0xee: {  	v44 =	vor.u32 $0x100, v27;
	_ =	sdelay $0x3  }
0xef: {  	[tilespmem:v43+s24+$0x0] =	vst.idx.msk $0xffff, v28  }
0xf0: {  	v45 =	vor.u32 v23, v30;
	v28 =	vld.idx.msk [tilespmem:v44+s22+$0x0], $0xffff  }
0xf1: {  	v46 =	vor.u32 $0x180, v27;
	_ =	sdelay $0x3  }
0xf2: {  	[tilespmem:v45+s24+$0x0] =	vst.idx.msk $0xffff, v28  }
0xf3: {  	v47 =	vor.u32 v24, v30;
	v28 =	vld.idx.msk [tilespmem:v46+s22+$0x0], $0xffff  }
0xf4: {  	v48 =	vor.u32 $0x200, v27;
	_ =	sdelay $0x3  }
0xf5: {  	[tilespmem:v47+s24+$0x0] =	vst.idx.msk $0xffff, v28  }
0xf6: {  	v49 =	vor.u32 v25, v30;
	v28 =	vld.idx.msk [tilespmem:v48+s22+$0x0], $0xffff  }
0xf7: {  	v50 =	vor.u32 $0x280, v27;
	_ =	sdelay $0x3  }
0xf8: {  	v51 =	vor.u32 $0x15, v2;
	[tilespmem:v49+s24+$0x0] =	vst.idx.msk $0xffff, v28  }
0xf9: {  	v28 =	vor.u32 v51, v30;
	v34 =	vld.idx.msk [tilespmem:v50+s22+$0x0], $0xffff  }
0xfa: {  	v52 =	vor.u32 $0x300, v27;
	_ =	sdelay $0x3  }
0xfb: {  	v53 =	vor.u32 $0x16, v2;
	[tilespmem:v28+s24+$0x0] =	vst.idx.msk $0xffff, v34  }
0xfc: {  	v28 =	vor.u32 v53, v30;
	v34 =	vld.idx.msk [tilespmem:v52+s22+$0x0], $0xffff  }
0xfd: {  	v27 =	vor.u32 $0x380, v27;
	_ =	sdelay $0x3  }
0xfe: {  	v54 =	vor.u32 $0x17, v2;
	[tilespmem:v28+s24+$0x0] =	vst.idx.msk $0xffff, v34  }
0xff: {  	v26 =	vor.u32 v26, v32;
	v28 =	vor.u32 v54, v30;
	v27 =	vld.idx.msk [tilespmem:v27+s22+$0x0], $0xffff  }
0x100: {  	v26 =	vor.u32 v26, v33;
	_ =	sdelay $0x3  }
0x101: {  	[tilespmem:v28+s24+$0x0] =	vst.idx.msk $0xffff, v27;
	v27 =	vor.u32 $0x18, v2  }
0x102: {  	v28 =	vld.idx.msk [tilespmem:v26+s22+$0x0], $0xffff;
	v27 =	vor.u32 v27, v30  }
0x103: {  	v55 =	vor.u32 $0x80, v26;
	_ =	sdelay $0x3  }
0x104: {  	[tilespmem:v27+s24+$0x0] =	vst.idx.msk $0xffff, v28;
	v27 =	vor.u32 $0x19, v2  }
0x105: {  	v28 =	vld.idx.msk [tilespmem:v55+s22+$0x0], $0xffff;
	v27 =	vor.u32 v27, v30  }
0x106: {  	v56 =	vor.u32 $0x100, v26;
	_ =	sdelay $0x3  }
0x107: {  	[tilespmem:v27+s24+$0x0] =	vst.idx.msk $0xffff, v28;
	v27 =	vor.u32 $0x1A, v2  }
0x108: {  	v28 =	vld.idx.msk [tilespmem:v56+s22+$0x0], $0xffff;
	v27 =	vor.u32 v27, v30  }
0x109: {  	v57 =	vor.u32 $0x180, v26;
	_ =	sdelay $0x3  }
0x10a: {  	[tilespmem:v27+s24+$0x0] =	vst.idx.msk $0xffff, v28;
	v27 =	vor.u32 $0x1B, v2  }
0x10b: {  	v28 =	vld.idx.msk [tilespmem:v57+s22+$0x0], $0xffff;
	v27 =	vor.u32 v27, v30  }
0x10c: {  	v58 =	vor.u32 $0x200, v26;
	_ =	sdelay $0x3  }
0x10d: {  	[tilespmem:v27+s24+$0x0] =	vst.idx.msk $0xffff, v28;
	v27 =	vor.u32 $0x1C, v2  }
0x10e: {  	v28 =	vld.idx.msk [tilespmem:v58+s22+$0x0], $0xffff;
	v27 =	vor.u32 v27, v30  }
0x10f: {  	v59 =	vor.u32 $0x280, v26;
	_ =	sdelay $0x3  }
0x110: {  	[tilespmem:v27+s24+$0x0] =	vst.idx.msk $0xffff, v28;
	v27 =	vor.u32 $0x1D, v2  }
0x111: {  	v28 =	vld.idx.msk [tilespmem:v59+s22+$0x0], $0xffff;
	v27 =	vor.u32 v27, v30  }
0x112: {  	v60 =	vor.u32 $0x300, v26;
	_ =	sdelay $0x3  }
0x113: {  	[tilespmem:v27+s24+$0x0] =	vst.idx.msk $0xffff, v28;
	v27 =	vor.u32 $0x1E, v2  }
0x114: {  	v28 =	vld.idx.msk [tilespmem:v60+s22+$0x0], $0xffff;
	v27 =	vor.u32 v27, v30  }
0x115: {  	v26 =	vor.u32 $0x380, v26;
	_ =	sdelay $0x3  }
0x116: {  	[tilespmem:v27+s24+$0x0] =	vst.idx.msk $0xffff, v28;
	v27 =	vor.u32 $0x1F, v2  }
0x117: {  	v61 =	vshll.u32 v31, $0x7;
	v26 =	vld.idx.msk [tilespmem:v26+s22+$0x0], $0xffff;
	v27 =	vor.u32 v27, v30  }
0x118: {  	v28 =	vor.u32 v0, v61;
	_ =	sdelay $0x1  }
0x119: {  	v62 =	vmov s4  }
0x11a: {  	s21 =	sshll.u32 s1, $0xD;
	s1 =	sshll.u32 s1, $0x9;
	vm0 =	vgt.s32 v62, v0;
	v63 =	vor.u32 $0x4000, v0  }
0x11b: {  	s1 =	sshra.s32 s1, $0x2;
	s0 =	sshra.s32 s21, $0x2;
	[tilespmem:v27+s24+$0x0] =	vst.idx.msk $0xffff, v26;
	v26 =	vsel vm0, v29, v63  }
0x11c: {  	s30 =	sadd.s32 $0x1, s30;
	s1 =	sadd.s32 $0x1E280, s1;
	s0 =	sadd.s32 $0x1C280, s0;
	[tilespmem:v28+s25+$0x0] =	vst.idx.msk $0xffff, v26  }
0x11d: {  	[hbm4b:s8+s26] =	stream.indirect.scatter [tilespmem:s0], [sflag:$0x2], $0x80, s1, s26, $0xb8;
	[tilespmem:$0x1E480] =	vst v63  }
.LBB2_6:
0x11e: {  	p0 =	seq.s32 s31, s5  }
.Ltmp5:
0x11f: {  	_ = 	snop;
	(pc) =	sbr.rel @p0 .LBB2_14-.Ltmp5, $1  }
0x120: {  	_ =	sdelay $0x3  }
.LBB2_7:
0x121: {  	s0 =	smov.u32 s31;
	s31 =	sadd.s32 $0x1, s31  }
0x122: {  	p0 =	sge.u32 s31, s5  }
0x123: {  	_ =	swait.ge [sflag:s23], $0x8000;
	s1 =	sadd.s32 @!p0 s6, s31;
	s4 =	sshll.u32 @!p0 s31, $0xF  }
0x124: {  	[sflag:s23] =	ssyncset.done $0x0;
	p1 =	seq.s32 @!p0 s1, $0x3D0;
	s4 =	sand.u32 @!p0 $0x8000, s4  }
0x125: {  	p2 =	por !p1, p0;
	s4 =	sadd.s32 @!p0 $0xC280, s4;
	p0 =	por p1, p0  }
0x126: {  	[sflag:s23] =	ssyncadd.s32 $0xFFFF8000;
	s7 =	simm.s32 @!p2 $0x0;
	s1 =	sshll.u32 @!p0 s1, $0xA  }
0x127: {  	[tilespmem:s4], [sflag:$0x1] =	stream.linear.gather @!p2 [hbm4b:s3+s7], $0x8000, $0x38;
	[tilespmem:$0x1E480] =	vst v63  }
0x128: {  	s1 =	sand.u32 @!p0 $0x1FFFFC00, s1  }
0x129: {  	s11 =	simm.s32 @!p0 $0x7A1400;
	s7 =	simm.s32 @!p0 $0x2000;
	s1 =	sadd.s32 @!p0 s2, s1  }
0x12a: {  	[tilespmem:s4], [sflag:$0x1] =	stream.strided.gather @!p0 [hbm4b:s1+s7], $0x8000, s11, s7, $0x38;
	[tilespmem:$0x1E480] =	vst v63  }
0x12b: {  	v26 =	vld [tilespmem:s0+$0xC100];
	_ =	sdelay $0x3  }
0x12c: {  	v27 =	vld [tilespmem:s0+$0xC180]  }
0x12d: {  	v26 =	vand.u32 v5, v26  }
0x12e: {  	(xrf0) =	vadd.scan.msk.s32 $0xffff, v26;
	_ =	sdelay $0x2  }
0x12f: {  	v26 =	vand.u32 v5, v27;
	_ =	sdelay $0x2  }
0x130: {  	(xrf0) =	vadd.scan.msk.s32 $0xffff, v26;
	v26, _, _ =	vpop (xrf0)  }
0x131: {  	(v2sf) =	vpush v26, $0xF;
	_ =	sdelay $0x5  }
0x132: {  	v26, _, _ =	vpop (xrf0)  }
0x133: {  	(v2sf) =	vpush v26, $0xF;
	_ =	sdelay $0x7  }
0x134: {  	s4 =	spop (v2sf)  }
0x135: {  	s7 =	sadd.s32 $0xF, s4  }
0x136: {  	p0 =	slt.s32 s7, $0x10  }
.Ltmp6:
0x137: {  	_ = 	snop;
	(pc) =	sbr.rel @p0 .LBB2_6-.Ltmp6, $2  }
0x138: {  	_ =	sdelay $0x2  }
0x139: {  	s1 =	spop (v2sf)  }
0x13a: {  	s11 =	sshra.s32 s7, $0x1F  }
0x13b: {  	s11 =	sshrl.u32 s11, $0x1C  }
0x13c: {  	s19 =	sadd.s32 s11, s7  }
0x13d: {  	s1 =	sshll.u32 s1, $0x2;
	s7 =	sshra.s32 s19, $0x4  }
0x13e: {  	s21 =	sshra.s32 s1, $0x2;
	s1 =	sadd.s32 $0xFFFFFFFF, s7  }
0x13f: {  	p1 =	seq.s32 s1, $0x0  }
.Ltmp7:
0x140: {  	_ = 	snop;
	(pc) =	sbr.rel @p1 .LBB2_9-.Ltmp7, $4  }
0x141: {  	s0 =	sand.u32 $0x1, s0  }
0x142: {  	s0 =	sshll.u32 s0, $0xF  }
0x143: {  	p2 =	slt.s32 s30, $0x4;
	v29 =	vmov s0  }
0x144: {  	p0 =	por $0x0, $0x0;
	s0 =	sadd.s32 $0x8080, s21;
	s19 =	sadd.s32 $0x4000, s21;
	v28 =	vor.u32 $0x2000, v29;
	v27 =	vor.u32 $0x4000, v29;
	v26 =	vor.u32 $0x6000, v29  }
0x145: {  	s7 =	simm.s32 @!p2 $0x2  }
0x146: {  	_ =	swait.ge @!p2 [sflag:s7], $0x800  }
0x147: {  	[sflag:s7] =	ssyncset.done @!p2 $0x0  }
0x148: {  	[sflag:s7] =	ssyncadd.s32 @!p2 $0xFFFFF800  }
0x149: {  	v30 =	vld [tilespmem:s19+$0x0];
	_ =	sdelay $0x4  }
0x14a: {  	v31 =	vshll.u32 v30, $0x3  }
0x14b: {  	s13 =	sshra.s32 s30, $0x1F;
	v33 =	vand.u32 $0x1C00, v31  }
0x14c: {  	s7 =	sshrl.u32 s13, $0x1E;
	v34 =	vand.u32 $0x7F, v30;
	v30 =	vor.u32 v29, v33  }
0x14d: {  	s7 =	sadd.s32 s7, s30;
	v30 =	vor.u32 v34, v30  }
0x14e: {  	s7 =	sand.u32 $0xFFFFFFFC, s7  }
0x14f: {  	s11 =	ssub.s32 s30, s7  }
0x150: {  	v41 =	vmov s11  }
0x151: {  	v43 =	vshll.u32 v41, $0xB  }
0x152: {  	v32 =	vor.u32 v2, v43;
	v31 =	vld.idx.msk [tilespmem:v30+s22+$0x0], $0xffff  }
0x153: {  	v35 =	vor.u32 $0x80, v30;
	_ =	sdelay $0x3  }
0x154: {  	v42 =	vld [tilespmem:s0+$0x0];
	[tilespmem:v32+s24+$0x0] =	vst.idx.msk $0xffff, v31  }
0x155: {  	v40 =	vor.u32 v6, v43;
	v31 =	vld.idx.msk [tilespmem:v35+s22+$0x0], $0xffff  }
0x156: {  	v44 =	vor.u32 $0x100, v30;
	_ =	sdelay $0x3  }
0x157: {  	[tilespmem:v40+s24+$0x0] =	vst.idx.msk $0xffff, v31  }
0x158: {  	v45 =	vor.u32 v7, v43;
	v31 =	vld.idx.msk [tilespmem:v44+s22+$0x0], $0xffff  }
0x159: {  	v46 =	vor.u32 $0x180, v30;
	_ =	sdelay $0x3  }
0x15a: {  	[tilespmem:v45+s24+$0x0] =	vst.idx.msk $0xffff, v31  }
0x15b: {  	v47 =	vor.u32 v8, v43;
	v31 =	vld.idx.msk [tilespmem:v46+s22+$0x0], $0xffff  }
0x15c: {  	v48 =	vor.u32 $0x200, v30;
	_ =	sdelay $0x3  }
0x15d: {  	[tilespmem:v47+s24+$0x0] =	vst.idx.msk $0xffff, v31  }
0x15e: {  	v49 =	vor.u32 v9, v43;
	v31 =	vld.idx.msk [tilespmem:v48+s22+$0x0], $0xffff  }
0x15f: {  	v50 =	vor.u32 $0x280, v30;
	_ =	sdelay $0x3  }
0x160: {  	[tilespmem:v49+s24+$0x0] =	vst.idx.msk $0xffff, v31  }
0x161: {  	v51 =	vor.u32 v10, v43;
	v31 =	vld.idx.msk [tilespmem:v50+s22+$0x0], $0xffff  }
0x162: {  	v52 =	vor.u32 $0x300, v30;
	_ =	sdelay $0x3  }
0x163: {  	[tilespmem:v51+s24+$0x0] =	vst.idx.msk $0xffff, v31  }
0x164: {  	v53 =	vor.u32 v11, v43;
	v31 =	vld.idx.msk [tilespmem:v52+s22+$0x0], $0xffff  }
0x165: {  	v30 =	vor.u32 $0x380, v30;
	_ =	sdelay $0x3  }
0x166: {  	[tilespmem:v53+s24+$0x0] =	vst.idx.msk $0xffff, v31  }
0x167: {  	v54 =	vor.u32 v12, v43;
	v31 =	vor.u32 v28, v33;
	v30 =	vld.idx.msk [tilespmem:v30+s22+$0x0], $0xffff  }
0x168: {  	v31 =	vor.u32 v31, v34;
	_ =	sdelay $0x3  }
0x169: {  	[tilespmem:v54+s24+$0x0] =	vst.idx.msk $0xffff, v30  }
0x16a: {  	v55 =	vor.u32 v13, v43;
	v30 =	vld.idx.msk [tilespmem:v31+s22+$0x0], $0xffff  }
0x16b: {  	v56 =	vor.u32 $0x80, v31;
	_ =	sdelay $0x3  }
0x16c: {  	[tilespmem:v55+s24+$0x0] =	vst.idx.msk $0xffff, v30  }
0x16d: {  	v57 =	vor.u32 v14, v43;
	v30 =	vld.idx.msk [tilespmem:v56+s22+$0x0], $0xffff  }
0x16e: {  	v58 =	vor.u32 $0x100, v31;
	_ =	sdelay $0x3  }
0x16f: {  	[tilespmem:v57+s24+$0x0] =	vst.idx.msk $0xffff, v30  }
0x170: {  	v59 =	vor.u32 v15, v43;
	v30 =	vld.idx.msk [tilespmem:v58+s22+$0x0], $0xffff  }
0x171: {  	v60 =	vor.u32 $0x180, v31;
	_ =	sdelay $0x3  }
0x172: {  	[tilespmem:v59+s24+$0x0] =	vst.idx.msk $0xffff, v30  }
0x173: {  	v61 =	vor.u32 v16, v43;
	v30 =	vld.idx.msk [tilespmem:v60+s22+$0x0], $0xffff  }
0x174: {  	v62 =	vor.u32 $0x200, v31;
	_ =	sdelay $0x3  }
0x175: {  	[tilespmem:v61+s24+$0x0] =	vst.idx.msk $0xffff, v30  }
0x176: {  	v63 =	vor.u32 v17, v43;
	v30 =	vld.idx.msk [tilespmem:v62+s22+$0x0], $0xffff  }
0x177: {  	v36 =	vor.u32 $0x280, v31;
	_ =	sdelay $0x3  }
0x178: {  	[tilespmem:v63+s24+$0x0] =	vst.idx.msk $0xffff, v30  }
0x179: {  	v37 =	vor.u32 v18, v43;
	v30 =	vld.idx.msk [tilespmem:v36+s22+$0x0], $0xffff  }
0x17a: {  	v38 =	vor.u32 $0x300, v31;
	_ =	sdelay $0x3  }
0x17b: {  	[tilespmem:v37+s24+$0x0] =	vst.idx.msk $0xffff, v30  }
0x17c: {  	v39 =	vor.u32 v19, v43;
	v30 =	vld.idx.msk [tilespmem:v38+s22+$0x0], $0xffff  }
0x17d: {  	v31 =	vor.u32 $0x380, v31;
	_ =	sdelay $0x3  }
0x17e: {  	[tilespmem:v39+s24+$0x0] =	vst.idx.msk $0xffff, v30  }
0x17f: {  	v40 =	vor.u32 v20, v43;
	v30 =	vor.u32 v27, v33;
	v31 =	vld.idx.msk [tilespmem:v31+s22+$0x0], $0xffff  }
0x180: {  	v44 =	vor.u32 v30, v34;
	_ =	sdelay $0x3  }
0x181: {  	[tilespmem:v40+s24+$0x0] =	vst.idx.msk $0xffff, v31  }
0x182: {  	v31 =	vor.u32 v21, v43;
	v30 =	vld.idx.msk [tilespmem:v44+s22+$0x0], $0xffff  }
0x183: {  	v45 =	vor.u32 $0x80, v44;
	_ =	sdelay $0x3  }
0x184: {  	[tilespmem:v31+s24+$0x0] =	vst.idx.msk $0xffff, v30  }
0x185: {  	v31 =	vor.u32 v22, v43;
	v30 =	vld.idx.msk [tilespmem:v45+s22+$0x0], $0xffff  }
0x186: {  	v46 =	vor.u32 $0x100, v44;
	_ =	sdelay $0x3  }
0x187: {  	[tilespmem:v31+s24+$0x0] =	vst.idx.msk $0xffff, v30  }
0x188: {  	v31 =	vor.u32 v23, v43;
	v30 =	vld.idx.msk [tilespmem:v46+s22+$0x0], $0xffff  }
0x189: {  	v47 =	vor.u32 $0x180, v44;
	_ =	sdelay $0x3  }
0x18a: {  	[tilespmem:v31+s24+$0x0] =	vst.idx.msk $0xffff, v30  }
0x18b: {  	v31 =	vor.u32 v24, v43;
	v30 =	vld.idx.msk [tilespmem:v47+s22+$0x0], $0xffff  }
0x18c: {  	v48 =	vor.u32 $0x200, v44;
	_ =	sdelay $0x3  }
0x18d: {  	[tilespmem:v31+s24+$0x0] =	vst.idx.msk $0xffff, v30  }
0x18e: {  	v31 =	vor.u32 v25, v43;
	v30 =	vld.idx.msk [tilespmem:v48+s22+$0x0], $0xffff  }
0x18f: {  	v49 =	vor.u32 $0x280, v44;
	_ =	sdelay $0x3  }
0x190: {  	[tilespmem:v31+s24+$0x0] =	vst.idx.msk $0xffff, v30;
	v30 =	vor.u32 $0x15, v2  }
0x191: {  	v31 =	vld.idx.msk [tilespmem:v49+s22+$0x0], $0xffff;
	v50 =	vor.u32 v30, v43  }
0x192: {  	v36 =	vor.u32 $0x300, v44;
	_ =	sdelay $0x3  }
0x193: {  	[tilespmem:v50+s24+$0x0] =	vst.idx.msk $0xffff, v31;
	v31 =	vor.u32 $0x16, v2  }
0x194: {  	v32 =	vld.idx.msk [tilespmem:v36+s22+$0x0], $0xffff;
	v51 =	vor.u32 v31, v43  }
0x195: {  	v35 =	vor.u32 $0x380, v44;
	_ =	sdelay $0x3  }
0x196: {  	[tilespmem:v51+s24+$0x0] =	vst.idx.msk $0xffff, v32;
	v32 =	vor.u32 $0x17, v2  }
0x197: {  	v33 =	vor.u32 v26, v33;
	v35 =	vld.idx.msk [tilespmem:v35+s22+$0x0], $0xffff;
	v52 =	vor.u32 v32, v43  }
0x198: {  	v40 =	vor.u32 v33, v34;
	_ =	sdelay $0x3  }
0x199: {  	v33 =	vor.u32 $0x18, v2;
	[tilespmem:v52+s24+$0x0] =	vst.idx.msk $0xffff, v35  }
0x19a: {  	v53 =	vor.u32 v33, v43;
	v34 =	vld.idx.msk [tilespmem:v40+s22+$0x0], $0xffff  }
0x19b: {  	v54 =	vor.u32 $0x80, v40;
	_ =	sdelay $0x3  }
0x19c: {  	[tilespmem:v53+s24+$0x0] =	vst.idx.msk $0xffff, v34;
	v34 =	vor.u32 $0x19, v2  }
0x19d: {  	v35 =	vld.idx.msk [tilespmem:v54+s22+$0x0], $0xffff;
	v55 =	vor.u32 v34, v43  }
0x19e: {  	v37 =	vor.u32 $0x100, v40;
	_ =	sdelay $0x3  }
0x19f: {  	[tilespmem:v55+s24+$0x0] =	vst.idx.msk $0xffff, v35;
	v35 =	vor.u32 $0x1A, v2  }
0x1a0: {  	v36 =	vld.idx.msk [tilespmem:v37+s22+$0x0], $0xffff;
	v56 =	vor.u32 v35, v43  }
0x1a1: {  	v38 =	vor.u32 $0x180, v40;
	_ =	sdelay $0x3  }
0x1a2: {  	[tilespmem:v56+s24+$0x0] =	vst.idx.msk $0xffff, v36;
	v36 =	vor.u32 $0x1B, v2  }
0x1a3: {  	v37 =	vld.idx.msk [tilespmem:v38+s22+$0x0], $0xffff;
	v57 =	vor.u32 v36, v43  }
0x1a4: {  	v39 =	vor.u32 $0x200, v40;
	_ =	sdelay $0x3  }
0x1a5: {  	[tilespmem:v57+s24+$0x0] =	vst.idx.msk $0xffff, v37;
	v37 =	vor.u32 $0x1C, v2  }
0x1a6: {  	v38 =	vld.idx.msk [tilespmem:v39+s22+$0x0], $0xffff;
	v58 =	vor.u32 v37, v43  }
0x1a7: {  	v44 =	vor.u32 $0x280, v40;
	_ =	sdelay $0x3  }
0x1a8: {  	[tilespmem:v58+s24+$0x0] =	vst.idx.msk $0xffff, v38;
	v38 =	vor.u32 $0x1D, v2  }
0x1a9: {  	v39 =	vld.idx.msk [tilespmem:v44+s22+$0x0], $0xffff;
	v59 =	vor.u32 v38, v43  }
0x1aa: {  	v45 =	vor.u32 $0x300, v40;
	_ =	sdelay $0x3  }
0x1ab: {  	[tilespmem:v59+s24+$0x0] =	vst.idx.msk $0xffff, v39;
	v39 =	vor.u32 $0x1E, v2  }
0x1ac: {  	v44 =	vld.idx.msk [tilespmem:v45+s22+$0x0], $0xffff;
	v60 =	vor.u32 v39, v43  }
0x1ad: {  	v46 =	vor.u32 $0x380, v40;
	_ =	sdelay $0x3  }
0x1ae: {  	s7 =	sadd.s32 $0xFFFFFFFF, s1;
	v40 =	vor.u32 $0x1F, v2;
	[tilespmem:v60+s24+$0x0] =	vst.idx.msk $0xffff, v44  }
0x1af: {  	p1 =	seq.s32 s7, $0x0;
	v63 =	vshll.u32 v41, $0x7;
	v61 =	vor.u32 v40, v43;
	v44 =	vld.idx.msk [tilespmem:v46+s22+$0x0], $0xffff  }
.Ltmp8:
0x1b0: {  	v43 =	vor.u32 v0, v63;
	(pc) =	sbr.rel @p1 .LBB2_11-.Ltmp8, $4  }
0x1b1: {  	p0 =	por $0x1, $0x1;
	s0 =	sadd.s32 $0x10, s0;
	s21 =	sshll.u32 s11, $0xD  }
0x1b2: {  	s30 =	sadd.s32 $0x1, s30;
	s11 =	sshll.u32 s11, $0x9;
	s1 =	sshra.s32 s21, $0x2;
	v62 =	vmov s4  }
0x1b3: {  	p2 =	slt.s32 s30, $0x4;
	s11 =	sshra.s32 s11, $0x2;
	s21 =	sadd.s32 $0x1C280, s1;
	vm0 =	vgt.s32 v62, v0;
	v41 =	vor.u32 $0x4000, v0  }
0x1b4: {  	s11 =	sadd.s32 $0x1E280, s11;
	s1 =	smov.u32 s19;
	s4 =	sadd.s32 $0xFFFFFFF0, s4;
	v42 =	vsel vm0, v42, v41;
	[tilespmem:v61+s24+$0x0] =	vst.idx.msk $0xffff, v44  }
.LBB2_12:
0x1b5: {  	s7 =	sadd.s32 $0xFFFFFFFF, s7;
	s13 =	simm.s32 @!p2 $0x2;
	[tilespmem:v43+s25+$0x0] =	vst.idx.msk $0xffff, v42;
	s1 =	sadd.s32 $0x10, s1  }
0x1b6: {  	[hbm4b:s8+s26] =	stream.indirect.scatter [tilespmem:s21], [sflag:$0x2], $0x80, s11, s26, $0xb8;
	[tilespmem:$0x1E480] =	vst v63  }
0x1b7: {  	p1 =	seq.s32 s7, $0x0;
	_ =	swait.ge @!p2 [sflag:s13], $0x800  }
0x1b8: {  	[sflag:s13] =	ssyncset.done @!p2 $0x0  }
0x1b9: {  	[sflag:s13] =	ssyncadd.s32 @!p2 $0xFFFFF800  }
0x1ba: {  	v42 =	vld [tilespmem:s1+$0x0];
	_ =	sdelay $0x4  }
0x1bb: {  	v43 =	vshll.u32 v42, $0x3  }
0x1bc: {  	v43 =	vand.u32 $0x1C00, v43  }
0x1bd: {  	s11 =	sshra.s32 s30, $0x1F;
	v42 =	vand.u32 $0x7F, v42;
	v44 =	vor.u32 v29, v43;
	v45 =	vor.u32 v28, v43  }
0x1be: {  	s11 =	sshrl.u32 s11, $0x1E;
	v48 =	vor.u32 v42, v44;
	v47 =	vor.u32 v45, v42;
	v44 =	vor.u32 v27, v43  }
0x1bf: {  	s11 =	sadd.s32 s11, s30;
	v43 =	vor.u32 v26, v43;
	v46 =	vor.u32 v44, v42  }
0x1c0: {  	s11 =	sand.u32 $0xFFFFFFFC, s11;
	v45 =	vor.u32 v43, v42  }
0x1c1: {  	s11 =	ssub.s32 s30, s11  }
0x1c2: {  	s13 =	sshll.u32 s11, $0xD;
	v42 =	vmov s11;
	s11 =	sshll.u32 s11, $0x9  }
0x1c3: {  	s21 =	sshra.s32 s13, $0x2;
	v44 =	vshll.u32 v42, $0xB;
	v43 =	vshll.u32 v42, $0x7;
	s11 =	sshra.s32 s11, $0x2;
	v49 =	vld.idx.msk [tilespmem:v48+s22+$0x0], $0xffff  }
0x1c4: {  	v50 =	vor.u32 v2, v44  }
0x1c5: {  	v51 =	vor.u32 $0x80, v48;
	_ =	sdelay $0x2  }
0x1c6: {  	v42 =	vld [tilespmem:s0+$0x0]  }
0x1c7: {  	[tilespmem:v50+s24+$0x0] =	vst.idx.msk $0xffff, v49  }
0x1c8: {  	v49 =	vld.idx.msk [tilespmem:v51+s22+$0x0], $0xffff  }
0x1c9: {  	v50 =	vor.u32 v6, v44  }
0x1ca: {  	v51 =	vor.u32 $0x100, v48;
	_ =	sdelay $0x3  }
0x1cb: {  	[tilespmem:v50+s24+$0x0] =	vst.idx.msk $0xffff, v49  }
0x1cc: {  	v49 =	vld.idx.msk [tilespmem:v51+s22+$0x0], $0xffff  }
0x1cd: {  	v50 =	vor.u32 v7, v44  }
0x1ce: {  	v51 =	vor.u32 $0x180, v48;
	_ =	sdelay $0x3  }
0x1cf: {  	[tilespmem:v50+s24+$0x0] =	vst.idx.msk $0xffff, v49  }
0x1d0: {  	v49 =	vld.idx.msk [tilespmem:v51+s22+$0x0], $0xffff  }
0x1d1: {  	v50 =	vor.u32 v8, v44  }
0x1d2: {  	v51 =	vor.u32 $0x200, v48;
	_ =	sdelay $0x3  }
0x1d3: {  	[tilespmem:v50+s24+$0x0] =	vst.idx.msk $0xffff, v49  }
0x1d4: {  	v49 =	vld.idx.msk [tilespmem:v51+s22+$0x0], $0xffff  }
0x1d5: {  	v50 =	vor.u32 v9, v44  }
0x1d6: {  	v51 =	vor.u32 $0x280, v48;
	_ =	sdelay $0x3  }
0x1d7: {  	[tilespmem:v50+s24+$0x0] =	vst.idx.msk $0xffff, v49  }
0x1d8: {  	v49 =	vld.idx.msk [tilespmem:v51+s22+$0x0], $0xffff  }
0x1d9: {  	v50 =	vor.u32 v10, v44  }
0x1da: {  	v51 =	vor.u32 $0x300, v48;
	_ =	sdelay $0x3  }
0x1db: {  	[tilespmem:v50+s24+$0x0] =	vst.idx.msk $0xffff, v49  }
0x1dc: {  	v49 =	vld.idx.msk [tilespmem:v51+s22+$0x0], $0xffff  }
0x1dd: {  	v50 =	vor.u32 v11, v44  }
0x1de: {  	v48 =	vor.u32 $0x380, v48;
	_ =	sdelay $0x3  }
0x1df: {  	[tilespmem:v50+s24+$0x0] =	vst.idx.msk $0xffff, v49  }
0x1e0: {  	v48 =	vld.idx.msk [tilespmem:v48+s22+$0x0], $0xffff  }
0x1e1: {  	v49 =	vor.u32 v12, v44;
	_ =	sdelay $0x4  }
0x1e2: {  	[tilespmem:v49+s24+$0x0] =	vst.idx.msk $0xffff, v48  }
0x1e3: {  	v48 =	vld.idx.msk [tilespmem:v47+s22+$0x0], $0xffff  }
0x1e4: {  	v49 =	vor.u32 v13, v44  }
0x1e5: {  	v50 =	vor.u32 $0x80, v47;
	_ =	sdelay $0x3  }
0x1e6: {  	[tilespmem:v49+s24+$0x0] =	vst.idx.msk $0xffff, v48  }
0x1e7: {  	v48 =	vld.idx.msk [tilespmem:v50+s22+$0x0], $0xffff  }
0x1e8: {  	v49 =	vor.u32 v14, v44  }
0x1e9: {  	v50 =	vor.u32 $0x100, v47;
	_ =	sdelay $0x3  }
0x1ea: {  	[tilespmem:v49+s24+$0x0] =	vst.idx.msk $0xffff, v48  }
0x1eb: {  	v48 =	vld.idx.msk [tilespmem:v50+s22+$0x0], $0xffff  }
0x1ec: {  	v49 =	vor.u32 v15, v44  }
0x1ed: {  	v50 =	vor.u32 $0x180, v47;
	_ =	sdelay $0x3  }
0x1ee: {  	[tilespmem:v49+s24+$0x0] =	vst.idx.msk $0xffff, v48  }
0x1ef: {  	v48 =	vld.idx.msk [tilespmem:v50+s22+$0x0], $0xffff  }
0x1f0: {  	v49 =	vor.u32 v16, v44  }
0x1f1: {  	v50 =	vor.u32 $0x200, v47;
	_ =	sdelay $0x3  }
0x1f2: {  	[tilespmem:v49+s24+$0x0] =	vst.idx.msk $0xffff, v48  }
0x1f3: {  	v48 =	vld.idx.msk [tilespmem:v50+s22+$0x0], $0xffff  }
0x1f4: {  	v49 =	vor.u32 v17, v44  }
0x1f5: {  	v50 =	vor.u32 $0x280, v47;
	_ =	sdelay $0x3  }
0x1f6: {  	[tilespmem:v49+s24+$0x0] =	vst.idx.msk $0xffff, v48  }
0x1f7: {  	v48 =	vld.idx.msk [tilespmem:v50+s22+$0x0], $0xffff  }
0x1f8: {  	v49 =	vor.u32 v18, v44  }
0x1f9: {  	v50 =	vor.u32 $0x300, v47;
	_ =	sdelay $0x3  }
0x1fa: {  	[tilespmem:v49+s24+$0x0] =	vst.idx.msk $0xffff, v48  }
0x1fb: {  	v48 =	vld.idx.msk [tilespmem:v50+s22+$0x0], $0xffff  }
0x1fc: {  	v49 =	vor.u32 v19, v44  }
0x1fd: {  	v47 =	vor.u32 $0x380, v47;
	_ =	sdelay $0x3  }
0x1fe: {  	[tilespmem:v49+s24+$0x0] =	vst.idx.msk $0xffff, v48  }
0x1ff: {  	v47 =	vld.idx.msk [tilespmem:v47+s22+$0x0], $0xffff  }
0x200: {  	v48 =	vor.u32 v20, v44;
	_ =	sdelay $0x4  }
0x201: {  	[tilespmem:v48+s24+$0x0] =	vst.idx.msk $0xffff, v47  }
0x202: {  	v47 =	vld.idx.msk [tilespmem:v46+s22+$0x0], $0xffff  }
0x203: {  	v48 =	vor.u32 v21, v44  }
0x204: {  	v49 =	vor.u32 $0x80, v46;
	_ =	sdelay $0x3  }
0x205: {  	[tilespmem:v48+s24+$0x0] =	vst.idx.msk $0xffff, v47  }
0x206: {  	v47 =	vld.idx.msk [tilespmem:v49+s22+$0x0], $0xffff  }
0x207: {  	v48 =	vor.u32 v22, v44  }
0x208: {  	v49 =	vor.u32 $0x100, v46;
	_ =	sdelay $0x3  }
0x209: {  	[tilespmem:v48+s24+$0x0] =	vst.idx.msk $0xffff, v47  }
0x20a: {  	v47 =	vld.idx.msk [tilespmem:v49+s22+$0x0], $0xffff  }
0x20b: {  	v48 =	vor.u32 v23, v44  }
0x20c: {  	v49 =	vor.u32 $0x180, v46;
	_ =	sdelay $0x3  }
0x20d: {  	[tilespmem:v48+s24+$0x0] =	vst.idx.msk $0xffff, v47  }
0x20e: {  	v47 =	vld.idx.msk [tilespmem:v49+s22+$0x0], $0xffff  }
0x20f: {  	v48 =	vor.u32 v24, v44  }
0x210: {  	v49 =	vor.u32 $0x200, v46;
	_ =	sdelay $0x3  }
0x211: {  	[tilespmem:v48+s24+$0x0] =	vst.idx.msk $0xffff, v47  }
0x212: {  	v47 =	vld.idx.msk [tilespmem:v49+s22+$0x0], $0xffff  }
0x213: {  	v48 =	vor.u32 v25, v44  }
0x214: {  	v49 =	vor.u32 $0x280, v46;
	_ =	sdelay $0x3  }
0x215: {  	[tilespmem:v48+s24+$0x0] =	vst.idx.msk $0xffff, v47  }
0x216: {  	v47 =	vld.idx.msk [tilespmem:v49+s22+$0x0], $0xffff  }
0x217: {  	v48 =	vor.u32 v30, v44  }
0x218: {  	v49 =	vor.u32 $0x300, v46;
	_ =	sdelay $0x3  }
0x219: {  	[tilespmem:v48+s24+$0x0] =	vst.idx.msk $0xffff, v47  }
0x21a: {  	v47 =	vld.idx.msk [tilespmem:v49+s22+$0x0], $0xffff  }
0x21b: {  	v48 =	vor.u32 v31, v44  }
0x21c: {  	v46 =	vor.u32 $0x380, v46;
	_ =	sdelay $0x3  }
0x21d: {  	[tilespmem:v48+s24+$0x0] =	vst.idx.msk $0xffff, v47  }
0x21e: {  	v46 =	vld.idx.msk [tilespmem:v46+s22+$0x0], $0xffff  }
0x21f: {  	v47 =	vor.u32 v32, v44;
	_ =	sdelay $0x4  }
0x220: {  	[tilespmem:v47+s24+$0x0] =	vst.idx.msk $0xffff, v46  }
0x221: {  	v46 =	vld.idx.msk [tilespmem:v45+s22+$0x0], $0xffff  }
0x222: {  	v47 =	vor.u32 v33, v44  }
0x223: {  	v48 =	vor.u32 $0x80, v45;
	_ =	sdelay $0x3  }
0x224: {  	[tilespmem:v47+s24+$0x0] =	vst.idx.msk $0xffff, v46  }
0x225: {  	v46 =	vld.idx.msk [tilespmem:v48+s22+$0x0], $0xffff  }
0x226: {  	v47 =	vor.u32 v34, v44  }
0x227: {  	v48 =	vor.u32 $0x100, v45;
	_ =	sdelay $0x3  }
0x228: {  	[tilespmem:v47+s24+$0x0] =	vst.idx.msk $0xffff, v46  }
0x229: {  	v46 =	vld.idx.msk [tilespmem:v48+s22+$0x0], $0xffff  }
0x22a: {  	v47 =	vor.u32 v35, v44  }
0x22b: {  	v48 =	vor.u32 $0x180, v45;
	_ =	sdelay $0x3  }
0x22c: {  	[tilespmem:v47+s24+$0x0] =	vst.idx.msk $0xffff, v46  }
0x22d: {  	v46 =	vld.idx.msk [tilespmem:v48+s22+$0x0], $0xffff  }
0x22e: {  	v47 =	vor.u32 v36, v44  }
0x22f: {  	v48 =	vor.u32 $0x200, v45;
	_ =	sdelay $0x3  }
0x230: {  	[tilespmem:v47+s24+$0x0] =	vst.idx.msk $0xffff, v46  }
0x231: {  	v46 =	vld.idx.msk [tilespmem:v48+s22+$0x0], $0xffff  }
0x232: {  	v47 =	vor.u32 v37, v44  }
0x233: {  	v48 =	vor.u32 $0x280, v45;
	_ =	sdelay $0x3  }
0x234: {  	[tilespmem:v47+s24+$0x0] =	vst.idx.msk $0xffff, v46  }
0x235: {  	v46 =	vld.idx.msk [tilespmem:v48+s22+$0x0], $0xffff  }
0x236: {  	v47 =	vor.u32 v38, v44  }
0x237: {  	v48 =	vor.u32 $0x300, v45;
	_ =	sdelay $0x3  }
0x238: {  	[tilespmem:v47+s24+$0x0] =	vst.idx.msk $0xffff, v46  }
0x239: {  	v46 =	vld.idx.msk [tilespmem:v48+s22+$0x0], $0xffff  }
0x23a: {  	v47 =	vor.u32 v39, v44  }
0x23b: {  	v45 =	vor.u32 $0x380, v45;
	_ =	sdelay $0x3  }
0x23c: {  	[tilespmem:v47+s24+$0x0] =	vst.idx.msk $0xffff, v46  }
0x23d: {  	v45 =	vld.idx.msk [tilespmem:v45+s22+$0x0], $0xffff  }
0x23e: {  	v44 =	vor.u32 v40, v44  }
.Ltmp9:
0x23f: {  	v43 =	vor.u32 v0, v43;
	(pc) =	sbr.rel @!p1 .LBB2_12-.Ltmp9, $4  }
0x240: {  	_ = 	snop  }
0x241: {  	v46 =	vmov s4  }
0x242: {  	s30 =	sadd.s32 $0x1, s30;
	s0 =	sadd.s32 $0x10, s0;
	s4 =	sadd.s32 $0xFFFFFFF0, s4;
	vm0 =	vgt.s32 v46, v0  }
0x243: {  	p2 =	slt.s32 s30, $0x4;
	s21 =	sadd.s32 $0x1C280, s21;
	s11 =	sadd.s32 $0x1E280, s11;
	v42 =	vsel vm0, v42, v41;
	[tilespmem:v44+s24+$0x0] =	vst.idx.msk $0xffff, v45  }
.Ltmp10:
0x244: {  	_ = 	snop;
	(pc) =	sbr.rel .LBB2_13-.Ltmp10, $1  }
0x245: {  	_ =	sdelay $0x3  }
.LBB2_11:
.Ltmp11:
0x246: {  	(pc) =	sbr.rel .LBB2_13-.Ltmp11, $2  }
0x247: {  	_ =	sdelay $0x2  }
0x248: {  	s1 =	smov.u32 s19  }
.LBB2_14:
.Ltmp12:
0x249: {  	(pc) =	sbr.rel .LBB2_16-.Ltmp12, $4  }
0x24a: {  	_ = 	snop  }
0x24b: {  	s0 =	rddreg [dreg:$0x5]  }
0x24c: {  	s1 =	simm.s32 $0x2000;
	s4 =	simm.s32 $0x7A1400;
	s31 =	simm.s32 $0x0  }
0x24d: {  	[tilespmem:s22], [sflag:$0x1] =	stream.strided.gather [hbm4b:s0+s1], $0x8000, s4, s1, $0x38;
	[tilespmem:$0x1E480] =	vst v63  }
.LBB2_18:
0x24e: {  	s19 =	smov.u32 s1  }
.LBB2_22:
0x24f: {  	_ =	sdelay $0x3  }
0x250: {  	s7 =	simm.s32 @!p2 $0x2;
	[tilespmem:v43+s25+$0x0] =	vst.idx.msk @p0 $0xffff, v42  }
0x251: {  	[hbm4b:s9+s26] =	stream.indirect.scatter @p0 [tilespmem:s11], [sflag:$0x2], $0x80, s21, s26, $0xb8;
	[tilespmem:$0x1E480] =	vst v63  }
0x252: {  	_ =	swait.ge @!p2 [sflag:s7], $0x800  }
0x253: {  	s11 =	sadd.s32 @p0 $0x10, s19;
	[sflag:s7] =	ssyncset.done @!p2 $0x0  }
0x254: {  	s1 =	smov.u32 @p0 s11;
	[sflag:s7] =	ssyncadd.s32 @!p2 $0xFFFFF800  }
0x255: {  	v30 =	vld [tilespmem:s1+$0x0];
	_ =	sdelay $0x4  }
0x256: {  	v31 =	vshll.u32 v30, $0x3  }
0x257: {  	s19 =	sshra.s32 s30, $0x1F;
	v32 =	vand.u32 $0x1C00, v31  }
0x258: {  	s1 =	sshrl.u32 s19, $0x1E;
	v33 =	vand.u32 $0x7F, v30;
	v29 =	vor.u32 v29, v32  }
0x259: {  	s1 =	sadd.s32 s1, s30;
	v34 =	vor.u32 v33, v29  }
0x25a: {  	s1 =	sand.u32 $0xFFFFFFFC, s1  }
0x25b: {  	s1 =	ssub.s32 s30, s1  }
0x25c: {  	v31 =	vmov s1  }
0x25d: {  	v30 =	vshll.u32 v31, $0xB  }
0x25e: {  	v36 =	vor.u32 v2, v30;
	v35 =	vld.idx.msk [tilespmem:v34+s22+$0x0], $0xffff  }
0x25f: {  	v37 =	vor.u32 $0x80, v34;
	_ =	sdelay $0x3  }
0x260: {  	v29 =	vld [tilespmem:s0+$0x0];
	[tilespmem:v36+s24+$0x0] =	vst.idx.msk $0xffff, v35  }
0x261: {  	v40 =	vor.u32 v6, v30;
	v35 =	vld.idx.msk [tilespmem:v37+s22+$0x0], $0xffff  }
0x262: {  	v41 =	vor.u32 $0x100, v34;
	_ =	sdelay $0x3  }
0x263: {  	[tilespmem:v40+s24+$0x0] =	vst.idx.msk $0xffff, v35  }
0x264: {  	v42 =	vor.u32 v7, v30;
	v35 =	vld.idx.msk [tilespmem:v41+s22+$0x0], $0xffff  }
0x265: {  	v43 =	vor.u32 $0x180, v34;
	_ =	sdelay $0x3  }
0x266: {  	[tilespmem:v42+s24+$0x0] =	vst.idx.msk $0xffff, v35  }
0x267: {  	v44 =	vor.u32 v8, v30;
	v35 =	vld.idx.msk [tilespmem:v43+s22+$0x0], $0xffff  }
0x268: {  	v45 =	vor.u32 $0x200, v34;
	_ =	sdelay $0x3  }
0x269: {  	[tilespmem:v44+s24+$0x0] =	vst.idx.msk $0xffff, v35  }
0x26a: {  	v46 =	vor.u32 v9, v30;
	v35 =	vld.idx.msk [tilespmem:v45+s22+$0x0], $0xffff  }
0x26b: {  	v47 =	vor.u32 $0x280, v34;
	_ =	sdelay $0x3  }
0x26c: {  	[tilespmem:v46+s24+$0x0] =	vst.idx.msk $0xffff, v35  }
0x26d: {  	v48 =	vor.u32 v10, v30;
	v35 =	vld.idx.msk [tilespmem:v47+s22+$0x0], $0xffff  }
0x26e: {  	v49 =	vor.u32 $0x300, v34;
	_ =	sdelay $0x3  }
0x26f: {  	[tilespmem:v48+s24+$0x0] =	vst.idx.msk $0xffff, v35  }
0x270: {  	v50 =	vor.u32 v11, v30;
	v35 =	vld.idx.msk [tilespmem:v49+s22+$0x0], $0xffff  }
0x271: {  	v34 =	vor.u32 $0x380, v34;
	_ =	sdelay $0x3  }
0x272: {  	[tilespmem:v50+s24+$0x0] =	vst.idx.msk $0xffff, v35  }
0x273: {  	v28 =	vor.u32 v28, v32;
	v51 =	vor.u32 v12, v30;
	v34 =	vld.idx.msk [tilespmem:v34+s22+$0x0], $0xffff  }
0x274: {  	v28 =	vor.u32 v28, v33;
	_ =	sdelay $0x3  }
0x275: {  	[tilespmem:v51+s24+$0x0] =	vst.idx.msk $0xffff, v34  }
0x276: {  	v52 =	vor.u32 v13, v30;
	v34 =	vld.idx.msk [tilespmem:v28+s22+$0x0], $0xffff  }
0x277: {  	v53 =	vor.u32 $0x80, v28;
	_ =	sdelay $0x3  }
0x278: {  	[tilespmem:v52+s24+$0x0] =	vst.idx.msk $0xffff, v34  }
0x279: {  	v54 =	vor.u32 v14, v30;
	v34 =	vld.idx.msk [tilespmem:v53+s22+$0x0], $0xffff  }
0x27a: {  	v55 =	vor.u32 $0x100, v28;
	_ =	sdelay $0x3  }
0x27b: {  	[tilespmem:v54+s24+$0x0] =	vst.idx.msk $0xffff, v34  }
0x27c: {  	v56 =	vor.u32 v15, v30;
	v34 =	vld.idx.msk [tilespmem:v55+s22+$0x0], $0xffff  }
0x27d: {  	v57 =	vor.u32 $0x180, v28;
	_ =	sdelay $0x3  }
0x27e: {  	[tilespmem:v56+s24+$0x0] =	vst.idx.msk $0xffff, v34  }
0x27f: {  	v58 =	vor.u32 v16, v30;
	v34 =	vld.idx.msk [tilespmem:v57+s22+$0x0], $0xffff  }
0x280: {  	v59 =	vor.u32 $0x200, v28;
	_ =	sdelay $0x3  }
0x281: {  	[tilespmem:v58+s24+$0x0] =	vst.idx.msk $0xffff, v34  }
0x282: {  	v60 =	vor.u32 v17, v30;
	v34 =	vld.idx.msk [tilespmem:v59+s22+$0x0], $0xffff  }
0x283: {  	v61 =	vor.u32 $0x280, v28;
	_ =	sdelay $0x3  }
0x284: {  	[tilespmem:v60+s24+$0x0] =	vst.idx.msk $0xffff, v34  }
0x285: {  	v62 =	vor.u32 v18, v30;
	v34 =	vld.idx.msk [tilespmem:v61+s22+$0x0], $0xffff  }
0x286: {  	v63 =	vor.u32 $0x300, v28;
	_ =	sdelay $0x3  }
0x287: {  	[tilespmem:v62+s24+$0x0] =	vst.idx.msk $0xffff, v34  }
0x288: {  	v39 =	vor.u32 v19, v30;
	v34 =	vld.idx.msk [tilespmem:v63+s22+$0x0], $0xffff  }
0x289: {  	v28 =	vor.u32 $0x380, v28;
	_ =	sdelay $0x3  }
0x28a: {  	[tilespmem:v39+s24+$0x0] =	vst.idx.msk $0xffff, v34  }
0x28b: {  	v27 =	vor.u32 v27, v32;
	v40 =	vor.u32 v20, v30;
	v28 =	vld.idx.msk [tilespmem:v28+s22+$0x0], $0xffff  }
0x28c: {  	v27 =	vor.u32 v27, v33;
	_ =	sdelay $0x3  }
0x28d: {  	[tilespmem:v40+s24+$0x0] =	vst.idx.msk $0xffff, v28  }
0x28e: {  	v41 =	vor.u32 v21, v30;
	v28 =	vld.idx.msk [tilespmem:v27+s22+$0x0], $0xffff  }
0x28f: {  	v42 =	vor.u32 $0x80, v27;
	_ =	sdelay $0x3  }
0x290: {  	[tilespmem:v41+s24+$0x0] =	vst.idx.msk $0xffff, v28  }
0x291: {  	v43 =	vor.u32 v22, v30;
	v28 =	vld.idx.msk [tilespmem:v42+s22+$0x0], $0xffff  }
0x292: {  	v44 =	vor.u32 $0x100, v27;
	_ =	sdelay $0x3  }
0x293: {  	[tilespmem:v43+s24+$0x0] =	vst.idx.msk $0xffff, v28  }
0x294: {  	v45 =	vor.u32 v23, v30;
	v28 =	vld.idx.msk [tilespmem:v44+s22+$0x0], $0xffff  }
0x295: {  	v46 =	vor.u32 $0x180, v27;
	_ =	sdelay $0x3  }
0x296: {  	[tilespmem:v45+s24+$0x0] =	vst.idx.msk $0xffff, v28  }
0x297: {  	v47 =	vor.u32 v24, v30;
	v28 =	vld.idx.msk [tilespmem:v46+s22+$0x0], $0xffff  }
0x298: {  	v48 =	vor.u32 $0x200, v27;
	_ =	sdelay $0x3  }
0x299: {  	[tilespmem:v47+s24+$0x0] =	vst.idx.msk $0xffff, v28  }
0x29a: {  	v49 =	vor.u32 v25, v30;
	v28 =	vld.idx.msk [tilespmem:v48+s22+$0x0], $0xffff  }
0x29b: {  	v50 =	vor.u32 $0x280, v27;
	_ =	sdelay $0x3  }
0x29c: {  	v51 =	vor.u32 $0x15, v2;
	[tilespmem:v49+s24+$0x0] =	vst.idx.msk $0xffff, v28  }
0x29d: {  	v28 =	vor.u32 v51, v30;
	v34 =	vld.idx.msk [tilespmem:v50+s22+$0x0], $0xffff  }
0x29e: {  	v52 =	vor.u32 $0x300, v27;
	_ =	sdelay $0x3  }
0x29f: {  	v53 =	vor.u32 $0x16, v2;
	[tilespmem:v28+s24+$0x0] =	vst.idx.msk $0xffff, v34  }
0x2a0: {  	v28 =	vor.u32 v53, v30;
	v34 =	vld.idx.msk [tilespmem:v52+s22+$0x0], $0xffff  }
0x2a1: {  	v27 =	vor.u32 $0x380, v27;
	_ =	sdelay $0x3  }
0x2a2: {  	v54 =	vor.u32 $0x17, v2;
	[tilespmem:v28+s24+$0x0] =	vst.idx.msk $0xffff, v34  }
0x2a3: {  	v26 =	vor.u32 v26, v32;
	v28 =	vor.u32 v54, v30;
	v27 =	vld.idx.msk [tilespmem:v27+s22+$0x0], $0xffff  }
0x2a4: {  	v26 =	vor.u32 v26, v33;
	_ =	sdelay $0x3  }
0x2a5: {  	[tilespmem:v28+s24+$0x0] =	vst.idx.msk $0xffff, v27;
	v27 =	vor.u32 $0x18, v2  }
0x2a6: {  	v28 =	vld.idx.msk [tilespmem:v26+s22+$0x0], $0xffff;
	v27 =	vor.u32 v27, v30  }
0x2a7: {  	v55 =	vor.u32 $0x80, v26;
	_ =	sdelay $0x3  }
0x2a8: {  	[tilespmem:v27+s24+$0x0] =	vst.idx.msk $0xffff, v28;
	v27 =	vor.u32 $0x19, v2  }
0x2a9: {  	v28 =	vld.idx.msk [tilespmem:v55+s22+$0x0], $0xffff;
	v27 =	vor.u32 v27, v30  }
0x2aa: {  	v56 =	vor.u32 $0x100, v26;
	_ =	sdelay $0x3  }
0x2ab: {  	[tilespmem:v27+s24+$0x0] =	vst.idx.msk $0xffff, v28;
	v27 =	vor.u32 $0x1A, v2  }
0x2ac: {  	v28 =	vld.idx.msk [tilespmem:v56+s22+$0x0], $0xffff;
	v27 =	vor.u32 v27, v30  }
0x2ad: {  	v57 =	vor.u32 $0x180, v26;
	_ =	sdelay $0x3  }
0x2ae: {  	[tilespmem:v27+s24+$0x0] =	vst.idx.msk $0xffff, v28;
	v27 =	vor.u32 $0x1B, v2  }
0x2af: {  	v28 =	vld.idx.msk [tilespmem:v57+s22+$0x0], $0xffff;
	v27 =	vor.u32 v27, v30  }
0x2b0: {  	v58 =	vor.u32 $0x200, v26;
	_ =	sdelay $0x3  }
0x2b1: {  	[tilespmem:v27+s24+$0x0] =	vst.idx.msk $0xffff, v28;
	v27 =	vor.u32 $0x1C, v2  }
0x2b2: {  	v28 =	vld.idx.msk [tilespmem:v58+s22+$0x0], $0xffff;
	v27 =	vor.u32 v27, v30  }
0x2b3: {  	v59 =	vor.u32 $0x280, v26;
	_ =	sdelay $0x3  }
0x2b4: {  	[tilespmem:v27+s24+$0x0] =	vst.idx.msk $0xffff, v28;
	v27 =	vor.u32 $0x1D, v2  }
0x2b5: {  	v28 =	vld.idx.msk [tilespmem:v59+s22+$0x0], $0xffff;
	v27 =	vor.u32 v27, v30  }
0x2b6: {  	v60 =	vor.u32 $0x300, v26;
	_ =	sdelay $0x3  }
0x2b7: {  	[tilespmem:v27+s24+$0x0] =	vst.idx.msk $0xffff, v28;
	v27 =	vor.u32 $0x1E, v2  }
0x2b8: {  	v28 =	vld.idx.msk [tilespmem:v60+s22+$0x0], $0xffff;
	v27 =	vor.u32 v27, v30  }
0x2b9: {  	v26 =	vor.u32 $0x380, v26;
	_ =	sdelay $0x3  }
0x2ba: {  	[tilespmem:v27+s24+$0x0] =	vst.idx.msk $0xffff, v28;
	v27 =	vor.u32 $0x1F, v2  }
0x2bb: {  	v61 =	vshll.u32 v31, $0x7;
	v26 =	vld.idx.msk [tilespmem:v26+s22+$0x0], $0xffff;
	v27 =	vor.u32 v27, v30  }
0x2bc: {  	v28 =	vor.u32 v0, v61;
	_ =	sdelay $0x1  }
0x2bd: {  	v62 =	vmov s4  }
0x2be: {  	s21 =	sshll.u32 s1, $0xD;
	s1 =	sshll.u32 s1, $0x9;
	vm0 =	vgt.s32 v62, v0;
	v63 =	vor.u32 $0x4000, v0  }
0x2bf: {  	s1 =	sshra.s32 s1, $0x2;
	s0 =	sshra.s32 s21, $0x2;
	[tilespmem:v27+s24+$0x0] =	vst.idx.msk $0xffff, v26;
	v26 =	vsel vm0, v29, v63  }
0x2c0: {  	s30 =	sadd.s32 $0x1, s30;
	s1 =	sadd.s32 $0x1E280, s1;
	s0 =	sadd.s32 $0x1C280, s0;
	[tilespmem:v28+s25+$0x0] =	vst.idx.msk $0xffff, v26  }
0x2c1: {  	[hbm4b:s9+s26] =	stream.indirect.scatter [tilespmem:s0], [sflag:$0x2], $0x80, s1, s26, $0xb8;
	[tilespmem:$0x1E480] =	vst v63  }
.LBB2_15:
0x2c2: {  	p0 =	seq.s32 s31, s5  }
.Ltmp13:
0x2c3: {  	_ = 	snop;
	(pc) =	sbr.rel @p0 .LBB2_23-.Ltmp13, $1  }
0x2c4: {  	_ =	sdelay $0x3  }
.LBB2_16:
0x2c5: {  	s0 =	smov.u32 s31;
	s31 =	sadd.s32 $0x1, s31  }
0x2c6: {  	p0 =	sge.u32 s31, s5  }
0x2c7: {  	_ =	swait.ge [sflag:s23], $0x8000;
	s1 =	sadd.s32 @!p0 s6, s31  }
0x2c8: {  	[sflag:s23] =	ssyncset.done $0x0;
	s4 =	sand.u32 @!p0 $0x1, s31;
	p1 =	seq.s32 @!p0 s1, $0x3D0  }
0x2c9: {  	[sflag:s23] =	ssyncadd.s32 $0xFFFF8000;
	p2 =	por !p1, p0;
	p0 =	por p1, p0  }
0x2ca: {  	s7 =	sshll.u32 @!p2 s4, $0xF;
	s11 =	simm.s32 @!p2 $0x0;
	s1 =	sshll.u32 @!p0 s1, $0xA  }
0x2cb: {  	s4 =	sshll.u32 @!p0 s4, $0xF;
	s7 =	sadd.s32 @!p2 $0xC280, s7;
	s1 =	sand.u32 @!p0 $0x1FFFFC00, s1  }
0x2cc: {  	[tilespmem:s7], [sflag:$0x1] =	stream.linear.gather @!p2 [hbm4b:s12+s11], $0x8000, $0x38;
	[tilespmem:$0x1E480] =	vst v63  }
0x2cd: {  	s4 =	sadd.s32 @!p0 $0xC280, s4;
	s1 =	sadd.s32 @!p0 s2, s1;
	s7 =	simm.s32 @!p0 $0x2000  }
0x2ce: {  	s11 =	simm.s32 @!p0 $0x7A1400;
	s1 =	sadd.s32 @!p0 $0x3D0A00, s1  }
0x2cf: {  	[tilespmem:s4], [sflag:$0x1] =	stream.strided.gather @!p0 [hbm4b:s1+s7], $0x8000, s11, s7, $0x38;
	[tilespmem:$0x1E480] =	vst v63  }
0x2d0: {  	v26 =	vld [tilespmem:s0+$0xC100];
	_ =	sdelay $0x3  }
0x2d1: {  	v27 =	vld [tilespmem:s0+$0xC180]  }
0x2d2: {  	v26 =	vand.u32 v5, v26  }
0x2d3: {  	(xrf0) =	vadd.scan.msk.s32 $0xffff, v26;
	_ =	sdelay $0x2  }
0x2d4: {  	v26 =	vand.u32 v5, v27;
	_ =	sdelay $0x2  }
0x2d5: {  	(xrf0) =	vadd.scan.msk.s32 $0xffff, v26;
	v26, _, _ =	vpop (xrf0)  }
0x2d6: {  	(v2sf) =	vpush v26, $0xF;
	_ =	sdelay $0x5  }
0x2d7: {  	v26, _, _ =	vpop (xrf0)  }
0x2d8: {  	(v2sf) =	vpush v26, $0xF;
	_ =	sdelay $0x7  }
0x2d9: {  	s4 =	spop (v2sf)  }
0x2da: {  	s7 =	sadd.s32 $0xF, s4  }
0x2db: {  	p0 =	slt.s32 s7, $0x10  }
.Ltmp14:
0x2dc: {  	_ = 	snop;
	(pc) =	sbr.rel @p0 .LBB2_15-.Ltmp14, $2  }
0x2dd: {  	_ =	sdelay $0x2  }
0x2de: {  	s1 =	spop (v2sf)  }
0x2df: {  	s11 =	sshra.s32 s7, $0x1F  }
0x2e0: {  	s11 =	sshrl.u32 s11, $0x1C  }
0x2e1: {  	s19 =	sadd.s32 s11, s7  }
0x2e2: {  	s7 =	sshra.s32 s19, $0x4  }
0x2e3: {  	s7 =	sadd.s32 $0xFFFFFFFF, s7  }
0x2e4: {  	p1 =	seq.s32 s7, $0x0  }
.Ltmp15:
0x2e5: {  	_ = 	snop;
	(pc) =	sbr.rel @p1 .LBB2_18-.Ltmp15, $4  }
0x2e6: {  	s0 =	sand.u32 $0x1, s0  }
0x2e7: {  	s1 =	sshll.u32 s1, $0x2;
	s0 =	sshll.u32 s0, $0xF  }
0x2e8: {  	p2 =	slt.s32 s30, $0x4;
	s21 =	sshra.s32 s1, $0x2;
	v29 =	vmov s0  }
0x2e9: {  	p0 =	por $0x0, $0x0;
	s1 =	sadd.s32 $0x4000, s21;
	s0 =	sadd.s32 $0x8080, s21;
	v28 =	vor.u32 $0x2000, v29;
	v27 =	vor.u32 $0x4000, v29;
	v26 =	vor.u32 $0x6000, v29  }
0x2ea: {  	s11 =	simm.s32 @!p2 $0x2  }
0x2eb: {  	_ =	swait.ge @!p2 [sflag:s11], $0x800  }
0x2ec: {  	[sflag:s11] =	ssyncset.done @!p2 $0x0  }
0x2ed: {  	[sflag:s11] =	ssyncadd.s32 @!p2 $0xFFFFF800  }
0x2ee: {  	v30 =	vld [tilespmem:s1+$0x0];
	_ =	sdelay $0x4  }
0x2ef: {  	v31 =	vshll.u32 v30, $0x3  }
0x2f0: {  	s21 =	sshra.s32 s30, $0x1F;
	v33 =	vand.u32 $0x1C00, v31  }
0x2f1: {  	s11 =	sshrl.u32 s21, $0x1E;
	v34 =	vand.u32 $0x7F, v30;
	v30 =	vor.u32 v29, v33  }
0x2f2: {  	s11 =	sadd.s32 s11, s30;
	v30 =	vor.u32 v34, v30  }
0x2f3: {  	s11 =	sand.u32 $0xFFFFFFFC, s11  }
0x2f4: {  	s11 =	ssub.s32 s30, s11  }
0x2f5: {  	v41 =	vmov s11  }
0x2f6: {  	v43 =	vshll.u32 v41, $0xB  }
0x2f7: {  	v32 =	vor.u32 v2, v43;
	v31 =	vld.idx.msk [tilespmem:v30+s22+$0x0], $0xffff  }
0x2f8: {  	v35 =	vor.u32 $0x80, v30;
	_ =	sdelay $0x3  }
0x2f9: {  	v42 =	vld [tilespmem:s0+$0x0];
	[tilespmem:v32+s24+$0x0] =	vst.idx.msk $0xffff, v31  }
0x2fa: {  	v40 =	vor.u32 v6, v43;
	v31 =	vld.idx.msk [tilespmem:v35+s22+$0x0], $0xffff  }
0x2fb: {  	v44 =	vor.u32 $0x100, v30;
	_ =	sdelay $0x3  }
0x2fc: {  	[tilespmem:v40+s24+$0x0] =	vst.idx.msk $0xffff, v31  }
0x2fd: {  	v45 =	vor.u32 v7, v43;
	v31 =	vld.idx.msk [tilespmem:v44+s22+$0x0], $0xffff  }
0x2fe: {  	v46 =	vor.u32 $0x180, v30;
	_ =	sdelay $0x3  }
0x2ff: {  	[tilespmem:v45+s24+$0x0] =	vst.idx.msk $0xffff, v31  }
0x300: {  	v47 =	vor.u32 v8, v43;
	v31 =	vld.idx.msk [tilespmem:v46+s22+$0x0], $0xffff  }
0x301: {  	v48 =	vor.u32 $0x200, v30;
	_ =	sdelay $0x3  }
0x302: {  	[tilespmem:v47+s24+$0x0] =	vst.idx.msk $0xffff, v31  }
0x303: {  	v49 =	vor.u32 v9, v43;
	v31 =	vld.idx.msk [tilespmem:v48+s22+$0x0], $0xffff  }
0x304: {  	v50 =	vor.u32 $0x280, v30;
	_ =	sdelay $0x3  }
0x305: {  	[tilespmem:v49+s24+$0x0] =	vst.idx.msk $0xffff, v31  }
0x306: {  	v51 =	vor.u32 v10, v43;
	v31 =	vld.idx.msk [tilespmem:v50+s22+$0x0], $0xffff  }
0x307: {  	v52 =	vor.u32 $0x300, v30;
	_ =	sdelay $0x3  }
0x308: {  	[tilespmem:v51+s24+$0x0] =	vst.idx.msk $0xffff, v31  }
0x309: {  	v53 =	vor.u32 v11, v43;
	v31 =	vld.idx.msk [tilespmem:v52+s22+$0x0], $0xffff  }
0x30a: {  	v30 =	vor.u32 $0x380, v30;
	_ =	sdelay $0x3  }
0x30b: {  	[tilespmem:v53+s24+$0x0] =	vst.idx.msk $0xffff, v31  }
0x30c: {  	v54 =	vor.u32 v12, v43;
	v31 =	vor.u32 v28, v33;
	v30 =	vld.idx.msk [tilespmem:v30+s22+$0x0], $0xffff  }
0x30d: {  	v31 =	vor.u32 v31, v34;
	_ =	sdelay $0x3  }
0x30e: {  	[tilespmem:v54+s24+$0x0] =	vst.idx.msk $0xffff, v30  }
0x30f: {  	v55 =	vor.u32 v13, v43;
	v30 =	vld.idx.msk [tilespmem:v31+s22+$0x0], $0xffff  }
0x310: {  	v56 =	vor.u32 $0x80, v31;
	_ =	sdelay $0x3  }
0x311: {  	[tilespmem:v55+s24+$0x0] =	vst.idx.msk $0xffff, v30  }
0x312: {  	v57 =	vor.u32 v14, v43;
	v30 =	vld.idx.msk [tilespmem:v56+s22+$0x0], $0xffff  }
0x313: {  	v58 =	vor.u32 $0x100, v31;
	_ =	sdelay $0x3  }
0x314: {  	[tilespmem:v57+s24+$0x0] =	vst.idx.msk $0xffff, v30  }
0x315: {  	v59 =	vor.u32 v15, v43;
	v30 =	vld.idx.msk [tilespmem:v58+s22+$0x0], $0xffff  }
0x316: {  	v60 =	vor.u32 $0x180, v31;
	_ =	sdelay $0x3  }
0x317: {  	[tilespmem:v59+s24+$0x0] =	vst.idx.msk $0xffff, v30  }
0x318: {  	v61 =	vor.u32 v16, v43;
	v30 =	vld.idx.msk [tilespmem:v60+s22+$0x0], $0xffff  }
0x319: {  	v62 =	vor.u32 $0x200, v31;
	_ =	sdelay $0x3  }
0x31a: {  	[tilespmem:v61+s24+$0x0] =	vst.idx.msk $0xffff, v30  }
0x31b: {  	v63 =	vor.u32 v17, v43;
	v30 =	vld.idx.msk [tilespmem:v62+s22+$0x0], $0xffff  }
0x31c: {  	v36 =	vor.u32 $0x280, v31;
	_ =	sdelay $0x3  }
0x31d: {  	[tilespmem:v63+s24+$0x0] =	vst.idx.msk $0xffff, v30  }
0x31e: {  	v37 =	vor.u32 v18, v43;
	v30 =	vld.idx.msk [tilespmem:v36+s22+$0x0], $0xffff  }
0x31f: {  	v38 =	vor.u32 $0x300, v31;
	_ =	sdelay $0x3  }
0x320: {  	[tilespmem:v37+s24+$0x0] =	vst.idx.msk $0xffff, v30  }
0x321: {  	v39 =	vor.u32 v19, v43;
	v30 =	vld.idx.msk [tilespmem:v38+s22+$0x0], $0xffff  }
0x322: {  	v31 =	vor.u32 $0x380, v31;
	_ =	sdelay $0x3  }
0x323: {  	[tilespmem:v39+s24+$0x0] =	vst.idx.msk $0xffff, v30  }
0x324: {  	v40 =	vor.u32 v20, v43;
	v30 =	vor.u32 v27, v33;
	v31 =	vld.idx.msk [tilespmem:v31+s22+$0x0], $0xffff  }
0x325: {  	v44 =	vor.u32 v30, v34;
	_ =	sdelay $0x3  }
0x326: {  	[tilespmem:v40+s24+$0x0] =	vst.idx.msk $0xffff, v31  }
0x327: {  	v31 =	vor.u32 v21, v43;
	v30 =	vld.idx.msk [tilespmem:v44+s22+$0x0], $0xffff  }
0x328: {  	v45 =	vor.u32 $0x80, v44;
	_ =	sdelay $0x3  }
0x329: {  	[tilespmem:v31+s24+$0x0] =	vst.idx.msk $0xffff, v30  }
0x32a: {  	v31 =	vor.u32 v22, v43;
	v30 =	vld.idx.msk [tilespmem:v45+s22+$0x0], $0xffff  }
0x32b: {  	v46 =	vor.u32 $0x100, v44;
	_ =	sdelay $0x3  }
0x32c: {  	[tilespmem:v31+s24+$0x0] =	vst.idx.msk $0xffff, v30  }
0x32d: {  	v31 =	vor.u32 v23, v43;
	v30 =	vld.idx.msk [tilespmem:v46+s22+$0x0], $0xffff  }
0x32e: {  	v47 =	vor.u32 $0x180, v44;
	_ =	sdelay $0x3  }
0x32f: {  	[tilespmem:v31+s24+$0x0] =	vst.idx.msk $0xffff, v30  }
0x330: {  	v31 =	vor.u32 v24, v43;
	v30 =	vld.idx.msk [tilespmem:v47+s22+$0x0], $0xffff  }
0x331: {  	v48 =	vor.u32 $0x200, v44;
	_ =	sdelay $0x3  }
0x332: {  	[tilespmem:v31+s24+$0x0] =	vst.idx.msk $0xffff, v30  }
0x333: {  	v31 =	vor.u32 v25, v43;
	v30 =	vld.idx.msk [tilespmem:v48+s22+$0x0], $0xffff  }
0x334: {  	v49 =	vor.u32 $0x280, v44;
	_ =	sdelay $0x3  }
0x335: {  	[tilespmem:v31+s24+$0x0] =	vst.idx.msk $0xffff, v30;
	v30 =	vor.u32 $0x15, v2  }
0x336: {  	v31 =	vld.idx.msk [tilespmem:v49+s22+$0x0], $0xffff;
	v50 =	vor.u32 v30, v43  }
0x337: {  	v36 =	vor.u32 $0x300, v44;
	_ =	sdelay $0x3  }
0x338: {  	[tilespmem:v50+s24+$0x0] =	vst.idx.msk $0xffff, v31;
	v31 =	vor.u32 $0x16, v2  }
0x339: {  	v32 =	vld.idx.msk [tilespmem:v36+s22+$0x0], $0xffff;
	v51 =	vor.u32 v31, v43  }
0x33a: {  	v35 =	vor.u32 $0x380, v44;
	_ =	sdelay $0x3  }
0x33b: {  	[tilespmem:v51+s24+$0x0] =	vst.idx.msk $0xffff, v32;
	v32 =	vor.u32 $0x17, v2  }
0x33c: {  	v33 =	vor.u32 v26, v33;
	v35 =	vld.idx.msk [tilespmem:v35+s22+$0x0], $0xffff;
	v52 =	vor.u32 v32, v43  }
0x33d: {  	v40 =	vor.u32 v33, v34;
	_ =	sdelay $0x3  }
0x33e: {  	v33 =	vor.u32 $0x18, v2;
	[tilespmem:v52+s24+$0x0] =	vst.idx.msk $0xffff, v35  }
0x33f: {  	v53 =	vor.u32 v33, v43;
	v34 =	vld.idx.msk [tilespmem:v40+s22+$0x0], $0xffff  }
0x340: {  	v54 =	vor.u32 $0x80, v40;
	_ =	sdelay $0x3  }
0x341: {  	[tilespmem:v53+s24+$0x0] =	vst.idx.msk $0xffff, v34;
	v34 =	vor.u32 $0x19, v2  }
0x342: {  	v35 =	vld.idx.msk [tilespmem:v54+s22+$0x0], $0xffff;
	v55 =	vor.u32 v34, v43  }
0x343: {  	v37 =	vor.u32 $0x100, v40;
	_ =	sdelay $0x3  }
0x344: {  	[tilespmem:v55+s24+$0x0] =	vst.idx.msk $0xffff, v35;
	v35 =	vor.u32 $0x1A, v2  }
0x345: {  	v36 =	vld.idx.msk [tilespmem:v37+s22+$0x0], $0xffff;
	v56 =	vor.u32 v35, v43  }
0x346: {  	v38 =	vor.u32 $0x180, v40;
	_ =	sdelay $0x3  }
0x347: {  	[tilespmem:v56+s24+$0x0] =	vst.idx.msk $0xffff, v36;
	v36 =	vor.u32 $0x1B, v2  }
0x348: {  	v37 =	vld.idx.msk [tilespmem:v38+s22+$0x0], $0xffff;
	v57 =	vor.u32 v36, v43  }
0x349: {  	v39 =	vor.u32 $0x200, v40;
	_ =	sdelay $0x3  }
0x34a: {  	[tilespmem:v57+s24+$0x0] =	vst.idx.msk $0xffff, v37;
	v37 =	vor.u32 $0x1C, v2  }
0x34b: {  	v38 =	vld.idx.msk [tilespmem:v39+s22+$0x0], $0xffff;
	v58 =	vor.u32 v37, v43  }
0x34c: {  	v44 =	vor.u32 $0x280, v40;
	_ =	sdelay $0x3  }
0x34d: {  	[tilespmem:v58+s24+$0x0] =	vst.idx.msk $0xffff, v38;
	v38 =	vor.u32 $0x1D, v2  }
0x34e: {  	v39 =	vld.idx.msk [tilespmem:v44+s22+$0x0], $0xffff;
	v59 =	vor.u32 v38, v43  }
0x34f: {  	v45 =	vor.u32 $0x300, v40;
	_ =	sdelay $0x3  }
0x350: {  	[tilespmem:v59+s24+$0x0] =	vst.idx.msk $0xffff, v39;
	v39 =	vor.u32 $0x1E, v2  }
0x351: {  	v44 =	vld.idx.msk [tilespmem:v45+s22+$0x0], $0xffff;
	v60 =	vor.u32 v39, v43  }
0x352: {  	v46 =	vor.u32 $0x380, v40;
	_ =	sdelay $0x3  }
0x353: {  	s7 =	sadd.s32 $0xFFFFFFFF, s7;
	v40 =	vor.u32 $0x1F, v2;
	[tilespmem:v60+s24+$0x0] =	vst.idx.msk $0xffff, v44  }
0x354: {  	p1 =	seq.s32 s7, $0x0;
	v63 =	vshll.u32 v41, $0x7;
	v61 =	vor.u32 v40, v43;
	v44 =	vld.idx.msk [tilespmem:v46+s22+$0x0], $0xffff  }
.Ltmp16:
0x355: {  	v43 =	vor.u32 v0, v63;
	(pc) =	sbr.rel @p1 .LBB2_20-.Ltmp16, $4  }
0x356: {  	p0 =	por $0x1, $0x1;
	s0 =	sadd.s32 $0x10, s0;
	s13 =	sshll.u32 s11, $0xD  }
0x357: {  	s30 =	sadd.s32 $0x1, s30;
	s11 =	sshll.u32 s11, $0x9;
	s13 =	sshra.s32 s13, $0x2;
	v62 =	vmov s4  }
0x358: {  	p2 =	slt.s32 s30, $0x4;
	s19 =	sshra.s32 s11, $0x2;
	s11 =	sadd.s32 $0x1C280, s13;
	vm0 =	vgt.s32 v62, v0;
	v41 =	vor.u32 $0x4000, v0  }
0x359: {  	s21 =	sadd.s32 $0x1E280, s19;
	s19 =	smov.u32 s1;
	s4 =	sadd.s32 $0xFFFFFFF0, s4;
	v42 =	vsel vm0, v42, v41;
	[tilespmem:v61+s24+$0x0] =	vst.idx.msk $0xffff, v44  }
.LBB2_21:
0x35a: {  	s7 =	sadd.s32 $0xFFFFFFFF, s7;
	s13 =	simm.s32 @!p2 $0x2;
	[tilespmem:v43+s25+$0x0] =	vst.idx.msk $0xffff, v42;
	s19 =	sadd.s32 $0x10, s19  }
0x35b: {  	[hbm4b:s9+s26] =	stream.indirect.scatter [tilespmem:s11], [sflag:$0x2], $0x80, s21, s26, $0xb8;
	[tilespmem:$0x1E480] =	vst v63  }
0x35c: {  	p1 =	seq.s32 s7, $0x0;
	_ =	swait.ge @!p2 [sflag:s13], $0x800  }
0x35d: {  	[sflag:s13] =	ssyncset.done @!p2 $0x0  }
0x35e: {  	[sflag:s13] =	ssyncadd.s32 @!p2 $0xFFFFF800  }
0x35f: {  	v42 =	vld [tilespmem:s19+$0x0];
	_ =	sdelay $0x4  }
0x360: {  	v43 =	vshll.u32 v42, $0x3  }
0x361: {  	v43 =	vand.u32 $0x1C00, v43  }
0x362: {  	s11 =	sshra.s32 s30, $0x1F;
	v42 =	vand.u32 $0x7F, v42;
	v44 =	vor.u32 v29, v43;
	v45 =	vor.u32 v28, v43  }
0x363: {  	s11 =	sshrl.u32 s11, $0x1E;
	v48 =	vor.u32 v42, v44;
	v47 =	vor.u32 v45, v42;
	v44 =	vor.u32 v27, v43  }
0x364: {  	s11 =	sadd.s32 s11, s30;
	v43 =	vor.u32 v26, v43;
	v46 =	vor.u32 v44, v42  }
0x365: {  	s11 =	sand.u32 $0xFFFFFFFC, s11;
	v45 =	vor.u32 v43, v42  }
0x366: {  	s11 =	ssub.s32 s30, s11  }
0x367: {  	s13 =	sshll.u32 s11, $0xD;
	s21 =	sshll.u32 s11, $0x9;
	v42 =	vmov s11  }
0x368: {  	s21 =	sshra.s32 s21, $0x2;
	s11 =	sshra.s32 s13, $0x2;
	v44 =	vshll.u32 v42, $0xB;
	v43 =	vshll.u32 v42, $0x7;
	v49 =	vld.idx.msk [tilespmem:v48+s22+$0x0], $0xffff  }
0x369: {  	v50 =	vor.u32 v2, v44  }
0x36a: {  	v51 =	vor.u32 $0x80, v48;
	_ =	sdelay $0x2  }
0x36b: {  	v42 =	vld [tilespmem:s0+$0x0]  }
0x36c: {  	[tilespmem:v50+s24+$0x0] =	vst.idx.msk $0xffff, v49  }
0x36d: {  	v49 =	vld.idx.msk [tilespmem:v51+s22+$0x0], $0xffff  }
0x36e: {  	v50 =	vor.u32 v6, v44  }
0x36f: {  	v51 =	vor.u32 $0x100, v48;
	_ =	sdelay $0x3  }
0x370: {  	[tilespmem:v50+s24+$0x0] =	vst.idx.msk $0xffff, v49  }
0x371: {  	v49 =	vld.idx.msk [tilespmem:v51+s22+$0x0], $0xffff  }
0x372: {  	v50 =	vor.u32 v7, v44  }
0x373: {  	v51 =	vor.u32 $0x180, v48;
	_ =	sdelay $0x3  }
0x374: {  	[tilespmem:v50+s24+$0x0] =	vst.idx.msk $0xffff, v49  }
0x375: {  	v49 =	vld.idx.msk [tilespmem:v51+s22+$0x0], $0xffff  }
0x376: {  	v50 =	vor.u32 v8, v44  }
0x377: {  	v51 =	vor.u32 $0x200, v48;
	_ =	sdelay $0x3  }
0x378: {  	[tilespmem:v50+s24+$0x0] =	vst.idx.msk $0xffff, v49  }
0x379: {  	v49 =	vld.idx.msk [tilespmem:v51+s22+$0x0], $0xffff  }
0x37a: {  	v50 =	vor.u32 v9, v44  }
0x37b: {  	v51 =	vor.u32 $0x280, v48;
	_ =	sdelay $0x3  }
0x37c: {  	[tilespmem:v50+s24+$0x0] =	vst.idx.msk $0xffff, v49  }
0x37d: {  	v49 =	vld.idx.msk [tilespmem:v51+s22+$0x0], $0xffff  }
0x37e: {  	v50 =	vor.u32 v10, v44  }
0x37f: {  	v51 =	vor.u32 $0x300, v48;
	_ =	sdelay $0x3  }
0x380: {  	[tilespmem:v50+s24+$0x0] =	vst.idx.msk $0xffff, v49  }
0x381: {  	v49 =	vld.idx.msk [tilespmem:v51+s22+$0x0], $0xffff  }
0x382: {  	v50 =	vor.u32 v11, v44  }
0x383: {  	v48 =	vor.u32 $0x380, v48;
	_ =	sdelay $0x3  }
0x384: {  	[tilespmem:v50+s24+$0x0] =	vst.idx.msk $0xffff, v49  }
0x385: {  	v48 =	vld.idx.msk [tilespmem:v48+s22+$0x0], $0xffff  }
0x386: {  	v49 =	vor.u32 v12, v44;
	_ =	sdelay $0x4  }
0x387: {  	[tilespmem:v49+s24+$0x0] =	vst.idx.msk $0xffff, v48  }
0x388: {  	v48 =	vld.idx.msk [tilespmem:v47+s22+$0x0], $0xffff  }
0x389: {  	v49 =	vor.u32 v13, v44  }
0x38a: {  	v50 =	vor.u32 $0x80, v47;
	_ =	sdelay $0x3  }
0x38b: {  	[tilespmem:v49+s24+$0x0] =	vst.idx.msk $0xffff, v48  }
0x38c: {  	v48 =	vld.idx.msk [tilespmem:v50+s22+$0x0], $0xffff  }
0x38d: {  	v49 =	vor.u32 v14, v44  }
0x38e: {  	v50 =	vor.u32 $0x100, v47;
	_ =	sdelay $0x3  }
0x38f: {  	[tilespmem:v49+s24+$0x0] =	vst.idx.msk $0xffff, v48  }
0x390: {  	v48 =	vld.idx.msk [tilespmem:v50+s22+$0x0], $0xffff  }
0x391: {  	v49 =	vor.u32 v15, v44  }
0x392: {  	v50 =	vor.u32 $0x180, v47;
	_ =	sdelay $0x3  }
0x393: {  	[tilespmem:v49+s24+$0x0] =	vst.idx.msk $0xffff, v48  }
0x394: {  	v48 =	vld.idx.msk [tilespmem:v50+s22+$0x0], $0xffff  }
0x395: {  	v49 =	vor.u32 v16, v44  }
0x396: {  	v50 =	vor.u32 $0x200, v47;
	_ =	sdelay $0x3  }
0x397: {  	[tilespmem:v49+s24+$0x0] =	vst.idx.msk $0xffff, v48  }
0x398: {  	v48 =	vld.idx.msk [tilespmem:v50+s22+$0x0], $0xffff  }
0x399: {  	v49 =	vor.u32 v17, v44  }
0x39a: {  	v50 =	vor.u32 $0x280, v47;
	_ =	sdelay $0x3  }
0x39b: {  	[tilespmem:v49+s24+$0x0] =	vst.idx.msk $0xffff, v48  }
0x39c: {  	v48 =	vld.idx.msk [tilespmem:v50+s22+$0x0], $0xffff  }
0x39d: {  	v49 =	vor.u32 v18, v44  }
0x39e: {  	v50 =	vor.u32 $0x300, v47;
	_ =	sdelay $0x3  }
0x39f: {  	[tilespmem:v49+s24+$0x0] =	vst.idx.msk $0xffff, v48  }
0x3a0: {  	v48 =	vld.idx.msk [tilespmem:v50+s22+$0x0], $0xffff  }
0x3a1: {  	v49 =	vor.u32 v19, v44  }
0x3a2: {  	v47 =	vor.u32 $0x380, v47;
	_ =	sdelay $0x3  }
0x3a3: {  	[tilespmem:v49+s24+$0x0] =	vst.idx.msk $0xffff, v48  }
0x3a4: {  	v47 =	vld.idx.msk [tilespmem:v47+s22+$0x0], $0xffff  }
0x3a5: {  	v48 =	vor.u32 v20, v44;
	_ =	sdelay $0x4  }
0x3a6: {  	[tilespmem:v48+s24+$0x0] =	vst.idx.msk $0xffff, v47  }
0x3a7: {  	v47 =	vld.idx.msk [tilespmem:v46+s22+$0x0], $0xffff  }
0x3a8: {  	v48 =	vor.u32 v21, v44  }
0x3a9: {  	v49 =	vor.u32 $0x80, v46;
	_ =	sdelay $0x3  }
0x3aa: {  	[tilespmem:v48+s24+$0x0] =	vst.idx.msk $0xffff, v47  }
0x3ab: {  	v47 =	vld.idx.msk [tilespmem:v49+s22+$0x0], $0xffff  }
0x3ac: {  	v48 =	vor.u32 v22, v44  }
0x3ad: {  	v49 =	vor.u32 $0x100, v46;
	_ =	sdelay $0x3  }
0x3ae: {  	[tilespmem:v48+s24+$0x0] =	vst.idx.msk $0xffff, v47  }
0x3af: {  	v47 =	vld.idx.msk [tilespmem:v49+s22+$0x0], $0xffff  }
0x3b0: {  	v48 =	vor.u32 v23, v44  }
0x3b1: {  	v49 =	vor.u32 $0x180, v46;
	_ =	sdelay $0x3  }
0x3b2: {  	[tilespmem:v48+s24+$0x0] =	vst.idx.msk $0xffff, v47  }
0x3b3: {  	v47 =	vld.idx.msk [tilespmem:v49+s22+$0x0], $0xffff  }
0x3b4: {  	v48 =	vor.u32 v24, v44  }
0x3b5: {  	v49 =	vor.u32 $0x200, v46;
	_ =	sdelay $0x3  }
0x3b6: {  	[tilespmem:v48+s24+$0x0] =	vst.idx.msk $0xffff, v47  }
0x3b7: {  	v47 =	vld.idx.msk [tilespmem:v49+s22+$0x0], $0xffff  }
0x3b8: {  	v48 =	vor.u32 v25, v44  }
0x3b9: {  	v49 =	vor.u32 $0x280, v46;
	_ =	sdelay $0x3  }
0x3ba: {  	[tilespmem:v48+s24+$0x0] =	vst.idx.msk $0xffff, v47  }
0x3bb: {  	v47 =	vld.idx.msk [tilespmem:v49+s22+$0x0], $0xffff  }
0x3bc: {  	v48 =	vor.u32 v30, v44  }
0x3bd: {  	v49 =	vor.u32 $0x300, v46;
	_ =	sdelay $0x3  }
0x3be: {  	[tilespmem:v48+s24+$0x0] =	vst.idx.msk $0xffff, v47  }
0x3bf: {  	v47 =	vld.idx.msk [tilespmem:v49+s22+$0x0], $0xffff  }
0x3c0: {  	v48 =	vor.u32 v31, v44  }
0x3c1: {  	v46 =	vor.u32 $0x380, v46;
	_ =	sdelay $0x3  }
0x3c2: {  	[tilespmem:v48+s24+$0x0] =	vst.idx.msk $0xffff, v47  }
0x3c3: {  	v46 =	vld.idx.msk [tilespmem:v46+s22+$0x0], $0xffff  }
0x3c4: {  	v47 =	vor.u32 v32, v44;
	_ =	sdelay $0x4  }
0x3c5: {  	[tilespmem:v47+s24+$0x0] =	vst.idx.msk $0xffff, v46  }
0x3c6: {  	v46 =	vld.idx.msk [tilespmem:v45+s22+$0x0], $0xffff  }
0x3c7: {  	v47 =	vor.u32 v33, v44  }
0x3c8: {  	v48 =	vor.u32 $0x80, v45;
	_ =	sdelay $0x3  }
0x3c9: {  	[tilespmem:v47+s24+$0x0] =	vst.idx.msk $0xffff, v46  }
0x3ca: {  	v46 =	vld.idx.msk [tilespmem:v48+s22+$0x0], $0xffff  }
0x3cb: {  	v47 =	vor.u32 v34, v44  }
0x3cc: {  	v48 =	vor.u32 $0x100, v45;
	_ =	sdelay $0x3  }
0x3cd: {  	[tilespmem:v47+s24+$0x0] =	vst.idx.msk $0xffff, v46  }
0x3ce: {  	v46 =	vld.idx.msk [tilespmem:v48+s22+$0x0], $0xffff  }
0x3cf: {  	v47 =	vor.u32 v35, v44  }
0x3d0: {  	v48 =	vor.u32 $0x180, v45;
	_ =	sdelay $0x3  }
0x3d1: {  	[tilespmem:v47+s24+$0x0] =	vst.idx.msk $0xffff, v46  }
0x3d2: {  	v46 =	vld.idx.msk [tilespmem:v48+s22+$0x0], $0xffff  }
0x3d3: {  	v47 =	vor.u32 v36, v44  }
0x3d4: {  	v48 =	vor.u32 $0x200, v45;
	_ =	sdelay $0x3  }
0x3d5: {  	[tilespmem:v47+s24+$0x0] =	vst.idx.msk $0xffff, v46  }
0x3d6: {  	v46 =	vld.idx.msk [tilespmem:v48+s22+$0x0], $0xffff  }
0x3d7: {  	v47 =	vor.u32 v37, v44  }
0x3d8: {  	v48 =	vor.u32 $0x280, v45;
	_ =	sdelay $0x3  }
0x3d9: {  	[tilespmem:v47+s24+$0x0] =	vst.idx.msk $0xffff, v46  }
0x3da: {  	v46 =	vld.idx.msk [tilespmem:v48+s22+$0x0], $0xffff  }
0x3db: {  	v47 =	vor.u32 v38, v44  }
0x3dc: {  	v48 =	vor.u32 $0x300, v45;
	_ =	sdelay $0x3  }
0x3dd: {  	[tilespmem:v47+s24+$0x0] =	vst.idx.msk $0xffff, v46  }
0x3de: {  	v46 =	vld.idx.msk [tilespmem:v48+s22+$0x0], $0xffff  }
0x3df: {  	v47 =	vor.u32 v39, v44  }
0x3e0: {  	v45 =	vor.u32 $0x380, v45;
	_ =	sdelay $0x3  }
0x3e1: {  	[tilespmem:v47+s24+$0x0] =	vst.idx.msk $0xffff, v46  }
0x3e2: {  	v45 =	vld.idx.msk [tilespmem:v45+s22+$0x0], $0xffff  }
0x3e3: {  	v44 =	vor.u32 v40, v44  }
.Ltmp17:
0x3e4: {  	v43 =	vor.u32 v0, v43;
	(pc) =	sbr.rel @!p1 .LBB2_21-.Ltmp17, $4  }
0x3e5: {  	_ = 	snop  }
0x3e6: {  	v46 =	vmov s4  }
0x3e7: {  	s30 =	sadd.s32 $0x1, s30;
	s0 =	sadd.s32 $0x10, s0;
	s4 =	sadd.s32 $0xFFFFFFF0, s4;
	vm0 =	vgt.s32 v46, v0  }
0x3e8: {  	p2 =	slt.s32 s30, $0x4;
	s21 =	sadd.s32 $0x1E280, s21;
	s11 =	sadd.s32 $0x1C280, s11;
	v42 =	vsel vm0, v42, v41;
	[tilespmem:v44+s24+$0x0] =	vst.idx.msk $0xffff, v45  }
.Ltmp18:
0x3e9: {  	_ = 	snop;
	(pc) =	sbr.rel .LBB2_22-.Ltmp18, $1  }
0x3ea: {  	_ =	sdelay $0x3  }
.LBB2_20:
.Ltmp19:
0x3eb: {  	(pc) =	sbr.rel .LBB2_22-.Ltmp19, $2  }
0x3ec: {  	_ =	sdelay $0x2  }
0x3ed: {  	s19 =	smov.u32 s1  }
.LBB2_23:
0x3ee: {  	p0 =	slt.s32 s30, $0x1  }
.Ltmp20:
0x3ef: {  	_ = 	snop;
	(pc) =	sbr.rel @p0 .LBB2_27-.Ltmp20, $1  }
0x3f0: {  	_ =	sdelay $0x3  }
0x3f1: {  	p0 =	slt.s32 s30, $0x4  }
0x3f2: {  	s30 =	simm.s32 @!p0 $0x4  }
0x3f3: {  	p0 =	sne.s32 s30, $0x1  }
.Ltmp21:
0x3f4: {  	_ = 	snop;
	(pc) =	sbr.rel @!p0 .LBB2_26-.Ltmp21, $3  }
0x3f5: {  	_ =	sdelay $0x1  }
0x3f6: {  	_ =	swait.ge [sflag:s28], $0x800  }
0x3f7: {  	[sflag:s28] =	ssyncset.done $0x0;
	s0 =	sadd.s32 $0xFFFFFFFF, s30  }
.LBB2_25:
0x3f8: {  	p0 =	sne.s32 s0, $0x1;
	s0 =	sadd.s32 $0xFFFFFFFF, s0;
	[sflag:s28] =	ssyncadd.s32 $0xFFFFF800  }
.Ltmp22:
0x3f9: {  	(pc) =	sbr.rel @p0 .LBB2_25-.Ltmp22, $3  }
0x3fa: {  	_ =	sdelay $0x1  }
0x3fb: {  	_ =	swait.ge [sflag:s28], $0x800  }
0x3fc: {  	[sflag:s28] =	ssyncset.done $0x0  }
.Ltmp23:
0x3fd: {  	_ = 	snop;
	(pc) =	sbr.rel .LBB2_26-.Ltmp23, $1  }
0x3fe: {  	_ =	sdelay $0x3  }
.LBB2_28:
0x3ff: {  	_ =	sfence.sel $0x180000  }
0x400: {  	[bflag:$0x0] =	sbarrier.arrive $0xFFFF  }
0x401: {  	_ =	strace $0x90000047  }
0x402: {  	s0 =	stileid.u32;
	[bflag:$0x2] =	sbarrier.arrive $0xFFFF  }
0x403: {  	p0 =	sne.s32 s0, $0x0;
	s0 =	rddreg [dreg:$0x4]  }
0x404: {  	s0 =	sadd.s32 @!p0 $0x100000, s0  }
0x405: {  	[sflag:s0] =	ssyncadd.tile.s32 @!p0 $0x1;
	_ =	shalt  }
.Lfunc_end2:
_tile_overlayer_lowered:
.L_overlay_start_2:
0x406: {  	(tag) =	ssettag $0x2  }
0x407: {  	s0 =	rddreg [dreg:$0x0];
	s2 =	stileid.u32  }
0x408: {  	s1 =	rddreg [dreg:$0x1];
	p0 =	sne.s32 s2, $0x0  }
0x409: {  	s3 =	rddreg [dreg:$0x2];
	[bflag:$0x3] =	sbarrier.arrive $0xFFFF;
	s2 =	simm.s32 @!p0 $0x1C03  }
0x40a: {  	[timem:s3], [sflag:s2] =	dma.local @!p0 [hbm:s0], s1  }
0x40b: {  	s0 =	simm.s32 @!p0 $0x3  }
0x40c: {  	_ =	swait.ge @!p0 [sflag:s0], s1  }
0x40d: {  	s1 =	ssub.s32 @!p0 $0x0, s1;
	[sflag:s0] =	ssyncset.done @!p0 $0x0  }
0x40e: {  	[sflag:s0] =	ssyncadd.s32 @!p0 s1  }
0x40f: {  	[bflag:$0x3] =	sbarrier.arrive $0xFFFF  }
0x410: {  	_ =	shalt  }

</sc_bundles>
